<compile_context>
chip_gen: v7x
topology: tpu7x:2x2x1
jax: 0.10.2.dev20260603
libtpu: 0.0.44.dev20260713+nightly
codegen_flags: <defaults>
</compile_context>

<pallas_src>
import functools

import jax
import jax.numpy as jnp
from jax import lax
from jax.experimental import pallas as pl
from jax.experimental.pallas import tpu as pltpu
from jax.experimental.pallas import tpu_sc as plsc

N = 10000
E = 320000
D = 128

NC = 2
NS = 16
NW = NC * NS

EPT = E // NW
EC = 80
NCHUNK = EPT // EC
NPAD = 10240
NH = NPAD // 2
TRASH = NH
RPT = NH // NS
DRPT = NPAD // NS

_MESH = plsc.VectorSubcoreMesh(core_axis_name="c", subcore_axis_name="s")


@functools.partial(
    pl.kernel,
    mesh=_MESH,
    out_type=jax.ShapeDtypeStruct((NC * NPAD,), jnp.float32),
    scratch_types=[
        pltpu.VMEM((EC,), jnp.int32),
        pltpu.VMEM((EC,), jnp.float32),
        pltpu.VMEM((DRPT,), jnp.float32),
        pltpu.VMEM_SHARED((NPAD,), jnp.float32),
    ],
)
def _sc_degree(dst_hbm, out_hbm, idx_v, ones_v, zbuf_v, acc_sh):
    c = lax.axis_index("c")
    s = lax.axis_index("s")
    wid = c * NS + s

    for i in range(EC // 16):
        ones_v[pl.ds(i * 16, 16)] = jnp.full((16,), 1.0, jnp.float32)

    def fill_zeros(i, _):
        zbuf_v[pl.ds(i * 16, 16)] = jnp.zeros((16,), jnp.float32)
        return 0

    lax.fori_loop(0, DRPT // 16, fill_zeros, 0)
    pltpu.sync_copy(zbuf_v, acc_sh.at[pl.ds(s * DRPT, DRPT)])
    plsc.subcore_barrier()

    def chunk(j, _):
        base = wid * EPT + j * EC
        pltpu.sync_copy(dst_hbm.at[pl.ds(base, EC)], idx_v)
        pltpu.sync_copy(ones_v, acc_sh.at[idx_v], add=True)
        return 0

    lax.fori_loop(0, NCHUNK, chunk, 0)
    plsc.subcore_barrier()
    pltpu.sync_copy(acc_sh.at[pl.ds(s * DRPT, DRPT)], zbuf_v)
    pltpu.sync_copy(zbuf_v, out_hbm.at[pl.ds(c * NPAD + s * DRPT, DRPT)])


@functools.partial(
    pl.kernel,
    mesh=_MESH,
    out_type=jax.ShapeDtypeStruct((NC * NPAD, D), jnp.float32),
    scratch_types=[
        pltpu.VMEM((EC,), jnp.int32),
        pltpu.VMEM((EC,), jnp.int32),
        pltpu.VMEM((EC,), jnp.int32),
        pltpu.VMEM((EC,), jnp.int32),
        pltpu.VMEM((EC,), jnp.int32),
        pltpu.VMEM((EC,), jnp.int32),
        pltpu.VMEM((EC,), jnp.int32),
        pltpu.VMEM((EC,), jnp.int32),
        pltpu.VMEM((EC, D), jnp.float32),
        pltpu.VMEM((EC, D), jnp.float32),
        pltpu.VMEM((EC, D), jnp.float32),
        pltpu.VMEM((EC, D), jnp.float32),
        pltpu.VMEM_SHARED((NH + 8, D), jnp.float32),
        pltpu.SemaphoreType.DMA,
        pltpu.SemaphoreType.DMA,
        pltpu.SemaphoreType.DMA,
        pltpu.SemaphoreType.DMA,
        pltpu.SemaphoreType.DMA,
        pltpu.SemaphoreType.DMA,
        pltpu.SemaphoreType.DMA,
        pltpu.SemaphoreType.DMA,
        pltpu.SemaphoreType.DMA,
        pltpu.SemaphoreType.DMA,
        pltpu.SemaphoreType.DMA,
        pltpu.SemaphoreType.DMA,
        pltpu.SemaphoreType.DMA,
        pltpu.SemaphoreType.DMA,
        pltpu.SemaphoreType.DMA,
        pltpu.SemaphoreType.DMA,
    ],
)
def _sc_edge_scatter(xws_hbm, src_hbm, dst0_hbm, dst1_hbm, zr_hbm, out_hbm,
                     isrc_a, isrc_b, isrc_c, isrc_d,
                     idst_a, idst_b, idst_c, idst_d,
                     rows_a, rows_b, rows_c, rows_d, acc_sh,
                     ga, gb, gc, gd, sa, sb, sc_, sd, da, db, dc, dd,
                     ia, ib, ic, id_):
    c = lax.axis_index("c")
    s = lax.axis_index("s")
    wid = c * NS + s
    ebase = wid * EPT

    for half, dsth_hbm in ((0, dst0_hbm), (1, dst1_hbm)):
        lo = half * NH
        pltpu.sync_copy(zr_hbm, acc_sh.at[pl.ds(s * RPT, RPT)])
        plsc.subcore_barrier()

        def idx(ci, isrc_v, idst_v, dsth_hbm=dsth_hbm):
            base = ebase + ci * EC
            pltpu.sync_copy(src_hbm.at[pl.ds(base, EC)], isrc_v)
            pltpu.sync_copy(dsth_hbm.at[pl.ds(base, EC)], idst_v)

        def gstart(isrc_v, rows, sem):
            pltpu.async_copy(xws_hbm.at[isrc_v], rows, sem)

        def gwait(isrc_v, rows, sem):
            pltpu.make_async_copy(xws_hbm.at[isrc_v], rows, sem).wait()

        def sstart(rows, idst_v, sem):
            pltpu.async_copy(rows, acc_sh.at[idst_v], sem, add=True)

        def swait(rows, idst_v, sem):
            pltpu.make_async_copy(rows, acc_sh.at[idst_v], sem).wait()

        def isrc(ci, isrc_v):
            pltpu.sync_copy(src_hbm.at[pl.ds(ebase + ci * EC, EC)], isrc_v)

        def istart(ci, isrc_v, sem):
            cc = jnp.minimum(ci, NCHUNK - 1)
            pltpu.async_copy(src_hbm.at[pl.ds(ebase + cc * EC, EC)], isrc_v,
                             sem)

        def iwait(ci, isrc_v, sem):
            cc = jnp.minimum(ci, NCHUNK - 1)
            pltpu.make_async_copy(src_hbm.at[pl.ds(ebase + cc * EC, EC)],
                                  isrc_v, sem).wait()

        def dstart(ci, idst_v, sem, dsth_hbm=dsth_hbm):
            pltpu.async_copy(dsth_hbm.at[pl.ds(ebase + ci * EC, EC)], idst_v,
                             sem)

        def dwait(ci, idst_v, sem, dsth_hbm=dsth_hbm):
            pltpu.make_async_copy(dsth_hbm.at[pl.ds(ebase + ci * EC, EC)],
                                  idst_v, sem).wait()

        idx(0, isrc_a, idst_a)
        gstart(isrc_a, rows_a, ga)
        gwait(isrc_a, rows_a, ga)
        pltpu.sync_copy(rows_a, acc_sh.at[idst_a], add=True)

        idx(1, isrc_c, idst_c)
        gstart(isrc_c, rows_c, gc)
        idx(2, isrc_d, idst_d)
        gstart(isrc_d, rows_d, gd)
        gwait(isrc_c, rows_c, gc)
        sstart(rows_c, idst_c, sc_)
        gwait(isrc_d, rows_d, gd)
        sstart(rows_d, idst_d, sd)
        isrc(3, isrc_a)
        dstart(3, idst_a, da)
        gstart(isrc_a, rows_a, ga)
        isrc(4, isrc_b)
        dstart(4, idst_b, db)
        gstart(isrc_b, rows_b, gb)
        istart(5, isrc_c, ic)
        istart(6, isrc_d, id_)

        def ring(m, _):
            c0 = 4 * m + 3
            gwait(isrc_a, rows_a, ga)
            istart(c0 + 4, isrc_a, ia)
            dwait(c0, idst_a, da)
            sstart(rows_a, idst_a, sa)
            swait(rows_c, idst_c, sc_)
            dstart(c0 + 2, idst_c, dc)
            iwait(c0 + 2, isrc_c, ic)
            gstart(isrc_c, rows_c, gc)

            gwait(isrc_b, rows_b, gb)
            istart(c0 + 5, isrc_b, ib)
            dwait(c0 + 1, idst_b, db)
            sstart(rows_b, idst_b, sb)
            swait(rows_d, idst_d, sd)
            dstart(c0 + 3, idst_d, dd)
            iwait(c0 + 3, isrc_d, id_)
            gstart(isrc_d, rows_d, gd)

            gwait(isrc_c, rows_c, gc)
            istart(c0 + 6, isrc_c, ic)
            dwait(c0 + 2, idst_c, dc)
            sstart(rows_c, idst_c, sc_)
            swait(rows_a, idst_a, sa)
            dstart(c0 + 4, idst_a, da)
            iwait(c0 + 4, isrc_a, ia)
            gstart(isrc_a, rows_a, ga)

            gwait(isrc_d, rows_d, gd)
            istart(c0 + 7, isrc_d, id_)
            dwait(c0 + 3, idst_d, dd)
            sstart(rows_d, idst_d, sd)
            swait(rows_b, idst_b, sb)
            dstart(c0 + 5, idst_b, db)
            iwait(c0 + 5, isrc_b, ib)
            gstart(isrc_b, rows_b, gb)
            return 0

        lax.fori_loop(0, (NCHUNK - 5) // 4, ring, 0)

        gwait(isrc_a, rows_a, ga)
        dwait(NCHUNK - 2, idst_a, da)
        sstart(rows_a, idst_a, sa)
        swait(rows_c, idst_c, sc_)
        gwait(isrc_b, rows_b, gb)
        dwait(NCHUNK - 1, idst_b, db)
        sstart(rows_b, idst_b, sb)
        swait(rows_d, idst_d, sd)
        swait(rows_a, idst_a, sa)
        swait(rows_b, idst_b, sb)
        iwait(NCHUNK, isrc_c, ic)
        iwait(NCHUNK, isrc_d, id_)

        plsc.subcore_barrier()
        pltpu.sync_copy(acc_sh.at[pl.ds(s * RPT, RPT)],
                        out_hbm.at[pl.ds(c * NPAD + lo + s * RPT, RPT)])
        plsc.subcore_barrier()


RB = 1024
GRID = NPAD // RB
EROWS = E // 128


def _tc_remap(dst2d):
    def body(d_ref, o0_ref, o1_ref):
        d = d_ref[...]
        o0_ref[...] = jnp.where(d < NH, d, TRASH)
        o1_ref[...] = jnp.where(d >= NH, d - NH, TRASH)

    return pl.pallas_call(
        body,
        out_shape=[
            jax.ShapeDtypeStruct((EROWS, 128), jnp.int32),
            jax.ShapeDtypeStruct((EROWS, 128), jnp.int32),
        ],
    )(dst2d)


def _tc_dinv(degp):
    def body(degp_ref, o_ref):
        deg = degp_ref[0] + degp_ref[1] + 1.0
        dinv = lax.rsqrt(deg)
        o_ref[...] = jnp.broadcast_to(dinv[:, None], (RB, D))

    return pl.pallas_call(
        body,
        grid=(GRID,),
        in_specs=[pl.BlockSpec((NC, RB), lambda i: (0, i))],
        out_specs=pl.BlockSpec((RB, D), lambda i: (i, 0)),
        out_shape=jax.ShapeDtypeStruct((NPAD, D), jnp.float32),
    )(degp)


def _tc_first(x, W0, W1, dinvb):
    def body(x_ref, w0_ref, w1_ref, dinv_ref, o_ref):
        h = jnp.dot(x_ref[...], w0_ref[...], preferred_element_type=jnp.float32)
        xw = jnp.dot(h, w1_ref[...], preferred_element_type=jnp.float32)
        o_ref[...] = xw * dinv_ref[...]

    return pl.pallas_call(
        body,
        grid=(GRID,),
        in_specs=[
            pl.BlockSpec((RB, D), lambda i: (i, 0)),
            pl.BlockSpec((D, D), lambda i: (0, 0)),
            pl.BlockSpec((D, D), lambda i: (0, 0)),
            pl.BlockSpec((RB, D), lambda i: (i, 0)),
        ],
        out_specs=pl.BlockSpec((RB, D), lambda i: (i, 0)),
        out_shape=jax.ShapeDtypeStruct((NPAD, D), jnp.float32),
    )(x, W0, W1, dinvb)


def _tc_mid(p, xws1, dinvb, b1, W2):
    def body(p_ref, xws_ref, dinv_ref, b_ref, w2_ref, o_ref):
        dinv = dinv_ref[...]
        tot = p_ref[0] + p_ref[1] + xws_ref[...]
        h1 = jnp.maximum(tot * dinv + b_ref[...], 0.0)
        xw2 = jnp.dot(h1, w2_ref[...], preferred_element_type=jnp.float32)
        o_ref[...] = xw2 * dinv

    return pl.pallas_call(
        body,
        grid=(GRID,),
        in_specs=[
            pl.BlockSpec((NC, RB, D), lambda i: (0, i, 0)),
            pl.BlockSpec((RB, D), lambda i: (i, 0)),
            pl.BlockSpec((RB, D), lambda i: (i, 0)),
            pl.BlockSpec((1, D), lambda i: (0, 0)),
            pl.BlockSpec((D, D), lambda i: (0, 0)),
        ],
        out_specs=pl.BlockSpec((RB, D), lambda i: (i, 0)),
        out_shape=jax.ShapeDtypeStruct((NPAD, D), jnp.float32),
    )(p, xws1, dinvb, b1, W2)


def _tc_last(p, xws2, dinvb, b2):
    def body(p_ref, xws_ref, dinv_ref, b_ref, o_ref):
        tot = p_ref[0] + p_ref[1] + xws_ref[...]
        o_ref[...] = tot * dinv_ref[...] + b_ref[...]

    return pl.pallas_call(
        body,
        grid=(GRID,),
        in_specs=[
            pl.BlockSpec((NC, RB, D), lambda i: (0, i, 0)),
            pl.BlockSpec((RB, D), lambda i: (i, 0)),
            pl.BlockSpec((RB, D), lambda i: (i, 0)),
            pl.BlockSpec((1, D), lambda i: (0, 0)),
        ],
        out_specs=pl.BlockSpec((RB, D), lambda i: (i, 0)),
        out_shape=jax.ShapeDtypeStruct((NPAD, D), jnp.float32),
    )(p, xws2, dinvb, b2)


def kernel(x, edge_index, W0, W1, b1, W2, b2):
    src = edge_index[0].astype(jnp.int32)
    dst = edge_index[1].astype(jnp.int32)
    d0, d1 = _tc_remap(dst.reshape(EROWS, 128))
    dst0 = d0.reshape(E)
    dst1 = d1.reshape(E)
    xpad = jnp.zeros((NPAD, D), jnp.float32).at[:N].set(x)
    zrows = jnp.zeros((RPT, D), jnp.float32)
    b1r = b1.reshape(1, D)
    b2r = b2.reshape(1, D)

    degp = _sc_degree(dst).reshape(NC, NPAD)
    dinvb = _tc_dinv(degp)
    xws1 = _tc_first(xpad, W0, W1, dinvb)
    p1 = _sc_edge_scatter(xws1, src, dst0, dst1, zrows)
    p1 = p1.reshape(NC, NPAD, D)
    xws2 = _tc_mid(p1, xws1, dinvb, b1r, W2)
    p2 = _sc_edge_scatter(xws2, src, dst0, dst1, zrows)
    p2 = p2.reshape(NC, NPAD, D)
    return _tc_last(p2, xws2, dinvb, b2r)[:N]

# --- scband reference (transcript-rebuilt; emitter-appended) ---
"""Pipeline reference for scband-geo-dist-84619445666030 (READ-ONLY COPY).

The authoritative reference and input builder live on the scoring server;
editing this copy changes nothing except your own understanding.
"""

import jax, jax.numpy as jnp
import numpy as np

N = 10000
E = 320000
D_IN = 128
D_HID = 128
D_OUT = 128


def setup_inputs(seed: int = 0) -> dict:
    key = jax.random.key(seed)
    k1, k2, k3, k4, k5, k6, k7 = jax.random.split(key, 7)
    x = jax.random.normal(k1, (N, D_IN), dtype=jnp.float32)
    edge_index = jax.random.randint(k2, (2, E), 0, N, dtype=jnp.int64)
    # teacher_gnn[0]: Linear(in, hidden, bias=False)
    W0 = jax.random.normal(k3, (D_IN, D_HID), dtype=jnp.float32) / np.sqrt(D_IN)
    # teacher_gnn[1]: GCNLayer(hidden, hidden, simple=True)
    W1 = jax.random.normal(k4, (D_HID, D_HID), dtype=jnp.float32) / np.sqrt(D_HID)
    b1 = jax.random.normal(k5, (D_HID,), dtype=jnp.float32) * 0.01
    # teacher_gnn[2]: GCNLayer(hidden, out)
    W2 = jax.random.normal(k6, (D_HID, D_OUT), dtype=jnp.float32) / np.sqrt(D_HID)
    b2 = jax.random.normal(k7, (D_OUT,), dtype=jnp.float32) * 0.01
    return {"x": x, "edge_index": edge_index, "W0": W0, "W1": W1, "b1": b1, "W2": W2, "b2": b2}


def _gcn_layer(x, edge_index, W, b):
    """Standard GCN propagation: D^-1/2 (A + I) D^-1/2 (X W) + b."""
    n = x.shape[0]
    loops = jnp.arange(n, dtype=edge_index.dtype)
    src = jnp.concatenate([edge_index[0], loops])
    dst = jnp.concatenate([edge_index[1], loops])
    deg = jnp.zeros((n,), dtype=jnp.float32).at[dst].add(1.0)
    dinv = jax.lax.rsqrt(jnp.maximum(deg, 1.0))
    xw = x @ W
    coeff = (dinv[src] * dinv[dst])[:, None]
    msg = xw[src] * coeff
    out = jax.ops.segment_sum(msg, dst, num_segments=n)
    return out + b


def reference(x, edge_index, W0, W1, b1, W2, b2):
    # GeoDist.forward(data_full, mode='pretrain') -> forward_teacher(data_full)
    # x = teacher_gnn[0](x)          (Linear, no bias)
    h = x @ W0
    # middle layers: GCN -> (no bn, use_bn=False) -> relu -> dropout(eval: identity)
    h = _gcn_layer(h, edge_index, W1, b1)
    h = jax.nn.relu(h)
    # dropout with training=False is identity
    # last layer
    out = _gcn_layer(h, edge_index, W2, b2)
    return out

if __name__ == "__main__":
    import jax
    _d = setup_inputs()
    print(jax.jit(kernel)(*tuple(_d.values())))

</pallas_src>

<mosaic_0001>
#map = affine_map<(d0, d1) -> (0)>
module attributes {stable_mosaic.version = 14 : i64} {
  func.func @_sc_degree(%arg0: i32, %arg1: i32, %arg2: memref<320000xi32, #tpu.memory_space<hbm>>, %arg3: memref<20480xf32, #tpu.memory_space<hbm>>, %arg4: memref<80xi32, #tpu.memory_space<vmem>>, %arg5: memref<80xf32, #tpu.memory_space<vmem>>, %arg6: memref<640xf32, #tpu.memory_space<vmem>>, %arg7: memref<10240xf32, #tpu.memory_space<vmem_shared>>) attributes {dimension_semantics = [#tpu.dimension_semantics<core_parallel>, #tpu.dimension_semantics<subcore_parallel>], iteration_bounds = array<i64: 2, 16>, scalar_prefetch = 0 : i64, scratch_operands = 4 : i64, tpu.core_type = #tpu.core_type<sc_vector_subcore>, window_params = [{transform_indices = #map}, {transform_indices = #map}]} {
    %mul3A = arith.constant 16 : i32
    %mul3A_0 = arith.muli %arg0, %mul3A : i32
    %add3A = arith.addi %mul3A_0, %arg1 : i32
    %broadcast_in_dim3A = arith.constant 1.000000e+00 : f32
    %broadcast_in_dim3A_1 = vector.broadcast %broadcast_in_dim3A : f32 to vector<16xf32>
    %swap3A = arith.constant 0 : index
    %swap3A_2 = tpu.vector_load %arg5[%swap3A] {strides = array<i32>} : memref<80xf32, #tpu.memory_space<vmem>>, vector<16xf32>,
    %swap3A_3 = vector.shape_cast %swap3A_2 : vector<16xf32> to vector<16xf32>
    %swap3A_4 = vector.shape_cast %broadcast_in_dim3A_1 : vector<16xf32> to vector<16xf32>
    tpu.vector_store %arg5[%swap3A], %swap3A_4 {strides = array<i32>} : memref<80xf32, #tpu.memory_space<vmem>>, vector<16xf32>,
    %broadcast_in_dim3A_5 = arith.constant 1.000000e+00 : f32
    %broadcast_in_dim3A_6 = vector.broadcast %broadcast_in_dim3A_5 : f32 to vector<16xf32>
    %swap3A_7 = arith.constant 16 : index
    %swap3A_8 = tpu.vector_load %arg5[%swap3A_7] {strides = array<i32>} : memref<80xf32, #tpu.memory_space<vmem>>, vector<16xf32>,
    %swap3A_9 = vector.shape_cast %swap3A_8 : vector<16xf32> to vector<16xf32>
    %swap3A_10 = vector.shape_cast %broadcast_in_dim3A_6 : vector<16xf32> to vector<16xf32>
    tpu.vector_store %arg5[%swap3A_7], %swap3A_10 {strides = array<i32>} : memref<80xf32, #tpu.memory_space<vmem>>, vector<16xf32>,
    %broadcast_in_dim3A_11 = arith.constant 1.000000e+00 : f32
    %broadcast_in_dim3A_12 = vector.broadcast %broadcast_in_dim3A_11 : f32 to vector<16xf32>
    %swap3A_13 = arith.constant 32 : index
    %swap3A_14 = tpu.vector_load %arg5[%swap3A_13] {strides = array<i32>} : memref<80xf32, #tpu.memory_space<vmem>>, vector<16xf32>,
    %swap3A_15 = vector.shape_cast %swap3A_14 : vector<16xf32> to vector<16xf32>
    %swap3A_16 = vector.shape_cast %broadcast_in_dim3A_12 : vector<16xf32> to vector<16xf32>
    tpu.vector_store %arg5[%swap3A_13], %swap3A_16 {strides = array<i32>} : memref<80xf32, #tpu.memory_space<vmem>>, vector<16xf32>,
    %broadcast_in_dim3A_17 = arith.constant 1.000000e+00 : f32
    %broadcast_in_dim3A_18 = vector.broadcast %broadcast_in_dim3A_17 : f32 to vector<16xf32>
    %swap3A_19 = arith.constant 48 : index
    %swap3A_20 = tpu.vector_load %arg5[%swap3A_19] {strides = array<i32>} : memref<80xf32, #tpu.memory_space<vmem>>, vector<16xf32>,
    %swap3A_21 = vector.shape_cast %swap3A_20 : vector<16xf32> to vector<16xf32>
    %swap3A_22 = vector.shape_cast %broadcast_in_dim3A_18 : vector<16xf32> to vector<16xf32>
    tpu.vector_store %arg5[%swap3A_19], %swap3A_22 {strides = array<i32>} : memref<80xf32, #tpu.memory_space<vmem>>, vector<16xf32>,
    %broadcast_in_dim3A_23 = arith.constant 1.000000e+00 : f32
    %broadcast_in_dim3A_24 = vector.broadcast %broadcast_in_dim3A_23 : f32 to vector<16xf32>
    %swap3A_25 = arith.constant 64 : index
    %swap3A_26 = tpu.vector_load %arg5[%swap3A_25] {strides = array<i32>} : memref<80xf32, #tpu.memory_space<vmem>>, vector<16xf32>,
    %swap3A_27 = vector.shape_cast %swap3A_26 : vector<16xf32> to vector<16xf32>
    %swap3A_28 = vector.shape_cast %broadcast_in_dim3A_24 : vector<16xf32> to vector<16xf32>
    tpu.vector_store %arg5[%swap3A_25], %swap3A_28 {strides = array<i32>} : memref<80xf32, #tpu.memory_space<vmem>>, vector<16xf32>,
    %scan3A = arith.constant 0 : i32
    %scan3A_29 = arith.constant 0 : i32
    %scan3A_30 = arith.constant 40 : i32
    %scan3A_31 = arith.addi %scan3A_29, %scan3A_30 : i32
    %scan3A_32 = arith.constant 1 : i32
    %scan3A_33 = scf.for %scan3A_52 = %scan3A_29 to %scan3A_31 step %scan3A_32 iter_args(%scan3A_53 = %scan3A) -> (i32)  : i32 {
      %broadcast_in_dim3A_54 = arith.constant 0.000000e+00 : f32
      %broadcast_in_dim3A_55 = vector.broadcast %broadcast_in_dim3A_54 : f32 to vector<16xf32>
      %mul3A_56 = arith.constant 16 : i32
      %mul3A_57 = arith.muli %scan3A_52, %mul3A_56 : i32
      %swap3A_58 = arith.index_cast %mul3A_57 : i32 to index
      %swap3A_59 = tpu.vector_load %arg6[%swap3A_58] {strides = array<i32>} : memref<640xf32, #tpu.memory_space<vmem>>, vector<16xf32>,
      %swap3A_60 = vector.shape_cast %swap3A_59 : vector<16xf32> to vector<16xf32>
      %swap3A_61 = vector.shape_cast %broadcast_in_dim3A_55 : vector<16xf32> to vector<16xf32>
      tpu.vector_store %arg6[%swap3A_58], %swap3A_61 {strides = array<i32>} : memref<640xf32, #tpu.memory_space<vmem>>, vector<16xf32>,
      %scan3A_62 = arith.constant 0 : i32
      scf.yield %scan3A_62 : i32
    }
    %scan3A_34 = arith.constant 40 : i32
    %mul3A_35 = arith.constant 640 : i32
    %mul3A_36 = arith.muli %arg1, %mul3A_35 : i32
    "tpu.region"() ({
      %run_scoped3A = tpu.sem_alloc : memref<!tpu.dma_semaphore, #tpu.memory_space<semaphore_mem>>
      %dma_start3A = tpu.memref_slice %arg7[%mul3A_36] : memref<10240xf32, #tpu.memory_space<vmem_shared>> -> memref<640xf32, #tpu.memory_space<vmem_shared>>
      %dma_start3A_52 = tpu.memref_slice %arg7[%mul3A_36] : memref<10240xf32, #tpu.memory_space<vmem_shared>> -> memref<640xf32, #tpu.memory_space<vmem_shared>>
      tpu.enqueue_dma source(%arg6 : memref<640xf32, #tpu.memory_space<vmem>>) target(%dma_start3A_52 : memref<640xf32, #tpu.memory_space<vmem_shared>>) target_semaphore(%run_scoped3A : memref<!tpu.dma_semaphore, #tpu.memory_space<semaphore_mem>>)
      %dma_wait3A = tpu.memref_slice %arg7[%mul3A_36] : memref<10240xf32, #tpu.memory_space<vmem_shared>> -> memref<640xf32, #tpu.memory_space<vmem_shared>>
      %dma_wait3A_53 = tpu.memref_slice %arg7[%mul3A_36] : memref<10240xf32, #tpu.memory_space<vmem_shared>> -> memref<640xf32, #tpu.memory_space<vmem_shared>>
      tpu.wait_dma2 semaphore(%run_scoped3A : memref<!tpu.dma_semaphore, #tpu.memory_space<semaphore_mem>>) src(%arg6 : memref<640xf32, #tpu.memory_space<vmem>>) dst(%dma_wait3A_53 : memref<640xf32, #tpu.memory_space<vmem_shared>>)
      tpu.yield
    }) : () -> ()
    %barrier3A = arith.constant 0 : index
    tpu.barrier barrier_id(%barrier3A)
    %scan3A_37 = arith.constant 0 : i32
    %scan3A_38 = arith.constant 0 : i32
    %scan3A_39 = arith.constant 125 : i32
    %scan3A_40 = arith.addi %scan3A_38, %scan3A_39 : i32
    %scan3A_41 = arith.constant 1 : i32
    %scan3A_42 = scf.for %scan3A_52 = %scan3A_38 to %scan3A_40 step %scan3A_41 iter_args(%scan3A_53 = %scan3A_37) -> (i32)  : i32 {
      %mul3A_54 = arith.constant 10000 : i32
      %mul3A_55 = arith.muli %add3A, %mul3A_54 : i32
      %mul3A_56 = arith.constant 80 : i32
      %mul3A_57 = arith.muli %scan3A_52, %mul3A_56 : i32
      %add3A_58 = arith.addi %mul3A_55, %mul3A_57 : i32
      "tpu.region"() ({
        %run_scoped3A = tpu.sem_alloc : memref<!tpu.dma_semaphore, #tpu.memory_space<semaphore_mem>>
        %dma_start3A = tpu.memref_slice %arg2[%add3A_58] : memref<320000xi32, #tpu.memory_space<hbm>> -> memref<80xi32, #tpu.memory_space<hbm>>
        %dma_start3A_60 = tpu.memref_slice %arg2[%add3A_58] : memref<320000xi32, #tpu.memory_space<hbm>> -> memref<80xi32, #tpu.memory_space<hbm>>
        tpu.enqueue_dma source(%dma_start3A_60 : memref<80xi32, #tpu.memory_space<hbm>>) target(%arg4 : memref<80xi32, #tpu.memory_space<vmem>>) target_semaphore(%run_scoped3A : memref<!tpu.dma_semaphore, #tpu.memory_space<semaphore_mem>>)
        %dma_wait3A = tpu.memref_slice %arg2[%add3A_58] : memref<320000xi32, #tpu.memory_space<hbm>> -> memref<80xi32, #tpu.memory_space<hbm>>
        %dma_wait3A_61 = tpu.memref_slice %arg2[%add3A_58] : memref<320000xi32, #tpu.memory_space<hbm>> -> memref<80xi32, #tpu.memory_space<hbm>>
        tpu.wait_dma2 semaphore(%run_scoped3A : memref<!tpu.dma_semaphore, #tpu.memory_space<semaphore_mem>>) src(%dma_wait3A_61 : memref<80xi32, #tpu.memory_space<hbm>>) dst(%arg4 : memref<80xi32, #tpu.memory_space<vmem>>)
        tpu.yield
      }) : () -> ()
      "tpu.region"() ({
        %run_scoped3A = tpu.sem_alloc : memref<!tpu.dma_semaphore, #tpu.memory_space<semaphore_mem>>
        %dma_start3A = arith.constant 0 : i32
        %dma_start3A_60 = tpu.memref_slice %arg7[%dma_start3A] : memref<10240xf32, #tpu.memory_space<vmem_shared>> -> memref<10240xf32, #tpu.memory_space<vmem_shared>>
        tpu.enqueue_indirect_dma source(%arg5 : memref<80xf32, #tpu.memory_space<vmem>>) target(%dma_start3A_60 : memref<10240xf32, #tpu.memory_space<vmem_shared>>) offsets(%arg4 : memref<80xi32, #tpu.memory_space<vmem>>) semaphore(%run_scoped3A : memref<!tpu.dma_semaphore, #tpu.memory_space<semaphore_mem>>) {add = true}
        %dma_wait3A = arith.constant 0 : i32
        %dma_wait3A_61 = tpu.memref_slice %arg7[%dma_wait3A] : memref<10240xf32, #tpu.memory_space<vmem_shared>> -> memref<10240xf32, #tpu.memory_space<vmem_shared>>
        tpu.wait_indirect_dma semaphore(%run_scoped3A : memref<!tpu.dma_semaphore, #tpu.memory_space<semaphore_mem>>) src(%arg5 : memref<80xf32, #tpu.memory_space<vmem>>) dst(%dma_wait3A_61 : memref<10240xf32, #tpu.memory_space<vmem_shared>>)
        tpu.yield
      }) : () -> ()
      %scan3A_59 = arith.constant 0 : i32
      scf.yield %scan3A_59 : i32
    }
    %scan3A_43 = arith.constant 125 : i32
    %barrier3A_44 = arith.constant 0 : index
    tpu.barrier barrier_id(%barrier3A_44)
    %mul3A_45 = arith.constant 640 : i32
    %mul3A_46 = arith.muli %arg1, %mul3A_45 : i32
    "tpu.region"() ({
      %run_scoped3A = tpu.sem_alloc : memref<!tpu.dma_semaphore, #tpu.memory_space<semaphore_mem>>
      %dma_start3A = tpu.memref_slice %arg7[%mul3A_46] : memref<10240xf32, #tpu.memory_space<vmem_shared>> -> memref<640xf32, #tpu.memory_space<vmem_shared>>
      %dma_start3A_52 = tpu.memref_slice %arg7[%mul3A_46] : memref<10240xf32, #tpu.memory_space<vmem_shared>> -> memref<640xf32, #tpu.memory_space<vmem_shared>>
      tpu.enqueue_dma source(%dma_start3A_52 : memref<640xf32, #tpu.memory_space<vmem_shared>>) target(%arg6 : memref<640xf32, #tpu.memory_space<vmem>>) target_semaphore(%run_scoped3A : memref<!tpu.dma_semaphore, #tpu.memory_space<semaphore_mem>>)
      %dma_wait3A = tpu.memref_slice %arg7[%mul3A_46] : memref<10240xf32, #tpu.memory_space<vmem_shared>> -> memref<640xf32, #tpu.memory_space<vmem_shared>>
      %dma_wait3A_53 = tpu.memref_slice %arg7[%mul3A_46] : memref<10240xf32, #tpu.memory_space<vmem_shared>> -> memref<640xf32, #tpu.memory_space<vmem_shared>>
      tpu.wait_dma2 semaphore(%run_scoped3A : memref<!tpu.dma_semaphore, #tpu.memory_space<semaphore_mem>>) src(%dma_wait3A_53 : memref<640xf32, #tpu.memory_space<vmem_shared>>) dst(%arg6 : memref<640xf32, #tpu.memory_space<vmem>>)
      tpu.yield
    }) : () -> ()
    %mul3A_47 = arith.constant 10240 : i32
    %mul3A_48 = arith.muli %arg0, %mul3A_47 : i32
    %mul3A_49 = arith.constant 640 : i32
    %mul3A_50 = arith.muli %arg1, %mul3A_49 : i32
    %add3A_51 = arith.addi %mul3A_48, %mul3A_50 : i32
    "tpu.region"() ({
      %run_scoped3A = tpu.sem_alloc : memref<!tpu.dma_semaphore, #tpu.memory_space<semaphore_mem>>
      %dma_start3A = tpu.memref_slice %arg3[%add3A_51] : memref<20480xf32, #tpu.memory_space<hbm>> -> memref<640xf32, #tpu.memory_space<hbm>>
      %dma_start3A_52 = tpu.memref_slice %arg3[%add3A_51] : memref<20480xf32, #tpu.memory_space<hbm>> -> memref<640xf32, #tpu.memory_space<hbm>>
      tpu.enqueue_dma source(%arg6 : memref<640xf32, #tpu.memory_space<vmem>>) target(%dma_start3A_52 : memref<640xf32, #tpu.memory_space<hbm>>) target_semaphore(%run_scoped3A : memref<!tpu.dma_semaphore, #tpu.memory_space<semaphore_mem>>)
      %dma_wait3A = tpu.memref_slice %arg3[%add3A_51] : memref<20480xf32, #tpu.memory_space<hbm>> -> memref<640xf32, #tpu.memory_space<hbm>>
      %dma_wait3A_53 = tpu.memref_slice %arg3[%add3A_51] : memref<20480xf32, #tpu.memory_space<hbm>> -> memref<640xf32, #tpu.memory_space<hbm>>
      tpu.wait_dma2 semaphore(%run_scoped3A : memref<!tpu.dma_semaphore, #tpu.memory_space<semaphore_mem>>) src(%arg6 : memref<640xf32, #tpu.memory_space<vmem>>) dst(%dma_wait3A_53 : memref<640xf32, #tpu.memory_space<hbm>>)
      tpu.yield
    }) : () -> ()
    return
  }
}

#map = affine_map<(d0, d1) -> (0, 0)>
#map1 = affine_map<(d0, d1) -> (0)>
module attributes {stable_mosaic.version = 14 : i64} {
  func.func @_sc_edge_scatter(%arg0: i32, %arg1: i32, %arg2: memref<10240x128xf32, #tpu.memory_space<hbm>>, %arg3: memref<320000xi32, #tpu.memory_space<hbm>>, %arg4: memref<320000xi32, #tpu.memory_space<hbm>>, %arg5: memref<320000xi32, #tpu.memory_space<hbm>>, %arg6: memref<320x128xf32, #tpu.memory_space<hbm>>, %arg7: memref<20480x128xf32, #tpu.memory_space<hbm>>, %arg8: memref<80xi32, #tpu.memory_space<vmem>>, %arg9: memref<80xi32, #tpu.memory_space<vmem>>, %arg10: memref<80xi32, #tpu.memory_space<vmem>>, %arg11: memref<80xi32, #tpu.memory_space<vmem>>, %arg12: memref<80xi32, #tpu.memory_space<vmem>>, %arg13: memref<80xi32, #tpu.memory_space<vmem>>, %arg14: memref<80xi32, #tpu.memory_space<vmem>>, %arg15: memref<80xi32, #tpu.memory_space<vmem>>, %arg16: memref<80x128xf32, #tpu.memory_space<vmem>>, %arg17: memref<80x128xf32, #tpu.memory_space<vmem>>, %arg18: memref<80x128xf32, #tpu.memory_space<vmem>>, %arg19: memref<80x128xf32, #tpu.memory_space<vmem>>, %arg20: memref<5128x128xf32, #tpu.memory_space<vmem_shared>>, %arg21: memref<!tpu.dma_semaphore, #tpu.memory_space<semaphore_mem>>, %arg22: memref<!tpu.dma_semaphore, #tpu.memory_space<semaphore_mem>>, %arg23: memref<!tpu.dma_semaphore, #tpu.memory_space<semaphore_mem>>, %arg24: memref<!tpu.dma_semaphore, #tpu.memory_space<semaphore_mem>>, %arg25: memref<!tpu.dma_semaphore, #tpu.memory_space<semaphore_mem>>, %arg26: memref<!tpu.dma_semaphore, #tpu.memory_space<semaphore_mem>>, %arg27: memref<!tpu.dma_semaphore, #tpu.memory_space<semaphore_mem>>, %arg28: memref<!tpu.dma_semaphore, #tpu.memory_space<semaphore_mem>>, %arg29: memref<!tpu.dma_semaphore, #tpu.memory_space<semaphore_mem>>, %arg30: memref<!tpu.dma_semaphore, #tpu.memory_space<semaphore_mem>>, %arg31: memref<!tpu.dma_semaphore, #tpu.memory_space<semaphore_mem>>, %arg32: memref<!tpu.dma_semaphore, #tpu.memory_space<semaphore_mem>>, %arg33: memref<!tpu.dma_semaphore, #tpu.memory_space<semaphore_mem>>, %arg34: memref<!tpu.dma_semaphore, #tpu.memory_space<semaphore_mem>>, %arg35: memref<!tpu.dma_semaphore, #tpu.memory_space<semaphore_mem>>, %arg36: memref<!tpu.dma_semaphore, #tpu.memory_space<semaphore_mem>>) attributes {dimension_semantics = [#tpu.dimension_semantics<core_parallel>, #tpu.dimension_semantics<subcore_parallel>], iteration_bounds = array<i64: 2, 16>, scalar_prefetch = 0 : i64, scratch_operands = 29 : i64, tpu.core_type = #tpu.core_type<sc_vector_subcore>, window_params = [{transform_indices = #map}, {transform_indices = #map1}, {transform_indices = #map1}, {transform_indices = #map1}, {transform_indices = #map}, {transform_indices = #map}]} {
    %mul3A = arith.constant 16 : i32
    %mul3A_0 = arith.muli %arg0, %mul3A : i32
    %add3A = arith.addi %mul3A_0, %arg1 : i32
    %mul3A_1 = arith.constant 10000 : i32
    %mul3A_2 = arith.muli %add3A, %mul3A_1 : i32
    %mul3A_3 = arith.constant 320 : i32
    %mul3A_4 = arith.muli %arg1, %mul3A_3 : i32
    "tpu.region"() ({
      %run_scoped3A = tpu.sem_alloc : memref<!tpu.dma_semaphore, #tpu.memory_space<semaphore_mem>>
      %dma_start3A_264 = arith.constant 0 : i32
      %dma_start3A_265 = tpu.memref_slice %arg20[%mul3A_4, %dma_start3A_264] : memref<5128x128xf32, #tpu.memory_space<vmem_shared>> -> memref<320x128xf32, #tpu.memory_space<vmem_shared>>
      tpu.enqueue_dma source(%arg6 : memref<320x128xf32, #tpu.memory_space<hbm>>) target(%dma_start3A_265 : memref<320x128xf32, #tpu.memory_space<vmem_shared>>) target_semaphore(%run_scoped3A : memref<!tpu.dma_semaphore, #tpu.memory_space<semaphore_mem>>)
      %dma_wait3A_266 = arith.constant 0 : i32
      %dma_wait3A_267 = tpu.memref_slice %arg20[%mul3A_4, %dma_wait3A_266] : memref<5128x128xf32, #tpu.memory_space<vmem_shared>> -> memref<320x128xf32, #tpu.memory_space<vmem_shared>>
      tpu.wait_dma2 semaphore(%run_scoped3A : memref<!tpu.dma_semaphore, #tpu.memory_space<semaphore_mem>>) src(%arg6 : memref<320x128xf32, #tpu.memory_space<hbm>>) dst(%dma_wait3A_267 : memref<320x128xf32, #tpu.memory_space<vmem_shared>>)
      tpu.yield
    }) : () -> ()
    %barrier3A = arith.constant 0 : index
    tpu.barrier barrier_id(%barrier3A)
    %add3A_5 = arith.constant 0 : i32
    %add3A_6 = arith.addi %mul3A_2, %add3A_5 : i32
    "tpu.region"() ({
      %run_scoped3A = tpu.sem_alloc : memref<!tpu.dma_semaphore, #tpu.memory_space<semaphore_mem>>
      %dma_start3A_264 = tpu.memref_slice %arg3[%add3A_6] : memref<320000xi32, #tpu.memory_space<hbm>> -> memref<80xi32, #tpu.memory_space<hbm>>
      %dma_start3A_265 = tpu.memref_slice %arg3[%add3A_6] : memref<320000xi32, #tpu.memory_space<hbm>> -> memref<80xi32, #tpu.memory_space<hbm>>
      tpu.enqueue_dma source(%dma_start3A_265 : memref<80xi32, #tpu.memory_space<hbm>>) target(%arg8 : memref<80xi32, #tpu.memory_space<vmem>>) target_semaphore(%run_scoped3A : memref<!tpu.dma_semaphore, #tpu.memory_space<semaphore_mem>>)
      %dma_wait3A_266 = tpu.memref_slice %arg3[%add3A_6] : memref<320000xi32, #tpu.memory_space<hbm>> -> memref<80xi32, #tpu.memory_space<hbm>>
      %dma_wait3A_267 = tpu.memref_slice %arg3[%add3A_6] : memref<320000xi32, #tpu.memory_space<hbm>> -> memref<80xi32, #tpu.memory_space<hbm>>
      tpu.wait_dma2 semaphore(%run_scoped3A : memref<!tpu.dma_semaphore, #tpu.memory_space<semaphore_mem>>) src(%dma_wait3A_267 : memref<80xi32, #tpu.memory_space<hbm>>) dst(%arg8 : memref<80xi32, #tpu.memory_space<vmem>>)
      tpu.yield
    }) : () -> ()
    "tpu.region"() ({
      %run_scoped3A = tpu.sem_alloc : memref<!tpu.dma_semaphore, #tpu.memory_space<semaphore_mem>>
      %dma_start3A_264 = tpu.memref_slice %arg4[%add3A_6] : memref<320000xi32, #tpu.memory_space<hbm>> -> memref<80xi32, #tpu.memory_space<hbm>>
      %dma_start3A_265 = tpu.memref_slice %arg4[%add3A_6] : memref<320000xi32, #tpu.memory_space<hbm>> -> memref<80xi32, #tpu.memory_space<hbm>>
      tpu.enqueue_dma source(%dma_start3A_265 : memref<80xi32, #tpu.memory_space<hbm>>) target(%arg12 : memref<80xi32, #tpu.memory_space<vmem>>) target_semaphore(%run_scoped3A : memref<!tpu.dma_semaphore, #tpu.memory_space<semaphore_mem>>)
      %dma_wait3A_266 = tpu.memref_slice %arg4[%add3A_6] : memref<320000xi32, #tpu.memory_space<hbm>> -> memref<80xi32, #tpu.memory_space<hbm>>
      %dma_wait3A_267 = tpu.memref_slice %arg4[%add3A_6] : memref<320000xi32, #tpu.memory_space<hbm>> -> memref<80xi32, #tpu.memory_space<hbm>>
      tpu.wait_dma2 semaphore(%run_scoped3A : memref<!tpu.dma_semaphore, #tpu.memory_space<semaphore_mem>>) src(%dma_wait3A_267 : memref<80xi32, #tpu.memory_space<hbm>>) dst(%arg12 : memref<80xi32, #tpu.memory_space<vmem>>)
      tpu.yield
    }) : () -> ()
    %dma_start3A = arith.constant 0 : i32
    %dma_start3A_7 = arith.constant 0 : i32
    %dma_start3A_8 = tpu.memref_slice %arg2[%dma_start3A, %dma_start3A_7] : memref<10240x128xf32, #tpu.memory_space<hbm>> -> memref<10240x128xf32, #tpu.memory_space<hbm>>
    tpu.enqueue_indirect_dma source(%dma_start3A_8 : memref<10240x128xf32, #tpu.memory_space<hbm>>) target(%arg16 : memref<80x128xf32, #tpu.memory_space<vmem>>) offsets(%arg8 : memref<80xi32, #tpu.memory_space<vmem>>) semaphore(%arg21 : memref<!tpu.dma_semaphore, #tpu.memory_space<semaphore_mem>>)
    %dma_wait3A = arith.constant 0 : i32
    %dma_wait3A_9 = arith.constant 0 : i32
    %dma_wait3A_10 = tpu.memref_slice %arg2[%dma_wait3A, %dma_wait3A_9] : memref<10240x128xf32, #tpu.memory_space<hbm>> -> memref<10240x128xf32, #tpu.memory_space<hbm>>
    tpu.wait_indirect_dma semaphore(%arg21 : memref<!tpu.dma_semaphore, #tpu.memory_space<semaphore_mem>>) src(%dma_wait3A_10 : memref<10240x128xf32, #tpu.memory_space<hbm>>) dst(%arg16 : memref<80x128xf32, #tpu.memory_space<vmem>>)
    "tpu.region"() ({
      %run_scoped3A = tpu.sem_alloc : memref<!tpu.dma_semaphore, #tpu.memory_space<semaphore_mem>>
      %dma_start3A_264 = arith.constant 0 : i32
      %dma_start3A_265 = arith.constant 0 : i32
      %dma_start3A_266 = tpu.memref_slice %arg20[%dma_start3A_264, %dma_start3A_265] : memref<5128x128xf32, #tpu.memory_space<vmem_shared>> -> memref<5128x128xf32, #tpu.memory_space<vmem_shared>>
      tpu.enqueue_indirect_dma source(%arg16 : memref<80x128xf32, #tpu.memory_space<vmem>>) target(%dma_start3A_266 : memref<5128x128xf32, #tpu.memory_space<vmem_shared>>) offsets(%arg12 : memref<80xi32, #tpu.memory_space<vmem>>) semaphore(%run_scoped3A : memref<!tpu.dma_semaphore, #tpu.memory_space<semaphore_mem>>) {add = true}
      %dma_wait3A_267 = arith.constant 0 : i32
      %dma_wait3A_268 = arith.constant 0 : i32
      %dma_wait3A_269 = tpu.memref_slice %arg20[%dma_wait3A_267, %dma_wait3A_268] : memref<5128x128xf32, #tpu.memory_space<vmem_shared>> -> memref<5128x128xf32, #tpu.memory_space<vmem_shared>>
      tpu.wait_indirect_dma semaphore(%run_scoped3A : memref<!tpu.dma_semaphore, #tpu.memory_space<semaphore_mem>>) src(%arg16 : memref<80x128xf32, #tpu.memory_space<vmem>>) dst(%dma_wait3A_269 : memref<5128x128xf32, #tpu.memory_space<vmem_shared>>)
      tpu.yield
    }) : () -> ()
    %add3A_11 = arith.constant 80 : i32
    %add3A_12 = arith.addi %mul3A_2, %add3A_11 : i32
    "tpu.region"() ({
      %run_scoped3A = tpu.sem_alloc : memref<!tpu.dma_semaphore, #tpu.memory_space<semaphore_mem>>
      %dma_start3A_264 = tpu.memref_slice %arg3[%add3A_12] : memref<320000xi32, #tpu.memory_space<hbm>> -> memref<80xi32, #tpu.memory_space<hbm>>
      %dma_start3A_265 = tpu.memref_slice %arg3[%add3A_12] : memref<320000xi32, #tpu.memory_space<hbm>> -> memref<80xi32, #tpu.memory_space<hbm>>
      tpu.enqueue_dma source(%dma_start3A_265 : memref<80xi32, #tpu.memory_space<hbm>>) target(%arg10 : memref<80xi32, #tpu.memory_space<vmem>>) target_semaphore(%run_scoped3A : memref<!tpu.dma_semaphore, #tpu.memory_space<semaphore_mem>>)
      %dma_wait3A_266 = tpu.memref_slice %arg3[%add3A_12] : memref<320000xi32, #tpu.memory_space<hbm>> -> memref<80xi32, #tpu.memory_space<hbm>>
      %dma_wait3A_267 = tpu.memref_slice %arg3[%add3A_12] : memref<320000xi32, #tpu.memory_space<hbm>> -> memref<80xi32, #tpu.memory_space<hbm>>
      tpu.wait_dma2 semaphore(%run_scoped3A : memref<!tpu.dma_semaphore, #tpu.memory_space<semaphore_mem>>) src(%dma_wait3A_267 : memref<80xi32, #tpu.memory_space<hbm>>) dst(%arg10 : memref<80xi32, #tpu.memory_space<vmem>>)
      tpu.yield
    }) : () -> ()
    "tpu.region"() ({
      %run_scoped3A = tpu.sem_alloc : memref<!tpu.dma_semaphore, #tpu.memory_space<semaphore_mem>>
      %dma_start3A_264 = tpu.memref_slice %arg4[%add3A_12] : memref<320000xi32, #tpu.memory_space<hbm>> -> memref<80xi32, #tpu.memory_space<hbm>>
      %dma_start3A_265 = tpu.memref_slice %arg4[%add3A_12] : memref<320000xi32, #tpu.memory_space<hbm>> -> memref<80xi32, #tpu.memory_space<hbm>>
      tpu.enqueue_dma source(%dma_start3A_265 : memref<80xi32, #tpu.memory_space<hbm>>) target(%arg14 : memref<80xi32, #tpu.memory_space<vmem>>) target_semaphore(%run_scoped3A : memref<!tpu.dma_semaphore, #tpu.memory_space<semaphore_mem>>)
      %dma_wait3A_266 = tpu.memref_slice %arg4[%add3A_12] : memref<320000xi32, #tpu.memory_space<hbm>> -> memref<80xi32, #tpu.memory_space<hbm>>
      %dma_wait3A_267 = tpu.memref_slice %arg4[%add3A_12] : memref<320000xi32, #tpu.memory_space<hbm>> -> memref<80xi32, #tpu.memory_space<hbm>>
      tpu.wait_dma2 semaphore(%run_scoped3A : memref<!tpu.dma_semaphore, #tpu.memory_space<semaphore_mem>>) src(%dma_wait3A_267 : memref<80xi32, #tpu.memory_space<hbm>>) dst(%arg14 : memref<80xi32, #tpu.memory_space<vmem>>)
      tpu.yield
    }) : () -> ()
    %dma_start3A_13 = arith.constant 0 : i32
    %dma_start3A_14 = arith.constant 0 : i32
    %dma_start3A_15 = tpu.memref_slice %arg2[%dma_start3A_13, %dma_start3A_14] : memref<10240x128xf32, #tpu.memory_space<hbm>> -> memref<10240x128xf32, #tpu.memory_space<hbm>>
    tpu.enqueue_indirect_dma source(%dma_start3A_15 : memref<10240x128xf32, #tpu.memory_space<hbm>>) target(%arg18 : memref<80x128xf32, #tpu.memory_space<vmem>>) offsets(%arg10 : memref<80xi32, #tpu.memory_space<vmem>>) semaphore(%arg23 : memref<!tpu.dma_semaphore, #tpu.memory_space<semaphore_mem>>)
    %add3A_16 = arith.constant 160 : i32
    %add3A_17 = arith.addi %mul3A_2, %add3A_16 : i32
    "tpu.region"() ({
      %run_scoped3A = tpu.sem_alloc : memref<!tpu.dma_semaphore, #tpu.memory_space<semaphore_mem>>
      %dma_start3A_264 = tpu.memref_slice %arg3[%add3A_17] : memref<320000xi32, #tpu.memory_space<hbm>> -> memref<80xi32, #tpu.memory_space<hbm>>
      %dma_start3A_265 = tpu.memref_slice %arg3[%add3A_17] : memref<320000xi32, #tpu.memory_space<hbm>> -> memref<80xi32, #tpu.memory_space<hbm>>
      tpu.enqueue_dma source(%dma_start3A_265 : memref<80xi32, #tpu.memory_space<hbm>>) target(%arg11 : memref<80xi32, #tpu.memory_space<vmem>>) target_semaphore(%run_scoped3A : memref<!tpu.dma_semaphore, #tpu.memory_space<semaphore_mem>>)
      %dma_wait3A_266 = tpu.memref_slice %arg3[%add3A_17] : memref<320000xi32, #tpu.memory_space<hbm>> -> memref<80xi32, #tpu.memory_space<hbm>>
      %dma_wait3A_267 = tpu.memref_slice %arg3[%add3A_17] : memref<320000xi32, #tpu.memory_space<hbm>> -> memref<80xi32, #tpu.memory_space<hbm>>
      tpu.wait_dma2 semaphore(%run_scoped3A : memref<!tpu.dma_semaphore, #tpu.memory_space<semaphore_mem>>) src(%dma_wait3A_267 : memref<80xi32, #tpu.memory_space<hbm>>) dst(%arg11 : memref<80xi32, #tpu.memory_space<vmem>>)
      tpu.yield
    }) : () -> ()
    "tpu.region"() ({
      %run_scoped3A = tpu.sem_alloc : memref<!tpu.dma_semaphore, #tpu.memory_space<semaphore_mem>>
      %dma_start3A_264 = tpu.memref_slice %arg4[%add3A_17] : memref<320000xi32, #tpu.memory_space<hbm>> -> memref<80xi32, #tpu.memory_space<hbm>>
      %dma_start3A_265 = tpu.memref_slice %arg4[%add3A_17] : memref<320000xi32, #tpu.memory_space<hbm>> -> memref<80xi32, #tpu.memory_space<hbm>>
      tpu.enqueue_dma source(%dma_start3A_265 : memref<80xi32, #tpu.memory_space<hbm>>) target(%arg15 : memref<80xi32, #tpu.memory_space<vmem>>) target_semaphore(%run_scoped3A : memref<!tpu.dma_semaphore, #tpu.memory_space<semaphore_mem>>)
      %dma_wait3A_266 = tpu.memref_slice %arg4[%add3A_17] : memref<320000xi32, #tpu.memory_space<hbm>> -> memref<80xi32, #tpu.memory_space<hbm>>
      %dma_wait3A_267 = tpu.memref_slice %arg4[%add3A_17] : memref<320000xi32, #tpu.memory_space<hbm>> -> memref<80xi32, #tpu.memory_space<hbm>>
      tpu.wait_dma2 semaphore(%run_scoped3A : memref<!tpu.dma_semaphore, #tpu.memory_space<semaphore_mem>>) src(%dma_wait3A_267 : memref<80xi32, #tpu.memory_space<hbm>>) dst(%arg15 : memref<80xi32, #tpu.memory_space<vmem>>)
      tpu.yield
    }) : () -> ()
    %dma_start3A_18 = arith.constant 0 : i32
    %dma_start3A_19 = arith.constant 0 : i32
    %dma_start3A_20 = tpu.memref_slice %arg2[%dma_start3A_18, %dma_start3A_19] : memref<10240x128xf32, #tpu.memory_space<hbm>> -> memref<10240x128xf32, #tpu.memory_space<hbm>>
    tpu.enqueue_indirect_dma source(%dma_start3A_20 : memref<10240x128xf32, #tpu.memory_space<hbm>>) target(%arg19 : memref<80x128xf32, #tpu.memory_space<vmem>>) offsets(%arg11 : memref<80xi32, #tpu.memory_space<vmem>>) semaphore(%arg24 : memref<!tpu.dma_semaphore, #tpu.memory_space<semaphore_mem>>)
    %dma_wait3A_21 = arith.constant 0 : i32
    %dma_wait3A_22 = arith.constant 0 : i32
    %dma_wait3A_23 = tpu.memref_slice %arg2[%dma_wait3A_21, %dma_wait3A_22] : memref<10240x128xf32, #tpu.memory_space<hbm>> -> memref<10240x128xf32, #tpu.memory_space<hbm>>
    tpu.wait_indirect_dma semaphore(%arg23 : memref<!tpu.dma_semaphore, #tpu.memory_space<semaphore_mem>>) src(%dma_wait3A_23 : memref<10240x128xf32, #tpu.memory_space<hbm>>) dst(%arg18 : memref<80x128xf32, #tpu.memory_space<vmem>>)
    %dma_start3A_24 = arith.constant 0 : i32
    %dma_start3A_25 = arith.constant 0 : i32
    %dma_start3A_26 = tpu.memref_slice %arg20[%dma_start3A_24, %dma_start3A_25] : memref<5128x128xf32, #tpu.memory_space<vmem_shared>> -> memref<5128x128xf32, #tpu.memory_space<vmem_shared>>
    tpu.enqueue_indirect_dma source(%arg18 : memref<80x128xf32, #tpu.memory_space<vmem>>) target(%dma_start3A_26 : memref<5128x128xf32, #tpu.memory_space<vmem_shared>>) offsets(%arg14 : memref<80xi32, #tpu.memory_space<vmem>>) semaphore(%arg27 : memref<!tpu.dma_semaphore, #tpu.memory_space<semaphore_mem>>) {add = true}
    %dma_wait3A_27 = arith.constant 0 : i32
    %dma_wait3A_28 = arith.constant 0 : i32
    %dma_wait3A_29 = tpu.memref_slice %arg2[%dma_wait3A_27, %dma_wait3A_28] : memref<10240x128xf32, #tpu.memory_space<hbm>> -> memref<10240x128xf32, #tpu.memory_space<hbm>>
    tpu.wait_indirect_dma semaphore(%arg24 : memref<!tpu.dma_semaphore, #tpu.memory_space<semaphore_mem>>) src(%dma_wait3A_29 : memref<10240x128xf32, #tpu.memory_space<hbm>>) dst(%arg19 : memref<80x128xf32, #tpu.memory_space<vmem>>)
    %dma_start3A_30 = arith.constant 0 : i32
    %dma_start3A_31 = arith.constant 0 : i32
    %dma_start3A_32 = tpu.memref_slice %arg20[%dma_start3A_30, %dma_start3A_31] : memref<5128x128xf32, #tpu.memory_space<vmem_shared>> -> memref<5128x128xf32, #tpu.memory_space<vmem_shared>>
    tpu.enqueue_indirect_dma source(%arg19 : memref<80x128xf32, #tpu.memory_space<vmem>>) target(%dma_start3A_32 : memref<5128x128xf32, #tpu.memory_space<vmem_shared>>) offsets(%arg15 : memref<80xi32, #tpu.memory_space<vmem>>) semaphore(%arg28 : memref<!tpu.dma_semaphore, #tpu.memory_space<semaphore_mem>>) {add = true}
    %add3A_33 = arith.constant 240 : i32
    %add3A_34 = arith.addi %mul3A_2, %add3A_33 : i32
    "tpu.region"() ({
      %run_scoped3A = tpu.sem_alloc : memref<!tpu.dma_semaphore, #tpu.memory_space<semaphore_mem>>
      %dma_start3A_264 = tpu.memref_slice %arg3[%add3A_34] : memref<320000xi32, #tpu.memory_space<hbm>> -> memref<80xi32, #tpu.memory_space<hbm>>
      %dma_start3A_265 = tpu.memref_slice %arg3[%add3A_34] : memref<320000xi32, #tpu.memory_space<hbm>> -> memref<80xi32, #tpu.memory_space<hbm>>
      tpu.enqueue_dma source(%dma_start3A_265 : memref<80xi32, #tpu.memory_space<hbm>>) target(%arg8 : memref<80xi32, #tpu.memory_space<vmem>>) target_semaphore(%run_scoped3A : memref<!tpu.dma_semaphore, #tpu.memory_space<semaphore_mem>>)
      %dma_wait3A_266 = tpu.memref_slice %arg3[%add3A_34] : memref<320000xi32, #tpu.memory_space<hbm>> -> memref<80xi32, #tpu.memory_space<hbm>>
      %dma_wait3A_267 = tpu.memref_slice %arg3[%add3A_34] : memref<320000xi32, #tpu.memory_space<hbm>> -> memref<80xi32, #tpu.memory_space<hbm>>
      tpu.wait_dma2 semaphore(%run_scoped3A : memref<!tpu.dma_semaphore, #tpu.memory_space<semaphore_mem>>) src(%dma_wait3A_267 : memref<80xi32, #tpu.memory_space<hbm>>) dst(%arg8 : memref<80xi32, #tpu.memory_space<vmem>>)
      tpu.yield
    }) : () -> ()
    %add3A_35 = arith.constant 240 : i32
    %add3A_36 = arith.addi %mul3A_2, %add3A_35 : i32
    %dma_start3A_37 = tpu.memref_slice %arg4[%add3A_36] : memref<320000xi32, #tpu.memory_space<hbm>> -> memref<80xi32, #tpu.memory_space<hbm>>
    %dma_start3A_38 = tpu.memref_slice %arg4[%add3A_36] : memref<320000xi32, #tpu.memory_space<hbm>> -> memref<80xi32, #tpu.memory_space<hbm>>
    tpu.enqueue_dma source(%dma_start3A_38 : memref<80xi32, #tpu.memory_space<hbm>>) target(%arg12 : memref<80xi32, #tpu.memory_space<vmem>>) target_semaphore(%arg29 : memref<!tpu.dma_semaphore, #tpu.memory_space<semaphore_mem>>)
    %dma_start3A_39 = arith.constant 0 : i32
    %dma_start3A_40 = arith.constant 0 : i32
    %dma_start3A_41 = tpu.memref_slice %arg2[%dma_start3A_39, %dma_start3A_40] : memref<10240x128xf32, #tpu.memory_space<hbm>> -> memref<10240x128xf32, #tpu.memory_space<hbm>>
    tpu.enqueue_indirect_dma source(%dma_start3A_41 : memref<10240x128xf32, #tpu.memory_space<hbm>>) target(%arg16 : memref<80x128xf32, #tpu.memory_space<vmem>>) offsets(%arg8 : memref<80xi32, #tpu.memory_space<vmem>>) semaphore(%arg21 : memref<!tpu.dma_semaphore, #tpu.memory_space<semaphore_mem>>)
    %add3A_42 = arith.constant 320 : i32
    %add3A_43 = arith.addi %mul3A_2, %add3A_42 : i32
    "tpu.region"() ({
      %run_scoped3A = tpu.sem_alloc : memref<!tpu.dma_semaphore, #tpu.memory_space<semaphore_mem>>
      %dma_start3A_264 = tpu.memref_slice %arg3[%add3A_43] : memref<320000xi32, #tpu.memory_space<hbm>> -> memref<80xi32, #tpu.memory_space<hbm>>
      %dma_start3A_265 = tpu.memref_slice %arg3[%add3A_43] : memref<320000xi32, #tpu.memory_space<hbm>> -> memref<80xi32, #tpu.memory_space<hbm>>
      tpu.enqueue_dma source(%dma_start3A_265 : memref<80xi32, #tpu.memory_space<hbm>>) target(%arg9 : memref<80xi32, #tpu.memory_space<vmem>>) target_semaphore(%run_scoped3A : memref<!tpu.dma_semaphore, #tpu.memory_space<semaphore_mem>>)
      %dma_wait3A_266 = tpu.memref_slice %arg3[%add3A_43] : memref<320000xi32, #tpu.memory_space<hbm>> -> memref<80xi32, #tpu.memory_space<hbm>>
      %dma_wait3A_267 = tpu.memref_slice %arg3[%add3A_43] : memref<320000xi32, #tpu.memory_space<hbm>> -> memref<80xi32, #tpu.memory_space<hbm>>
      tpu.wait_dma2 semaphore(%run_scoped3A : memref<!tpu.dma_semaphore, #tpu.memory_space<semaphore_mem>>) src(%dma_wait3A_267 : memref<80xi32, #tpu.memory_space<hbm>>) dst(%arg9 : memref<80xi32, #tpu.memory_space<vmem>>)
      tpu.yield
    }) : () -> ()
    %add3A_44 = arith.constant 320 : i32
    %add3A_45 = arith.addi %mul3A_2, %add3A_44 : i32
    %dma_start3A_46 = tpu.memref_slice %arg4[%add3A_45] : memref<320000xi32, #tpu.memory_space<hbm>> -> memref<80xi32, #tpu.memory_space<hbm>>
    %dma_start3A_47 = tpu.memref_slice %arg4[%add3A_45] : memref<320000xi32, #tpu.memory_space<hbm>> -> memref<80xi32, #tpu.memory_space<hbm>>
    tpu.enqueue_dma source(%dma_start3A_47 : memref<80xi32, #tpu.memory_space<hbm>>) target(%arg13 : memref<80xi32, #tpu.memory_space<vmem>>) target_semaphore(%arg30 : memref<!tpu.dma_semaphore, #tpu.memory_space<semaphore_mem>>)
    %dma_start3A_48 = arith.constant 0 : i32
    %dma_start3A_49 = arith.constant 0 : i32
    %dma_start3A_50 = tpu.memref_slice %arg2[%dma_start3A_48, %dma_start3A_49] : memref<10240x128xf32, #tpu.memory_space<hbm>> -> memref<10240x128xf32, #tpu.memory_space<hbm>>
    tpu.enqueue_indirect_dma source(%dma_start3A_50 : memref<10240x128xf32, #tpu.memory_space<hbm>>) target(%arg17 : memref<80x128xf32, #tpu.memory_space<vmem>>) offsets(%arg9 : memref<80xi32, #tpu.memory_space<vmem>>) semaphore(%arg22 : memref<!tpu.dma_semaphore, #tpu.memory_space<semaphore_mem>>)
    %min3A = arith.constant 5 : i32
    %min3A_51 = arith.constant 124 : i32
    %min3A_52 = arith.minsi %min3A, %min3A_51 : i32
    %mul3A_53 = arith.constant 80 : i32
    %mul3A_54 = arith.muli %min3A_52, %mul3A_53 : i32
    %add3A_55 = arith.addi %mul3A_2, %mul3A_54 : i32
    %dma_start3A_56 = tpu.memref_slice %arg3[%add3A_55] : memref<320000xi32, #tpu.memory_space<hbm>> -> memref<80xi32, #tpu.memory_space<hbm>>
    %dma_start3A_57 = tpu.memref_slice %arg3[%add3A_55] : memref<320000xi32, #tpu.memory_space<hbm>> -> memref<80xi32, #tpu.memory_space<hbm>>
    tpu.enqueue_dma source(%dma_start3A_57 : memref<80xi32, #tpu.memory_space<hbm>>) target(%arg10 : memref<80xi32, #tpu.memory_space<vmem>>) target_semaphore(%arg35 : memref<!tpu.dma_semaphore, #tpu.memory_space<semaphore_mem>>)
    %min3A_58 = arith.constant 6 : i32
    %min3A_59 = arith.constant 124 : i32
    %min3A_60 = arith.minsi %min3A_58, %min3A_59 : i32
    %mul3A_61 = arith.constant 80 : i32
    %mul3A_62 = arith.muli %min3A_60, %mul3A_61 : i32
    %add3A_63 = arith.addi %mul3A_2, %mul3A_62 : i32
    %dma_start3A_64 = tpu.memref_slice %arg3[%add3A_63] : memref<320000xi32, #tpu.memory_space<hbm>> -> memref<80xi32, #tpu.memory_space<hbm>>
    %dma_start3A_65 = tpu.memref_slice %arg3[%add3A_63] : memref<320000xi32, #tpu.memory_space<hbm>> -> memref<80xi32, #tpu.memory_space<hbm>>
    tpu.enqueue_dma source(%dma_start3A_65 : memref<80xi32, #tpu.memory_space<hbm>>) target(%arg11 : memref<80xi32, #tpu.memory_space<vmem>>) target_semaphore(%arg36 : memref<!tpu.dma_semaphore, #tpu.memory_space<semaphore_mem>>)
    %scan3A = arith.constant 0 : i32
    %scan3A_66 = arith.constant 0 : i32
    %scan3A_67 = arith.constant 30 : i32
    %scan3A_68 = arith.addi %scan3A_66, %scan3A_67 : i32
    %scan3A_69 = arith.constant 1 : i32
    %scan3A_70 = scf.for %scan3A_264 = %scan3A_66 to %scan3A_68 step %scan3A_69 iter_args(%scan3A_265 = %scan3A) -> (i32)  : i32 {
      %mul3A_266 = arith.constant 4 : i32
      %mul3A_267 = arith.muli %mul3A_266, %scan3A_264 : i32
      %add3A_268 = arith.constant 3 : i32
      %add3A_269 = arith.addi %mul3A_267, %add3A_268 : i32
      %dma_wait3A_270 = arith.constant 0 : i32
      %dma_wait3A_271 = arith.constant 0 : i32
      %dma_wait3A_272 = tpu.memref_slice %arg2[%dma_wait3A_270, %dma_wait3A_271] : memref<10240x128xf32, #tpu.memory_space<hbm>> -> memref<10240x128xf32, #tpu.memory_space<hbm>>
      tpu.wait_indirect_dma semaphore(%arg21 : memref<!tpu.dma_semaphore, #tpu.memory_space<semaphore_mem>>) src(%dma_wait3A_272 : memref<10240x128xf32, #tpu.memory_space<hbm>>) dst(%arg16 : memref<80x128xf32, #tpu.memory_space<vmem>>)
      %add3A_273 = arith.constant 4 : i32
      %add3A_274 = arith.addi %add3A_269, %add3A_273 : i32
      %min3A_275 = arith.constant 124 : i32
      %min3A_276 = arith.minsi %add3A_274, %min3A_275 : i32
      %mul3A_277 = arith.constant 80 : i32
      %mul3A_278 = arith.muli %min3A_276, %mul3A_277 : i32
      %add3A_279 = arith.addi %mul3A_2, %mul3A_278 : i32
      %dma_start3A_280 = tpu.memref_slice %arg3[%add3A_279] : memref<320000xi32, #tpu.memory_space<hbm>> -> memref<80xi32, #tpu.memory_space<hbm>>
      %dma_start3A_281 = tpu.memref_slice %arg3[%add3A_279] : memref<320000xi32, #tpu.memory_space<hbm>> -> memref<80xi32, #tpu.memory_space<hbm>>
      tpu.enqueue_dma source(%dma_start3A_281 : memref<80xi32, #tpu.memory_space<hbm>>) target(%arg8 : memref<80xi32, #tpu.memory_space<vmem>>) target_semaphore(%arg33 : memref<!tpu.dma_semaphore, #tpu.memory_space<semaphore_mem>>)
      %mul3A_282 = arith.constant 80 : i32
      %mul3A_283 = arith.muli %add3A_269, %mul3A_282 : i32
      %add3A_284 = arith.addi %mul3A_2, %mul3A_283 : i32
      %dma_wait3A_285 = tpu.memref_slice %arg4[%add3A_284] : memref<320000xi32, #tpu.memory_space<hbm>> -> memref<80xi32, #tpu.memory_space<hbm>>
      %dma_wait3A_286 = tpu.memref_slice %arg4[%add3A_284] : memref<320000xi32, #tpu.memory_space<hbm>> -> memref<80xi32, #tpu.memory_space<hbm>>
      tpu.wait_dma2 semaphore(%arg29 : memref<!tpu.dma_semaphore, #tpu.memory_space<semaphore_mem>>) src(%dma_wait3A_286 : memref<80xi32, #tpu.memory_space<hbm>>) dst(%arg12 : memref<80xi32, #tpu.memory_space<vmem>>)
      %dma_start3A_287 = arith.constant 0 : i32
      %dma_start3A_288 = arith.constant 0 : i32
      %dma_start3A_289 = tpu.memref_slice %arg20[%dma_start3A_287, %dma_start3A_288] : memref<5128x128xf32, #tpu.memory_space<vmem_shared>> -> memref<5128x128xf32, #tpu.memory_space<vmem_shared>>
      tpu.enqueue_indirect_dma source(%arg16 : memref<80x128xf32, #tpu.memory_space<vmem>>) target(%dma_start3A_289 : memref<5128x128xf32, #tpu.memory_space<vmem_shared>>) offsets(%arg12 : memref<80xi32, #tpu.memory_space<vmem>>) semaphore(%arg25 : memref<!tpu.dma_semaphore, #tpu.memory_space<semaphore_mem>>) {add = true}
      %dma_wait3A_290 = arith.constant 0 : i32
      %dma_wait3A_291 = arith.constant 0 : i32
      %dma_wait3A_292 = tpu.memref_slice %arg20[%dma_wait3A_290, %dma_wait3A_291] : memref<5128x128xf32, #tpu.memory_space<vmem_shared>> -> memref<5128x128xf32, #tpu.memory_space<vmem_shared>>
      tpu.wait_indirect_dma semaphore(%arg27 : memref<!tpu.dma_semaphore, #tpu.memory_space<semaphore_mem>>) src(%arg18 : memref<80x128xf32, #tpu.memory_space<vmem>>) dst(%dma_wait3A_292 : memref<5128x128xf32, #tpu.memory_space<vmem_shared>>)
      %add3A_293 = arith.constant 2 : i32
      %add3A_294 = arith.addi %add3A_269, %add3A_293 : i32
      %mul3A_295 = arith.constant 80 : i32
      %mul3A_296 = arith.muli %add3A_294, %mul3A_295 : i32
      %add3A_297 = arith.addi %mul3A_2, %mul3A_296 : i32
      %dma_start3A_298 = tpu.memref_slice %arg4[%add3A_297] : memref<320000xi32, #tpu.memory_space<hbm>> -> memref<80xi32, #tpu.memory_space<hbm>>
      %dma_start3A_299 = tpu.memref_slice %arg4[%add3A_297] : memref<320000xi32, #tpu.memory_space<hbm>> -> memref<80xi32, #tpu.memory_space<hbm>>
      tpu.enqueue_dma source(%dma_start3A_299 : memref<80xi32, #tpu.memory_space<hbm>>) target(%arg14 : memref<80xi32, #tpu.memory_space<vmem>>) target_semaphore(%arg31 : memref<!tpu.dma_semaphore, #tpu.memory_space<semaphore_mem>>)
      %add3A_300 = arith.constant 2 : i32
      %add3A_301 = arith.addi %add3A_269, %add3A_300 : i32
      %min3A_302 = arith.constant 124 : i32
      %min3A_303 = arith.minsi %add3A_301, %min3A_302 : i32
      %mul3A_304 = arith.constant 80 : i32
      %mul3A_305 = arith.muli %min3A_303, %mul3A_304 : i32
      %add3A_306 = arith.addi %mul3A_2, %mul3A_305 : i32
      %dma_wait3A_307 = tpu.memref_slice %arg3[%add3A_306] : memref<320000xi32, #tpu.memory_space<hbm>> -> memref<80xi32, #tpu.memory_space<hbm>>
      %dma_wait3A_308 = tpu.memref_slice %arg3[%add3A_306] : memref<320000xi32, #tpu.memory_space<hbm>> -> memref<80xi32, #tpu.memory_space<hbm>>
      tpu.wait_dma2 semaphore(%arg35 : memref<!tpu.dma_semaphore, #tpu.memory_space<semaphore_mem>>) src(%dma_wait3A_308 : memref<80xi32, #tpu.memory_space<hbm>>) dst(%arg10 : memref<80xi32, #tpu.memory_space<vmem>>)
      %dma_start3A_309 = arith.constant 0 : i32
      %dma_start3A_310 = arith.constant 0 : i32
      %dma_start3A_311 = tpu.memref_slice %arg2[%dma_start3A_309, %dma_start3A_310] : memref<10240x128xf32, #tpu.memory_space<hbm>> -> memref<10240x128xf32, #tpu.memory_space<hbm>>
      tpu.enqueue_indirect_dma source(%dma_start3A_311 : memref<10240x128xf32, #tpu.memory_space<hbm>>) target(%arg18 : memref<80x128xf32, #tpu.memory_space<vmem>>) offsets(%arg10 : memref<80xi32, #tpu.memory_space<vmem>>) semaphore(%arg23 : memref<!tpu.dma_semaphore, #tpu.memory_space<semaphore_mem>>)
      %dma_wait3A_312 = arith.constant 0 : i32
      %dma_wait3A_313 = arith.constant 0 : i32
      %dma_wait3A_314 = tpu.memref_slice %arg2[%dma_wait3A_312, %dma_wait3A_313] : memref<10240x128xf32, #tpu.memory_space<hbm>> -> memref<10240x128xf32, #tpu.memory_space<hbm>>
      tpu.wait_indirect_dma semaphore(%arg22 : memref<!tpu.dma_semaphore, #tpu.memory_space<semaphore_mem>>) src(%dma_wait3A_314 : memref<10240x128xf32, #tpu.memory_space<hbm>>) dst(%arg17 : memref<80x128xf32, #tpu.memory_space<vmem>>)
      %add3A_315 = arith.constant 5 : i32
      %add3A_316 = arith.addi %add3A_269, %add3A_315 : i32
      %min3A_317 = arith.constant 124 : i32
      %min3A_318 = arith.minsi %add3A_316, %min3A_317 : i32
      %mul3A_319 = arith.constant 80 : i32
      %mul3A_320 = arith.muli %min3A_318, %mul3A_319 : i32
      %add3A_321 = arith.addi %mul3A_2, %mul3A_320 : i32
      %dma_start3A_322 = tpu.memref_slice %arg3[%add3A_321] : memref<320000xi32, #tpu.memory_space<hbm>> -> memref<80xi32, #tpu.memory_space<hbm>>
      %dma_start3A_323 = tpu.memref_slice %arg3[%add3A_321] : memref<320000xi32, #tpu.memory_space<hbm>> -> memref<80xi32, #tpu.memory_space<hbm>>
      tpu.enqueue_dma source(%dma_start3A_323 : memref<80xi32, #tpu.memory_space<hbm>>) target(%arg9 : memref<80xi32, #tpu.memory_space<vmem>>) target_semaphore(%arg34 : memref<!tpu.dma_semaphore, #tpu.memory_space<semaphore_mem>>)
      %add3A_324 = arith.constant 1 : i32
      %add3A_325 = arith.addi %add3A_269, %add3A_324 : i32
      %mul3A_326 = arith.constant 80 : i32
      %mul3A_327 = arith.muli %add3A_325, %mul3A_326 : i32
      %add3A_328 = arith.addi %mul3A_2, %mul3A_327 : i32
      %dma_wait3A_329 = tpu.memref_slice %arg4[%add3A_328] : memref<320000xi32, #tpu.memory_space<hbm>> -> memref<80xi32, #tpu.memory_space<hbm>>
      %dma_wait3A_330 = tpu.memref_slice %arg4[%add3A_328] : memref<320000xi32, #tpu.memory_space<hbm>> -> memref<80xi32, #tpu.memory_space<hbm>>
      tpu.wait_dma2 semaphore(%arg30 : memref<!tpu.dma_semaphore, #tpu.memory_space<semaphore_mem>>) src(%dma_wait3A_330 : memref<80xi32, #tpu.memory_space<hbm>>) dst(%arg13 : memref<80xi32, #tpu.memory_space<vmem>>)
      %dma_start3A_331 = arith.constant 0 : i32
      %dma_start3A_332 = arith.constant 0 : i32
      %dma_start3A_333 = tpu.memref_slice %arg20[%dma_start3A_331, %dma_start3A_332] : memref<5128x128xf32, #tpu.memory_space<vmem_shared>> -> memref<5128x128xf32, #tpu.memory_space<vmem_shared>>
      tpu.enqueue_indirect_dma source(%arg17 : memref<80x128xf32, #tpu.memory_space<vmem>>) target(%dma_start3A_333 : memref<5128x128xf32, #tpu.memory_space<vmem_shared>>) offsets(%arg13 : memref<80xi32, #tpu.memory_space<vmem>>) semaphore(%arg26 : memref<!tpu.dma_semaphore, #tpu.memory_space<semaphore_mem>>) {add = true}
      %dma_wait3A_334 = arith.constant 0 : i32
      %dma_wait3A_335 = arith.constant 0 : i32
      %dma_wait3A_336 = tpu.memref_slice %arg20[%dma_wait3A_334, %dma_wait3A_335] : memref<5128x128xf32, #tpu.memory_space<vmem_shared>> -> memref<5128x128xf32, #tpu.memory_space<vmem_shared>>
      tpu.wait_indirect_dma semaphore(%arg28 : memref<!tpu.dma_semaphore, #tpu.memory_space<semaphore_mem>>) src(%arg19 : memref<80x128xf32, #tpu.memory_space<vmem>>) dst(%dma_wait3A_336 : memref<5128x128xf32, #tpu.memory_space<vmem_shared>>)
      %add3A_337 = arith.constant 3 : i32
      %add3A_338 = arith.addi %add3A_269, %add3A_337 : i32
      %mul3A_339 = arith.constant 80 : i32
      %mul3A_340 = arith.muli %add3A_338, %mul3A_339 : i32
      %add3A_341 = arith.addi %mul3A_2, %mul3A_340 : i32
      %dma_start3A_342 = tpu.memref_slice %arg4[%add3A_341] : memref<320000xi32, #tpu.memory_space<hbm>> -> memref<80xi32, #tpu.memory_space<hbm>>
      %dma_start3A_343 = tpu.memref_slice %arg4[%add3A_341] : memref<320000xi32, #tpu.memory_space<hbm>> -> memref<80xi32, #tpu.memory_space<hbm>>
      tpu.enqueue_dma source(%dma_start3A_343 : memref<80xi32, #tpu.memory_space<hbm>>) target(%arg15 : memref<80xi32, #tpu.memory_space<vmem>>) target_semaphore(%arg32 : memref<!tpu.dma_semaphore, #tpu.memory_space<semaphore_mem>>)
      %add3A_344 = arith.constant 3 : i32
      %add3A_345 = arith.addi %add3A_269, %add3A_344 : i32
      %min3A_346 = arith.constant 124 : i32
      %min3A_347 = arith.minsi %add3A_345, %min3A_346 : i32
      %mul3A_348 = arith.constant 80 : i32
      %mul3A_349 = arith.muli %min3A_347, %mul3A_348 : i32
      %add3A_350 = arith.addi %mul3A_2, %mul3A_349 : i32
      %dma_wait3A_351 = tpu.memref_slice %arg3[%add3A_350] : memref<320000xi32, #tpu.memory_space<hbm>> -> memref<80xi32, #tpu.memory_space<hbm>>
      %dma_wait3A_352 = tpu.memref_slice %arg3[%add3A_350] : memref<320000xi32, #tpu.memory_space<hbm>> -> memref<80xi32, #tpu.memory_space<hbm>>
      tpu.wait_dma2 semaphore(%arg36 : memref<!tpu.dma_semaphore, #tpu.memory_space<semaphore_mem>>) src(%dma_wait3A_352 : memref<80xi32, #tpu.memory_space<hbm>>) dst(%arg11 : memref<80xi32, #tpu.memory_space<vmem>>)
      %dma_start3A_353 = arith.constant 0 : i32
      %dma_start3A_354 = arith.constant 0 : i32
      %dma_start3A_355 = tpu.memref_slice %arg2[%dma_start3A_353, %dma_start3A_354] : memref<10240x128xf32, #tpu.memory_space<hbm>> -> memref<10240x128xf32, #tpu.memory_space<hbm>>
      tpu.enqueue_indirect_dma source(%dma_start3A_355 : memref<10240x128xf32, #tpu.memory_space<hbm>>) target(%arg19 : memref<80x128xf32, #tpu.memory_space<vmem>>) offsets(%arg11 : memref<80xi32, #tpu.memory_space<vmem>>) semaphore(%arg24 : memref<!tpu.dma_semaphore, #tpu.memory_space<semaphore_mem>>)
      %dma_wait3A_356 = arith.constant 0 : i32
      %dma_wait3A_357 = arith.constant 0 : i32
      %dma_wait3A_358 = tpu.memref_slice %arg2[%dma_wait3A_356, %dma_wait3A_357] : memref<10240x128xf32, #tpu.memory_space<hbm>> -> memref<10240x128xf32, #tpu.memory_space<hbm>>
      tpu.wait_indirect_dma semaphore(%arg23 : memref<!tpu.dma_semaphore, #tpu.memory_space<semaphore_mem>>) src(%dma_wait3A_358 : memref<10240x128xf32, #tpu.memory_space<hbm>>) dst(%arg18 : memref<80x128xf32, #tpu.memory_space<vmem>>)
      %add3A_359 = arith.constant 6 : i32
      %add3A_360 = arith.addi %add3A_269, %add3A_359 : i32
      %min3A_361 = arith.constant 124 : i32
      %min3A_362 = arith.minsi %add3A_360, %min3A_361 : i32
      %mul3A_363 = arith.constant 80 : i32
      %mul3A_364 = arith.muli %min3A_362, %mul3A_363 : i32
      %add3A_365 = arith.addi %mul3A_2, %mul3A_364 : i32
      %dma_start3A_366 = tpu.memref_slice %arg3[%add3A_365] : memref<320000xi32, #tpu.memory_space<hbm>> -> memref<80xi32, #tpu.memory_space<hbm>>
      %dma_start3A_367 = tpu.memref_slice %arg3[%add3A_365] : memref<320000xi32, #tpu.memory_space<hbm>> -> memref<80xi32, #tpu.memory_space<hbm>>
      tpu.enqueue_dma source(%dma_start3A_367 : memref<80xi32, #tpu.memory_space<hbm>>) target(%arg10 : memref<80xi32, #tpu.memory_space<vmem>>) target_semaphore(%arg35 : memref<!tpu.dma_semaphore, #tpu.memory_space<semaphore_mem>>)
      %add3A_368 = arith.constant 2 : i32
      %add3A_369 = arith.addi %add3A_269, %add3A_368 : i32
      %mul3A_370 = arith.constant 80 : i32
      %mul3A_371 = arith.muli %add3A_369, %mul3A_370 : i32
      %add3A_372 = arith.addi %mul3A_2, %mul3A_371 : i32
      %dma_wait3A_373 = tpu.memref_slice %arg4[%add3A_372] : memref<320000xi32, #tpu.memory_space<hbm>> -> memref<80xi32, #tpu.memory_space<hbm>>
      %dma_wait3A_374 = tpu.memref_slice %arg4[%add3A_372] : memref<320000xi32, #tpu.memory_space<hbm>> -> memref<80xi32, #tpu.memory_space<hbm>>
      tpu.wait_dma2 semaphore(%arg31 : memref<!tpu.dma_semaphore, #tpu.memory_space<semaphore_mem>>) src(%dma_wait3A_374 : memref<80xi32, #tpu.memory_space<hbm>>) dst(%arg14 : memref<80xi32, #tpu.memory_space<vmem>>)
      %dma_start3A_375 = arith.constant 0 : i32
      %dma_start3A_376 = arith.constant 0 : i32
      %dma_start3A_377 = tpu.memref_slice %arg20[%dma_start3A_375, %dma_start3A_376] : memref<5128x128xf32, #tpu.memory_space<vmem_shared>> -> memref<5128x128xf32, #tpu.memory_space<vmem_shared>>
      tpu.enqueue_indirect_dma source(%arg18 : memref<80x128xf32, #tpu.memory_space<vmem>>) target(%dma_start3A_377 : memref<5128x128xf32, #tpu.memory_space<vmem_shared>>) offsets(%arg14 : memref<80xi32, #tpu.memory_space<vmem>>) semaphore(%arg27 : memref<!tpu.dma_semaphore, #tpu.memory_space<semaphore_mem>>) {add = true}
      %dma_wait3A_378 = arith.constant 0 : i32
      %dma_wait3A_379 = arith.constant 0 : i32
      %dma_wait3A_380 = tpu.memref_slice %arg20[%dma_wait3A_378, %dma_wait3A_379] : memref<5128x128xf32, #tpu.memory_space<vmem_shared>> -> memref<5128x128xf32, #tpu.memory_space<vmem_shared>>
      tpu.wait_indirect_dma semaphore(%arg25 : memref<!tpu.dma_semaphore, #tpu.memory_space<semaphore_mem>>) src(%arg16 : memref<80x128xf32, #tpu.memory_space<vmem>>) dst(%dma_wait3A_380 : memref<5128x128xf32, #tpu.memory_space<vmem_shared>>)
      %add3A_381 = arith.constant 4 : i32
      %add3A_382 = arith.addi %add3A_269, %add3A_381 : i32
      %mul3A_383 = arith.constant 80 : i32
      %mul3A_384 = arith.muli %add3A_382, %mul3A_383 : i32
      %add3A_385 = arith.addi %mul3A_2, %mul3A_384 : i32
      %dma_start3A_386 = tpu.memref_slice %arg4[%add3A_385] : memref<320000xi32, #tpu.memory_space<hbm>> -> memref<80xi32, #tpu.memory_space<hbm>>
      %dma_start3A_387 = tpu.memref_slice %arg4[%add3A_385] : memref<320000xi32, #tpu.memory_space<hbm>> -> memref<80xi32, #tpu.memory_space<hbm>>
      tpu.enqueue_dma source(%dma_start3A_387 : memref<80xi32, #tpu.memory_space<hbm>>) target(%arg12 : memref<80xi32, #tpu.memory_space<vmem>>) target_semaphore(%arg29 : memref<!tpu.dma_semaphore, #tpu.memory_space<semaphore_mem>>)
      %add3A_388 = arith.constant 4 : i32
      %add3A_389 = arith.addi %add3A_269, %add3A_388 : i32
      %min3A_390 = arith.constant 124 : i32
      %min3A_391 = arith.minsi %add3A_389, %min3A_390 : i32
      %mul3A_392 = arith.constant 80 : i32
      %mul3A_393 = arith.muli %min3A_391, %mul3A_392 : i32
      %add3A_394 = arith.addi %mul3A_2, %mul3A_393 : i32
      %dma_wait3A_395 = tpu.memref_slice %arg3[%add3A_394] : memref<320000xi32, #tpu.memory_space<hbm>> -> memref<80xi32, #tpu.memory_space<hbm>>
      %dma_wait3A_396 = tpu.memref_slice %arg3[%add3A_394] : memref<320000xi32, #tpu.memory_space<hbm>> -> memref<80xi32, #tpu.memory_space<hbm>>
      tpu.wait_dma2 semaphore(%arg33 : memref<!tpu.dma_semaphore, #tpu.memory_space<semaphore_mem>>) src(%dma_wait3A_396 : memref<80xi32, #tpu.memory_space<hbm>>) dst(%arg8 : memref<80xi32, #tpu.memory_space<vmem>>)
      %dma_start3A_397 = arith.constant 0 : i32
      %dma_start3A_398 = arith.constant 0 : i32
      %dma_start3A_399 = tpu.memref_slice %arg2[%dma_start3A_397, %dma_start3A_398] : memref<10240x128xf32, #tpu.memory_space<hbm>> -> memref<10240x128xf32, #tpu.memory_space<hbm>>
      tpu.enqueue_indirect_dma source(%dma_start3A_399 : memref<10240x128xf32, #tpu.memory_space<hbm>>) target(%arg16 : memref<80x128xf32, #tpu.memory_space<vmem>>) offsets(%arg8 : memref<80xi32, #tpu.memory_space<vmem>>) semaphore(%arg21 : memref<!tpu.dma_semaphore, #tpu.memory_space<semaphore_mem>>)
      %dma_wait3A_400 = arith.constant 0 : i32
      %dma_wait3A_401 = arith.constant 0 : i32
      %dma_wait3A_402 = tpu.memref_slice %arg2[%dma_wait3A_400, %dma_wait3A_401] : memref<10240x128xf32, #tpu.memory_space<hbm>> -> memref<10240x128xf32, #tpu.memory_space<hbm>>
      tpu.wait_indirect_dma semaphore(%arg24 : memref<!tpu.dma_semaphore, #tpu.memory_space<semaphore_mem>>) src(%dma_wait3A_402 : memref<10240x128xf32, #tpu.memory_space<hbm>>) dst(%arg19 : memref<80x128xf32, #tpu.memory_space<vmem>>)
      %add3A_403 = arith.constant 7 : i32
      %add3A_404 = arith.addi %add3A_269, %add3A_403 : i32
      %min3A_405 = arith.constant 124 : i32
      %min3A_406 = arith.minsi %add3A_404, %min3A_405 : i32
      %mul3A_407 = arith.constant 80 : i32
      %mul3A_408 = arith.muli %min3A_406, %mul3A_407 : i32
      %add3A_409 = arith.addi %mul3A_2, %mul3A_408 : i32
      %dma_start3A_410 = tpu.memref_slice %arg3[%add3A_409] : memref<320000xi32, #tpu.memory_space<hbm>> -> memref<80xi32, #tpu.memory_space<hbm>>
      %dma_start3A_411 = tpu.memref_slice %arg3[%add3A_409] : memref<320000xi32, #tpu.memory_space<hbm>> -> memref<80xi32, #tpu.memory_space<hbm>>
      tpu.enqueue_dma source(%dma_start3A_411 : memref<80xi32, #tpu.memory_space<hbm>>) target(%arg11 : memref<80xi32, #tpu.memory_space<vmem>>) target_semaphore(%arg36 : memref<!tpu.dma_semaphore, #tpu.memory_space<semaphore_mem>>)
      %add3A_412 = arith.constant 3 : i32
      %add3A_413 = arith.addi %add3A_269, %add3A_412 : i32
      %mul3A_414 = arith.constant 80 : i32
      %mul3A_415 = arith.muli %add3A_413, %mul3A_414 : i32
      %add3A_416 = arith.addi %mul3A_2, %mul3A_415 : i32
      %dma_wait3A_417 = tpu.memref_slice %arg4[%add3A_416] : memref<320000xi32, #tpu.memory_space<hbm>> -> memref<80xi32, #tpu.memory_space<hbm>>
      %dma_wait3A_418 = tpu.memref_slice %arg4[%add3A_416] : memref<320000xi32, #tpu.memory_space<hbm>> -> memref<80xi32, #tpu.memory_space<hbm>>
      tpu.wait_dma2 semaphore(%arg32 : memref<!tpu.dma_semaphore, #tpu.memory_space<semaphore_mem>>) src(%dma_wait3A_418 : memref<80xi32, #tpu.memory_space<hbm>>) dst(%arg15 : memref<80xi32, #tpu.memory_space<vmem>>)
      %dma_start3A_419 = arith.constant 0 : i32
      %dma_start3A_420 = arith.constant 0 : i32
      %dma_start3A_421 = tpu.memref_slice %arg20[%dma_start3A_419, %dma_start3A_420] : memref<5128x128xf32, #tpu.memory_space<vmem_shared>> -> memref<5128x128xf32, #tpu.memory_space<vmem_shared>>
      tpu.enqueue_indirect_dma source(%arg19 : memref<80x128xf32, #tpu.memory_space<vmem>>) target(%dma_start3A_421 : memref<5128x128xf32, #tpu.memory_space<vmem_shared>>) offsets(%arg15 : memref<80xi32, #tpu.memory_space<vmem>>) semaphore(%arg28 : memref<!tpu.dma_semaphore, #tpu.memory_space<semaphore_mem>>) {add = true}
      %dma_wait3A_422 = arith.constant 0 : i32
      %dma_wait3A_423 = arith.constant 0 : i32
      %dma_wait3A_424 = tpu.memref_slice %arg20[%dma_wait3A_422, %dma_wait3A_423] : memref<5128x128xf32, #tpu.memory_space<vmem_shared>> -> memref<5128x128xf32, #tpu.memory_space<vmem_shared>>
      tpu.wait_indirect_dma semaphore(%arg26 : memref<!tpu.dma_semaphore, #tpu.memory_space<semaphore_mem>>) src(%arg17 : memref<80x128xf32, #tpu.memory_space<vmem>>) dst(%dma_wait3A_424 : memref<5128x128xf32, #tpu.memory_space<vmem_shared>>)
      %add3A_425 = arith.constant 5 : i32
      %add3A_426 = arith.addi %add3A_269, %add3A_425 : i32
      %mul3A_427 = arith.constant 80 : i32
      %mul3A_428 = arith.muli %add3A_426, %mul3A_427 : i32
      %add3A_429 = arith.addi %mul3A_2, %mul3A_428 : i32
      %dma_start3A_430 = tpu.memref_slice %arg4[%add3A_429] : memref<320000xi32, #tpu.memory_space<hbm>> -> memref<80xi32, #tpu.memory_space<hbm>>
      %dma_start3A_431 = tpu.memref_slice %arg4[%add3A_429] : memref<320000xi32, #tpu.memory_space<hbm>> -> memref<80xi32, #tpu.memory_space<hbm>>
      tpu.enqueue_dma source(%dma_start3A_431 : memref<80xi32, #tpu.memory_space<hbm>>) target(%arg13 : memref<80xi32, #tpu.memory_space<vmem>>) target_semaphore(%arg30 : memref<!tpu.dma_semaphore, #tpu.memory_space<semaphore_mem>>)
      %add3A_432 = arith.constant 5 : i32
      %add3A_433 = arith.addi %add3A_269, %add3A_432 : i32
      %min3A_434 = arith.constant 124 : i32
      %min3A_435 = arith.minsi %add3A_433, %min3A_434 : i32
      %mul3A_436 = arith.constant 80 : i32
      %mul3A_437 = arith.muli %min3A_435, %mul3A_436 : i32
      %add3A_438 = arith.addi %mul3A_2, %mul3A_437 : i32
      %dma_wait3A_439 = tpu.memref_slice %arg3[%add3A_438] : memref<320000xi32, #tpu.memory_space<hbm>> -> memref<80xi32, #tpu.memory_space<hbm>>
      %dma_wait3A_440 = tpu.memref_slice %arg3[%add3A_438] : memref<320000xi32, #tpu.memory_space<hbm>> -> memref<80xi32, #tpu.memory_space<hbm>>
      tpu.wait_dma2 semaphore(%arg34 : memref<!tpu.dma_semaphore, #tpu.memory_space<semaphore_mem>>) src(%dma_wait3A_440 : memref<80xi32, #tpu.memory_space<hbm>>) dst(%arg9 : memref<80xi32, #tpu.memory_space<vmem>>)
      %dma_start3A_441 = arith.constant 0 : i32
      %dma_start3A_442 = arith.constant 0 : i32
      %dma_start3A_443 = tpu.memref_slice %arg2[%dma_start3A_441, %dma_start3A_442] : memref<10240x128xf32, #tpu.memory_space<hbm>> -> memref<10240x128xf32, #tpu.memory_space<hbm>>
      tpu.enqueue_indirect_dma source(%dma_start3A_443 : memref<10240x128xf32, #tpu.memory_space<hbm>>) target(%arg17 : memref<80x128xf32, #tpu.memory_space<vmem>>) offsets(%arg9 : memref<80xi32, #tpu.memory_space<vmem>>) semaphore(%arg22 : memref<!tpu.dma_semaphore, #tpu.memory_space<semaphore_mem>>)
      %scan3A_444 = arith.constant 0 : i32
      scf.yield %scan3A_444 : i32
    }
    %scan3A_71 = arith.constant 30 : i32
    %dma_wait3A_72 = arith.constant 0 : i32
    %dma_wait3A_73 = arith.constant 0 : i32
    %dma_wait3A_74 = tpu.memref_slice %arg2[%dma_wait3A_72, %dma_wait3A_73] : memref<10240x128xf32, #tpu.memory_space<hbm>> -> memref<10240x128xf32, #tpu.memory_space<hbm>>
    tpu.wait_indirect_dma semaphore(%arg21 : memref<!tpu.dma_semaphore, #tpu.memory_space<semaphore_mem>>) src(%dma_wait3A_74 : memref<10240x128xf32, #tpu.memory_space<hbm>>) dst(%arg16 : memref<80x128xf32, #tpu.memory_space<vmem>>)
    %add3A_75 = arith.constant 9840 : i32
    %add3A_76 = arith.addi %mul3A_2, %add3A_75 : i32
    %dma_wait3A_77 = tpu.memref_slice %arg4[%add3A_76] : memref<320000xi32, #tpu.memory_space<hbm>> -> memref<80xi32, #tpu.memory_space<hbm>>
    %dma_wait3A_78 = tpu.memref_slice %arg4[%add3A_76] : memref<320000xi32, #tpu.memory_space<hbm>> -> memref<80xi32, #tpu.memory_space<hbm>>
    tpu.wait_dma2 semaphore(%arg29 : memref<!tpu.dma_semaphore, #tpu.memory_space<semaphore_mem>>) src(%dma_wait3A_78 : memref<80xi32, #tpu.memory_space<hbm>>) dst(%arg12 : memref<80xi32, #tpu.memory_space<vmem>>)
    %dma_start3A_79 = arith.constant 0 : i32
    %dma_start3A_80 = arith.constant 0 : i32
    %dma_start3A_81 = tpu.memref_slice %arg20[%dma_start3A_79, %dma_start3A_80] : memref<5128x128xf32, #tpu.memory_space<vmem_shared>> -> memref<5128x128xf32, #tpu.memory_space<vmem_shared>>
    tpu.enqueue_indirect_dma source(%arg16 : memref<80x128xf32, #tpu.memory_space<vmem>>) target(%dma_start3A_81 : memref<5128x128xf32, #tpu.memory_space<vmem_shared>>) offsets(%arg12 : memref<80xi32, #tpu.memory_space<vmem>>) semaphore(%arg25 : memref<!tpu.dma_semaphore, #tpu.memory_space<semaphore_mem>>) {add = true}
    %dma_wait3A_82 = arith.constant 0 : i32
    %dma_wait3A_83 = arith.constant 0 : i32
    %dma_wait3A_84 = tpu.memref_slice %arg20[%dma_wait3A_82, %dma_wait3A_83] : memref<5128x128xf32, #tpu.memory_space<vmem_shared>> -> memref<5128x128xf32, #tpu.memory_space<vmem_shared>>
    tpu.wait_indirect_dma semaphore(%arg27 : memref<!tpu.dma_semaphore, #tpu.memory_space<semaphore_mem>>) src(%arg18 : memref<80x128xf32, #tpu.memory_space<vmem>>) dst(%dma_wait3A_84 : memref<5128x128xf32, #tpu.memory_space<vmem_shared>>)
    %dma_wait3A_85 = arith.constant 0 : i32
    %dma_wait3A_86 = arith.constant 0 : i32
    %dma_wait3A_87 = tpu.memref_slice %arg2[%dma_wait3A_85, %dma_wait3A_86] : memref<10240x128xf32, #tpu.memory_space<hbm>> -> memref<10240x128xf32, #tpu.memory_space<hbm>>
    tpu.wait_indirect_dma semaphore(%arg22 : memref<!tpu.dma_semaphore, #tpu.memory_space<semaphore_mem>>) src(%dma_wait3A_87 : memref<10240x128xf32, #tpu.memory_space<hbm>>) dst(%arg17 : memref<80x128xf32, #tpu.memory_space<vmem>>)
    %add3A_88 = arith.constant 9920 : i32
    %add3A_89 = arith.addi %mul3A_2, %add3A_88 : i32
    %dma_wait3A_90 = tpu.memref_slice %arg4[%add3A_89] : memref<320000xi32, #tpu.memory_space<hbm>> -> memref<80xi32, #tpu.memory_space<hbm>>
    %dma_wait3A_91 = tpu.memref_slice %arg4[%add3A_89] : memref<320000xi32, #tpu.memory_space<hbm>> -> memref<80xi32, #tpu.memory_space<hbm>>
    tpu.wait_dma2 semaphore(%arg30 : memref<!tpu.dma_semaphore, #tpu.memory_space<semaphore_mem>>) src(%dma_wait3A_91 : memref<80xi32, #tpu.memory_space<hbm>>) dst(%arg13 : memref<80xi32, #tpu.memory_space<vmem>>)
    %dma_start3A_92 = arith.constant 0 : i32
    %dma_start3A_93 = arith.constant 0 : i32
    %dma_start3A_94 = tpu.memref_slice %arg20[%dma_start3A_92, %dma_start3A_93] : memref<5128x128xf32, #tpu.memory_space<vmem_shared>> -> memref<5128x128xf32, #tpu.memory_space<vmem_shared>>
    tpu.enqueue_indirect_dma source(%arg17 : memref<80x128xf32, #tpu.memory_space<vmem>>) target(%dma_start3A_94 : memref<5128x128xf32, #tpu.memory_space<vmem_shared>>) offsets(%arg13 : memref<80xi32, #tpu.memory_space<vmem>>) semaphore(%arg26 : memref<!tpu.dma_semaphore, #tpu.memory_space<semaphore_mem>>) {add = true}
    %dma_wait3A_95 = arith.constant 0 : i32
    %dma_wait3A_96 = arith.constant 0 : i32
    %dma_wait3A_97 = tpu.memref_slice %arg20[%dma_wait3A_95, %dma_wait3A_96] : memref<5128x128xf32, #tpu.memory_space<vmem_shared>> -> memref<5128x128xf32, #tpu.memory_space<vmem_shared>>
    tpu.wait_indirect_dma semaphore(%arg28 : memref<!tpu.dma_semaphore, #tpu.memory_space<semaphore_mem>>) src(%arg19 : memref<80x128xf32, #tpu.memory_space<vmem>>) dst(%dma_wait3A_97 : memref<5128x128xf32, #tpu.memory_space<vmem_shared>>)
    %dma_wait3A_98 = arith.constant 0 : i32
    %dma_wait3A_99 = arith.constant 0 : i32
    %dma_wait3A_100 = tpu.memref_slice %arg20[%dma_wait3A_98, %dma_wait3A_99] : memref<5128x128xf32, #tpu.memory_space<vmem_shared>> -> memref<5128x128xf32, #tpu.memory_space<vmem_shared>>
    tpu.wait_indirect_dma semaphore(%arg25 : memref<!tpu.dma_semaphore, #tpu.memory_space<semaphore_mem>>) src(%arg16 : memref<80x128xf32, #tpu.memory_space<vmem>>) dst(%dma_wait3A_100 : memref<5128x128xf32, #tpu.memory_space<vmem_shared>>)
    %dma_wait3A_101 = arith.constant 0 : i32
    %dma_wait3A_102 = arith.constant 0 : i32
    %dma_wait3A_103 = tpu.memref_slice %arg20[%dma_wait3A_101, %dma_wait3A_102] : memref<5128x128xf32, #tpu.memory_space<vmem_shared>> -> memref<5128x128xf32, #tpu.memory_space<vmem_shared>>
    tpu.wait_indirect_dma semaphore(%arg26 : memref<!tpu.dma_semaphore, #tpu.memory_space<semaphore_mem>>) src(%arg17 : memref<80x128xf32, #tpu.memory_space<vmem>>) dst(%dma_wait3A_103 : memref<5128x128xf32, #tpu.memory_space<vmem_shared>>)
    %min3A_104 = arith.constant 125 : i32
    %min3A_105 = arith.constant 124 : i32
    %min3A_106 = arith.minsi %min3A_104, %min3A_105 : i32
    %mul3A_107 = arith.constant 80 : i32
    %mul3A_108 = arith.muli %min3A_106, %mul3A_107 : i32
    %add3A_109 = arith.addi %mul3A_2, %mul3A_108 : i32
    %dma_wait3A_110 = tpu.memref_slice %arg3[%add3A_109] : memref<320000xi32, #tpu.memory_space<hbm>> -> memref<80xi32, #tpu.memory_space<hbm>>
    %dma_wait3A_111 = tpu.memref_slice %arg3[%add3A_109] : memref<320000xi32, #tpu.memory_space<hbm>> -> memref<80xi32, #tpu.memory_space<hbm>>
    tpu.wait_dma2 semaphore(%arg35 : memref<!tpu.dma_semaphore, #tpu.memory_space<semaphore_mem>>) src(%dma_wait3A_111 : memref<80xi32, #tpu.memory_space<hbm>>) dst(%arg10 : memref<80xi32, #tpu.memory_space<vmem>>)
    %min3A_112 = arith.constant 125 : i32
    %min3A_113 = arith.constant 124 : i32
    %min3A_114 = arith.minsi %min3A_112, %min3A_113 : i32
    %mul3A_115 = arith.constant 80 : i32
    %mul3A_116 = arith.muli %min3A_114, %mul3A_115 : i32
    %add3A_117 = arith.addi %mul3A_2, %mul3A_116 : i32
    %dma_wait3A_118 = tpu.memref_slice %arg3[%add3A_117] : memref<320000xi32, #tpu.memory_space<hbm>> -> memref<80xi32, #tpu.memory_space<hbm>>
    %dma_wait3A_119 = tpu.memref_slice %arg3[%add3A_117] : memref<320000xi32, #tpu.memory_space<hbm>> -> memref<80xi32, #tpu.memory_space<hbm>>
    tpu.wait_dma2 semaphore(%arg36 : memref<!tpu.dma_semaphore, #tpu.memory_space<semaphore_mem>>) src(%dma_wait3A_119 : memref<80xi32, #tpu.memory_space<hbm>>) dst(%arg11 : memref<80xi32, #tpu.memory_space<vmem>>)
    %barrier3A_120 = arith.constant 0 : index
    tpu.barrier barrier_id(%barrier3A_120)
    %mul3A_121 = arith.constant 320 : i32
    %mul3A_122 = arith.muli %arg1, %mul3A_121 : i32
    %mul3A_123 = arith.constant 10240 : i32
    %mul3A_124 = arith.muli %arg0, %mul3A_123 : i32
    %add3A_125 = arith.constant 0 : i32
    %add3A_126 = arith.addi %mul3A_124, %add3A_125 : i32
    %mul3A_127 = arith.constant 320 : i32
    %mul3A_128 = arith.muli %arg1, %mul3A_127 : i32
    %add3A_129 = arith.addi %add3A_126, %mul3A_128 : i32
    "tpu.region"() ({
      %run_scoped3A = tpu.sem_alloc : memref<!tpu.dma_semaphore, #tpu.memory_space<semaphore_mem>>
      %dma_start3A_264 = arith.constant 0 : i32
      %dma_start3A_265 = tpu.memref_slice %arg7[%add3A_129, %dma_start3A_264] : memref<20480x128xf32, #tpu.memory_space<hbm>> -> memref<320x128xf32, #tpu.memory_space<hbm>>
      %dma_start3A_266 = arith.constant 0 : i32
      %dma_start3A_267 = tpu.memref_slice %arg20[%mul3A_122, %dma_start3A_266] : memref<5128x128xf32, #tpu.memory_space<vmem_shared>> -> memref<320x128xf32, #tpu.memory_space<vmem_shared>>
      tpu.enqueue_dma source(%dma_start3A_267 : memref<320x128xf32, #tpu.memory_space<vmem_shared>>) target(%dma_start3A_265 : memref<320x128xf32, #tpu.memory_space<hbm>>) target_semaphore(%run_scoped3A : memref<!tpu.dma_semaphore, #tpu.memory_space<semaphore_mem>>)
      %dma_wait3A_268 = arith.constant 0 : i32
      %dma_wait3A_269 = tpu.memref_slice %arg7[%add3A_129, %dma_wait3A_268] : memref<20480x128xf32, #tpu.memory_space<hbm>> -> memref<320x128xf32, #tpu.memory_space<hbm>>
      %dma_wait3A_270 = arith.constant 0 : i32
      %dma_wait3A_271 = tpu.memref_slice %arg20[%mul3A_122, %dma_wait3A_270] : memref<5128x128xf32, #tpu.memory_space<vmem_shared>> -> memref<320x128xf32, #tpu.memory_space<vmem_shared>>
      tpu.wait_dma2 semaphore(%run_scoped3A : memref<!tpu.dma_semaphore, #tpu.memory_space<semaphore_mem>>) src(%dma_wait3A_271 : memref<320x128xf32, #tpu.memory_space<vmem_shared>>) dst(%dma_wait3A_269 : memref<320x128xf32, #tpu.memory_space<hbm>>)
      tpu.yield
    }) : () -> ()
    %barrier3A_130 = arith.constant 0 : index
    tpu.barrier barrier_id(%barrier3A_130)
    %mul3A_131 = arith.constant 320 : i32
    %mul3A_132 = arith.muli %arg1, %mul3A_131 : i32
    "tpu.region"() ({
      %run_scoped3A = tpu.sem_alloc : memref<!tpu.dma_semaphore, #tpu.memory_space<semaphore_mem>>
      %dma_start3A_264 = arith.constant 0 : i32
      %dma_start3A_265 = tpu.memref_slice %arg20[%mul3A_132, %dma_start3A_264] : memref<5128x128xf32, #tpu.memory_space<vmem_shared>> -> memref<320x128xf32, #tpu.memory_space<vmem_shared>>
      tpu.enqueue_dma source(%arg6 : memref<320x128xf32, #tpu.memory_space<hbm>>) target(%dma_start3A_265 : memref<320x128xf32, #tpu.memory_space<vmem_shared>>) target_semaphore(%run_scoped3A : memref<!tpu.dma_semaphore, #tpu.memory_space<semaphore_mem>>)
      %dma_wait3A_266 = arith.constant 0 : i32
      %dma_wait3A_267 = tpu.memref_slice %arg20[%mul3A_132, %dma_wait3A_266] : memref<5128x128xf32, #tpu.memory_space<vmem_shared>> -> memref<320x128xf32, #tpu.memory_space<vmem_shared>>
      tpu.wait_dma2 semaphore(%run_scoped3A : memref<!tpu.dma_semaphore, #tpu.memory_space<semaphore_mem>>) src(%arg6 : memref<320x128xf32, #tpu.memory_space<hbm>>) dst(%dma_wait3A_267 : memref<320x128xf32, #tpu.memory_space<vmem_shared>>)
      tpu.yield
    }) : () -> ()
    %barrier3A_133 = arith.constant 0 : index
    tpu.barrier barrier_id(%barrier3A_133)
    %add3A_134 = arith.constant 0 : i32
    %add3A_135 = arith.addi %mul3A_2, %add3A_134 : i32
    "tpu.region"() ({
      %run_scoped3A = tpu.sem_alloc : memref<!tpu.dma_semaphore, #tpu.memory_space<semaphore_mem>>
      %dma_start3A_264 = tpu.memref_slice %arg3[%add3A_135] : memref<320000xi32, #tpu.memory_space<hbm>> -> memref<80xi32, #tpu.memory_space<hbm>>
      %dma_start3A_265 = tpu.memref_slice %arg3[%add3A_135] : memref<320000xi32, #tpu.memory_space<hbm>> -> memref<80xi32, #tpu.memory_space<hbm>>
      tpu.enqueue_dma source(%dma_start3A_265 : memref<80xi32, #tpu.memory_space<hbm>>) target(%arg8 : memref<80xi32, #tpu.memory_space<vmem>>) target_semaphore(%run_scoped3A : memref<!tpu.dma_semaphore, #tpu.memory_space<semaphore_mem>>)
      %dma_wait3A_266 = tpu.memref_slice %arg3[%add3A_135] : memref<320000xi32, #tpu.memory_space<hbm>> -> memref<80xi32, #tpu.memory_space<hbm>>
      %dma_wait3A_267 = tpu.memref_slice %arg3[%add3A_135] : memref<320000xi32, #tpu.memory_space<hbm>> -> memref<80xi32, #tpu.memory_space<hbm>>
      tpu.wait_dma2 semaphore(%run_scoped3A : memref<!tpu.dma_semaphore, #tpu.memory_space<semaphore_mem>>) src(%dma_wait3A_267 : memref<80xi32, #tpu.memory_space<hbm>>) dst(%arg8 : memref<80xi32, #tpu.memory_space<vmem>>)
      tpu.yield
    }) : () -> ()
    "tpu.region"() ({
      %run_scoped3A = tpu.sem_alloc : memref<!tpu.dma_semaphore, #tpu.memory_space<semaphore_mem>>
      %dma_start3A_264 = tpu.memref_slice %arg5[%add3A_135] : memref<320000xi32, #tpu.memory_space<hbm>> -> memref<80xi32, #tpu.memory_space<hbm>>
      %dma_start3A_265 = tpu.memref_slice %arg5[%add3A_135] : memref<320000xi32, #tpu.memory_space<hbm>> -> memref<80xi32, #tpu.memory_space<hbm>>
      tpu.enqueue_dma source(%dma_start3A_265 : memref<80xi32, #tpu.memory_space<hbm>>) target(%arg12 : memref<80xi32, #tpu.memory_space<vmem>>) target_semaphore(%run_scoped3A : memref<!tpu.dma_semaphore, #tpu.memory_space<semaphore_mem>>)
      %dma_wait3A_266 = tpu.memref_slice %arg5[%add3A_135] : memref<320000xi32, #tpu.memory_space<hbm>> -> memref<80xi32, #tpu.memory_space<hbm>>
      %dma_wait3A_267 = tpu.memref_slice %arg5[%add3A_135] : memref<320000xi32, #tpu.memory_space<hbm>> -> memref<80xi32, #tpu.memory_space<hbm>>
      tpu.wait_dma2 semaphore(%run_scoped3A : memref<!tpu.dma_semaphore, #tpu.memory_space<semaphore_mem>>) src(%dma_wait3A_267 : memref<80xi32, #tpu.memory_space<hbm>>) dst(%arg12 : memref<80xi32, #tpu.memory_space<vmem>>)
      tpu.yield
    }) : () -> ()
    %dma_start3A_136 = arith.constant 0 : i32
    %dma_start3A_137 = arith.constant 0 : i32
    %dma_start3A_138 = tpu.memref_slice %arg2[%dma_start3A_136, %dma_start3A_137] : memref<10240x128xf32, #tpu.memory_space<hbm>> -> memref<10240x128xf32, #tpu.memory_space<hbm>>
    tpu.enqueue_indirect_dma source(%dma_start3A_138 : memref<10240x128xf32, #tpu.memory_space<hbm>>) target(%arg16 : memref<80x128xf32, #tpu.memory_space<vmem>>) offsets(%arg8 : memref<80xi32, #tpu.memory_space<vmem>>) semaphore(%arg21 : memref<!tpu.dma_semaphore, #tpu.memory_space<semaphore_mem>>)
    %dma_wait3A_139 = arith.constant 0 : i32
    %dma_wait3A_140 = arith.constant 0 : i32
    %dma_wait3A_141 = tpu.memref_slice %arg2[%dma_wait3A_139, %dma_wait3A_140] : memref<10240x128xf32, #tpu.memory_space<hbm>> -> memref<10240x128xf32, #tpu.memory_space<hbm>>
    tpu.wait_indirect_dma semaphore(%arg21 : memref<!tpu.dma_semaphore, #tpu.memory_space<semaphore_mem>>) src(%dma_wait3A_141 : memref<10240x128xf32, #tpu.memory_space<hbm>>) dst(%arg16 : memref<80x128xf32, #tpu.memory_space<vmem>>)
    "tpu.region"() ({
      %run_scoped3A = tpu.sem_alloc : memref<!tpu.dma_semaphore, #tpu.memory_space<semaphore_mem>>
      %dma_start3A_264 = arith.constant 0 : i32
      %dma_start3A_265 = arith.constant 0 : i32
      %dma_start3A_266 = tpu.memref_slice %arg20[%dma_start3A_264, %dma_start3A_265] : memref<5128x128xf32, #tpu.memory_space<vmem_shared>> -> memref<5128x128xf32, #tpu.memory_space<vmem_shared>>
      tpu.enqueue_indirect_dma source(%arg16 : memref<80x128xf32, #tpu.memory_space<vmem>>) target(%dma_start3A_266 : memref<5128x128xf32, #tpu.memory_space<vmem_shared>>) offsets(%arg12 : memref<80xi32, #tpu.memory_space<vmem>>) semaphore(%run_scoped3A : memref<!tpu.dma_semaphore, #tpu.memory_space<semaphore_mem>>) {add = true}
      %dma_wait3A_267 = arith.constant 0 : i32
      %dma_wait3A_268 = arith.constant 0 : i32
      %dma_wait3A_269 = tpu.memref_slice %arg20[%dma_wait3A_267, %dma_wait3A_268] : memref<5128x128xf32, #tpu.memory_space<vmem_shared>> -> memref<5128x128xf32, #tpu.memory_space<vmem_shared>>
      tpu.wait_indirect_dma semaphore(%run_scoped3A : memref<!tpu.dma_semaphore, #tpu.memory_space<semaphore_mem>>) src(%arg16 : memref<80x128xf32, #tpu.memory_space<vmem>>) dst(%dma_wait3A_269 : memref<5128x128xf32, #tpu.memory_space<vmem_shared>>)
      tpu.yield
    }) : () -> ()
    %add3A_142 = arith.constant 80 : i32
    %add3A_143 = arith.addi %mul3A_2, %add3A_142 : i32
    "tpu.region"() ({
      %run_scoped3A = tpu.sem_alloc : memref<!tpu.dma_semaphore, #tpu.memory_space<semaphore_mem>>
      %dma_start3A_264 = tpu.memref_slice %arg3[%add3A_143] : memref<320000xi32, #tpu.memory_space<hbm>> -> memref<80xi32, #tpu.memory_space<hbm>>
      %dma_start3A_265 = tpu.memref_slice %arg3[%add3A_143] : memref<320000xi32, #tpu.memory_space<hbm>> -> memref<80xi32, #tpu.memory_space<hbm>>
      tpu.enqueue_dma source(%dma_start3A_265 : memref<80xi32, #tpu.memory_space<hbm>>) target(%arg10 : memref<80xi32, #tpu.memory_space<vmem>>) target_semaphore(%run_scoped3A : memref<!tpu.dma_semaphore, #tpu.memory_space<semaphore_mem>>)
      %dma_wait3A_266 = tpu.memref_slice %arg3[%add3A_143] : memref<320000xi32, #tpu.memory_space<hbm>> -> memref<80xi32, #tpu.memory_space<hbm>>
      %dma_wait3A_267 = tpu.memref_slice %arg3[%add3A_143] : memref<320000xi32, #tpu.memory_space<hbm>> -> memref<80xi32, #tpu.memory_space<hbm>>
      tpu.wait_dma2 semaphore(%run_scoped3A : memref<!tpu.dma_semaphore, #tpu.memory_space<semaphore_mem>>) src(%dma_wait3A_267 : memref<80xi32, #tpu.memory_space<hbm>>) dst(%arg10 : memref<80xi32, #tpu.memory_space<vmem>>)
      tpu.yield
    }) : () -> ()
    "tpu.region"() ({
      %run_scoped3A = tpu.sem_alloc : memref<!tpu.dma_semaphore, #tpu.memory_space<semaphore_mem>>
      %dma_start3A_264 = tpu.memref_slice %arg5[%add3A_143] : memref<320000xi32, #tpu.memory_space<hbm>> -> memref<80xi32, #tpu.memory_space<hbm>>
      %dma_start3A_265 = tpu.memref_slice %arg5[%add3A_143] : memref<320000xi32, #tpu.memory_space<hbm>> -> memref<80xi32, #tpu.memory_space<hbm>>
      tpu.enqueue_dma source(%dma_start3A_265 : memref<80xi32, #tpu.memory_space<hbm>>) target(%arg14 : memref<80xi32, #tpu.memory_space<vmem>>) target_semaphore(%run_scoped3A : memref<!tpu.dma_semaphore, #tpu.memory_space<semaphore_mem>>)
      %dma_wait3A_266 = tpu.memref_slice %arg5[%add3A_143] : memref<320000xi32, #tpu.memory_space<hbm>> -> memref<80xi32, #tpu.memory_space<hbm>>
      %dma_wait3A_267 = tpu.memref_slice %arg5[%add3A_143] : memref<320000xi32, #tpu.memory_space<hbm>> -> memref<80xi32, #tpu.memory_space<hbm>>
      tpu.wait_dma2 semaphore(%run_scoped3A : memref<!tpu.dma_semaphore, #tpu.memory_space<semaphore_mem>>) src(%dma_wait3A_267 : memref<80xi32, #tpu.memory_space<hbm>>) dst(%arg14 : memref<80xi32, #tpu.memory_space<vmem>>)
      tpu.yield
    }) : () -> ()
    %dma_start3A_144 = arith.constant 0 : i32
    %dma_start3A_145 = arith.constant 0 : i32
    %dma_start3A_146 = tpu.memref_slice %arg2[%dma_start3A_144, %dma_start3A_145] : memref<10240x128xf32, #tpu.memory_space<hbm>> -> memref<10240x128xf32, #tpu.memory_space<hbm>>
    tpu.enqueue_indirect_dma source(%dma_start3A_146 : memref<10240x128xf32, #tpu.memory_space<hbm>>) target(%arg18 : memref<80x128xf32, #tpu.memory_space<vmem>>) offsets(%arg10 : memref<80xi32, #tpu.memory_space<vmem>>) semaphore(%arg23 : memref<!tpu.dma_semaphore, #tpu.memory_space<semaphore_mem>>)
    %add3A_147 = arith.constant 160 : i32
    %add3A_148 = arith.addi %mul3A_2, %add3A_147 : i32
    "tpu.region"() ({
      %run_scoped3A = tpu.sem_alloc : memref<!tpu.dma_semaphore, #tpu.memory_space<semaphore_mem>>
      %dma_start3A_264 = tpu.memref_slice %arg3[%add3A_148] : memref<320000xi32, #tpu.memory_space<hbm>> -> memref<80xi32, #tpu.memory_space<hbm>>
      %dma_start3A_265 = tpu.memref_slice %arg3[%add3A_148] : memref<320000xi32, #tpu.memory_space<hbm>> -> memref<80xi32, #tpu.memory_space<hbm>>
      tpu.enqueue_dma source(%dma_start3A_265 : memref<80xi32, #tpu.memory_space<hbm>>) target(%arg11 : memref<80xi32, #tpu.memory_space<vmem>>) target_semaphore(%run_scoped3A : memref<!tpu.dma_semaphore, #tpu.memory_space<semaphore_mem>>)
      %dma_wait3A_266 = tpu.memref_slice %arg3[%add3A_148] : memref<320000xi32, #tpu.memory_space<hbm>> -> memref<80xi32, #tpu.memory_space<hbm>>
      %dma_wait3A_267 = tpu.memref_slice %arg3[%add3A_148] : memref<320000xi32, #tpu.memory_space<hbm>> -> memref<80xi32, #tpu.memory_space<hbm>>
      tpu.wait_dma2 semaphore(%run_scoped3A : memref<!tpu.dma_semaphore, #tpu.memory_space<semaphore_mem>>) src(%dma_wait3A_267 : memref<80xi32, #tpu.memory_space<hbm>>) dst(%arg11 : memref<80xi32, #tpu.memory_space<vmem>>)
      tpu.yield
    }) : () -> ()
    "tpu.region"() ({
      %run_scoped3A = tpu.sem_alloc : memref<!tpu.dma_semaphore, #tpu.memory_space<semaphore_mem>>
      %dma_start3A_264 = tpu.memref_slice %arg5[%add3A_148] : memref<320000xi32, #tpu.memory_space<hbm>> -> memref<80xi32, #tpu.memory_space<hbm>>
      %dma_start3A_265 = tpu.memref_slice %arg5[%add3A_148] : memref<320000xi32, #tpu.memory_space<hbm>> -> memref<80xi32, #tpu.memory_space<hbm>>
      tpu.enqueue_dma source(%dma_start3A_265 : memref<80xi32, #tpu.memory_space<hbm>>) target(%arg15 : memref<80xi32, #tpu.memory_space<vmem>>) target_semaphore(%run_scoped3A : memref<!tpu.dma_semaphore, #tpu.memory_space<semaphore_mem>>)
      %dma_wait3A_266 = tpu.memref_slice %arg5[%add3A_148] : memref<320000xi32, #tpu.memory_space<hbm>> -> memref<80xi32, #tpu.memory_space<hbm>>
      %dma_wait3A_267 = tpu.memref_slice %arg5[%add3A_148] : memref<320000xi32, #tpu.memory_space<hbm>> -> memref<80xi32, #tpu.memory_space<hbm>>
      tpu.wait_dma2 semaphore(%run_scoped3A : memref<!tpu.dma_semaphore, #tpu.memory_space<semaphore_mem>>) src(%dma_wait3A_267 : memref<80xi32, #tpu.memory_space<hbm>>) dst(%arg15 : memref<80xi32, #tpu.memory_space<vmem>>)
      tpu.yield
    }) : () -> ()
    %dma_start3A_149 = arith.constant 0 : i32
    %dma_start3A_150 = arith.constant 0 : i32
    %dma_start3A_151 = tpu.memref_slice %arg2[%dma_start3A_149, %dma_start3A_150] : memref<10240x128xf32, #tpu.memory_space<hbm>> -> memref<10240x128xf32, #tpu.memory_space<hbm>>
    tpu.enqueue_indirect_dma source(%dma_start3A_151 : memref<10240x128xf32, #tpu.memory_space<hbm>>) target(%arg19 : memref<80x128xf32, #tpu.memory_space<vmem>>) offsets(%arg11 : memref<80xi32, #tpu.memory_space<vmem>>) semaphore(%arg24 : memref<!tpu.dma_semaphore, #tpu.memory_space<semaphore_mem>>)
    %dma_wait3A_152 = arith.constant 0 : i32
    %dma_wait3A_153 = arith.constant 0 : i32
    %dma_wait3A_154 = tpu.memref_slice %arg2[%dma_wait3A_152, %dma_wait3A_153] : memref<10240x128xf32, #tpu.memory_space<hbm>> -> memref<10240x128xf32, #tpu.memory_space<hbm>>
    tpu.wait_indirect_dma semaphore(%arg23 : memref<!tpu.dma_semaphore, #tpu.memory_space<semaphore_mem>>) src(%dma_wait3A_154 : memref<10240x128xf32, #tpu.memory_space<hbm>>) dst(%arg18 : memref<80x128xf32, #tpu.memory_space<vmem>>)
    %dma_start3A_155 = arith.constant 0 : i32
    %dma_start3A_156 = arith.constant 0 : i32
    %dma_start3A_157 = tpu.memref_slice %arg20[%dma_start3A_155, %dma_start3A_156] : memref<5128x128xf32, #tpu.memory_space<vmem_shared>> -> memref<5128x128xf32, #tpu.memory_space<vmem_shared>>
    tpu.enqueue_indirect_dma source(%arg18 : memref<80x128xf32, #tpu.memory_space<vmem>>) target(%dma_start3A_157 : memref<5128x128xf32, #tpu.memory_space<vmem_shared>>) offsets(%arg14 : memref<80xi32, #tpu.memory_space<vmem>>) semaphore(%arg27 : memref<!tpu.dma_semaphore, #tpu.memory_space<semaphore_mem>>) {add = true}
    %dma_wait3A_158 = arith.constant 0 : i32
    %dma_wait3A_159 = arith.constant 0 : i32
    %dma_wait3A_160 = tpu.memref_slice %arg2[%dma_wait3A_158, %dma_wait3A_159] : memref<10240x128xf32, #tpu.memory_space<hbm>> -> memref<10240x128xf32, #tpu.memory_space<hbm>>
    tpu.wait_indirect_dma semaphore(%arg24 : memref<!tpu.dma_semaphore, #tpu.memory_space<semaphore_mem>>) src(%dma_wait3A_160 : memref<10240x128xf32, #tpu.memory_space<hbm>>) dst(%arg19 : memref<80x128xf32, #tpu.memory_space<vmem>>)
    %dma_start3A_161 = arith.constant 0 : i32
    %dma_start3A_162 = arith.constant 0 : i32
    %dma_start3A_163 = tpu.memref_slice %arg20[%dma_start3A_161, %dma_start3A_162] : memref<5128x128xf32, #tpu.memory_space<vmem_shared>> -> memref<5128x128xf32, #tpu.memory_space<vmem_shared>>
    tpu.enqueue_indirect_dma source(%arg19 : memref<80x128xf32, #tpu.memory_space<vmem>>) target(%dma_start3A_163 : memref<5128x128xf32, #tpu.memory_space<vmem_shared>>) offsets(%arg15 : memref<80xi32, #tpu.memory_space<vmem>>) semaphore(%arg28 : memref<!tpu.dma_semaphore, #tpu.memory_space<semaphore_mem>>) {add = true}
    %add3A_164 = arith.constant 240 : i32
    %add3A_165 = arith.addi %mul3A_2, %add3A_164 : i32
    "tpu.region"() ({
      %run_scoped3A = tpu.sem_alloc : memref<!tpu.dma_semaphore, #tpu.memory_space<semaphore_mem>>
      %dma_start3A_264 = tpu.memref_slice %arg3[%add3A_165] : memref<320000xi32, #tpu.memory_space<hbm>> -> memref<80xi32, #tpu.memory_space<hbm>>
      %dma_start3A_265 = tpu.memref_slice %arg3[%add3A_165] : memref<320000xi32, #tpu.memory_space<hbm>> -> memref<80xi32, #tpu.memory_space<hbm>>
      tpu.enqueue_dma source(%dma_start3A_265 : memref<80xi32, #tpu.memory_space<hbm>>) target(%arg8 : memref<80xi32, #tpu.memory_space<vmem>>) target_semaphore(%run_scoped3A : memref<!tpu.dma_semaphore, #tpu.memory_space<semaphore_mem>>)
      %dma_wait3A_266 = tpu.memref_slice %arg3[%add3A_165] : memref<320000xi32, #tpu.memory_space<hbm>> -> memref<80xi32, #tpu.memory_space<hbm>>
      %dma_wait3A_267 = tpu.memref_slice %arg3[%add3A_165] : memref<320000xi32, #tpu.memory_space<hbm>> -> memref<80xi32, #tpu.memory_space<hbm>>
      tpu.wait_dma2 semaphore(%run_scoped3A : memref<!tpu.dma_semaphore, #tpu.memory_space<semaphore_mem>>) src(%dma_wait3A_267 : memref<80xi32, #tpu.memory_space<hbm>>) dst(%arg8 : memref<80xi32, #tpu.memory_space<vmem>>)
      tpu.yield
    }) : () -> ()
    %add3A_166 = arith.constant 240 : i32
    %add3A_167 = arith.addi %mul3A_2, %add3A_166 : i32
    %dma_start3A_168 = tpu.memref_slice %arg5[%add3A_167] : memref<320000xi32, #tpu.memory_space<hbm>> -> memref<80xi32, #tpu.memory_space<hbm>>
    %dma_start3A_169 = tpu.memref_slice %arg5[%add3A_167] : memref<320000xi32, #tpu.memory_space<hbm>> -> memref<80xi32, #tpu.memory_space<hbm>>
    tpu.enqueue_dma source(%dma_start3A_169 : memref<80xi32, #tpu.memory_space<hbm>>) target(%arg12 : memref<80xi32, #tpu.memory_space<vmem>>) target_semaphore(%arg29 : memref<!tpu.dma_semaphore, #tpu.memory_space<semaphore_mem>>)
    %dma_start3A_170 = arith.constant 0 : i32
    %dma_start3A_171 = arith.constant 0 : i32
    %dma_start3A_172 = tpu.memref_slice %arg2[%dma_start3A_170, %dma_start3A_171] : memref<10240x128xf32, #tpu.memory_space<hbm>> -> memref<10240x128xf32, #tpu.memory_space<hbm>>
    tpu.enqueue_indirect_dma source(%dma_start3A_172 : memref<10240x128xf32, #tpu.memory_space<hbm>>) target(%arg16 : memref<80x128xf32, #tpu.memory_space<vmem>>) offsets(%arg8 : memref<80xi32, #tpu.memory_space<vmem>>) semaphore(%arg21 : memref<!tpu.dma_semaphore, #tpu.memory_space<semaphore_mem>>)
    %add3A_173 = arith.constant 320 : i32
    %add3A_174 = arith.addi %mul3A_2, %add3A_173 : i32
    "tpu.region"() ({
      %run_scoped3A = tpu.sem_alloc : memref<!tpu.dma_semaphore, #tpu.memory_space<semaphore_mem>>
      %dma_start3A_264 = tpu.memref_slice %arg3[%add3A_174] : memref<320000xi32, #tpu.memory_space<hbm>> -> memref<80xi32, #tpu.memory_space<hbm>>
      %dma_start3A_265 = tpu.memref_slice %arg3[%add3A_174] : memref<320000xi32, #tpu.memory_space<hbm>> -> memref<80xi32, #tpu.memory_space<hbm>>
      tpu.enqueue_dma source(%dma_start3A_265 : memref<80xi32, #tpu.memory_space<hbm>>) target(%arg9 : memref<80xi32, #tpu.memory_space<vmem>>) target_semaphore(%run_scoped3A : memref<!tpu.dma_semaphore, #tpu.memory_space<semaphore_mem>>)
      %dma_wait3A_266 = tpu.memref_slice %arg3[%add3A_174] : memref<320000xi32, #tpu.memory_space<hbm>> -> memref<80xi32, #tpu.memory_space<hbm>>
      %dma_wait3A_267 = tpu.memref_slice %arg3[%add3A_174] : memref<320000xi32, #tpu.memory_space<hbm>> -> memref<80xi32, #tpu.memory_space<hbm>>
      tpu.wait_dma2 semaphore(%run_scoped3A : memref<!tpu.dma_semaphore, #tpu.memory_space<semaphore_mem>>) src(%dma_wait3A_267 : memref<80xi32, #tpu.memory_space<hbm>>) dst(%arg9 : memref<80xi32, #tpu.memory_space<vmem>>)
      tpu.yield
    }) : () -> ()
    %add3A_175 = arith.constant 320 : i32
    %add3A_176 = arith.addi %mul3A_2, %add3A_175 : i32
    %dma_start3A_177 = tpu.memref_slice %arg5[%add3A_176] : memref<320000xi32, #tpu.memory_space<hbm>> -> memref<80xi32, #tpu.memory_space<hbm>>
    %dma_start3A_178 = tpu.memref_slice %arg5[%add3A_176] : memref<320000xi32, #tpu.memory_space<hbm>> -> memref<80xi32, #tpu.memory_space<hbm>>
    tpu.enqueue_dma source(%dma_start3A_178 : memref<80xi32, #tpu.memory_space<hbm>>) target(%arg13 : memref<80xi32, #tpu.memory_space<vmem>>) target_semaphore(%arg30 : memref<!tpu.dma_semaphore, #tpu.memory_space<semaphore_mem>>)
    %dma_start3A_179 = arith.constant 0 : i32
    %dma_start3A_180 = arith.constant 0 : i32
    %dma_start3A_181 = tpu.memref_slice %arg2[%dma_start3A_179, %dma_start3A_180] : memref<10240x128xf32, #tpu.memory_space<hbm>> -> memref<10240x128xf32, #tpu.memory_space<hbm>>
    tpu.enqueue_indirect_dma source(%dma_start3A_181 : memref<10240x128xf32, #tpu.memory_space<hbm>>) target(%arg17 : memref<80x128xf32, #tpu.memory_space<vmem>>) offsets(%arg9 : memref<80xi32, #tpu.memory_space<vmem>>) semaphore(%arg22 : memref<!tpu.dma_semaphore, #tpu.memory_space<semaphore_mem>>)
    %min3A_182 = arith.constant 5 : i32
    %min3A_183 = arith.constant 124 : i32
    %min3A_184 = arith.minsi %min3A_182, %min3A_183 : i32
    %mul3A_185 = arith.constant 80 : i32
    %mul3A_186 = arith.muli %min3A_184, %mul3A_185 : i32
    %add3A_187 = arith.addi %mul3A_2, %mul3A_186 : i32
    %dma_start3A_188 = tpu.memref_slice %arg3[%add3A_187] : memref<320000xi32, #tpu.memory_space<hbm>> -> memref<80xi32, #tpu.memory_space<hbm>>
    %dma_start3A_189 = tpu.memref_slice %arg3[%add3A_187] : memref<320000xi32, #tpu.memory_space<hbm>> -> memref<80xi32, #tpu.memory_space<hbm>>
    tpu.enqueue_dma source(%dma_start3A_189 : memref<80xi32, #tpu.memory_space<hbm>>) target(%arg10 : memref<80xi32, #tpu.memory_space<vmem>>) target_semaphore(%arg35 : memref<!tpu.dma_semaphore, #tpu.memory_space<semaphore_mem>>)
    %min3A_190 = arith.constant 6 : i32
    %min3A_191 = arith.constant 124 : i32
    %min3A_192 = arith.minsi %min3A_190, %min3A_191 : i32
    %mul3A_193 = arith.constant 80 : i32
    %mul3A_194 = arith.muli %min3A_192, %mul3A_193 : i32
    %add3A_195 = arith.addi %mul3A_2, %mul3A_194 : i32
    %dma_start3A_196 = tpu.memref_slice %arg3[%add3A_195] : memref<320000xi32, #tpu.memory_space<hbm>> -> memref<80xi32, #tpu.memory_space<hbm>>
    %dma_start3A_197 = tpu.memref_slice %arg3[%add3A_195] : memref<320000xi32, #tpu.memory_space<hbm>> -> memref<80xi32, #tpu.memory_space<hbm>>
    tpu.enqueue_dma source(%dma_start3A_197 : memref<80xi32, #tpu.memory_space<hbm>>) target(%arg11 : memref<80xi32, #tpu.memory_space<vmem>>) target_semaphore(%arg36 : memref<!tpu.dma_semaphore, #tpu.memory_space<semaphore_mem>>)
    %scan3A_198 = arith.constant 0 : i32
    %scan3A_199 = arith.constant 0 : i32
    %scan3A_200 = arith.constant 30 : i32
    %scan3A_201 = arith.addi %scan3A_199, %scan3A_200 : i32
    %scan3A_202 = arith.constant 1 : i32
    %scan3A_203 = scf.for %scan3A_264 = %scan3A_199 to %scan3A_201 step %scan3A_202 iter_args(%scan3A_265 = %scan3A_198) -> (i32)  : i32 {
      %mul3A_266 = arith.constant 4 : i32
      %mul3A_267 = arith.muli %mul3A_266, %scan3A_264 : i32
      %add3A_268 = arith.constant 3 : i32
      %add3A_269 = arith.addi %mul3A_267, %add3A_268 : i32
      %dma_wait3A_270 = arith.constant 0 : i32
      %dma_wait3A_271 = arith.constant 0 : i32
      %dma_wait3A_272 = tpu.memref_slice %arg2[%dma_wait3A_270, %dma_wait3A_271] : memref<10240x128xf32, #tpu.memory_space<hbm>> -> memref<10240x128xf32, #tpu.memory_space<hbm>>
      tpu.wait_indirect_dma semaphore(%arg21 : memref<!tpu.dma_semaphore, #tpu.memory_space<semaphore_mem>>) src(%dma_wait3A_272 : memref<10240x128xf32, #tpu.memory_space<hbm>>) dst(%arg16 : memref<80x128xf32, #tpu.memory_space<vmem>>)
      %add3A_273 = arith.constant 4 : i32
      %add3A_274 = arith.addi %add3A_269, %add3A_273 : i32
      %min3A_275 = arith.constant 124 : i32
      %min3A_276 = arith.minsi %add3A_274, %min3A_275 : i32
      %mul3A_277 = arith.constant 80 : i32
      %mul3A_278 = arith.muli %min3A_276, %mul3A_277 : i32
      %add3A_279 = arith.addi %mul3A_2, %mul3A_278 : i32
      %dma_start3A_280 = tpu.memref_slice %arg3[%add3A_279] : memref<320000xi32, #tpu.memory_space<hbm>> -> memref<80xi32, #tpu.memory_space<hbm>>
      %dma_start3A_281 = tpu.memref_slice %arg3[%add3A_279] : memref<320000xi32, #tpu.memory_space<hbm>> -> memref<80xi32, #tpu.memory_space<hbm>>
      tpu.enqueue_dma source(%dma_start3A_281 : memref<80xi32, #tpu.memory_space<hbm>>) target(%arg8 : memref<80xi32, #tpu.memory_space<vmem>>) target_semaphore(%arg33 : memref<!tpu.dma_semaphore, #tpu.memory_space<semaphore_mem>>)
      %mul3A_282 = arith.constant 80 : i32
      %mul3A_283 = arith.muli %add3A_269, %mul3A_282 : i32
      %add3A_284 = arith.addi %mul3A_2, %mul3A_283 : i32
      %dma_wait3A_285 = tpu.memref_slice %arg5[%add3A_284] : memref<320000xi32, #tpu.memory_space<hbm>> -> memref<80xi32, #tpu.memory_space<hbm>>
      %dma_wait3A_286 = tpu.memref_slice %arg5[%add3A_284] : memref<320000xi32, #tpu.memory_space<hbm>> -> memref<80xi32, #tpu.memory_space<hbm>>
      tpu.wait_dma2 semaphore(%arg29 : memref<!tpu.dma_semaphore, #tpu.memory_space<semaphore_mem>>) src(%dma_wait3A_286 : memref<80xi32, #tpu.memory_space<hbm>>) dst(%arg12 : memref<80xi32, #tpu.memory_space<vmem>>)
      %dma_start3A_287 = arith.constant 0 : i32
      %dma_start3A_288 = arith.constant 0 : i32
      %dma_start3A_289 = tpu.memref_slice %arg20[%dma_start3A_287, %dma_start3A_288] : memref<5128x128xf32, #tpu.memory_space<vmem_shared>> -> memref<5128x128xf32, #tpu.memory_space<vmem_shared>>
      tpu.enqueue_indirect_dma source(%arg16 : memref<80x128xf32, #tpu.memory_space<vmem>>) target(%dma_start3A_289 : memref<5128x128xf32, #tpu.memory_space<vmem_shared>>) offsets(%arg12 : memref<80xi32, #tpu.memory_space<vmem>>) semaphore(%arg25 : memref<!tpu.dma_semaphore, #tpu.memory_space<semaphore_mem>>) {add = true}
      %dma_wait3A_290 = arith.constant 0 : i32
      %dma_wait3A_291 = arith.constant 0 : i32
      %dma_wait3A_292 = tpu.memref_slice %arg20[%dma_wait3A_290, %dma_wait3A_291] : memref<5128x128xf32, #tpu.memory_space<vmem_shared>> -> memref<5128x128xf32, #tpu.memory_space<vmem_shared>>
      tpu.wait_indirect_dma semaphore(%arg27 : memref<!tpu.dma_semaphore, #tpu.memory_space<semaphore_mem>>) src(%arg18 : memref<80x128xf32, #tpu.memory_space<vmem>>) dst(%dma_wait3A_292 : memref<5128x128xf32, #tpu.memory_space<vmem_shared>>)
      %add3A_293 = arith.constant 2 : i32
      %add3A_294 = arith.addi %add3A_269, %add3A_293 : i32
      %mul3A_295 = arith.constant 80 : i32
      %mul3A_296 = arith.muli %add3A_294, %mul3A_295 : i32
      %add3A_297 = arith.addi %mul3A_2, %mul3A_296 : i32
      %dma_start3A_298 = tpu.memref_slice %arg5[%add3A_297] : memref<320000xi32, #tpu.memory_space<hbm>> -> memref<80xi32, #tpu.memory_space<hbm>>
      %dma_start3A_299 = tpu.memref_slice %arg5[%add3A_297] : memref<320000xi32, #tpu.memory_space<hbm>> -> memref<80xi32, #tpu.memory_space<hbm>>
      tpu.enqueue_dma source(%dma_start3A_299 : memref<80xi32, #tpu.memory_space<hbm>>) target(%arg14 : memref<80xi32, #tpu.memory_space<vmem>>) target_semaphore(%arg31 : memref<!tpu.dma_semaphore, #tpu.memory_space<semaphore_mem>>)
      %add3A_300 = arith.constant 2 : i32
      %add3A_301 = arith.addi %add3A_269, %add3A_300 : i32
      %min3A_302 = arith.constant 124 : i32
      %min3A_303 = arith.minsi %add3A_301, %min3A_302 : i32
      %mul3A_304 = arith.constant 80 : i32
      %mul3A_305 = arith.muli %min3A_303, %mul3A_304 : i32
      %add3A_306 = arith.addi %mul3A_2, %mul3A_305 : i32
      %dma_wait3A_307 = tpu.memref_slice %arg3[%add3A_306] : memref<320000xi32, #tpu.memory_space<hbm>> -> memref<80xi32, #tpu.memory_space<hbm>>
      %dma_wait3A_308 = tpu.memref_slice %arg3[%add3A_306] : memref<320000xi32, #tpu.memory_space<hbm>> -> memref<80xi32, #tpu.memory_space<hbm>>
      tpu.wait_dma2 semaphore(%arg35 : memref<!tpu.dma_semaphore, #tpu.memory_space<semaphore_mem>>) src(%dma_wait3A_308 : memref<80xi32, #tpu.memory_space<hbm>>) dst(%arg10 : memref<80xi32, #tpu.memory_space<vmem>>)
      %dma_start3A_309 = arith.constant 0 : i32
      %dma_start3A_310 = arith.constant 0 : i32
      %dma_start3A_311 = tpu.memref_slice %arg2[%dma_start3A_309, %dma_start3A_310] : memref<10240x128xf32, #tpu.memory_space<hbm>> -> memref<10240x128xf32, #tpu.memory_space<hbm>>
      tpu.enqueue_indirect_dma source(%dma_start3A_311 : memref<10240x128xf32, #tpu.memory_space<hbm>>) target(%arg18 : memref<80x128xf32, #tpu.memory_space<vmem>>) offsets(%arg10 : memref<80xi32, #tpu.memory_space<vmem>>) semaphore(%arg23 : memref<!tpu.dma_semaphore, #tpu.memory_space<semaphore_mem>>)
      %dma_wait3A_312 = arith.constant 0 : i32
      %dma_wait3A_313 = arith.constant 0 : i32
      %dma_wait3A_314 = tpu.memref_slice %arg2[%dma_wait3A_312, %dma_wait3A_313] : memref<10240x128xf32, #tpu.memory_space<hbm>> -> memref<10240x128xf32, #tpu.memory_space<hbm>>
      tpu.wait_indirect_dma semaphore(%arg22 : memref<!tpu.dma_semaphore, #tpu.memory_space<semaphore_mem>>) src(%dma_wait3A_314 : memref<10240x128xf32, #tpu.memory_space<hbm>>) dst(%arg17 : memref<80x128xf32, #tpu.memory_space<vmem>>)
      %add3A_315 = arith.constant 5 : i32
      %add3A_316 = arith.addi %add3A_269, %add3A_315 : i32
      %min3A_317 = arith.constant 124 : i32
      %min3A_318 = arith.minsi %add3A_316, %min3A_317 : i32
      %mul3A_319 = arith.constant 80 : i32
      %mul3A_320 = arith.muli %min3A_318, %mul3A_319 : i32
      %add3A_321 = arith.addi %mul3A_2, %mul3A_320 : i32
      %dma_start3A_322 = tpu.memref_slice %arg3[%add3A_321] : memref<320000xi32, #tpu.memory_space<hbm>> -> memref<80xi32, #tpu.memory_space<hbm>>
      %dma_start3A_323 = tpu.memref_slice %arg3[%add3A_321] : memref<320000xi32, #tpu.memory_space<hbm>> -> memref<80xi32, #tpu.memory_space<hbm>>
      tpu.enqueue_dma source(%dma_start3A_323 : memref<80xi32, #tpu.memory_space<hbm>>) target(%arg9 : memref<80xi32, #tpu.memory_space<vmem>>) target_semaphore(%arg34 : memref<!tpu.dma_semaphore, #tpu.memory_space<semaphore_mem>>)
      %add3A_324 = arith.constant 1 : i32
      %add3A_325 = arith.addi %add3A_269, %add3A_324 : i32
      %mul3A_326 = arith.constant 80 : i32
      %mul3A_327 = arith.muli %add3A_325, %mul3A_326 : i32
      %add3A_328 = arith.addi %mul3A_2, %mul3A_327 : i32
      %dma_wait3A_329 = tpu.memref_slice %arg5[%add3A_328] : memref<320000xi32, #tpu.memory_space<hbm>> -> memref<80xi32, #tpu.memory_space<hbm>>
      %dma_wait3A_330 = tpu.memref_slice %arg5[%add3A_328] : memref<320000xi32, #tpu.memory_space<hbm>> -> memref<80xi32, #tpu.memory_space<hbm>>
      tpu.wait_dma2 semaphore(%arg30 : memref<!tpu.dma_semaphore, #tpu.memory_space<semaphore_mem>>) src(%dma_wait3A_330 : memref<80xi32, #tpu.memory_space<hbm>>) dst(%arg13 : memref<80xi32, #tpu.memory_space<vmem>>)
      %dma_start3A_331 = arith.constant 0 : i32
      %dma_start3A_332 = arith.constant 0 : i32
      %dma_start3A_333 = tpu.memref_slice %arg20[%dma_start3A_331, %dma_start3A_332] : memref<5128x128xf32, #tpu.memory_space<vmem_shared>> -> memref<5128x128xf32, #tpu.memory_space<vmem_shared>>
      tpu.enqueue_indirect_dma source(%arg17 : memref<80x128xf32, #tpu.memory_space<vmem>>) target(%dma_start3A_333 : memref<5128x128xf32, #tpu.memory_space<vmem_shared>>) offsets(%arg13 : memref<80xi32, #tpu.memory_space<vmem>>) semaphore(%arg26 : memref<!tpu.dma_semaphore, #tpu.memory_space<semaphore_mem>>) {add = true}
      %dma_wait3A_334 = arith.constant 0 : i32
      %dma_wait3A_335 = arith.constant 0 : i32
      %dma_wait3A_336 = tpu.memref_slice %arg20[%dma_wait3A_334, %dma_wait3A_335] : memref<5128x128xf32, #tpu.memory_space<vmem_shared>> -> memref<5128x128xf32, #tpu.memory_space<vmem_shared>>
      tpu.wait_indirect_dma semaphore(%arg28 : memref<!tpu.dma_semaphore, #tpu.memory_space<semaphore_mem>>) src(%arg19 : memref<80x128xf32, #tpu.memory_space<vmem>>) dst(%dma_wait3A_336 : memref<5128x128xf32, #tpu.memory_space<vmem_shared>>)
      %add3A_337 = arith.constant 3 : i32
      %add3A_338 = arith.addi %add3A_269, %add3A_337 : i32
      %mul3A_339 = arith.constant 80 : i32
      %mul3A_340 = arith.muli %add3A_338, %mul3A_339 : i32
      %add3A_341 = arith.addi %mul3A_2, %mul3A_340 : i32
      %dma_start3A_342 = tpu.memref_slice %arg5[%add3A_341] : memref<320000xi32, #tpu.memory_space<hbm>> -> memref<80xi32, #tpu.memory_space<hbm>>
      %dma_start3A_343 = tpu.memref_slice %arg5[%add3A_341] : memref<320000xi32, #tpu.memory_space<hbm>> -> memref<80xi32, #tpu.memory_space<hbm>>
      tpu.enqueue_dma source(%dma_start3A_343 : memref<80xi32, #tpu.memory_space<hbm>>) target(%arg15 : memref<80xi32, #tpu.memory_space<vmem>>) target_semaphore(%arg32 : memref<!tpu.dma_semaphore, #tpu.memory_space<semaphore_mem>>)
      %add3A_344 = arith.constant 3 : i32
      %add3A_345 = arith.addi %add3A_269, %add3A_344 : i32
      %min3A_346 = arith.constant 124 : i32
      %min3A_347 = arith.minsi %add3A_345, %min3A_346 : i32
      %mul3A_348 = arith.constant 80 : i32
      %mul3A_349 = arith.muli %min3A_347, %mul3A_348 : i32
      %add3A_350 = arith.addi %mul3A_2, %mul3A_349 : i32
      %dma_wait3A_351 = tpu.memref_slice %arg3[%add3A_350] : memref<320000xi32, #tpu.memory_space<hbm>> -> memref<80xi32, #tpu.memory_space<hbm>>
      %dma_wait3A_352 = tpu.memref_slice %arg3[%add3A_350] : memref<320000xi32, #tpu.memory_space<hbm>> -> memref<80xi32, #tpu.memory_space<hbm>>
      tpu.wait_dma2 semaphore(%arg36 : memref<!tpu.dma_semaphore, #tpu.memory_space<semaphore_mem>>) src(%dma_wait3A_352 : memref<80xi32, #tpu.memory_space<hbm>>) dst(%arg11 : memref<80xi32, #tpu.memory_space<vmem>>)
      %dma_start3A_353 = arith.constant 0 : i32
      %dma_start3A_354 = arith.constant 0 : i32
      %dma_start3A_355 = tpu.memref_slice %arg2[%dma_start3A_353, %dma_start3A_354] : memref<10240x128xf32, #tpu.memory_space<hbm>> -> memref<10240x128xf32, #tpu.memory_space<hbm>>
      tpu.enqueue_indirect_dma source(%dma_start3A_355 : memref<10240x128xf32, #tpu.memory_space<hbm>>) target(%arg19 : memref<80x128xf32, #tpu.memory_space<vmem>>) offsets(%arg11 : memref<80xi32, #tpu.memory_space<vmem>>) semaphore(%arg24 : memref<!tpu.dma_semaphore, #tpu.memory_space<semaphore_mem>>)
      %dma_wait3A_356 = arith.constant 0 : i32
      %dma_wait3A_357 = arith.constant 0 : i32
      %dma_wait3A_358 = tpu.memref_slice %arg2[%dma_wait3A_356, %dma_wait3A_357] : memref<10240x128xf32, #tpu.memory_space<hbm>> -> memref<10240x128xf32, #tpu.memory_space<hbm>>
      tpu.wait_indirect_dma semaphore(%arg23 : memref<!tpu.dma_semaphore, #tpu.memory_space<semaphore_mem>>) src(%dma_wait3A_358 : memref<10240x128xf32, #tpu.memory_space<hbm>>) dst(%arg18 : memref<80x128xf32, #tpu.memory_space<vmem>>)
      %add3A_359 = arith.constant 6 : i32
      %add3A_360 = arith.addi %add3A_269, %add3A_359 : i32
      %min3A_361 = arith.constant 124 : i32
      %min3A_362 = arith.minsi %add3A_360, %min3A_361 : i32
      %mul3A_363 = arith.constant 80 : i32
      %mul3A_364 = arith.muli %min3A_362, %mul3A_363 : i32
      %add3A_365 = arith.addi %mul3A_2, %mul3A_364 : i32
      %dma_start3A_366 = tpu.memref_slice %arg3[%add3A_365] : memref<320000xi32, #tpu.memory_space<hbm>> -> memref<80xi32, #tpu.memory_space<hbm>>
      %dma_start3A_367 = tpu.memref_slice %arg3[%add3A_365] : memref<320000xi32, #tpu.memory_space<hbm>> -> memref<80xi32, #tpu.memory_space<hbm>>
      tpu.enqueue_dma source(%dma_start3A_367 : memref<80xi32, #tpu.memory_space<hbm>>) target(%arg10 : memref<80xi32, #tpu.memory_space<vmem>>) target_semaphore(%arg35 : memref<!tpu.dma_semaphore, #tpu.memory_space<semaphore_mem>>)
      %add3A_368 = arith.constant 2 : i32
      %add3A_369 = arith.addi %add3A_269, %add3A_368 : i32
      %mul3A_370 = arith.constant 80 : i32
      %mul3A_371 = arith.muli %add3A_369, %mul3A_370 : i32
      %add3A_372 = arith.addi %mul3A_2, %mul3A_371 : i32
      %dma_wait3A_373 = tpu.memref_slice %arg5[%add3A_372] : memref<320000xi32, #tpu.memory_space<hbm>> -> memref<80xi32, #tpu.memory_space<hbm>>
      %dma_wait3A_374 = tpu.memref_slice %arg5[%add3A_372] : memref<320000xi32, #tpu.memory_space<hbm>> -> memref<80xi32, #tpu.memory_space<hbm>>
      tpu.wait_dma2 semaphore(%arg31 : memref<!tpu.dma_semaphore, #tpu.memory_space<semaphore_mem>>) src(%dma_wait3A_374 : memref<80xi32, #tpu.memory_space<hbm>>) dst(%arg14 : memref<80xi32, #tpu.memory_space<vmem>>)
      %dma_start3A_375 = arith.constant 0 : i32
      %dma_start3A_376 = arith.constant 0 : i32
      %dma_start3A_377 = tpu.memref_slice %arg20[%dma_start3A_375, %dma_start3A_376] : memref<5128x128xf32, #tpu.memory_space<vmem_shared>> -> memref<5128x128xf32, #tpu.memory_space<vmem_shared>>
      tpu.enqueue_indirect_dma source(%arg18 : memref<80x128xf32, #tpu.memory_space<vmem>>) target(%dma_start3A_377 : memref<5128x128xf32, #tpu.memory_space<vmem_shared>>) offsets(%arg14 : memref<80xi32, #tpu.memory_space<vmem>>) semaphore(%arg27 : memref<!tpu.dma_semaphore, #tpu.memory_space<semaphore_mem>>) {add = true}
      %dma_wait3A_378 = arith.constant 0 : i32
      %dma_wait3A_379 = arith.constant 0 : i32
      %dma_wait3A_380 = tpu.memref_slice %arg20[%dma_wait3A_378, %dma_wait3A_379] : memref<5128x128xf32, #tpu.memory_space<vmem_shared>> -> memref<5128x128xf32, #tpu.memory_space<vmem_shared>>
      tpu.wait_indirect_dma semaphore(%arg25 : memref<!tpu.dma_semaphore, #tpu.memory_space<semaphore_mem>>) src(%arg16 : memref<80x128xf32, #tpu.memory_space<vmem>>) dst(%dma_wait3A_380 : memref<5128x128xf32, #tpu.memory_space<vmem_shared>>)
      %add3A_381 = arith.constant 4 : i32
      %add3A_382 = arith.addi %add3A_269, %add3A_381 : i32
      %mul3A_383 = arith.constant 80 : i32
      %mul3A_384 = arith.muli %add3A_382, %mul3A_383 : i32
      %add3A_385 = arith.addi %mul3A_2, %mul3A_384 : i32
      %dma_start3A_386 = tpu.memref_slice %arg5[%add3A_385] : memref<320000xi32, #tpu.memory_space<hbm>> -> memref<80xi32, #tpu.memory_space<hbm>>
      %dma_start3A_387 = tpu.memref_slice %arg5[%add3A_385] : memref<320000xi32, #tpu.memory_space<hbm>> -> memref<80xi32, #tpu.memory_space<hbm>>
      tpu.enqueue_dma source(%dma_start3A_387 : memref<80xi32, #tpu.memory_space<hbm>>) target(%arg12 : memref<80xi32, #tpu.memory_space<vmem>>) target_semaphore(%arg29 : memref<!tpu.dma_semaphore, #tpu.memory_space<semaphore_mem>>)
      %add3A_388 = arith.constant 4 : i32
      %add3A_389 = arith.addi %add3A_269, %add3A_388 : i32
      %min3A_390 = arith.constant 124 : i32
      %min3A_391 = arith.minsi %add3A_389, %min3A_390 : i32
      %mul3A_392 = arith.constant 80 : i32
      %mul3A_393 = arith.muli %min3A_391, %mul3A_392 : i32
      %add3A_394 = arith.addi %mul3A_2, %mul3A_393 : i32
      %dma_wait3A_395 = tpu.memref_slice %arg3[%add3A_394] : memref<320000xi32, #tpu.memory_space<hbm>> -> memref<80xi32, #tpu.memory_space<hbm>>
      %dma_wait3A_396 = tpu.memref_slice %arg3[%add3A_394] : memref<320000xi32, #tpu.memory_space<hbm>> -> memref<80xi32, #tpu.memory_space<hbm>>
      tpu.wait_dma2 semaphore(%arg33 : memref<!tpu.dma_semaphore, #tpu.memory_space<semaphore_mem>>) src(%dma_wait3A_396 : memref<80xi32, #tpu.memory_space<hbm>>) dst(%arg8 : memref<80xi32, #tpu.memory_space<vmem>>)
      %dma_start3A_397 = arith.constant 0 : i32
      %dma_start3A_398 = arith.constant 0 : i32
      %dma_start3A_399 = tpu.memref_slice %arg2[%dma_start3A_397, %dma_start3A_398] : memref<10240x128xf32, #tpu.memory_space<hbm>> -> memref<10240x128xf32, #tpu.memory_space<hbm>>
      tpu.enqueue_indirect_dma source(%dma_start3A_399 : memref<10240x128xf32, #tpu.memory_space<hbm>>) target(%arg16 : memref<80x128xf32, #tpu.memory_space<vmem>>) offsets(%arg8 : memref<80xi32, #tpu.memory_space<vmem>>) semaphore(%arg21 : memref<!tpu.dma_semaphore, #tpu.memory_space<semaphore_mem>>)
      %dma_wait3A_400 = arith.constant 0 : i32
      %dma_wait3A_401 = arith.constant 0 : i32
      %dma_wait3A_402 = tpu.memref_slice %arg2[%dma_wait3A_400, %dma_wait3A_401] : memref<10240x128xf32, #tpu.memory_space<hbm>> -> memref<10240x128xf32, #tpu.memory_space<hbm>>
      tpu.wait_indirect_dma semaphore(%arg24 : memref<!tpu.dma_semaphore, #tpu.memory_space<semaphore_mem>>) src(%dma_wait3A_402 : memref<10240x128xf32, #tpu.memory_space<hbm>>) dst(%arg19 : memref<80x128xf32, #tpu.memory_space<vmem>>)
      %add3A_403 = arith.constant 7 : i32
      %add3A_404 = arith.addi %add3A_269, %add3A_403 : i32
      %min3A_405 = arith.constant 124 : i32
      %min3A_406 = arith.minsi %add3A_404, %min3A_405 : i32
      %mul3A_407 = arith.constant 80 : i32
      %mul3A_408 = arith.muli %min3A_406, %mul3A_407 : i32
      %add3A_409 = arith.addi %mul3A_2, %mul3A_408 : i32
      %dma_start3A_410 = tpu.memref_slice %arg3[%add3A_409] : memref<320000xi32, #tpu.memory_space<hbm>> -> memref<80xi32, #tpu.memory_space<hbm>>
      %dma_start3A_411 = tpu.memref_slice %arg3[%add3A_409] : memref<320000xi32, #tpu.memory_space<hbm>> -> memref<80xi32, #tpu.memory_space<hbm>>
      tpu.enqueue_dma source(%dma_start3A_411 : memref<80xi32, #tpu.memory_space<hbm>>) target(%arg11 : memref<80xi32, #tpu.memory_space<vmem>>) target_semaphore(%arg36 : memref<!tpu.dma_semaphore, #tpu.memory_space<semaphore_mem>>)
      %add3A_412 = arith.constant 3 : i32
      %add3A_413 = arith.addi %add3A_269, %add3A_412 : i32
      %mul3A_414 = arith.constant 80 : i32
      %mul3A_415 = arith.muli %add3A_413, %mul3A_414 : i32
      %add3A_416 = arith.addi %mul3A_2, %mul3A_415 : i32
      %dma_wait3A_417 = tpu.memref_slice %arg5[%add3A_416] : memref<320000xi32, #tpu.memory_space<hbm>> -> memref<80xi32, #tpu.memory_space<hbm>>
      %dma_wait3A_418 = tpu.memref_slice %arg5[%add3A_416] : memref<320000xi32, #tpu.memory_space<hbm>> -> memref<80xi32, #tpu.memory_space<hbm>>
      tpu.wait_dma2 semaphore(%arg32 : memref<!tpu.dma_semaphore, #tpu.memory_space<semaphore_mem>>) src(%dma_wait3A_418 : memref<80xi32, #tpu.memory_space<hbm>>) dst(%arg15 : memref<80xi32, #tpu.memory_space<vmem>>)
      %dma_start3A_419 = arith.constant 0 : i32
      %dma_start3A_420 = arith.constant 0 : i32
      %dma_start3A_421 = tpu.memref_slice %arg20[%dma_start3A_419, %dma_start3A_420] : memref<5128x128xf32, #tpu.memory_space<vmem_shared>> -> memref<5128x128xf32, #tpu.memory_space<vmem_shared>>
      tpu.enqueue_indirect_dma source(%arg19 : memref<80x128xf32, #tpu.memory_space<vmem>>) target(%dma_start3A_421 : memref<5128x128xf32, #tpu.memory_space<vmem_shared>>) offsets(%arg15 : memref<80xi32, #tpu.memory_space<vmem>>) semaphore(%arg28 : memref<!tpu.dma_semaphore, #tpu.memory_space<semaphore_mem>>) {add = true}
      %dma_wait3A_422 = arith.constant 0 : i32
      %dma_wait3A_423 = arith.constant 0 : i32
      %dma_wait3A_424 = tpu.memref_slice %arg20[%dma_wait3A_422, %dma_wait3A_423] : memref<5128x128xf32, #tpu.memory_space<vmem_shared>> -> memref<5128x128xf32, #tpu.memory_space<vmem_shared>>
      tpu.wait_indirect_dma semaphore(%arg26 : memref<!tpu.dma_semaphore, #tpu.memory_space<semaphore_mem>>) src(%arg17 : memref<80x128xf32, #tpu.memory_space<vmem>>) dst(%dma_wait3A_424 : memref<5128x128xf32, #tpu.memory_space<vmem_shared>>)
      %add3A_425 = arith.constant 5 : i32
      %add3A_426 = arith.addi %add3A_269, %add3A_425 : i32
      %mul3A_427 = arith.constant 80 : i32
      %mul3A_428 = arith.muli %add3A_426, %mul3A_427 : i32
      %add3A_429 = arith.addi %mul3A_2, %mul3A_428 : i32
      %dma_start3A_430 = tpu.memref_slice %arg5[%add3A_429] : memref<320000xi32, #tpu.memory_space<hbm>> -> memref<80xi32, #tpu.memory_space<hbm>>
      %dma_start3A_431 = tpu.memref_slice %arg5[%add3A_429] : memref<320000xi32, #tpu.memory_space<hbm>> -> memref<80xi32, #tpu.memory_space<hbm>>
      tpu.enqueue_dma source(%dma_start3A_431 : memref<80xi32, #tpu.memory_space<hbm>>) target(%arg13 : memref<80xi32, #tpu.memory_space<vmem>>) target_semaphore(%arg30 : memref<!tpu.dma_semaphore, #tpu.memory_space<semaphore_mem>>)
      %add3A_432 = arith.constant 5 : i32
      %add3A_433 = arith.addi %add3A_269, %add3A_432 : i32
      %min3A_434 = arith.constant 124 : i32
      %min3A_435 = arith.minsi %add3A_433, %min3A_434 : i32
      %mul3A_436 = arith.constant 80 : i32
      %mul3A_437 = arith.muli %min3A_435, %mul3A_436 : i32
      %add3A_438 = arith.addi %mul3A_2, %mul3A_437 : i32
      %dma_wait3A_439 = tpu.memref_slice %arg3[%add3A_438] : memref<320000xi32, #tpu.memory_space<hbm>> -> memref<80xi32, #tpu.memory_space<hbm>>
      %dma_wait3A_440 = tpu.memref_slice %arg3[%add3A_438] : memref<320000xi32, #tpu.memory_space<hbm>> -> memref<80xi32, #tpu.memory_space<hbm>>
      tpu.wait_dma2 semaphore(%arg34 : memref<!tpu.dma_semaphore, #tpu.memory_space<semaphore_mem>>) src(%dma_wait3A_440 : memref<80xi32, #tpu.memory_space<hbm>>) dst(%arg9 : memref<80xi32, #tpu.memory_space<vmem>>)
      %dma_start3A_441 = arith.constant 0 : i32
      %dma_start3A_442 = arith.constant 0 : i32
      %dma_start3A_443 = tpu.memref_slice %arg2[%dma_start3A_441, %dma_start3A_442] : memref<10240x128xf32, #tpu.memory_space<hbm>> -> memref<10240x128xf32, #tpu.memory_space<hbm>>
      tpu.enqueue_indirect_dma source(%dma_start3A_443 : memref<10240x128xf32, #tpu.memory_space<hbm>>) target(%arg17 : memref<80x128xf32, #tpu.memory_space<vmem>>) offsets(%arg9 : memref<80xi32, #tpu.memory_space<vmem>>) semaphore(%arg22 : memref<!tpu.dma_semaphore, #tpu.memory_space<semaphore_mem>>)
      %scan3A_444 = arith.constant 0 : i32
      scf.yield %scan3A_444 : i32
    }
    %scan3A_204 = arith.constant 30 : i32
    %dma_wait3A_205 = arith.constant 0 : i32
    %dma_wait3A_206 = arith.constant 0 : i32
    %dma_wait3A_207 = tpu.memref_slice %arg2[%dma_wait3A_205, %dma_wait3A_206] : memref<10240x128xf32, #tpu.memory_space<hbm>> -> memref<10240x128xf32, #tpu.memory_space<hbm>>
    tpu.wait_indirect_dma semaphore(%arg21 : memref<!tpu.dma_semaphore, #tpu.memory_space<semaphore_mem>>) src(%dma_wait3A_207 : memref<10240x128xf32, #tpu.memory_space<hbm>>) dst(%arg16 : memref<80x128xf32, #tpu.memory_space<vmem>>)
    %add3A_208 = arith.constant 9840 : i32
    %add3A_209 = arith.addi %mul3A_2, %add3A_208 : i32
    %dma_wait3A_210 = tpu.memref_slice %arg5[%add3A_209] : memref<320000xi32, #tpu.memory_space<hbm>> -> memref<80xi32, #tpu.memory_space<hbm>>
    %dma_wait3A_211 = tpu.memref_slice %arg5[%add3A_209] : memref<320000xi32, #tpu.memory_space<hbm>> -> memref<80xi32, #tpu.memory_space<hbm>>
    tpu.wait_dma2 semaphore(%arg29 : memref<!tpu.dma_semaphore, #tpu.memory_space<semaphore_mem>>) src(%dma_wait3A_211 : memref<80xi32, #tpu.memory_space<hbm>>) dst(%arg12 : memref<80xi32, #tpu.memory_space<vmem>>)
    %dma_start3A_212 = arith.constant 0 : i32
    %dma_start3A_213 = arith.constant 0 : i32
    %dma_start3A_214 = tpu.memref_slice %arg20[%dma_start3A_212, %dma_start3A_213] : memref<5128x128xf32, #tpu.memory_space<vmem_shared>> -> memref<5128x128xf32, #tpu.memory_space<vmem_shared>>
    tpu.enqueue_indirect_dma source(%arg16 : memref<80x128xf32, #tpu.memory_space<vmem>>) target(%dma_start3A_214 : memref<5128x128xf32, #tpu.memory_space<vmem_shared>>) offsets(%arg12 : memref<80xi32, #tpu.memory_space<vmem>>) semaphore(%arg25 : memref<!tpu.dma_semaphore, #tpu.memory_space<semaphore_mem>>) {add = true}
    %dma_wait3A_215 = arith.constant 0 : i32
    %dma_wait3A_216 = arith.constant 0 : i32
    %dma_wait3A_217 = tpu.memref_slice %arg20[%dma_wait3A_215, %dma_wait3A_216] : memref<5128x128xf32, #tpu.memory_space<vmem_shared>> -> memref<5128x128xf32, #tpu.memory_space<vmem_shared>>
    tpu.wait_indirect_dma semaphore(%arg27 : memref<!tpu.dma_semaphore, #tpu.memory_space<semaphore_mem>>) src(%arg18 : memref<80x128xf32, #tpu.memory_space<vmem>>) dst(%dma_wait3A_217 : memref<5128x128xf32, #tpu.memory_space<vmem_shared>>)
    %dma_wait3A_218 = arith.constant 0 : i32
    %dma_wait3A_219 = arith.constant 0 : i32
    %dma_wait3A_220 = tpu.memref_slice %arg2[%dma_wait3A_218, %dma_wait3A_219] : memref<10240x128xf32, #tpu.memory_space<hbm>> -> memref<10240x128xf32, #tpu.memory_space<hbm>>
    tpu.wait_indirect_dma semaphore(%arg22 : memref<!tpu.dma_semaphore, #tpu.memory_space<semaphore_mem>>) src(%dma_wait3A_220 : memref<10240x128xf32, #tpu.memory_space<hbm>>) dst(%arg17 : memref<80x128xf32, #tpu.memory_space<vmem>>)
    %add3A_221 = arith.constant 9920 : i32
    %add3A_222 = arith.addi %mul3A_2, %add3A_221 : i32
    %dma_wait3A_223 = tpu.memref_slice %arg5[%add3A_222] : memref<320000xi32, #tpu.memory_space<hbm>> -> memref<80xi32, #tpu.memory_space<hbm>>
    %dma_wait3A_224 = tpu.memref_slice %arg5[%add3A_222] : memref<320000xi32, #tpu.memory_space<hbm>> -> memref<80xi32, #tpu.memory_space<hbm>>
    tpu.wait_dma2 semaphore(%arg30 : memref<!tpu.dma_semaphore, #tpu.memory_space<semaphore_mem>>) src(%dma_wait3A_224 : memref<80xi32, #tpu.memory_space<hbm>>) dst(%arg13 : memref<80xi32, #tpu.memory_space<vmem>>)
    %dma_start3A_225 = arith.constant 0 : i32
    %dma_start3A_226 = arith.constant 0 : i32
    %dma_start3A_227 = tpu.memref_slice %arg20[%dma_start3A_225, %dma_start3A_226] : memref<5128x128xf32, #tpu.memory_space<vmem_shared>> -> memref<5128x128xf32, #tpu.memory_space<vmem_shared>>
    tpu.enqueue_indirect_dma source(%arg17 : memref<80x128xf32, #tpu.memory_space<vmem>>) target(%dma_start3A_227 : memref<5128x128xf32, #tpu.memory_space<vmem_shared>>) offsets(%arg13 : memref<80xi32, #tpu.memory_space<vmem>>) semaphore(%arg26 : memref<!tpu.dma_semaphore, #tpu.memory_space<semaphore_mem>>) {add = true}
    %dma_wait3A_228 = arith.constant 0 : i32
    %dma_wait3A_229 = arith.constant 0 : i32
    %dma_wait3A_230 = tpu.memref_slice %arg20[%dma_wait3A_228, %dma_wait3A_229] : memref<5128x128xf32, #tpu.memory_space<vmem_shared>> -> memref<5128x128xf32, #tpu.memory_space<vmem_shared>>
    tpu.wait_indirect_dma semaphore(%arg28 : memref<!tpu.dma_semaphore, #tpu.memory_space<semaphore_mem>>) src(%arg19 : memref<80x128xf32, #tpu.memory_space<vmem>>) dst(%dma_wait3A_230 : memref<5128x128xf32, #tpu.memory_space<vmem_shared>>)
    %dma_wait3A_231 = arith.constant 0 : i32
    %dma_wait3A_232 = arith.constant 0 : i32
    %dma_wait3A_233 = tpu.memref_slice %arg20[%dma_wait3A_231, %dma_wait3A_232] : memref<5128x128xf32, #tpu.memory_space<vmem_shared>> -> memref<5128x128xf32, #tpu.memory_space<vmem_shared>>
    tpu.wait_indirect_dma semaphore(%arg25 : memref<!tpu.dma_semaphore, #tpu.memory_space<semaphore_mem>>) src(%arg16 : memref<80x128xf32, #tpu.memory_space<vmem>>) dst(%dma_wait3A_233 : memref<5128x128xf32, #tpu.memory_space<vmem_shared>>)
    %dma_wait3A_234 = arith.constant 0 : i32
    %dma_wait3A_235 = arith.constant 0 : i32
    %dma_wait3A_236 = tpu.memref_slice %arg20[%dma_wait3A_234, %dma_wait3A_235] : memref<5128x128xf32, #tpu.memory_space<vmem_shared>> -> memref<5128x128xf32, #tpu.memory_space<vmem_shared>>
    tpu.wait_indirect_dma semaphore(%arg26 : memref<!tpu.dma_semaphore, #tpu.memory_space<semaphore_mem>>) src(%arg17 : memref<80x128xf32, #tpu.memory_space<vmem>>) dst(%dma_wait3A_236 : memref<5128x128xf32, #tpu.memory_space<vmem_shared>>)
    %min3A_237 = arith.constant 125 : i32
    %min3A_238 = arith.constant 124 : i32
    %min3A_239 = arith.minsi %min3A_237, %min3A_238 : i32
    %mul3A_240 = arith.constant 80 : i32
    %mul3A_241 = arith.muli %min3A_239, %mul3A_240 : i32
    %add3A_242 = arith.addi %mul3A_2, %mul3A_241 : i32
    %dma_wait3A_243 = tpu.memref_slice %arg3[%add3A_242] : memref<320000xi32, #tpu.memory_space<hbm>> -> memref<80xi32, #tpu.memory_space<hbm>>
    %dma_wait3A_244 = tpu.memref_slice %arg3[%add3A_242] : memref<320000xi32, #tpu.memory_space<hbm>> -> memref<80xi32, #tpu.memory_space<hbm>>
    tpu.wait_dma2 semaphore(%arg35 : memref<!tpu.dma_semaphore, #tpu.memory_space<semaphore_mem>>) src(%dma_wait3A_244 : memref<80xi32, #tpu.memory_space<hbm>>) dst(%arg10 : memref<80xi32, #tpu.memory_space<vmem>>)
    %min3A_245 = arith.constant 125 : i32
    %min3A_246 = arith.constant 124 : i32
    %min3A_247 = arith.minsi %min3A_245, %min3A_246 : i32
    %mul3A_248 = arith.constant 80 : i32
    %mul3A_249 = arith.muli %min3A_247, %mul3A_248 : i32
    %add3A_250 = arith.addi %mul3A_2, %mul3A_249 : i32
    %dma_wait3A_251 = tpu.memref_slice %arg3[%add3A_250] : memref<320000xi32, #tpu.memory_space<hbm>> -> memref<80xi32, #tpu.memory_space<hbm>>
    %dma_wait3A_252 = tpu.memref_slice %arg3[%add3A_250] : memref<320000xi32, #tpu.memory_space<hbm>> -> memref<80xi32, #tpu.memory_space<hbm>>
    tpu.wait_dma2 semaphore(%arg36 : memref<!tpu.dma_semaphore, #tpu.memory_space<semaphore_mem>>) src(%dma_wait3A_252 : memref<80xi32, #tpu.memory_space<hbm>>) dst(%arg11 : memref<80xi32, #tpu.memory_space<vmem>>)
    %barrier3A_253 = arith.constant 0 : index
    tpu.barrier barrier_id(%barrier3A_253)
    %mul3A_254 = arith.constant 320 : i32
    %mul3A_255 = arith.muli %arg1, %mul3A_254 : i32
    %mul3A_256 = arith.constant 10240 : i32
    %mul3A_257 = arith.muli %arg0, %mul3A_256 : i32
    %add3A_258 = arith.constant 5120 : i32
    %add3A_259 = arith.addi %mul3A_257, %add3A_258 : i32
    %mul3A_260 = arith.constant 320 : i32
    %mul3A_261 = arith.muli %arg1, %mul3A_260 : i32
    %add3A_262 = arith.addi %add3A_259, %mul3A_261 : i32
    "tpu.region"() ({
      %run_scoped3A = tpu.sem_alloc : memref<!tpu.dma_semaphore, #tpu.memory_space<semaphore_mem>>
      %dma_start3A_264 = arith.constant 0 : i32
      %dma_start3A_265 = tpu.memref_slice %arg7[%add3A_262, %dma_start3A_264] : memref<20480x128xf32, #tpu.memory_space<hbm>> -> memref<320x128xf32, #tpu.memory_space<hbm>>
      %dma_start3A_266 = arith.constant 0 : i32
      %dma_start3A_267 = tpu.memref_slice %arg20[%mul3A_255, %dma_start3A_266] : memref<5128x128xf32, #tpu.memory_space<vmem_shared>> -> memref<320x128xf32, #tpu.memory_space<vmem_shared>>
      tpu.enqueue_dma source(%dma_start3A_267 : memref<320x128xf32, #tpu.memory_space<vmem_shared>>) target(%dma_start3A_265 : memref<320x128xf32, #tpu.memory_space<hbm>>) target_semaphore(%run_scoped3A : memref<!tpu.dma_semaphore, #tpu.memory_space<semaphore_mem>>)
      %dma_wait3A_268 = arith.constant 0 : i32
      %dma_wait3A_269 = tpu.memref_slice %arg7[%add3A_262, %dma_wait3A_268] : memref<20480x128xf32, #tpu.memory_space<hbm>> -> memref<320x128xf32, #tpu.memory_space<hbm>>
      %dma_wait3A_270 = arith.constant 0 : i32
      %dma_wait3A_271 = tpu.memref_slice %arg20[%mul3A_255, %dma_wait3A_270] : memref<5128x128xf32, #tpu.memory_space<vmem_shared>> -> memref<320x128xf32, #tpu.memory_space<vmem_shared>>
      tpu.wait_dma2 semaphore(%run_scoped3A : memref<!tpu.dma_semaphore, #tpu.memory_space<semaphore_mem>>) src(%dma_wait3A_271 : memref<320x128xf32, #tpu.memory_space<vmem_shared>>) dst(%dma_wait3A_269 : memref<320x128xf32, #tpu.memory_space<hbm>>)
      tpu.yield
    }) : () -> ()
    %barrier3A_263 = arith.constant 0 : index
    tpu.barrier barrier_id(%barrier3A_263)
    return
  }
}

#map = affine_map<(d0, d1) -> (0, 0)>
#map1 = affine_map<(d0, d1) -> (0)>
module attributes {stable_mosaic.version = 14 : i64} {
  func.func @_sc_edge_scatter(%arg0: i32, %arg1: i32, %arg2: memref<10240x128xf32, #tpu.memory_space<hbm>>, %arg3: memref<320000xi32, #tpu.memory_space<hbm>>, %arg4: memref<320000xi32, #tpu.memory_space<hbm>>, %arg5: memref<320000xi32, #tpu.memory_space<hbm>>, %arg6: memref<320x128xf32, #tpu.memory_space<hbm>>, %arg7: memref<20480x128xf32, #tpu.memory_space<hbm>>, %arg8: memref<80xi32, #tpu.memory_space<vmem>>, %arg9: memref<80xi32, #tpu.memory_space<vmem>>, %arg10: memref<80xi32, #tpu.memory_space<vmem>>, %arg11: memref<80xi32, #tpu.memory_space<vmem>>, %arg12: memref<80xi32, #tpu.memory_space<vmem>>, %arg13: memref<80xi32, #tpu.memory_space<vmem>>, %arg14: memref<80xi32, #tpu.memory_space<vmem>>, %arg15: memref<80xi32, #tpu.memory_space<vmem>>, %arg16: memref<80x128xf32, #tpu.memory_space<vmem>>, %arg17: memref<80x128xf32, #tpu.memory_space<vmem>>, %arg18: memref<80x128xf32, #tpu.memory_space<vmem>>, %arg19: memref<80x128xf32, #tpu.memory_space<vmem>>, %arg20: memref<5128x128xf32, #tpu.memory_space<vmem_shared>>, %arg21: memref<!tpu.dma_semaphore, #tpu.memory_space<semaphore_mem>>, %arg22: memref<!tpu.dma_semaphore, #tpu.memory_space<semaphore_mem>>, %arg23: memref<!tpu.dma_semaphore, #tpu.memory_space<semaphore_mem>>, %arg24: memref<!tpu.dma_semaphore, #tpu.memory_space<semaphore_mem>>, %arg25: memref<!tpu.dma_semaphore, #tpu.memory_space<semaphore_mem>>, %arg26: memref<!tpu.dma_semaphore, #tpu.memory_space<semaphore_mem>>, %arg27: memref<!tpu.dma_semaphore, #tpu.memory_space<semaphore_mem>>, %arg28: memref<!tpu.dma_semaphore, #tpu.memory_space<semaphore_mem>>, %arg29: memref<!tpu.dma_semaphore, #tpu.memory_space<semaphore_mem>>, %arg30: memref<!tpu.dma_semaphore, #tpu.memory_space<semaphore_mem>>, %arg31: memref<!tpu.dma_semaphore, #tpu.memory_space<semaphore_mem>>, %arg32: memref<!tpu.dma_semaphore, #tpu.memory_space<semaphore_mem>>, %arg33: memref<!tpu.dma_semaphore, #tpu.memory_space<semaphore_mem>>, %arg34: memref<!tpu.dma_semaphore, #tpu.memory_space<semaphore_mem>>, %arg35: memref<!tpu.dma_semaphore, #tpu.memory_space<semaphore_mem>>, %arg36: memref<!tpu.dma_semaphore, #tpu.memory_space<semaphore_mem>>) attributes {dimension_semantics = [#tpu.dimension_semantics<core_parallel>, #tpu.dimension_semantics<subcore_parallel>], iteration_bounds = array<i64: 2, 16>, scalar_prefetch = 0 : i64, scratch_operands = 29 : i64, tpu.core_type = #tpu.core_type<sc_vector_subcore>, window_params = [{transform_indices = #map}, {transform_indices = #map1}, {transform_indices = #map1}, {transform_indices = #map1}, {transform_indices = #map}, {transform_indices = #map}]} {
    %mul3A = arith.constant 16 : i32
    %mul3A_0 = arith.muli %arg0, %mul3A : i32
    %add3A = arith.addi %mul3A_0, %arg1 : i32
    %mul3A_1 = arith.constant 10000 : i32
    %mul3A_2 = arith.muli %add3A, %mul3A_1 : i32
    %mul3A_3 = arith.constant 320 : i32
    %mul3A_4 = arith.muli %arg1, %mul3A_3 : i32
    "tpu.region"() ({
      %run_scoped3A = tpu.sem_alloc : memref<!tpu.dma_semaphore, #tpu.memory_space<semaphore_mem>>
      %dma_start3A_264 = arith.constant 0 : i32
      %dma_start3A_265 = tpu.memref_slice %arg20[%mul3A_4, %dma_start3A_264] : memref<5128x128xf32, #tpu.memory_space<vmem_shared>> -> memref<320x128xf32, #tpu.memory_space<vmem_shared>>
      tpu.enqueue_dma source(%arg6 : memref<320x128xf32, #tpu.memory_space<hbm>>) target(%dma_start3A_265 : memref<320x128xf32, #tpu.memory_space<vmem_shared>>) target_semaphore(%run_scoped3A : memref<!tpu.dma_semaphore, #tpu.memory_space<semaphore_mem>>)
      %dma_wait3A_266 = arith.constant 0 : i32
      %dma_wait3A_267 = tpu.memref_slice %arg20[%mul3A_4, %dma_wait3A_266] : memref<5128x128xf32, #tpu.memory_space<vmem_shared>> -> memref<320x128xf32, #tpu.memory_space<vmem_shared>>
      tpu.wait_dma2 semaphore(%run_scoped3A : memref<!tpu.dma_semaphore, #tpu.memory_space<semaphore_mem>>) src(%arg6 : memref<320x128xf32, #tpu.memory_space<hbm>>) dst(%dma_wait3A_267 : memref<320x128xf32, #tpu.memory_space<vmem_shared>>)
      tpu.yield
    }) : () -> ()
    %barrier3A = arith.constant 0 : index
    tpu.barrier barrier_id(%barrier3A)
    %add3A_5 = arith.constant 0 : i32
    %add3A_6 = arith.addi %mul3A_2, %add3A_5 : i32
    "tpu.region"() ({
      %run_scoped3A = tpu.sem_alloc : memref<!tpu.dma_semaphore, #tpu.memory_space<semaphore_mem>>
      %dma_start3A_264 = tpu.memref_slice %arg3[%add3A_6] : memref<320000xi32, #tpu.memory_space<hbm>> -> memref<80xi32, #tpu.memory_space<hbm>>
      %dma_start3A_265 = tpu.memref_slice %arg3[%add3A_6] : memref<320000xi32, #tpu.memory_space<hbm>> -> memref<80xi32, #tpu.memory_space<hbm>>
      tpu.enqueue_dma source(%dma_start3A_265 : memref<80xi32, #tpu.memory_space<hbm>>) target(%arg8 : memref<80xi32, #tpu.memory_space<vmem>>) target_semaphore(%run_scoped3A : memref<!tpu.dma_semaphore, #tpu.memory_space<semaphore_mem>>)
      %dma_wait3A_266 = tpu.memref_slice %arg3[%add3A_6] : memref<320000xi32, #tpu.memory_space<hbm>> -> memref<80xi32, #tpu.memory_space<hbm>>
      %dma_wait3A_267 = tpu.memref_slice %arg3[%add3A_6] : memref<320000xi32, #tpu.memory_space<hbm>> -> memref<80xi32, #tpu.memory_space<hbm>>
      tpu.wait_dma2 semaphore(%run_scoped3A : memref<!tpu.dma_semaphore, #tpu.memory_space<semaphore_mem>>) src(%dma_wait3A_267 : memref<80xi32, #tpu.memory_space<hbm>>) dst(%arg8 : memref<80xi32, #tpu.memory_space<vmem>>)
      tpu.yield
    }) : () -> ()
    "tpu.region"() ({
      %run_scoped3A = tpu.sem_alloc : memref<!tpu.dma_semaphore, #tpu.memory_space<semaphore_mem>>
      %dma_start3A_264 = tpu.memref_slice %arg4[%add3A_6] : memref<320000xi32, #tpu.memory_space<hbm>> -> memref<80xi32, #tpu.memory_space<hbm>>
      %dma_start3A_265 = tpu.memref_slice %arg4[%add3A_6] : memref<320000xi32, #tpu.memory_space<hbm>> -> memref<80xi32, #tpu.memory_space<hbm>>
      tpu.enqueue_dma source(%dma_start3A_265 : memref<80xi32, #tpu.memory_space<hbm>>) target(%arg12 : memref<80xi32, #tpu.memory_space<vmem>>) target_semaphore(%run_scoped3A : memref<!tpu.dma_semaphore, #tpu.memory_space<semaphore_mem>>)
      %dma_wait3A_266 = tpu.memref_slice %arg4[%add3A_6] : memref<320000xi32, #tpu.memory_space<hbm>> -> memref<80xi32, #tpu.memory_space<hbm>>
      %dma_wait3A_267 = tpu.memref_slice %arg4[%add3A_6] : memref<320000xi32, #tpu.memory_space<hbm>> -> memref<80xi32, #tpu.memory_space<hbm>>
      tpu.wait_dma2 semaphore(%run_scoped3A : memref<!tpu.dma_semaphore, #tpu.memory_space<semaphore_mem>>) src(%dma_wait3A_267 : memref<80xi32, #tpu.memory_space<hbm>>) dst(%arg12 : memref<80xi32, #tpu.memory_space<vmem>>)
      tpu.yield
    }) : () -> ()
    %dma_start3A = arith.constant 0 : i32
    %dma_start3A_7 = arith.constant 0 : i32
    %dma_start3A_8 = tpu.memref_slice %arg2[%dma_start3A, %dma_start3A_7] : memref<10240x128xf32, #tpu.memory_space<hbm>> -> memref<10240x128xf32, #tpu.memory_space<hbm>>
    tpu.enqueue_indirect_dma source(%dma_start3A_8 : memref<10240x128xf32, #tpu.memory_space<hbm>>) target(%arg16 : memref<80x128xf32, #tpu.memory_space<vmem>>) offsets(%arg8 : memref<80xi32, #tpu.memory_space<vmem>>) semaphore(%arg21 : memref<!tpu.dma_semaphore, #tpu.memory_space<semaphore_mem>>)
    %dma_wait3A = arith.constant 0 : i32
    %dma_wait3A_9 = arith.constant 0 : i32
    %dma_wait3A_10 = tpu.memref_slice %arg2[%dma_wait3A, %dma_wait3A_9] : memref<10240x128xf32, #tpu.memory_space<hbm>> -> memref<10240x128xf32, #tpu.memory_space<hbm>>
    tpu.wait_indirect_dma semaphore(%arg21 : memref<!tpu.dma_semaphore, #tpu.memory_space<semaphore_mem>>) src(%dma_wait3A_10 : memref<10240x128xf32, #tpu.memory_space<hbm>>) dst(%arg16 : memref<80x128xf32, #tpu.memory_space<vmem>>)
    "tpu.region"() ({
      %run_scoped3A = tpu.sem_alloc : memref<!tpu.dma_semaphore, #tpu.memory_space<semaphore_mem>>
      %dma_start3A_264 = arith.constant 0 : i32
      %dma_start3A_265 = arith.constant 0 : i32
      %dma_start3A_266 = tpu.memref_slice %arg20[%dma_start3A_264, %dma_start3A_265] : memref<5128x128xf32, #tpu.memory_space<vmem_shared>> -> memref<5128x128xf32, #tpu.memory_space<vmem_shared>>
      tpu.enqueue_indirect_dma source(%arg16 : memref<80x128xf32, #tpu.memory_space<vmem>>) target(%dma_start3A_266 : memref<5128x128xf32, #tpu.memory_space<vmem_shared>>) offsets(%arg12 : memref<80xi32, #tpu.memory_space<vmem>>) semaphore(%run_scoped3A : memref<!tpu.dma_semaphore, #tpu.memory_space<semaphore_mem>>) {add = true}
      %dma_wait3A_267 = arith.constant 0 : i32
      %dma_wait3A_268 = arith.constant 0 : i32
      %dma_wait3A_269 = tpu.memref_slice %arg20[%dma_wait3A_267, %dma_wait3A_268] : memref<5128x128xf32, #tpu.memory_space<vmem_shared>> -> memref<5128x128xf32, #tpu.memory_space<vmem_shared>>
      tpu.wait_indirect_dma semaphore(%run_scoped3A : memref<!tpu.dma_semaphore, #tpu.memory_space<semaphore_mem>>) src(%arg16 : memref<80x128xf32, #tpu.memory_space<vmem>>) dst(%dma_wait3A_269 : memref<5128x128xf32, #tpu.memory_space<vmem_shared>>)
      tpu.yield
    }) : () -> ()
    %add3A_11 = arith.constant 80 : i32
    %add3A_12 = arith.addi %mul3A_2, %add3A_11 : i32
    "tpu.region"() ({
      %run_scoped3A = tpu.sem_alloc : memref<!tpu.dma_semaphore, #tpu.memory_space<semaphore_mem>>
      %dma_start3A_264 = tpu.memref_slice %arg3[%add3A_12] : memref<320000xi32, #tpu.memory_space<hbm>> -> memref<80xi32, #tpu.memory_space<hbm>>
      %dma_start3A_265 = tpu.memref_slice %arg3[%add3A_12] : memref<320000xi32, #tpu.memory_space<hbm>> -> memref<80xi32, #tpu.memory_space<hbm>>
      tpu.enqueue_dma source(%dma_start3A_265 : memref<80xi32, #tpu.memory_space<hbm>>) target(%arg10 : memref<80xi32, #tpu.memory_space<vmem>>) target_semaphore(%run_scoped3A : memref<!tpu.dma_semaphore, #tpu.memory_space<semaphore_mem>>)
      %dma_wait3A_266 = tpu.memref_slice %arg3[%add3A_12] : memref<320000xi32, #tpu.memory_space<hbm>> -> memref<80xi32, #tpu.memory_space<hbm>>
      %dma_wait3A_267 = tpu.memref_slice %arg3[%add3A_12] : memref<320000xi32, #tpu.memory_space<hbm>> -> memref<80xi32, #tpu.memory_space<hbm>>
      tpu.wait_dma2 semaphore(%run_scoped3A : memref<!tpu.dma_semaphore, #tpu.memory_space<semaphore_mem>>) src(%dma_wait3A_267 : memref<80xi32, #tpu.memory_space<hbm>>) dst(%arg10 : memref<80xi32, #tpu.memory_space<vmem>>)
      tpu.yield
    }) : () -> ()
    "tpu.region"() ({
      %run_scoped3A = tpu.sem_alloc : memref<!tpu.dma_semaphore, #tpu.memory_space<semaphore_mem>>
      %dma_start3A_264 = tpu.memref_slice %arg4[%add3A_12] : memref<320000xi32, #tpu.memory_space<hbm>> -> memref<80xi32, #tpu.memory_space<hbm>>
      %dma_start3A_265 = tpu.memref_slice %arg4[%add3A_12] : memref<320000xi32, #tpu.memory_space<hbm>> -> memref<80xi32, #tpu.memory_space<hbm>>
      tpu.enqueue_dma source(%dma_start3A_265 : memref<80xi32, #tpu.memory_space<hbm>>) target(%arg14 : memref<80xi32, #tpu.memory_space<vmem>>) target_semaphore(%run_scoped3A : memref<!tpu.dma_semaphore, #tpu.memory_space<semaphore_mem>>)
      %dma_wait3A_266 = tpu.memref_slice %arg4[%add3A_12] : memref<320000xi32, #tpu.memory_space<hbm>> -> memref<80xi32, #tpu.memory_space<hbm>>
      %dma_wait3A_267 = tpu.memref_slice %arg4[%add3A_12] : memref<320000xi32, #tpu.memory_space<hbm>> -> memref<80xi32, #tpu.memory_space<hbm>>
      tpu.wait_dma2 semaphore(%run_scoped3A : memref<!tpu.dma_semaphore, #tpu.memory_space<semaphore_mem>>) src(%dma_wait3A_267 : memref<80xi32, #tpu.memory_space<hbm>>) dst(%arg14 : memref<80xi32, #tpu.memory_space<vmem>>)
      tpu.yield
    }) : () -> ()
    %dma_start3A_13 = arith.constant 0 : i32
    %dma_start3A_14 = arith.constant 0 : i32
    %dma_start3A_15 = tpu.memref_slice %arg2[%dma_start3A_13, %dma_start3A_14] : memref<10240x128xf32, #tpu.memory_space<hbm>> -> memref<10240x128xf32, #tpu.memory_space<hbm>>
    tpu.enqueue_indirect_dma source(%dma_start3A_15 : memref<10240x128xf32, #tpu.memory_space<hbm>>) target(%arg18 : memref<80x128xf32, #tpu.memory_space<vmem>>) offsets(%arg10 : memref<80xi32, #tpu.memory_space<vmem>>) semaphore(%arg23 : memref<!tpu.dma_semaphore, #tpu.memory_space<semaphore_mem>>)
    %add3A_16 = arith.constant 160 : i32
    %add3A_17 = arith.addi %mul3A_2, %add3A_16 : i32
    "tpu.region"() ({
      %run_scoped3A = tpu.sem_alloc : memref<!tpu.dma_semaphore, #tpu.memory_space<semaphore_mem>>
      %dma_start3A_264 = tpu.memref_slice %arg3[%add3A_17] : memref<320000xi32, #tpu.memory_space<hbm>> -> memref<80xi32, #tpu.memory_space<hbm>>
      %dma_start3A_265 = tpu.memref_slice %arg3[%add3A_17] : memref<320000xi32, #tpu.memory_space<hbm>> -> memref<80xi32, #tpu.memory_space<hbm>>
      tpu.enqueue_dma source(%dma_start3A_265 : memref<80xi32, #tpu.memory_space<hbm>>) target(%arg11 : memref<80xi32, #tpu.memory_space<vmem>>) target_semaphore(%run_scoped3A : memref<!tpu.dma_semaphore, #tpu.memory_space<semaphore_mem>>)
      %dma_wait3A_266 = tpu.memref_slice %arg3[%add3A_17] : memref<320000xi32, #tpu.memory_space<hbm>> -> memref<80xi32, #tpu.memory_space<hbm>>
      %dma_wait3A_267 = tpu.memref_slice %arg3[%add3A_17] : memref<320000xi32, #tpu.memory_space<hbm>> -> memref<80xi32, #tpu.memory_space<hbm>>
      tpu.wait_dma2 semaphore(%run_scoped3A : memref<!tpu.dma_semaphore, #tpu.memory_space<semaphore_mem>>) src(%dma_wait3A_267 : memref<80xi32, #tpu.memory_space<hbm>>) dst(%arg11 : memref<80xi32, #tpu.memory_space<vmem>>)
      tpu.yield
    }) : () -> ()
    "tpu.region"() ({
      %run_scoped3A = tpu.sem_alloc : memref<!tpu.dma_semaphore, #tpu.memory_space<semaphore_mem>>
      %dma_start3A_264 = tpu.memref_slice %arg4[%add3A_17] : memref<320000xi32, #tpu.memory_space<hbm>> -> memref<80xi32, #tpu.memory_space<hbm>>
      %dma_start3A_265 = tpu.memref_slice %arg4[%add3A_17] : memref<320000xi32, #tpu.memory_space<hbm>> -> memref<80xi32, #tpu.memory_space<hbm>>
      tpu.enqueue_dma source(%dma_start3A_265 : memref<80xi32, #tpu.memory_space<hbm>>) target(%arg15 : memref<80xi32, #tpu.memory_space<vmem>>) target_semaphore(%run_scoped3A : memref<!tpu.dma_semaphore, #tpu.memory_space<semaphore_mem>>)
      %dma_wait3A_266 = tpu.memref_slice %arg4[%add3A_17] : memref<320000xi32, #tpu.memory_space<hbm>> -> memref<80xi32, #tpu.memory_space<hbm>>
      %dma_wait3A_267 = tpu.memref_slice %arg4[%add3A_17] : memref<320000xi32, #tpu.memory_space<hbm>> -> memref<80xi32, #tpu.memory_space<hbm>>
      tpu.wait_dma2 semaphore(%run_scoped3A : memref<!tpu.dma_semaphore, #tpu.memory_space<semaphore_mem>>) src(%dma_wait3A_267 : memref<80xi32, #tpu.memory_space<hbm>>) dst(%arg15 : memref<80xi32, #tpu.memory_space<vmem>>)
      tpu.yield
    }) : () -> ()
    %dma_start3A_18 = arith.constant 0 : i32
    %dma_start3A_19 = arith.constant 0 : i32
    %dma_start3A_20 = tpu.memref_slice %arg2[%dma_start3A_18, %dma_start3A_19] : memref<10240x128xf32, #tpu.memory_space<hbm>> -> memref<10240x128xf32, #tpu.memory_space<hbm>>
    tpu.enqueue_indirect_dma source(%dma_start3A_20 : memref<10240x128xf32, #tpu.memory_space<hbm>>) target(%arg19 : memref<80x128xf32, #tpu.memory_space<vmem>>) offsets(%arg11 : memref<80xi32, #tpu.memory_space<vmem>>) semaphore(%arg24 : memref<!tpu.dma_semaphore, #tpu.memory_space<semaphore_mem>>)
    %dma_wait3A_21 = arith.constant 0 : i32
    %dma_wait3A_22 = arith.constant 0 : i32
    %dma_wait3A_23 = tpu.memref_slice %arg2[%dma_wait3A_21, %dma_wait3A_22] : memref<10240x128xf32, #tpu.memory_space<hbm>> -> memref<10240x128xf32, #tpu.memory_space<hbm>>
    tpu.wait_indirect_dma semaphore(%arg23 : memref<!tpu.dma_semaphore, #tpu.memory_space<semaphore_mem>>) src(%dma_wait3A_23 : memref<10240x128xf32, #tpu.memory_space<hbm>>) dst(%arg18 : memref<80x128xf32, #tpu.memory_space<vmem>>)
    %dma_start3A_24 = arith.constant 0 : i32
    %dma_start3A_25 = arith.constant 0 : i32
    %dma_start3A_26 = tpu.memref_slice %arg20[%dma_start3A_24, %dma_start3A_25] : memref<5128x128xf32, #tpu.memory_space<vmem_shared>> -> memref<5128x128xf32, #tpu.memory_space<vmem_shared>>
    tpu.enqueue_indirect_dma source(%arg18 : memref<80x128xf32, #tpu.memory_space<vmem>>) target(%dma_start3A_26 : memref<5128x128xf32, #tpu.memory_space<vmem_shared>>) offsets(%arg14 : memref<80xi32, #tpu.memory_space<vmem>>) semaphore(%arg27 : memref<!tpu.dma_semaphore, #tpu.memory_space<semaphore_mem>>) {add = true}
    %dma_wait3A_27 = arith.constant 0 : i32
    %dma_wait3A_28 = arith.constant 0 : i32
    %dma_wait3A_29 = tpu.memref_slice %arg2[%dma_wait3A_27, %dma_wait3A_28] : memref<10240x128xf32, #tpu.memory_space<hbm>> -> memref<10240x128xf32, #tpu.memory_space<hbm>>
    tpu.wait_indirect_dma semaphore(%arg24 : memref<!tpu.dma_semaphore, #tpu.memory_space<semaphore_mem>>) src(%dma_wait3A_29 : memref<10240x128xf32, #tpu.memory_space<hbm>>) dst(%arg19 : memref<80x128xf32, #tpu.memory_space<vmem>>)
    %dma_start3A_30 = arith.constant 0 : i32
    %dma_start3A_31 = arith.constant 0 : i32
    %dma_start3A_32 = tpu.memref_slice %arg20[%dma_start3A_30, %dma_start3A_31] : memref<5128x128xf32, #tpu.memory_space<vmem_shared>> -> memref<5128x128xf32, #tpu.memory_space<vmem_shared>>
    tpu.enqueue_indirect_dma source(%arg19 : memref<80x128xf32, #tpu.memory_space<vmem>>) target(%dma_start3A_32 : memref<5128x128xf32, #tpu.memory_space<vmem_shared>>) offsets(%arg15 : memref<80xi32, #tpu.memory_space<vmem>>) semaphore(%arg28 : memref<!tpu.dma_semaphore, #tpu.memory_space<semaphore_mem>>) {add = true}
    %add3A_33 = arith.constant 240 : i32
    %add3A_34 = arith.addi %mul3A_2, %add3A_33 : i32
    "tpu.region"() ({
      %run_scoped3A = tpu.sem_alloc : memref<!tpu.dma_semaphore, #tpu.memory_space<semaphore_mem>>
      %dma_start3A_264 = tpu.memref_slice %arg3[%add3A_34] : memref<320000xi32, #tpu.memory_space<hbm>> -> memref<80xi32, #tpu.memory_space<hbm>>
      %dma_start3A_265 = tpu.memref_slice %arg3[%add3A_34] : memref<320000xi32, #tpu.memory_space<hbm>> -> memref<80xi32, #tpu.memory_space<hbm>>
      tpu.enqueue_dma source(%dma_start3A_265 : memref<80xi32, #tpu.memory_space<hbm>>) target(%arg8 : memref<80xi32, #tpu.memory_space<vmem>>) target_semaphore(%run_scoped3A : memref<!tpu.dma_semaphore, #tpu.memory_space<semaphore_mem>>)
      %dma_wait3A_266 = tpu.memref_slice %arg3[%add3A_34] : memref<320000xi32, #tpu.memory_space<hbm>> -> memref<80xi32, #tpu.memory_space<hbm>>
      %dma_wait3A_267 = tpu.memref_slice %arg3[%add3A_34] : memref<320000xi32, #tpu.memory_space<hbm>> -> memref<80xi32, #tpu.memory_space<hbm>>
      tpu.wait_dma2 semaphore(%run_scoped3A : memref<!tpu.dma_semaphore, #tpu.memory_space<semaphore_mem>>) src(%dma_wait3A_267 : memref<80xi32, #tpu.memory_space<hbm>>) dst(%arg8 : memref<80xi32, #tpu.memory_space<vmem>>)
      tpu.yield
    }) : () -> ()
    %add3A_35 = arith.constant 240 : i32
    %add3A_36 = arith.addi %mul3A_2, %add3A_35 : i32
    %dma_start3A_37 = tpu.memref_slice %arg4[%add3A_36] : memref<320000xi32, #tpu.memory_space<hbm>> -> memref<80xi32, #tpu.memory_space<hbm>>
    %dma_start3A_38 = tpu.memref_slice %arg4[%add3A_36] : memref<320000xi32, #tpu.memory_space<hbm>> -> memref<80xi32, #tpu.memory_space<hbm>>
    tpu.enqueue_dma source(%dma_start3A_38 : memref<80xi32, #tpu.memory_space<hbm>>) target(%arg12 : memref<80xi32, #tpu.memory_space<vmem>>) target_semaphore(%arg29 : memref<!tpu.dma_semaphore, #tpu.memory_space<semaphore_mem>>)
    %dma_start3A_39 = arith.constant 0 : i32
    %dma_start3A_40 = arith.constant 0 : i32
    %dma_start3A_41 = tpu.memref_slice %arg2[%dma_start3A_39, %dma_start3A_40] : memref<10240x128xf32, #tpu.memory_space<hbm>> -> memref<10240x128xf32, #tpu.memory_space<hbm>>
    tpu.enqueue_indirect_dma source(%dma_start3A_41 : memref<10240x128xf32, #tpu.memory_space<hbm>>) target(%arg16 : memref<80x128xf32, #tpu.memory_space<vmem>>) offsets(%arg8 : memref<80xi32, #tpu.memory_space<vmem>>) semaphore(%arg21 : memref<!tpu.dma_semaphore, #tpu.memory_space<semaphore_mem>>)
    %add3A_42 = arith.constant 320 : i32
    %add3A_43 = arith.addi %mul3A_2, %add3A_42 : i32
    "tpu.region"() ({
      %run_scoped3A = tpu.sem_alloc : memref<!tpu.dma_semaphore, #tpu.memory_space<semaphore_mem>>
      %dma_start3A_264 = tpu.memref_slice %arg3[%add3A_43] : memref<320000xi32, #tpu.memory_space<hbm>> -> memref<80xi32, #tpu.memory_space<hbm>>
      %dma_start3A_265 = tpu.memref_slice %arg3[%add3A_43] : memref<320000xi32, #tpu.memory_space<hbm>> -> memref<80xi32, #tpu.memory_space<hbm>>
      tpu.enqueue_dma source(%dma_start3A_265 : memref<80xi32, #tpu.memory_space<hbm>>) target(%arg9 : memref<80xi32, #tpu.memory_space<vmem>>) target_semaphore(%run_scoped3A : memref<!tpu.dma_semaphore, #tpu.memory_space<semaphore_mem>>)
      %dma_wait3A_266 = tpu.memref_slice %arg3[%add3A_43] : memref<320000xi32, #tpu.memory_space<hbm>> -> memref<80xi32, #tpu.memory_space<hbm>>
      %dma_wait3A_267 = tpu.memref_slice %arg3[%add3A_43] : memref<320000xi32, #tpu.memory_space<hbm>> -> memref<80xi32, #tpu.memory_space<hbm>>
      tpu.wait_dma2 semaphore(%run_scoped3A : memref<!tpu.dma_semaphore, #tpu.memory_space<semaphore_mem>>) src(%dma_wait3A_267 : memref<80xi32, #tpu.memory_space<hbm>>) dst(%arg9 : memref<80xi32, #tpu.memory_space<vmem>>)
      tpu.yield
    }) : () -> ()
    %add3A_44 = arith.constant 320 : i32
    %add3A_45 = arith.addi %mul3A_2, %add3A_44 : i32
    %dma_start3A_46 = tpu.memref_slice %arg4[%add3A_45] : memref<320000xi32, #tpu.memory_space<hbm>> -> memref<80xi32, #tpu.memory_space<hbm>>
    %dma_start3A_47 = tpu.memref_slice %arg4[%add3A_45] : memref<320000xi32, #tpu.memory_space<hbm>> -> memref<80xi32, #tpu.memory_space<hbm>>
    tpu.enqueue_dma source(%dma_start3A_47 : memref<80xi32, #tpu.memory_space<hbm>>) target(%arg13 : memref<80xi32, #tpu.memory_space<vmem>>) target_semaphore(%arg30 : memref<!tpu.dma_semaphore, #tpu.memory_space<semaphore_mem>>)
    %dma_start3A_48 = arith.constant 0 : i32
    %dma_start3A_49 = arith.constant 0 : i32
    %dma_start3A_50 = tpu.memref_slice %arg2[%dma_start3A_48, %dma_start3A_49] : memref<10240x128xf32, #tpu.memory_space<hbm>> -> memref<10240x128xf32, #tpu.memory_space<hbm>>
    tpu.enqueue_indirect_dma source(%dma_start3A_50 : memref<10240x128xf32, #tpu.memory_space<hbm>>) target(%arg17 : memref<80x128xf32, #tpu.memory_space<vmem>>) offsets(%arg9 : memref<80xi32, #tpu.memory_space<vmem>>) semaphore(%arg22 : memref<!tpu.dma_semaphore, #tpu.memory_space<semaphore_mem>>)
    %min3A = arith.constant 5 : i32
    %min3A_51 = arith.constant 124 : i32
    %min3A_52 = arith.minsi %min3A, %min3A_51 : i32
    %mul3A_53 = arith.constant 80 : i32
    %mul3A_54 = arith.muli %min3A_52, %mul3A_53 : i32
    %add3A_55 = arith.addi %mul3A_2, %mul3A_54 : i32
    %dma_start3A_56 = tpu.memref_slice %arg3[%add3A_55] : memref<320000xi32, #tpu.memory_space<hbm>> -> memref<80xi32, #tpu.memory_space<hbm>>
    %dma_start3A_57 = tpu.memref_slice %arg3[%add3A_55] : memref<320000xi32, #tpu.memory_space<hbm>> -> memref<80xi32, #tpu.memory_space<hbm>>
    tpu.enqueue_dma source(%dma_start3A_57 : memref<80xi32, #tpu.memory_space<hbm>>) target(%arg10 : memref<80xi32, #tpu.memory_space<vmem>>) target_semaphore(%arg35 : memref<!tpu.dma_semaphore, #tpu.memory_space<semaphore_mem>>)
    %min3A_58 = arith.constant 6 : i32
    %min3A_59 = arith.constant 124 : i32
    %min3A_60 = arith.minsi %min3A_58, %min3A_59 : i32
    %mul3A_61 = arith.constant 80 : i32
    %mul3A_62 = arith.muli %min3A_60, %mul3A_61 : i32
    %add3A_63 = arith.addi %mul3A_2, %mul3A_62 : i32
    %dma_start3A_64 = tpu.memref_slice %arg3[%add3A_63] : memref<320000xi32, #tpu.memory_space<hbm>> -> memref<80xi32, #tpu.memory_space<hbm>>
    %dma_start3A_65 = tpu.memref_slice %arg3[%add3A_63] : memref<320000xi32, #tpu.memory_space<hbm>> -> memref<80xi32, #tpu.memory_space<hbm>>
    tpu.enqueue_dma source(%dma_start3A_65 : memref<80xi32, #tpu.memory_space<hbm>>) target(%arg11 : memref<80xi32, #tpu.memory_space<vmem>>) target_semaphore(%arg36 : memref<!tpu.dma_semaphore, #tpu.memory_space<semaphore_mem>>)
    %scan3A = arith.constant 0 : i32
    %scan3A_66 = arith.constant 0 : i32
    %scan3A_67 = arith.constant 30 : i32
    %scan3A_68 = arith.addi %scan3A_66, %scan3A_67 : i32
    %scan3A_69 = arith.constant 1 : i32
    %scan3A_70 = scf.for %scan3A_264 = %scan3A_66 to %scan3A_68 step %scan3A_69 iter_args(%scan3A_265 = %scan3A) -> (i32)  : i32 {
      %mul3A_266 = arith.constant 4 : i32
      %mul3A_267 = arith.muli %mul3A_266, %scan3A_264 : i32
      %add3A_268 = arith.constant 3 : i32
      %add3A_269 = arith.addi %mul3A_267, %add3A_268 : i32
      %dma_wait3A_270 = arith.constant 0 : i32
      %dma_wait3A_271 = arith.constant 0 : i32
      %dma_wait3A_272 = tpu.memref_slice %arg2[%dma_wait3A_270, %dma_wait3A_271] : memref<10240x128xf32, #tpu.memory_space<hbm>> -> memref<10240x128xf32, #tpu.memory_space<hbm>>
      tpu.wait_indirect_dma semaphore(%arg21 : memref<!tpu.dma_semaphore, #tpu.memory_space<semaphore_mem>>) src(%dma_wait3A_272 : memref<10240x128xf32, #tpu.memory_space<hbm>>) dst(%arg16 : memref<80x128xf32, #tpu.memory_space<vmem>>)
      %add3A_273 = arith.constant 4 : i32
      %add3A_274 = arith.addi %add3A_269, %add3A_273 : i32
      %min3A_275 = arith.constant 124 : i32
      %min3A_276 = arith.minsi %add3A_274, %min3A_275 : i32
      %mul3A_277 = arith.constant 80 : i32
      %mul3A_278 = arith.muli %min3A_276, %mul3A_277 : i32
      %add3A_279 = arith.addi %mul3A_2, %mul3A_278 : i32
      %dma_start3A_280 = tpu.memref_slice %arg3[%add3A_279] : memref<320000xi32, #tpu.memory_space<hbm>> -> memref<80xi32, #tpu.memory_space<hbm>>
      %dma_start3A_281 = tpu.memref_slice %arg3[%add3A_279] : memref<320000xi32, #tpu.memory_space<hbm>> -> memref<80xi32, #tpu.memory_space<hbm>>
      tpu.enqueue_dma source(%dma_start3A_281 : memref<80xi32, #tpu.memory_space<hbm>>) target(%arg8 : memref<80xi32, #tpu.memory_space<vmem>>) target_semaphore(%arg33 : memref<!tpu.dma_semaphore, #tpu.memory_space<semaphore_mem>>)
      %mul3A_282 = arith.constant 80 : i32
      %mul3A_283 = arith.muli %add3A_269, %mul3A_282 : i32
      %add3A_284 = arith.addi %mul3A_2, %mul3A_283 : i32
      %dma_wait3A_285 = tpu.memref_slice %arg4[%add3A_284] : memref<320000xi32, #tpu.memory_space<hbm>> -> memref<80xi32, #tpu.memory_space<hbm>>
      %dma_wait3A_286 = tpu.memref_slice %arg4[%add3A_284] : memref<320000xi32, #tpu.memory_space<hbm>> -> memref<80xi32, #tpu.memory_space<hbm>>
      tpu.wait_dma2 semaphore(%arg29 : memref<!tpu.dma_semaphore, #tpu.memory_space<semaphore_mem>>) src(%dma_wait3A_286 : memref<80xi32, #tpu.memory_space<hbm>>) dst(%arg12 : memref<80xi32, #tpu.memory_space<vmem>>)
      %dma_start3A_287 = arith.constant 0 : i32
      %dma_start3A_288 = arith.constant 0 : i32
      %dma_start3A_289 = tpu.memref_slice %arg20[%dma_start3A_287, %dma_start3A_288] : memref<5128x128xf32, #tpu.memory_space<vmem_shared>> -> memref<5128x128xf32, #tpu.memory_space<vmem_shared>>
      tpu.enqueue_indirect_dma source(%arg16 : memref<80x128xf32, #tpu.memory_space<vmem>>) target(%dma_start3A_289 : memref<5128x128xf32, #tpu.memory_space<vmem_shared>>) offsets(%arg12 : memref<80xi32, #tpu.memory_space<vmem>>) semaphore(%arg25 : memref<!tpu.dma_semaphore, #tpu.memory_space<semaphore_mem>>) {add = true}
      %dma_wait3A_290 = arith.constant 0 : i32
      %dma_wait3A_291 = arith.constant 0 : i32
      %dma_wait3A_292 = tpu.memref_slice %arg20[%dma_wait3A_290, %dma_wait3A_291] : memref<5128x128xf32, #tpu.memory_space<vmem_shared>> -> memref<5128x128xf32, #tpu.memory_space<vmem_shared>>
      tpu.wait_indirect_dma semaphore(%arg27 : memref<!tpu.dma_semaphore, #tpu.memory_space<semaphore_mem>>) src(%arg18 : memref<80x128xf32, #tpu.memory_space<vmem>>) dst(%dma_wait3A_292 : memref<5128x128xf32, #tpu.memory_space<vmem_shared>>)
      %add3A_293 = arith.constant 2 : i32
      %add3A_294 = arith.addi %add3A_269, %add3A_293 : i32
      %mul3A_295 = arith.constant 80 : i32
      %mul3A_296 = arith.muli %add3A_294, %mul3A_295 : i32
      %add3A_297 = arith.addi %mul3A_2, %mul3A_296 : i32
      %dma_start3A_298 = tpu.memref_slice %arg4[%add3A_297] : memref<320000xi32, #tpu.memory_space<hbm>> -> memref<80xi32, #tpu.memory_space<hbm>>
      %dma_start3A_299 = tpu.memref_slice %arg4[%add3A_297] : memref<320000xi32, #tpu.memory_space<hbm>> -> memref<80xi32, #tpu.memory_space<hbm>>
      tpu.enqueue_dma source(%dma_start3A_299 : memref<80xi32, #tpu.memory_space<hbm>>) target(%arg14 : memref<80xi32, #tpu.memory_space<vmem>>) target_semaphore(%arg31 : memref<!tpu.dma_semaphore, #tpu.memory_space<semaphore_mem>>)
      %add3A_300 = arith.constant 2 : i32
      %add3A_301 = arith.addi %add3A_269, %add3A_300 : i32
      %min3A_302 = arith.constant 124 : i32
      %min3A_303 = arith.minsi %add3A_301, %min3A_302 : i32
      %mul3A_304 = arith.constant 80 : i32
      %mul3A_305 = arith.muli %min3A_303, %mul3A_304 : i32
      %add3A_306 = arith.addi %mul3A_2, %mul3A_305 : i32
      %dma_wait3A_307 = tpu.memref_slice %arg3[%add3A_306] : memref<320000xi32, #tpu.memory_space<hbm>> -> memref<80xi32, #tpu.memory_space<hbm>>
      %dma_wait3A_308 = tpu.memref_slice %arg3[%add3A_306] : memref<320000xi32, #tpu.memory_space<hbm>> -> memref<80xi32, #tpu.memory_space<hbm>>
      tpu.wait_dma2 semaphore(%arg35 : memref<!tpu.dma_semaphore, #tpu.memory_space<semaphore_mem>>) src(%dma_wait3A_308 : memref<80xi32, #tpu.memory_space<hbm>>) dst(%arg10 : memref<80xi32, #tpu.memory_space<vmem>>)
      %dma_start3A_309 = arith.constant 0 : i32
      %dma_start3A_310 = arith.constant 0 : i32
      %dma_start3A_311 = tpu.memref_slice %arg2[%dma_start3A_309, %dma_start3A_310] : memref<10240x128xf32, #tpu.memory_space<hbm>> -> memref<10240x128xf32, #tpu.memory_space<hbm>>
      tpu.enqueue_indirect_dma source(%dma_start3A_311 : memref<10240x128xf32, #tpu.memory_space<hbm>>) target(%arg18 : memref<80x128xf32, #tpu.memory_space<vmem>>) offsets(%arg10 : memref<80xi32, #tpu.memory_space<vmem>>) semaphore(%arg23 : memref<!tpu.dma_semaphore, #tpu.memory_space<semaphore_mem>>)
      %dma_wait3A_312 = arith.constant 0 : i32
      %dma_wait3A_313 = arith.constant 0 : i32
      %dma_wait3A_314 = tpu.memref_slice %arg2[%dma_wait3A_312, %dma_wait3A_313] : memref<10240x128xf32, #tpu.memory_space<hbm>> -> memref<10240x128xf32, #tpu.memory_space<hbm>>
      tpu.wait_indirect_dma semaphore(%arg22 : memref<!tpu.dma_semaphore, #tpu.memory_space<semaphore_mem>>) src(%dma_wait3A_314 : memref<10240x128xf32, #tpu.memory_space<hbm>>) dst(%arg17 : memref<80x128xf32, #tpu.memory_space<vmem>>)
      %add3A_315 = arith.constant 5 : i32
      %add3A_316 = arith.addi %add3A_269, %add3A_315 : i32
      %min3A_317 = arith.constant 124 : i32
      %min3A_318 = arith.minsi %add3A_316, %min3A_317 : i32
      %mul3A_319 = arith.constant 80 : i32
      %mul3A_320 = arith.muli %min3A_318, %mul3A_319 : i32
      %add3A_321 = arith.addi %mul3A_2, %mul3A_320 : i32
      %dma_start3A_322 = tpu.memref_slice %arg3[%add3A_321] : memref<320000xi32, #tpu.memory_space<hbm>> -> memref<80xi32, #tpu.memory_space<hbm>>
      %dma_start3A_323 = tpu.memref_slice %arg3[%add3A_321] : memref<320000xi32, #tpu.memory_space<hbm>> -> memref<80xi32, #tpu.memory_space<hbm>>
      tpu.enqueue_dma source(%dma_start3A_323 : memref<80xi32, #tpu.memory_space<hbm>>) target(%arg9 : memref<80xi32, #tpu.memory_space<vmem>>) target_semaphore(%arg34 : memref<!tpu.dma_semaphore, #tpu.memory_space<semaphore_mem>>)
      %add3A_324 = arith.constant 1 : i32
      %add3A_325 = arith.addi %add3A_269, %add3A_324 : i32
      %mul3A_326 = arith.constant 80 : i32
      %mul3A_327 = arith.muli %add3A_325, %mul3A_326 : i32
      %add3A_328 = arith.addi %mul3A_2, %mul3A_327 : i32
      %dma_wait3A_329 = tpu.memref_slice %arg4[%add3A_328] : memref<320000xi32, #tpu.memory_space<hbm>> -> memref<80xi32, #tpu.memory_space<hbm>>
      %dma_wait3A_330 = tpu.memref_slice %arg4[%add3A_328] : memref<320000xi32, #tpu.memory_space<hbm>> -> memref<80xi32, #tpu.memory_space<hbm>>
      tpu.wait_dma2 semaphore(%arg30 : memref<!tpu.dma_semaphore, #tpu.memory_space<semaphore_mem>>) src(%dma_wait3A_330 : memref<80xi32, #tpu.memory_space<hbm>>) dst(%arg13 : memref<80xi32, #tpu.memory_space<vmem>>)
      %dma_start3A_331 = arith.constant 0 : i32
      %dma_start3A_332 = arith.constant 0 : i32
      %dma_start3A_333 = tpu.memref_slice %arg20[%dma_start3A_331, %dma_start3A_332] : memref<5128x128xf32, #tpu.memory_space<vmem_shared>> -> memref<5128x128xf32, #tpu.memory_space<vmem_shared>>
      tpu.enqueue_indirect_dma source(%arg17 : memref<80x128xf32, #tpu.memory_space<vmem>>) target(%dma_start3A_333 : memref<5128x128xf32, #tpu.memory_space<vmem_shared>>) offsets(%arg13 : memref<80xi32, #tpu.memory_space<vmem>>) semaphore(%arg26 : memref<!tpu.dma_semaphore, #tpu.memory_space<semaphore_mem>>) {add = true}
      %dma_wait3A_334 = arith.constant 0 : i32
      %dma_wait3A_335 = arith.constant 0 : i32
      %dma_wait3A_336 = tpu.memref_slice %arg20[%dma_wait3A_334, %dma_wait3A_335] : memref<5128x128xf32, #tpu.memory_space<vmem_shared>> -> memref<5128x128xf32, #tpu.memory_space<vmem_shared>>
      tpu.wait_indirect_dma semaphore(%arg28 : memref<!tpu.dma_semaphore, #tpu.memory_space<semaphore_mem>>) src(%arg19 : memref<80x128xf32, #tpu.memory_space<vmem>>) dst(%dma_wait3A_336 : memref<5128x128xf32, #tpu.memory_space<vmem_shared>>)
      %add3A_337 = arith.constant 3 : i32
      %add3A_338 = arith.addi %add3A_269, %add3A_337 : i32
      %mul3A_339 = arith.constant 80 : i32
      %mul3A_340 = arith.muli %add3A_338, %mul3A_339 : i32
      %add3A_341 = arith.addi %mul3A_2, %mul3A_340 : i32
      %dma_start3A_342 = tpu.memref_slice %arg4[%add3A_341] : memref<320000xi32, #tpu.memory_space<hbm>> -> memref<80xi32, #tpu.memory_space<hbm>>
      %dma_start3A_343 = tpu.memref_slice %arg4[%add3A_341] : memref<320000xi32, #tpu.memory_space<hbm>> -> memref<80xi32, #tpu.memory_space<hbm>>
      tpu.enqueue_dma source(%dma_start3A_343 : memref<80xi32, #tpu.memory_space<hbm>>) target(%arg15 : memref<80xi32, #tpu.memory_space<vmem>>) target_semaphore(%arg32 : memref<!tpu.dma_semaphore, #tpu.memory_space<semaphore_mem>>)
      %add3A_344 = arith.constant 3 : i32
      %add3A_345 = arith.addi %add3A_269, %add3A_344 : i32
      %min3A_346 = arith.constant 124 : i32
      %min3A_347 = arith.minsi %add3A_345, %min3A_346 : i32
      %mul3A_348 = arith.constant 80 : i32
      %mul3A_349 = arith.muli %min3A_347, %mul3A_348 : i32
      %add3A_350 = arith.addi %mul3A_2, %mul3A_349 : i32
      %dma_wait3A_351 = tpu.memref_slice %arg3[%add3A_350] : memref<320000xi32, #tpu.memory_space<hbm>> -> memref<80xi32, #tpu.memory_space<hbm>>
      %dma_wait3A_352 = tpu.memref_slice %arg3[%add3A_350] : memref<320000xi32, #tpu.memory_space<hbm>> -> memref<80xi32, #tpu.memory_space<hbm>>
      tpu.wait_dma2 semaphore(%arg36 : memref<!tpu.dma_semaphore, #tpu.memory_space<semaphore_mem>>) src(%dma_wait3A_352 : memref<80xi32, #tpu.memory_space<hbm>>) dst(%arg11 : memref<80xi32, #tpu.memory_space<vmem>>)
      %dma_start3A_353 = arith.constant 0 : i32
      %dma_start3A_354 = arith.constant 0 : i32
      %dma_start3A_355 = tpu.memref_slice %arg2[%dma_start3A_353, %dma_start3A_354] : memref<10240x128xf32, #tpu.memory_space<hbm>> -> memref<10240x128xf32, #tpu.memory_space<hbm>>
      tpu.enqueue_indirect_dma source(%dma_start3A_355 : memref<10240x128xf32, #tpu.memory_space<hbm>>) target(%arg19 : memref<80x128xf32, #tpu.memory_space<vmem>>) offsets(%arg11 : memref<80xi32, #tpu.memory_space<vmem>>) semaphore(%arg24 : memref<!tpu.dma_semaphore, #tpu.memory_space<semaphore_mem>>)
      %dma_wait3A_356 = arith.constant 0 : i32
      %dma_wait3A_357 = arith.constant 0 : i32
      %dma_wait3A_358 = tpu.memref_slice %arg2[%dma_wait3A_356, %dma_wait3A_357] : memref<10240x128xf32, #tpu.memory_space<hbm>> -> memref<10240x128xf32, #tpu.memory_space<hbm>>
      tpu.wait_indirect_dma semaphore(%arg23 : memref<!tpu.dma_semaphore, #tpu.memory_space<semaphore_mem>>) src(%dma_wait3A_358 : memref<10240x128xf32, #tpu.memory_space<hbm>>) dst(%arg18 : memref<80x128xf32, #tpu.memory_space<vmem>>)
      %add3A_359 = arith.constant 6 : i32
      %add3A_360 = arith.addi %add3A_269, %add3A_359 : i32
      %min3A_361 = arith.constant 124 : i32
      %min3A_362 = arith.minsi %add3A_360, %min3A_361 : i32
      %mul3A_363 = arith.constant 80 : i32
      %mul3A_364 = arith.muli %min3A_362, %mul3A_363 : i32
      %add3A_365 = arith.addi %mul3A_2, %mul3A_364 : i32
      %dma_start3A_366 = tpu.memref_slice %arg3[%add3A_365] : memref<320000xi32, #tpu.memory_space<hbm>> -> memref<80xi32, #tpu.memory_space<hbm>>
      %dma_start3A_367 = tpu.memref_slice %arg3[%add3A_365] : memref<320000xi32, #tpu.memory_space<hbm>> -> memref<80xi32, #tpu.memory_space<hbm>>
      tpu.enqueue_dma source(%dma_start3A_367 : memref<80xi32, #tpu.memory_space<hbm>>) target(%arg10 : memref<80xi32, #tpu.memory_space<vmem>>) target_semaphore(%arg35 : memref<!tpu.dma_semaphore, #tpu.memory_space<semaphore_mem>>)
      %add3A_368 = arith.constant 2 : i32
      %add3A_369 = arith.addi %add3A_269, %add3A_368 : i32
      %mul3A_370 = arith.constant 80 : i32
      %mul3A_371 = arith.muli %add3A_369, %mul3A_370 : i32
      %add3A_372 = arith.addi %mul3A_2, %mul3A_371 : i32
      %dma_wait3A_373 = tpu.memref_slice %arg4[%add3A_372] : memref<320000xi32, #tpu.memory_space<hbm>> -> memref<80xi32, #tpu.memory_space<hbm>>
      %dma_wait3A_374 = tpu.memref_slice %arg4[%add3A_372] : memref<320000xi32, #tpu.memory_space<hbm>> -> memref<80xi32, #tpu.memory_space<hbm>>
      tpu.wait_dma2 semaphore(%arg31 : memref<!tpu.dma_semaphore, #tpu.memory_space<semaphore_mem>>) src(%dma_wait3A_374 : memref<80xi32, #tpu.memory_space<hbm>>) dst(%arg14 : memref<80xi32, #tpu.memory_space<vmem>>)
      %dma_start3A_375 = arith.constant 0 : i32
      %dma_start3A_376 = arith.constant 0 : i32
      %dma_start3A_377 = tpu.memref_slice %arg20[%dma_start3A_375, %dma_start3A_376] : memref<5128x128xf32, #tpu.memory_space<vmem_shared>> -> memref<5128x128xf32, #tpu.memory_space<vmem_shared>>
      tpu.enqueue_indirect_dma source(%arg18 : memref<80x128xf32, #tpu.memory_space<vmem>>) target(%dma_start3A_377 : memref<5128x128xf32, #tpu.memory_space<vmem_shared>>) offsets(%arg14 : memref<80xi32, #tpu.memory_space<vmem>>) semaphore(%arg27 : memref<!tpu.dma_semaphore, #tpu.memory_space<semaphore_mem>>) {add = true}
      %dma_wait3A_378 = arith.constant 0 : i32
      %dma_wait3A_379 = arith.constant 0 : i32
      %dma_wait3A_380 = tpu.memref_slice %arg20[%dma_wait3A_378, %dma_wait3A_379] : memref<5128x128xf32, #tpu.memory_space<vmem_shared>> -> memref<5128x128xf32, #tpu.memory_space<vmem_shared>>
      tpu.wait_indirect_dma semaphore(%arg25 : memref<!tpu.dma_semaphore, #tpu.memory_space<semaphore_mem>>) src(%arg16 : memref<80x128xf32, #tpu.memory_space<vmem>>) dst(%dma_wait3A_380 : memref<5128x128xf32, #tpu.memory_space<vmem_shared>>)
      %add3A_381 = arith.constant 4 : i32
      %add3A_382 = arith.addi %add3A_269, %add3A_381 : i32
      %mul3A_383 = arith.constant 80 : i32
      %mul3A_384 = arith.muli %add3A_382, %mul3A_383 : i32
      %add3A_385 = arith.addi %mul3A_2, %mul3A_384 : i32
      %dma_start3A_386 = tpu.memref_slice %arg4[%add3A_385] : memref<320000xi32, #tpu.memory_space<hbm>> -> memref<80xi32, #tpu.memory_space<hbm>>
      %dma_start3A_387 = tpu.memref_slice %arg4[%add3A_385] : memref<320000xi32, #tpu.memory_space<hbm>> -> memref<80xi32, #tpu.memory_space<hbm>>
      tpu.enqueue_dma source(%dma_start3A_387 : memref<80xi32, #tpu.memory_space<hbm>>) target(%arg12 : memref<80xi32, #tpu.memory_space<vmem>>) target_semaphore(%arg29 : memref<!tpu.dma_semaphore, #tpu.memory_space<semaphore_mem>>)
      %add3A_388 = arith.constant 4 : i32
      %add3A_389 = arith.addi %add3A_269, %add3A_388 : i32
      %min3A_390 = arith.constant 124 : i32
      %min3A_391 = arith.minsi %add3A_389, %min3A_390 : i32
      %mul3A_392 = arith.constant 80 : i32
      %mul3A_393 = arith.muli %min3A_391, %mul3A_392 : i32
      %add3A_394 = arith.addi %mul3A_2, %mul3A_393 : i32
      %dma_wait3A_395 = tpu.memref_slice %arg3[%add3A_394] : memref<320000xi32, #tpu.memory_space<hbm>> -> memref<80xi32, #tpu.memory_space<hbm>>
      %dma_wait3A_396 = tpu.memref_slice %arg3[%add3A_394] : memref<320000xi32, #tpu.memory_space<hbm>> -> memref<80xi32, #tpu.memory_space<hbm>>
      tpu.wait_dma2 semaphore(%arg33 : memref<!tpu.dma_semaphore, #tpu.memory_space<semaphore_mem>>) src(%dma_wait3A_396 : memref<80xi32, #tpu.memory_space<hbm>>) dst(%arg8 : memref<80xi32, #tpu.memory_space<vmem>>)
      %dma_start3A_397 = arith.constant 0 : i32
      %dma_start3A_398 = arith.constant 0 : i32
      %dma_start3A_399 = tpu.memref_slice %arg2[%dma_start3A_397, %dma_start3A_398] : memref<10240x128xf32, #tpu.memory_space<hbm>> -> memref<10240x128xf32, #tpu.memory_space<hbm>>
      tpu.enqueue_indirect_dma source(%dma_start3A_399 : memref<10240x128xf32, #tpu.memory_space<hbm>>) target(%arg16 : memref<80x128xf32, #tpu.memory_space<vmem>>) offsets(%arg8 : memref<80xi32, #tpu.memory_space<vmem>>) semaphore(%arg21 : memref<!tpu.dma_semaphore, #tpu.memory_space<semaphore_mem>>)
      %dma_wait3A_400 = arith.constant 0 : i32
      %dma_wait3A_401 = arith.constant 0 : i32
      %dma_wait3A_402 = tpu.memref_slice %arg2[%dma_wait3A_400, %dma_wait3A_401] : memref<10240x128xf32, #tpu.memory_space<hbm>> -> memref<10240x128xf32, #tpu.memory_space<hbm>>
      tpu.wait_indirect_dma semaphore(%arg24 : memref<!tpu.dma_semaphore, #tpu.memory_space<semaphore_mem>>) src(%dma_wait3A_402 : memref<10240x128xf32, #tpu.memory_space<hbm>>) dst(%arg19 : memref<80x128xf32, #tpu.memory_space<vmem>>)
      %add3A_403 = arith.constant 7 : i32
      %add3A_404 = arith.addi %add3A_269, %add3A_403 : i32
      %min3A_405 = arith.constant 124 : i32
      %min3A_406 = arith.minsi %add3A_404, %min3A_405 : i32
      %mul3A_407 = arith.constant 80 : i32
      %mul3A_408 = arith.muli %min3A_406, %mul3A_407 : i32
      %add3A_409 = arith.addi %mul3A_2, %mul3A_408 : i32
      %dma_start3A_410 = tpu.memref_slice %arg3[%add3A_409] : memref<320000xi32, #tpu.memory_space<hbm>> -> memref<80xi32, #tpu.memory_space<hbm>>
      %dma_start3A_411 = tpu.memref_slice %arg3[%add3A_409] : memref<320000xi32, #tpu.memory_space<hbm>> -> memref<80xi32, #tpu.memory_space<hbm>>
      tpu.enqueue_dma source(%dma_start3A_411 : memref<80xi32, #tpu.memory_space<hbm>>) target(%arg11 : memref<80xi32, #tpu.memory_space<vmem>>) target_semaphore(%arg36 : memref<!tpu.dma_semaphore, #tpu.memory_space<semaphore_mem>>)
      %add3A_412 = arith.constant 3 : i32
      %add3A_413 = arith.addi %add3A_269, %add3A_412 : i32
      %mul3A_414 = arith.constant 80 : i32
      %mul3A_415 = arith.muli %add3A_413, %mul3A_414 : i32
      %add3A_416 = arith.addi %mul3A_2, %mul3A_415 : i32
      %dma_wait3A_417 = tpu.memref_slice %arg4[%add3A_416] : memref<320000xi32, #tpu.memory_space<hbm>> -> memref<80xi32, #tpu.memory_space<hbm>>
      %dma_wait3A_418 = tpu.memref_slice %arg4[%add3A_416] : memref<320000xi32, #tpu.memory_space<hbm>> -> memref<80xi32, #tpu.memory_space<hbm>>
      tpu.wait_dma2 semaphore(%arg32 : memref<!tpu.dma_semaphore, #tpu.memory_space<semaphore_mem>>) src(%dma_wait3A_418 : memref<80xi32, #tpu.memory_space<hbm>>) dst(%arg15 : memref<80xi32, #tpu.memory_space<vmem>>)
      %dma_start3A_419 = arith.constant 0 : i32
      %dma_start3A_420 = arith.constant 0 : i32
      %dma_start3A_421 = tpu.memref_slice %arg20[%dma_start3A_419, %dma_start3A_420] : memref<5128x128xf32, #tpu.memory_space<vmem_shared>> -> memref<5128x128xf32, #tpu.memory_space<vmem_shared>>
      tpu.enqueue_indirect_dma source(%arg19 : memref<80x128xf32, #tpu.memory_space<vmem>>) target(%dma_start3A_421 : memref<5128x128xf32, #tpu.memory_space<vmem_shared>>) offsets(%arg15 : memref<80xi32, #tpu.memory_space<vmem>>) semaphore(%arg28 : memref<!tpu.dma_semaphore, #tpu.memory_space<semaphore_mem>>) {add = true}
      %dma_wait3A_422 = arith.constant 0 : i32
      %dma_wait3A_423 = arith.constant 0 : i32
      %dma_wait3A_424 = tpu.memref_slice %arg20[%dma_wait3A_422, %dma_wait3A_423] : memref<5128x128xf32, #tpu.memory_space<vmem_shared>> -> memref<5128x128xf32, #tpu.memory_space<vmem_shared>>
      tpu.wait_indirect_dma semaphore(%arg26 : memref<!tpu.dma_semaphore, #tpu.memory_space<semaphore_mem>>) src(%arg17 : memref<80x128xf32, #tpu.memory_space<vmem>>) dst(%dma_wait3A_424 : memref<5128x128xf32, #tpu.memory_space<vmem_shared>>)
      %add3A_425 = arith.constant 5 : i32
      %add3A_426 = arith.addi %add3A_269, %add3A_425 : i32
      %mul3A_427 = arith.constant 80 : i32
      %mul3A_428 = arith.muli %add3A_426, %mul3A_427 : i32
      %add3A_429 = arith.addi %mul3A_2, %mul3A_428 : i32
      %dma_start3A_430 = tpu.memref_slice %arg4[%add3A_429] : memref<320000xi32, #tpu.memory_space<hbm>> -> memref<80xi32, #tpu.memory_space<hbm>>
      %dma_start3A_431 = tpu.memref_slice %arg4[%add3A_429] : memref<320000xi32, #tpu.memory_space<hbm>> -> memref<80xi32, #tpu.memory_space<hbm>>
      tpu.enqueue_dma source(%dma_start3A_431 : memref<80xi32, #tpu.memory_space<hbm>>) target(%arg13 : memref<80xi32, #tpu.memory_space<vmem>>) target_semaphore(%arg30 : memref<!tpu.dma_semaphore, #tpu.memory_space<semaphore_mem>>)
      %add3A_432 = arith.constant 5 : i32
      %add3A_433 = arith.addi %add3A_269, %add3A_432 : i32
      %min3A_434 = arith.constant 124 : i32
      %min3A_435 = arith.minsi %add3A_433, %min3A_434 : i32
      %mul3A_436 = arith.constant 80 : i32
      %mul3A_437 = arith.muli %min3A_435, %mul3A_436 : i32
      %add3A_438 = arith.addi %mul3A_2, %mul3A_437 : i32
      %dma_wait3A_439 = tpu.memref_slice %arg3[%add3A_438] : memref<320000xi32, #tpu.memory_space<hbm>> -> memref<80xi32, #tpu.memory_space<hbm>>
      %dma_wait3A_440 = tpu.memref_slice %arg3[%add3A_438] : memref<320000xi32, #tpu.memory_space<hbm>> -> memref<80xi32, #tpu.memory_space<hbm>>
      tpu.wait_dma2 semaphore(%arg34 : memref<!tpu.dma_semaphore, #tpu.memory_space<semaphore_mem>>) src(%dma_wait3A_440 : memref<80xi32, #tpu.memory_space<hbm>>) dst(%arg9 : memref<80xi32, #tpu.memory_space<vmem>>)
      %dma_start3A_441 = arith.constant 0 : i32
      %dma_start3A_442 = arith.constant 0 : i32
      %dma_start3A_443 = tpu.memref_slice %arg2[%dma_start3A_441, %dma_start3A_442] : memref<10240x128xf32, #tpu.memory_space<hbm>> -> memref<10240x128xf32, #tpu.memory_space<hbm>>
      tpu.enqueue_indirect_dma source(%dma_start3A_443 : memref<10240x128xf32, #tpu.memory_space<hbm>>) target(%arg17 : memref<80x128xf32, #tpu.memory_space<vmem>>) offsets(%arg9 : memref<80xi32, #tpu.memory_space<vmem>>) semaphore(%arg22 : memref<!tpu.dma_semaphore, #tpu.memory_space<semaphore_mem>>)
      %scan3A_444 = arith.constant 0 : i32
      scf.yield %scan3A_444 : i32
    }
    %scan3A_71 = arith.constant 30 : i32
    %dma_wait3A_72 = arith.constant 0 : i32
    %dma_wait3A_73 = arith.constant 0 : i32
    %dma_wait3A_74 = tpu.memref_slice %arg2[%dma_wait3A_72, %dma_wait3A_73] : memref<10240x128xf32, #tpu.memory_space<hbm>> -> memref<10240x128xf32, #tpu.memory_space<hbm>>
    tpu.wait_indirect_dma semaphore(%arg21 : memref<!tpu.dma_semaphore, #tpu.memory_space<semaphore_mem>>) src(%dma_wait3A_74 : memref<10240x128xf32, #tpu.memory_space<hbm>>) dst(%arg16 : memref<80x128xf32, #tpu.memory_space<vmem>>)
    %add3A_75 = arith.constant 9840 : i32
    %add3A_76 = arith.addi %mul3A_2, %add3A_75 : i32
    %dma_wait3A_77 = tpu.memref_slice %arg4[%add3A_76] : memref<320000xi32, #tpu.memory_space<hbm>> -> memref<80xi32, #tpu.memory_space<hbm>>
    %dma_wait3A_78 = tpu.memref_slice %arg4[%add3A_76] : memref<320000xi32, #tpu.memory_space<hbm>> -> memref<80xi32, #tpu.memory_space<hbm>>
    tpu.wait_dma2 semaphore(%arg29 : memref<!tpu.dma_semaphore, #tpu.memory_space<semaphore_mem>>) src(%dma_wait3A_78 : memref<80xi32, #tpu.memory_space<hbm>>) dst(%arg12 : memref<80xi32, #tpu.memory_space<vmem>>)
    %dma_start3A_79 = arith.constant 0 : i32
    %dma_start3A_80 = arith.constant 0 : i32
    %dma_start3A_81 = tpu.memref_slice %arg20[%dma_start3A_79, %dma_start3A_80] : memref<5128x128xf32, #tpu.memory_space<vmem_shared>> -> memref<5128x128xf32, #tpu.memory_space<vmem_shared>>
    tpu.enqueue_indirect_dma source(%arg16 : memref<80x128xf32, #tpu.memory_space<vmem>>) target(%dma_start3A_81 : memref<5128x128xf32, #tpu.memory_space<vmem_shared>>) offsets(%arg12 : memref<80xi32, #tpu.memory_space<vmem>>) semaphore(%arg25 : memref<!tpu.dma_semaphore, #tpu.memory_space<semaphore_mem>>) {add = true}
    %dma_wait3A_82 = arith.constant 0 : i32
    %dma_wait3A_83 = arith.constant 0 : i32
    %dma_wait3A_84 = tpu.memref_slice %arg20[%dma_wait3A_82, %dma_wait3A_83] : memref<5128x128xf32, #tpu.memory_space<vmem_shared>> -> memref<5128x128xf32, #tpu.memory_space<vmem_shared>>
    tpu.wait_indirect_dma semaphore(%arg27 : memref<!tpu.dma_semaphore, #tpu.memory_space<semaphore_mem>>) src(%arg18 : memref<80x128xf32, #tpu.memory_space<vmem>>) dst(%dma_wait3A_84 : memref<5128x128xf32, #tpu.memory_space<vmem_shared>>)
    %dma_wait3A_85 = arith.constant 0 : i32
    %dma_wait3A_86 = arith.constant 0 : i32
    %dma_wait3A_87 = tpu.memref_slice %arg2[%dma_wait3A_85, %dma_wait3A_86] : memref<10240x128xf32, #tpu.memory_space<hbm>> -> memref<10240x128xf32, #tpu.memory_space<hbm>>
    tpu.wait_indirect_dma semaphore(%arg22 : memref<!tpu.dma_semaphore, #tpu.memory_space<semaphore_mem>>) src(%dma_wait3A_87 : memref<10240x128xf32, #tpu.memory_space<hbm>>) dst(%arg17 : memref<80x128xf32, #tpu.memory_space<vmem>>)
    %add3A_88 = arith.constant 9920 : i32
    %add3A_89 = arith.addi %mul3A_2, %add3A_88 : i32
    %dma_wait3A_90 = tpu.memref_slice %arg4[%add3A_89] : memref<320000xi32, #tpu.memory_space<hbm>> -> memref<80xi32, #tpu.memory_space<hbm>>
    %dma_wait3A_91 = tpu.memref_slice %arg4[%add3A_89] : memref<320000xi32, #tpu.memory_space<hbm>> -> memref<80xi32, #tpu.memory_space<hbm>>
    tpu.wait_dma2 semaphore(%arg30 : memref<!tpu.dma_semaphore, #tpu.memory_space<semaphore_mem>>) src(%dma_wait3A_91 : memref<80xi32, #tpu.memory_space<hbm>>) dst(%arg13 : memref<80xi32, #tpu.memory_space<vmem>>)
    %dma_start3A_92 = arith.constant 0 : i32
    %dma_start3A_93 = arith.constant 0 : i32
    %dma_start3A_94 = tpu.memref_slice %arg20[%dma_start3A_92, %dma_start3A_93] : memref<5128x128xf32, #tpu.memory_space<vmem_shared>> -> memref<5128x128xf32, #tpu.memory_space<vmem_shared>>
    tpu.enqueue_indirect_dma source(%arg17 : memref<80x128xf32, #tpu.memory_space<vmem>>) target(%dma_start3A_94 : memref<5128x128xf32, #tpu.memory_space<vmem_shared>>) offsets(%arg13 : memref<80xi32, #tpu.memory_space<vmem>>) semaphore(%arg26 : memref<!tpu.dma_semaphore, #tpu.memory_space<semaphore_mem>>) {add = true}
    %dma_wait3A_95 = arith.constant 0 : i32
    %dma_wait3A_96 = arith.constant 0 : i32
    %dma_wait3A_97 = tpu.memref_slice %arg20[%dma_wait3A_95, %dma_wait3A_96] : memref<5128x128xf32, #tpu.memory_space<vmem_shared>> -> memref<5128x128xf32, #tpu.memory_space<vmem_shared>>
    tpu.wait_indirect_dma semaphore(%arg28 : memref<!tpu.dma_semaphore, #tpu.memory_space<semaphore_mem>>) src(%arg19 : memref<80x128xf32, #tpu.memory_space<vmem>>) dst(%dma_wait3A_97 : memref<5128x128xf32, #tpu.memory_space<vmem_shared>>)
    %dma_wait3A_98 = arith.constant 0 : i32
    %dma_wait3A_99 = arith.constant 0 : i32
    %dma_wait3A_100 = tpu.memref_slice %arg20[%dma_wait3A_98, %dma_wait3A_99] : memref<5128x128xf32, #tpu.memory_space<vmem_shared>> -> memref<5128x128xf32, #tpu.memory_space<vmem_shared>>
    tpu.wait_indirect_dma semaphore(%arg25 : memref<!tpu.dma_semaphore, #tpu.memory_space<semaphore_mem>>) src(%arg16 : memref<80x128xf32, #tpu.memory_space<vmem>>) dst(%dma_wait3A_100 : memref<5128x128xf32, #tpu.memory_space<vmem_shared>>)
    %dma_wait3A_101 = arith.constant 0 : i32
    %dma_wait3A_102 = arith.constant 0 : i32
    %dma_wait3A_103 = tpu.memref_slice %arg20[%dma_wait3A_101, %dma_wait3A_102] : memref<5128x128xf32, #tpu.memory_space<vmem_shared>> -> memref<5128x128xf32, #tpu.memory_space<vmem_shared>>
    tpu.wait_indirect_dma semaphore(%arg26 : memref<!tpu.dma_semaphore, #tpu.memory_space<semaphore_mem>>) src(%arg17 : memref<80x128xf32, #tpu.memory_space<vmem>>) dst(%dma_wait3A_103 : memref<5128x128xf32, #tpu.memory_space<vmem_shared>>)
    %min3A_104 = arith.constant 125 : i32
    %min3A_105 = arith.constant 124 : i32
    %min3A_106 = arith.minsi %min3A_104, %min3A_105 : i32
    %mul3A_107 = arith.constant 80 : i32
    %mul3A_108 = arith.muli %min3A_106, %mul3A_107 : i32
    %add3A_109 = arith.addi %mul3A_2, %mul3A_108 : i32
    %dma_wait3A_110 = tpu.memref_slice %arg3[%add3A_109] : memref<320000xi32, #tpu.memory_space<hbm>> -> memref<80xi32, #tpu.memory_space<hbm>>
    %dma_wait3A_111 = tpu.memref_slice %arg3[%add3A_109] : memref<320000xi32, #tpu.memory_space<hbm>> -> memref<80xi32, #tpu.memory_space<hbm>>
    tpu.wait_dma2 semaphore(%arg35 : memref<!tpu.dma_semaphore, #tpu.memory_space<semaphore_mem>>) src(%dma_wait3A_111 : memref<80xi32, #tpu.memory_space<hbm>>) dst(%arg10 : memref<80xi32, #tpu.memory_space<vmem>>)
    %min3A_112 = arith.constant 125 : i32
    %min3A_113 = arith.constant 124 : i32
    %min3A_114 = arith.minsi %min3A_112, %min3A_113 : i32
    %mul3A_115 = arith.constant 80 : i32
    %mul3A_116 = arith.muli %min3A_114, %mul3A_115 : i32
    %add3A_117 = arith.addi %mul3A_2, %mul3A_116 : i32
    %dma_wait3A_118 = tpu.memref_slice %arg3[%add3A_117] : memref<320000xi32, #tpu.memory_space<hbm>> -> memref<80xi32, #tpu.memory_space<hbm>>
    %dma_wait3A_119 = tpu.memref_slice %arg3[%add3A_117] : memref<320000xi32, #tpu.memory_space<hbm>> -> memref<80xi32, #tpu.memory_space<hbm>>
    tpu.wait_dma2 semaphore(%arg36 : memref<!tpu.dma_semaphore, #tpu.memory_space<semaphore_mem>>) src(%dma_wait3A_119 : memref<80xi32, #tpu.memory_space<hbm>>) dst(%arg11 : memref<80xi32, #tpu.memory_space<vmem>>)
    %barrier3A_120 = arith.constant 0 : index
    tpu.barrier barrier_id(%barrier3A_120)
    %mul3A_121 = arith.constant 320 : i32
    %mul3A_122 = arith.muli %arg1, %mul3A_121 : i32
    %mul3A_123 = arith.constant 10240 : i32
    %mul3A_124 = arith.muli %arg0, %mul3A_123 : i32
    %add3A_125 = arith.constant 0 : i32
    %add3A_126 = arith.addi %mul3A_124, %add3A_125 : i32
    %mul3A_127 = arith.constant 320 : i32
    %mul3A_128 = arith.muli %arg1, %mul3A_127 : i32
    %add3A_129 = arith.addi %add3A_126, %mul3A_128 : i32
    "tpu.region"() ({
      %run_scoped3A = tpu.sem_alloc : memref<!tpu.dma_semaphore, #tpu.memory_space<semaphore_mem>>
      %dma_start3A_264 = arith.constant 0 : i32
      %dma_start3A_265 = tpu.memref_slice %arg7[%add3A_129, %dma_start3A_264] : memref<20480x128xf32, #tpu.memory_space<hbm>> -> memref<320x128xf32, #tpu.memory_space<hbm>>
      %dma_start3A_266 = arith.constant 0 : i32
      %dma_start3A_267 = tpu.memref_slice %arg20[%mul3A_122, %dma_start3A_266] : memref<5128x128xf32, #tpu.memory_space<vmem_shared>> -> memref<320x128xf32, #tpu.memory_space<vmem_shared>>
      tpu.enqueue_dma source(%dma_start3A_267 : memref<320x128xf32, #tpu.memory_space<vmem_shared>>) target(%dma_start3A_265 : memref<320x128xf32, #tpu.memory_space<hbm>>) target_semaphore(%run_scoped3A : memref<!tpu.dma_semaphore, #tpu.memory_space<semaphore_mem>>)
      %dma_wait3A_268 = arith.constant 0 : i32
      %dma_wait3A_269 = tpu.memref_slice %arg7[%add3A_129, %dma_wait3A_268] : memref<20480x128xf32, #tpu.memory_space<hbm>> -> memref<320x128xf32, #tpu.memory_space<hbm>>
      %dma_wait3A_270 = arith.constant 0 : i32
      %dma_wait3A_271 = tpu.memref_slice %arg20[%mul3A_122, %dma_wait3A_270] : memref<5128x128xf32, #tpu.memory_space<vmem_shared>> -> memref<320x128xf32, #tpu.memory_space<vmem_shared>>
      tpu.wait_dma2 semaphore(%run_scoped3A : memref<!tpu.dma_semaphore, #tpu.memory_space<semaphore_mem>>) src(%dma_wait3A_271 : memref<320x128xf32, #tpu.memory_space<vmem_shared>>) dst(%dma_wait3A_269 : memref<320x128xf32, #tpu.memory_space<hbm>>)
      tpu.yield
    }) : () -> ()
    %barrier3A_130 = arith.constant 0 : index
    tpu.barrier barrier_id(%barrier3A_130)
    %mul3A_131 = arith.constant 320 : i32
    %mul3A_132 = arith.muli %arg1, %mul3A_131 : i32
    "tpu.region"() ({
      %run_scoped3A = tpu.sem_alloc : memref<!tpu.dma_semaphore, #tpu.memory_space<semaphore_mem>>
      %dma_start3A_264 = arith.constant 0 : i32
      %dma_start3A_265 = tpu.memref_slice %arg20[%mul3A_132, %dma_start3A_264] : memref<5128x128xf32, #tpu.memory_space<vmem_shared>> -> memref<320x128xf32, #tpu.memory_space<vmem_shared>>
      tpu.enqueue_dma source(%arg6 : memref<320x128xf32, #tpu.memory_space<hbm>>) target(%dma_start3A_265 : memref<320x128xf32, #tpu.memory_space<vmem_shared>>) target_semaphore(%run_scoped3A : memref<!tpu.dma_semaphore, #tpu.memory_space<semaphore_mem>>)
      %dma_wait3A_266 = arith.constant 0 : i32
      %dma_wait3A_267 = tpu.memref_slice %arg20[%mul3A_132, %dma_wait3A_266] : memref<5128x128xf32, #tpu.memory_space<vmem_shared>> -> memref<320x128xf32, #tpu.memory_space<vmem_shared>>
      tpu.wait_dma2 semaphore(%run_scoped3A : memref<!tpu.dma_semaphore, #tpu.memory_space<semaphore_mem>>) src(%arg6 : memref<320x128xf32, #tpu.memory_space<hbm>>) dst(%dma_wait3A_267 : memref<320x128xf32, #tpu.memory_space<vmem_shared>>)
      tpu.yield
    }) : () -> ()
    %barrier3A_133 = arith.constant 0 : index
    tpu.barrier barrier_id(%barrier3A_133)
    %add3A_134 = arith.constant 0 : i32
    %add3A_135 = arith.addi %mul3A_2, %add3A_134 : i32
    "tpu.region"() ({
      %run_scoped3A = tpu.sem_alloc : memref<!tpu.dma_semaphore, #tpu.memory_space<semaphore_mem>>
      %dma_start3A_264 = tpu.memref_slice %arg3[%add3A_135] : memref<320000xi32, #tpu.memory_space<hbm>> -> memref<80xi32, #tpu.memory_space<hbm>>
      %dma_start3A_265 = tpu.memref_slice %arg3[%add3A_135] : memref<320000xi32, #tpu.memory_space<hbm>> -> memref<80xi32, #tpu.memory_space<hbm>>
      tpu.enqueue_dma source(%dma_start3A_265 : memref<80xi32, #tpu.memory_space<hbm>>) target(%arg8 : memref<80xi32, #tpu.memory_space<vmem>>) target_semaphore(%run_scoped3A : memref<!tpu.dma_semaphore, #tpu.memory_space<semaphore_mem>>)
      %dma_wait3A_266 = tpu.memref_slice %arg3[%add3A_135] : memref<320000xi32, #tpu.memory_space<hbm>> -> memref<80xi32, #tpu.memory_space<hbm>>
      %dma_wait3A_267 = tpu.memref_slice %arg3[%add3A_135] : memref<320000xi32, #tpu.memory_space<hbm>> -> memref<80xi32, #tpu.memory_space<hbm>>
      tpu.wait_dma2 semaphore(%run_scoped3A : memref<!tpu.dma_semaphore, #tpu.memory_space<semaphore_mem>>) src(%dma_wait3A_267 : memref<80xi32, #tpu.memory_space<hbm>>) dst(%arg8 : memref<80xi32, #tpu.memory_space<vmem>>)
      tpu.yield
    }) : () -> ()
    "tpu.region"() ({
      %run_scoped3A = tpu.sem_alloc : memref<!tpu.dma_semaphore, #tpu.memory_space<semaphore_mem>>
      %dma_start3A_264 = tpu.memref_slice %arg5[%add3A_135] : memref<320000xi32, #tpu.memory_space<hbm>> -> memref<80xi32, #tpu.memory_space<hbm>>
      %dma_start3A_265 = tpu.memref_slice %arg5[%add3A_135] : memref<320000xi32, #tpu.memory_space<hbm>> -> memref<80xi32, #tpu.memory_space<hbm>>
      tpu.enqueue_dma source(%dma_start3A_265 : memref<80xi32, #tpu.memory_space<hbm>>) target(%arg12 : memref<80xi32, #tpu.memory_space<vmem>>) target_semaphore(%run_scoped3A : memref<!tpu.dma_semaphore, #tpu.memory_space<semaphore_mem>>)
      %dma_wait3A_266 = tpu.memref_slice %arg5[%add3A_135] : memref<320000xi32, #tpu.memory_space<hbm>> -> memref<80xi32, #tpu.memory_space<hbm>>
      %dma_wait3A_267 = tpu.memref_slice %arg5[%add3A_135] : memref<320000xi32, #tpu.memory_space<hbm>> -> memref<80xi32, #tpu.memory_space<hbm>>
      tpu.wait_dma2 semaphore(%run_scoped3A : memref<!tpu.dma_semaphore, #tpu.memory_space<semaphore_mem>>) src(%dma_wait3A_267 : memref<80xi32, #tpu.memory_space<hbm>>) dst(%arg12 : memref<80xi32, #tpu.memory_space<vmem>>)
      tpu.yield
    }) : () -> ()
    %dma_start3A_136 = arith.constant 0 : i32
    %dma_start3A_137 = arith.constant 0 : i32
    %dma_start3A_138 = tpu.memref_slice %arg2[%dma_start3A_136, %dma_start3A_137] : memref<10240x128xf32, #tpu.memory_space<hbm>> -> memref<10240x128xf32, #tpu.memory_space<hbm>>
    tpu.enqueue_indirect_dma source(%dma_start3A_138 : memref<10240x128xf32, #tpu.memory_space<hbm>>) target(%arg16 : memref<80x128xf32, #tpu.memory_space<vmem>>) offsets(%arg8 : memref<80xi32, #tpu.memory_space<vmem>>) semaphore(%arg21 : memref<!tpu.dma_semaphore, #tpu.memory_space<semaphore_mem>>)
    %dma_wait3A_139 = arith.constant 0 : i32
    %dma_wait3A_140 = arith.constant 0 : i32
    %dma_wait3A_141 = tpu.memref_slice %arg2[%dma_wait3A_139, %dma_wait3A_140] : memref<10240x128xf32, #tpu.memory_space<hbm>> -> memref<10240x128xf32, #tpu.memory_space<hbm>>
    tpu.wait_indirect_dma semaphore(%arg21 : memref<!tpu.dma_semaphore, #tpu.memory_space<semaphore_mem>>) src(%dma_wait3A_141 : memref<10240x128xf32, #tpu.memory_space<hbm>>) dst(%arg16 : memref<80x128xf32, #tpu.memory_space<vmem>>)
    "tpu.region"() ({
      %run_scoped3A = tpu.sem_alloc : memref<!tpu.dma_semaphore, #tpu.memory_space<semaphore_mem>>
      %dma_start3A_264 = arith.constant 0 : i32
      %dma_start3A_265 = arith.constant 0 : i32
      %dma_start3A_266 = tpu.memref_slice %arg20[%dma_start3A_264, %dma_start3A_265] : memref<5128x128xf32, #tpu.memory_space<vmem_shared>> -> memref<5128x128xf32, #tpu.memory_space<vmem_shared>>
      tpu.enqueue_indirect_dma source(%arg16 : memref<80x128xf32, #tpu.memory_space<vmem>>) target(%dma_start3A_266 : memref<5128x128xf32, #tpu.memory_space<vmem_shared>>) offsets(%arg12 : memref<80xi32, #tpu.memory_space<vmem>>) semaphore(%run_scoped3A : memref<!tpu.dma_semaphore, #tpu.memory_space<semaphore_mem>>) {add = true}
      %dma_wait3A_267 = arith.constant 0 : i32
      %dma_wait3A_268 = arith.constant 0 : i32
      %dma_wait3A_269 = tpu.memref_slice %arg20[%dma_wait3A_267, %dma_wait3A_268] : memref<5128x128xf32, #tpu.memory_space<vmem_shared>> -> memref<5128x128xf32, #tpu.memory_space<vmem_shared>>
      tpu.wait_indirect_dma semaphore(%run_scoped3A : memref<!tpu.dma_semaphore, #tpu.memory_space<semaphore_mem>>) src(%arg16 : memref<80x128xf32, #tpu.memory_space<vmem>>) dst(%dma_wait3A_269 : memref<5128x128xf32, #tpu.memory_space<vmem_shared>>)
      tpu.yield
    }) : () -> ()
    %add3A_142 = arith.constant 80 : i32
    %add3A_143 = arith.addi %mul3A_2, %add3A_142 : i32
    "tpu.region"() ({
      %run_scoped3A = tpu.sem_alloc : memref<!tpu.dma_semaphore, #tpu.memory_space<semaphore_mem>>
      %dma_start3A_264 = tpu.memref_slice %arg3[%add3A_143] : memref<320000xi32, #tpu.memory_space<hbm>> -> memref<80xi32, #tpu.memory_space<hbm>>
      %dma_start3A_265 = tpu.memref_slice %arg3[%add3A_143] : memref<320000xi32, #tpu.memory_space<hbm>> -> memref<80xi32, #tpu.memory_space<hbm>>
      tpu.enqueue_dma source(%dma_start3A_265 : memref<80xi32, #tpu.memory_space<hbm>>) target(%arg10 : memref<80xi32, #tpu.memory_space<vmem>>) target_semaphore(%run_scoped3A : memref<!tpu.dma_semaphore, #tpu.memory_space<semaphore_mem>>)
      %dma_wait3A_266 = tpu.memref_slice %arg3[%add3A_143] : memref<320000xi32, #tpu.memory_space<hbm>> -> memref<80xi32, #tpu.memory_space<hbm>>
      %dma_wait3A_267 = tpu.memref_slice %arg3[%add3A_143] : memref<320000xi32, #tpu.memory_space<hbm>> -> memref<80xi32, #tpu.memory_space<hbm>>
      tpu.wait_dma2 semaphore(%run_scoped3A : memref<!tpu.dma_semaphore, #tpu.memory_space<semaphore_mem>>) src(%dma_wait3A_267 : memref<80xi32, #tpu.memory_space<hbm>>) dst(%arg10 : memref<80xi32, #tpu.memory_space<vmem>>)
      tpu.yield
    }) : () -> ()
    "tpu.region"() ({
      %run_scoped3A = tpu.sem_alloc : memref<!tpu.dma_semaphore, #tpu.memory_space<semaphore_mem>>
      %dma_start3A_264 = tpu.memref_slice %arg5[%add3A_143] : memref<320000xi32, #tpu.memory_space<hbm>> -> memref<80xi32, #tpu.memory_space<hbm>>
      %dma_start3A_265 = tpu.memref_slice %arg5[%add3A_143] : memref<320000xi32, #tpu.memory_space<hbm>> -> memref<80xi32, #tpu.memory_space<hbm>>
      tpu.enqueue_dma source(%dma_start3A_265 : memref<80xi32, #tpu.memory_space<hbm>>) target(%arg14 : memref<80xi32, #tpu.memory_space<vmem>>) target_semaphore(%run_scoped3A : memref<!tpu.dma_semaphore, #tpu.memory_space<semaphore_mem>>)
      %dma_wait3A_266 = tpu.memref_slice %arg5[%add3A_143] : memref<320000xi32, #tpu.memory_space<hbm>> -> memref<80xi32, #tpu.memory_space<hbm>>
      %dma_wait3A_267 = tpu.memref_slice %arg5[%add3A_143] : memref<320000xi32, #tpu.memory_space<hbm>> -> memref<80xi32, #tpu.memory_space<hbm>>
      tpu.wait_dma2 semaphore(%run_scoped3A : memref<!tpu.dma_semaphore, #tpu.memory_space<semaphore_mem>>) src(%dma_wait3A_267 : memref<80xi32, #tpu.memory_space<hbm>>) dst(%arg14 : memref<80xi32, #tpu.memory_space<vmem>>)
      tpu.yield
    }) : () -> ()
    %dma_start3A_144 = arith.constant 0 : i32
    %dma_start3A_145 = arith.constant 0 : i32
    %dma_start3A_146 = tpu.memref_slice %arg2[%dma_start3A_144, %dma_start3A_145] : memref<10240x128xf32, #tpu.memory_space<hbm>> -> memref<10240x128xf32, #tpu.memory_space<hbm>>
    tpu.enqueue_indirect_dma source(%dma_start3A_146 : memref<10240x128xf32, #tpu.memory_space<hbm>>) target(%arg18 : memref<80x128xf32, #tpu.memory_space<vmem>>) offsets(%arg10 : memref<80xi32, #tpu.memory_space<vmem>>) semaphore(%arg23 : memref<!tpu.dma_semaphore, #tpu.memory_space<semaphore_mem>>)
    %add3A_147 = arith.constant 160 : i32
    %add3A_148 = arith.addi %mul3A_2, %add3A_147 : i32
    "tpu.region"() ({
      %run_scoped3A = tpu.sem_alloc : memref<!tpu.dma_semaphore, #tpu.memory_space<semaphore_mem>>
      %dma_start3A_264 = tpu.memref_slice %arg3[%add3A_148] : memref<320000xi32, #tpu.memory_space<hbm>> -> memref<80xi32, #tpu.memory_space<hbm>>
      %dma_start3A_265 = tpu.memref_slice %arg3[%add3A_148] : memref<320000xi32, #tpu.memory_space<hbm>> -> memref<80xi32, #tpu.memory_space<hbm>>
      tpu.enqueue_dma source(%dma_start3A_265 : memref<80xi32, #tpu.memory_space<hbm>>) target(%arg11 : memref<80xi32, #tpu.memory_space<vmem>>) target_semaphore(%run_scoped3A : memref<!tpu.dma_semaphore, #tpu.memory_space<semaphore_mem>>)
      %dma_wait3A_266 = tpu.memref_slice %arg3[%add3A_148] : memref<320000xi32, #tpu.memory_space<hbm>> -> memref<80xi32, #tpu.memory_space<hbm>>
      %dma_wait3A_267 = tpu.memref_slice %arg3[%add3A_148] : memref<320000xi32, #tpu.memory_space<hbm>> -> memref<80xi32, #tpu.memory_space<hbm>>
      tpu.wait_dma2 semaphore(%run_scoped3A : memref<!tpu.dma_semaphore, #tpu.memory_space<semaphore_mem>>) src(%dma_wait3A_267 : memref<80xi32, #tpu.memory_space<hbm>>) dst(%arg11 : memref<80xi32, #tpu.memory_space<vmem>>)
      tpu.yield
    }) : () -> ()
    "tpu.region"() ({
      %run_scoped3A = tpu.sem_alloc : memref<!tpu.dma_semaphore, #tpu.memory_space<semaphore_mem>>
      %dma_start3A_264 = tpu.memref_slice %arg5[%add3A_148] : memref<320000xi32, #tpu.memory_space<hbm>> -> memref<80xi32, #tpu.memory_space<hbm>>
      %dma_start3A_265 = tpu.memref_slice %arg5[%add3A_148] : memref<320000xi32, #tpu.memory_space<hbm>> -> memref<80xi32, #tpu.memory_space<hbm>>
      tpu.enqueue_dma source(%dma_start3A_265 : memref<80xi32, #tpu.memory_space<hbm>>) target(%arg15 : memref<80xi32, #tpu.memory_space<vmem>>) target_semaphore(%run_scoped3A : memref<!tpu.dma_semaphore, #tpu.memory_space<semaphore_mem>>)
      %dma_wait3A_266 = tpu.memref_slice %arg5[%add3A_148] : memref<320000xi32, #tpu.memory_space<hbm>> -> memref<80xi32, #tpu.memory_space<hbm>>
      %dma_wait3A_267 = tpu.memref_slice %arg5[%add3A_148] : memref<320000xi32, #tpu.memory_space<hbm>> -> memref<80xi32, #tpu.memory_space<hbm>>
      tpu.wait_dma2 semaphore(%run_scoped3A : memref<!tpu.dma_semaphore, #tpu.memory_space<semaphore_mem>>) src(%dma_wait3A_267 : memref<80xi32, #tpu.memory_space<hbm>>) dst(%arg15 : memref<80xi32, #tpu.memory_space<vmem>>)
      tpu.yield
    }) : () -> ()
    %dma_start3A_149 = arith.constant 0 : i32
    %dma_start3A_150 = arith.constant 0 : i32
    %dma_start3A_151 = tpu.memref_slice %arg2[%dma_start3A_149, %dma_start3A_150] : memref<10240x128xf32, #tpu.memory_space<hbm>> -> memref<10240x128xf32, #tpu.memory_space<hbm>>
    tpu.enqueue_indirect_dma source(%dma_start3A_151 : memref<10240x128xf32, #tpu.memory_space<hbm>>) target(%arg19 : memref<80x128xf32, #tpu.memory_space<vmem>>) offsets(%arg11 : memref<80xi32, #tpu.memory_space<vmem>>) semaphore(%arg24 : memref<!tpu.dma_semaphore, #tpu.memory_space<semaphore_mem>>)
    %dma_wait3A_152 = arith.constant 0 : i32
    %dma_wait3A_153 = arith.constant 0 : i32
    %dma_wait3A_154 = tpu.memref_slice %arg2[%dma_wait3A_152, %dma_wait3A_153] : memref<10240x128xf32, #tpu.memory_space<hbm>> -> memref<10240x128xf32, #tpu.memory_space<hbm>>
    tpu.wait_indirect_dma semaphore(%arg23 : memref<!tpu.dma_semaphore, #tpu.memory_space<semaphore_mem>>) src(%dma_wait3A_154 : memref<10240x128xf32, #tpu.memory_space<hbm>>) dst(%arg18 : memref<80x128xf32, #tpu.memory_space<vmem>>)
    %dma_start3A_155 = arith.constant 0 : i32
    %dma_start3A_156 = arith.constant 0 : i32
    %dma_start3A_157 = tpu.memref_slice %arg20[%dma_start3A_155, %dma_start3A_156] : memref<5128x128xf32, #tpu.memory_space<vmem_shared>> -> memref<5128x128xf32, #tpu.memory_space<vmem_shared>>
    tpu.enqueue_indirect_dma source(%arg18 : memref<80x128xf32, #tpu.memory_space<vmem>>) target(%dma_start3A_157 : memref<5128x128xf32, #tpu.memory_space<vmem_shared>>) offsets(%arg14 : memref<80xi32, #tpu.memory_space<vmem>>) semaphore(%arg27 : memref<!tpu.dma_semaphore, #tpu.memory_space<semaphore_mem>>) {add = true}
    %dma_wait3A_158 = arith.constant 0 : i32
    %dma_wait3A_159 = arith.constant 0 : i32
    %dma_wait3A_160 = tpu.memref_slice %arg2[%dma_wait3A_158, %dma_wait3A_159] : memref<10240x128xf32, #tpu.memory_space<hbm>> -> memref<10240x128xf32, #tpu.memory_space<hbm>>
    tpu.wait_indirect_dma semaphore(%arg24 : memref<!tpu.dma_semaphore, #tpu.memory_space<semaphore_mem>>) src(%dma_wait3A_160 : memref<10240x128xf32, #tpu.memory_space<hbm>>) dst(%arg19 : memref<80x128xf32, #tpu.memory_space<vmem>>)
    %dma_start3A_161 = arith.constant 0 : i32
    %dma_start3A_162 = arith.constant 0 : i32
    %dma_start3A_163 = tpu.memref_slice %arg20[%dma_start3A_161, %dma_start3A_162] : memref<5128x128xf32, #tpu.memory_space<vmem_shared>> -> memref<5128x128xf32, #tpu.memory_space<vmem_shared>>
    tpu.enqueue_indirect_dma source(%arg19 : memref<80x128xf32, #tpu.memory_space<vmem>>) target(%dma_start3A_163 : memref<5128x128xf32, #tpu.memory_space<vmem_shared>>) offsets(%arg15 : memref<80xi32, #tpu.memory_space<vmem>>) semaphore(%arg28 : memref<!tpu.dma_semaphore, #tpu.memory_space<semaphore_mem>>) {add = true}
    %add3A_164 = arith.constant 240 : i32
    %add3A_165 = arith.addi %mul3A_2, %add3A_164 : i32
    "tpu.region"() ({
      %run_scoped3A = tpu.sem_alloc : memref<!tpu.dma_semaphore, #tpu.memory_space<semaphore_mem>>
      %dma_start3A_264 = tpu.memref_slice %arg3[%add3A_165] : memref<320000xi32, #tpu.memory_space<hbm>> -> memref<80xi32, #tpu.memory_space<hbm>>
      %dma_start3A_265 = tpu.memref_slice %arg3[%add3A_165] : memref<320000xi32, #tpu.memory_space<hbm>> -> memref<80xi32, #tpu.memory_space<hbm>>
      tpu.enqueue_dma source(%dma_start3A_265 : memref<80xi32, #tpu.memory_space<hbm>>) target(%arg8 : memref<80xi32, #tpu.memory_space<vmem>>) target_semaphore(%run_scoped3A : memref<!tpu.dma_semaphore, #tpu.memory_space<semaphore_mem>>)
      %dma_wait3A_266 = tpu.memref_slice %arg3[%add3A_165] : memref<320000xi32, #tpu.memory_space<hbm>> -> memref<80xi32, #tpu.memory_space<hbm>>
      %dma_wait3A_267 = tpu.memref_slice %arg3[%add3A_165] : memref<320000xi32, #tpu.memory_space<hbm>> -> memref<80xi32, #tpu.memory_space<hbm>>
      tpu.wait_dma2 semaphore(%run_scoped3A : memref<!tpu.dma_semaphore, #tpu.memory_space<semaphore_mem>>) src(%dma_wait3A_267 : memref<80xi32, #tpu.memory_space<hbm>>) dst(%arg8 : memref<80xi32, #tpu.memory_space<vmem>>)
      tpu.yield
    }) : () -> ()
    %add3A_166 = arith.constant 240 : i32
    %add3A_167 = arith.addi %mul3A_2, %add3A_166 : i32
    %dma_start3A_168 = tpu.memref_slice %arg5[%add3A_167] : memref<320000xi32, #tpu.memory_space<hbm>> -> memref<80xi32, #tpu.memory_space<hbm>>
    %dma_start3A_169 = tpu.memref_slice %arg5[%add3A_167] : memref<320000xi32, #tpu.memory_space<hbm>> -> memref<80xi32, #tpu.memory_space<hbm>>
    tpu.enqueue_dma source(%dma_start3A_169 : memref<80xi32, #tpu.memory_space<hbm>>) target(%arg12 : memref<80xi32, #tpu.memory_space<vmem>>) target_semaphore(%arg29 : memref<!tpu.dma_semaphore, #tpu.memory_space<semaphore_mem>>)
    %dma_start3A_170 = arith.constant 0 : i32
    %dma_start3A_171 = arith.constant 0 : i32
    %dma_start3A_172 = tpu.memref_slice %arg2[%dma_start3A_170, %dma_start3A_171] : memref<10240x128xf32, #tpu.memory_space<hbm>> -> memref<10240x128xf32, #tpu.memory_space<hbm>>
    tpu.enqueue_indirect_dma source(%dma_start3A_172 : memref<10240x128xf32, #tpu.memory_space<hbm>>) target(%arg16 : memref<80x128xf32, #tpu.memory_space<vmem>>) offsets(%arg8 : memref<80xi32, #tpu.memory_space<vmem>>) semaphore(%arg21 : memref<!tpu.dma_semaphore, #tpu.memory_space<semaphore_mem>>)
    %add3A_173 = arith.constant 320 : i32
    %add3A_174 = arith.addi %mul3A_2, %add3A_173 : i32
    "tpu.region"() ({
      %run_scoped3A = tpu.sem_alloc : memref<!tpu.dma_semaphore, #tpu.memory_space<semaphore_mem>>
      %dma_start3A_264 = tpu.memref_slice %arg3[%add3A_174] : memref<320000xi32, #tpu.memory_space<hbm>> -> memref<80xi32, #tpu.memory_space<hbm>>
      %dma_start3A_265 = tpu.memref_slice %arg3[%add3A_174] : memref<320000xi32, #tpu.memory_space<hbm>> -> memref<80xi32, #tpu.memory_space<hbm>>
      tpu.enqueue_dma source(%dma_start3A_265 : memref<80xi32, #tpu.memory_space<hbm>>) target(%arg9 : memref<80xi32, #tpu.memory_space<vmem>>) target_semaphore(%run_scoped3A : memref<!tpu.dma_semaphore, #tpu.memory_space<semaphore_mem>>)
      %dma_wait3A_266 = tpu.memref_slice %arg3[%add3A_174] : memref<320000xi32, #tpu.memory_space<hbm>> -> memref<80xi32, #tpu.memory_space<hbm>>
      %dma_wait3A_267 = tpu.memref_slice %arg3[%add3A_174] : memref<320000xi32, #tpu.memory_space<hbm>> -> memref<80xi32, #tpu.memory_space<hbm>>
      tpu.wait_dma2 semaphore(%run_scoped3A : memref<!tpu.dma_semaphore, #tpu.memory_space<semaphore_mem>>) src(%dma_wait3A_267 : memref<80xi32, #tpu.memory_space<hbm>>) dst(%arg9 : memref<80xi32, #tpu.memory_space<vmem>>)
      tpu.yield
    }) : () -> ()
    %add3A_175 = arith.constant 320 : i32
    %add3A_176 = arith.addi %mul3A_2, %add3A_175 : i32
    %dma_start3A_177 = tpu.memref_slice %arg5[%add3A_176] : memref<320000xi32, #tpu.memory_space<hbm>> -> memref<80xi32, #tpu.memory_space<hbm>>
    %dma_start3A_178 = tpu.memref_slice %arg5[%add3A_176] : memref<320000xi32, #tpu.memory_space<hbm>> -> memref<80xi32, #tpu.memory_space<hbm>>
    tpu.enqueue_dma source(%dma_start3A_178 : memref<80xi32, #tpu.memory_space<hbm>>) target(%arg13 : memref<80xi32, #tpu.memory_space<vmem>>) target_semaphore(%arg30 : memref<!tpu.dma_semaphore, #tpu.memory_space<semaphore_mem>>)
    %dma_start3A_179 = arith.constant 0 : i32
    %dma_start3A_180 = arith.constant 0 : i32
    %dma_start3A_181 = tpu.memref_slice %arg2[%dma_start3A_179, %dma_start3A_180] : memref<10240x128xf32, #tpu.memory_space<hbm>> -> memref<10240x128xf32, #tpu.memory_space<hbm>>
    tpu.enqueue_indirect_dma source(%dma_start3A_181 : memref<10240x128xf32, #tpu.memory_space<hbm>>) target(%arg17 : memref<80x128xf32, #tpu.memory_space<vmem>>) offsets(%arg9 : memref<80xi32, #tpu.memory_space<vmem>>) semaphore(%arg22 : memref<!tpu.dma_semaphore, #tpu.memory_space<semaphore_mem>>)
    %min3A_182 = arith.constant 5 : i32
    %min3A_183 = arith.constant 124 : i32
    %min3A_184 = arith.minsi %min3A_182, %min3A_183 : i32
    %mul3A_185 = arith.constant 80 : i32
    %mul3A_186 = arith.muli %min3A_184, %mul3A_185 : i32
    %add3A_187 = arith.addi %mul3A_2, %mul3A_186 : i32
    %dma_start3A_188 = tpu.memref_slice %arg3[%add3A_187] : memref<320000xi32, #tpu.memory_space<hbm>> -> memref<80xi32, #tpu.memory_space<hbm>>
    %dma_start3A_189 = tpu.memref_slice %arg3[%add3A_187] : memref<320000xi32, #tpu.memory_space<hbm>> -> memref<80xi32, #tpu.memory_space<hbm>>
    tpu.enqueue_dma source(%dma_start3A_189 : memref<80xi32, #tpu.memory_space<hbm>>) target(%arg10 : memref<80xi32, #tpu.memory_space<vmem>>) target_semaphore(%arg35 : memref<!tpu.dma_semaphore, #tpu.memory_space<semaphore_mem>>)
    %min3A_190 = arith.constant 6 : i32
    %min3A_191 = arith.constant 124 : i32
    %min3A_192 = arith.minsi %min3A_190, %min3A_191 : i32
    %mul3A_193 = arith.constant 80 : i32
    %mul3A_194 = arith.muli %min3A_192, %mul3A_193 : i32
    %add3A_195 = arith.addi %mul3A_2, %mul3A_194 : i32
    %dma_start3A_196 = tpu.memref_slice %arg3[%add3A_195] : memref<320000xi32, #tpu.memory_space<hbm>> -> memref<80xi32, #tpu.memory_space<hbm>>
    %dma_start3A_197 = tpu.memref_slice %arg3[%add3A_195] : memref<320000xi32, #tpu.memory_space<hbm>> -> memref<80xi32, #tpu.memory_space<hbm>>
    tpu.enqueue_dma source(%dma_start3A_197 : memref<80xi32, #tpu.memory_space<hbm>>) target(%arg11 : memref<80xi32, #tpu.memory_space<vmem>>) target_semaphore(%arg36 : memref<!tpu.dma_semaphore, #tpu.memory_space<semaphore_mem>>)
    %scan3A_198 = arith.constant 0 : i32
    %scan3A_199 = arith.constant 0 : i32
    %scan3A_200 = arith.constant 30 : i32
    %scan3A_201 = arith.addi %scan3A_199, %scan3A_200 : i32
    %scan3A_202 = arith.constant 1 : i32
    %scan3A_203 = scf.for %scan3A_264 = %scan3A_199 to %scan3A_201 step %scan3A_202 iter_args(%scan3A_265 = %scan3A_198) -> (i32)  : i32 {
      %mul3A_266 = arith.constant 4 : i32
      %mul3A_267 = arith.muli %mul3A_266, %scan3A_264 : i32
      %add3A_268 = arith.constant 3 : i32
      %add3A_269 = arith.addi %mul3A_267, %add3A_268 : i32
      %dma_wait3A_270 = arith.constant 0 : i32
      %dma_wait3A_271 = arith.constant 0 : i32
      %dma_wait3A_272 = tpu.memref_slice %arg2[%dma_wait3A_270, %dma_wait3A_271] : memref<10240x128xf32, #tpu.memory_space<hbm>> -> memref<10240x128xf32, #tpu.memory_space<hbm>>
      tpu.wait_indirect_dma semaphore(%arg21 : memref<!tpu.dma_semaphore, #tpu.memory_space<semaphore_mem>>) src(%dma_wait3A_272 : memref<10240x128xf32, #tpu.memory_space<hbm>>) dst(%arg16 : memref<80x128xf32, #tpu.memory_space<vmem>>)
      %add3A_273 = arith.constant 4 : i32
      %add3A_274 = arith.addi %add3A_269, %add3A_273 : i32
      %min3A_275 = arith.constant 124 : i32
      %min3A_276 = arith.minsi %add3A_274, %min3A_275 : i32
      %mul3A_277 = arith.constant 80 : i32
      %mul3A_278 = arith.muli %min3A_276, %mul3A_277 : i32
      %add3A_279 = arith.addi %mul3A_2, %mul3A_278 : i32
      %dma_start3A_280 = tpu.memref_slice %arg3[%add3A_279] : memref<320000xi32, #tpu.memory_space<hbm>> -> memref<80xi32, #tpu.memory_space<hbm>>
      %dma_start3A_281 = tpu.memref_slice %arg3[%add3A_279] : memref<320000xi32, #tpu.memory_space<hbm>> -> memref<80xi32, #tpu.memory_space<hbm>>
      tpu.enqueue_dma source(%dma_start3A_281 : memref<80xi32, #tpu.memory_space<hbm>>) target(%arg8 : memref<80xi32, #tpu.memory_space<vmem>>) target_semaphore(%arg33 : memref<!tpu.dma_semaphore, #tpu.memory_space<semaphore_mem>>)
      %mul3A_282 = arith.constant 80 : i32
      %mul3A_283 = arith.muli %add3A_269, %mul3A_282 : i32
      %add3A_284 = arith.addi %mul3A_2, %mul3A_283 : i32
      %dma_wait3A_285 = tpu.memref_slice %arg5[%add3A_284] : memref<320000xi32, #tpu.memory_space<hbm>> -> memref<80xi32, #tpu.memory_space<hbm>>
      %dma_wait3A_286 = tpu.memref_slice %arg5[%add3A_284] : memref<320000xi32, #tpu.memory_space<hbm>> -> memref<80xi32, #tpu.memory_space<hbm>>
      tpu.wait_dma2 semaphore(%arg29 : memref<!tpu.dma_semaphore, #tpu.memory_space<semaphore_mem>>) src(%dma_wait3A_286 : memref<80xi32, #tpu.memory_space<hbm>>) dst(%arg12 : memref<80xi32, #tpu.memory_space<vmem>>)
      %dma_start3A_287 = arith.constant 0 : i32
      %dma_start3A_288 = arith.constant 0 : i32
      %dma_start3A_289 = tpu.memref_slice %arg20[%dma_start3A_287, %dma_start3A_288] : memref<5128x128xf32, #tpu.memory_space<vmem_shared>> -> memref<5128x128xf32, #tpu.memory_space<vmem_shared>>
      tpu.enqueue_indirect_dma source(%arg16 : memref<80x128xf32, #tpu.memory_space<vmem>>) target(%dma_start3A_289 : memref<5128x128xf32, #tpu.memory_space<vmem_shared>>) offsets(%arg12 : memref<80xi32, #tpu.memory_space<vmem>>) semaphore(%arg25 : memref<!tpu.dma_semaphore, #tpu.memory_space<semaphore_mem>>) {add = true}
      %dma_wait3A_290 = arith.constant 0 : i32
      %dma_wait3A_291 = arith.constant 0 : i32
      %dma_wait3A_292 = tpu.memref_slice %arg20[%dma_wait3A_290, %dma_wait3A_291] : memref<5128x128xf32, #tpu.memory_space<vmem_shared>> -> memref<5128x128xf32, #tpu.memory_space<vmem_shared>>
      tpu.wait_indirect_dma semaphore(%arg27 : memref<!tpu.dma_semaphore, #tpu.memory_space<semaphore_mem>>) src(%arg18 : memref<80x128xf32, #tpu.memory_space<vmem>>) dst(%dma_wait3A_292 : memref<5128x128xf32, #tpu.memory_space<vmem_shared>>)
      %add3A_293 = arith.constant 2 : i32
      %add3A_294 = arith.addi %add3A_269, %add3A_293 : i32
      %mul3A_295 = arith.constant 80 : i32
      %mul3A_296 = arith.muli %add3A_294, %mul3A_295 : i32
      %add3A_297 = arith.addi %mul3A_2, %mul3A_296 : i32
      %dma_start3A_298 = tpu.memref_slice %arg5[%add3A_297] : memref<320000xi32, #tpu.memory_space<hbm>> -> memref<80xi32, #tpu.memory_space<hbm>>
      %dma_start3A_299 = tpu.memref_slice %arg5[%add3A_297] : memref<320000xi32, #tpu.memory_space<hbm>> -> memref<80xi32, #tpu.memory_space<hbm>>
      tpu.enqueue_dma source(%dma_start3A_299 : memref<80xi32, #tpu.memory_space<hbm>>) target(%arg14 : memref<80xi32, #tpu.memory_space<vmem>>) target_semaphore(%arg31 : memref<!tpu.dma_semaphore, #tpu.memory_space<semaphore_mem>>)
      %add3A_300 = arith.constant 2 : i32
      %add3A_301 = arith.addi %add3A_269, %add3A_300 : i32
      %min3A_302 = arith.constant 124 : i32
      %min3A_303 = arith.minsi %add3A_301, %min3A_302 : i32
      %mul3A_304 = arith.constant 80 : i32
      %mul3A_305 = arith.muli %min3A_303, %mul3A_304 : i32
      %add3A_306 = arith.addi %mul3A_2, %mul3A_305 : i32
      %dma_wait3A_307 = tpu.memref_slice %arg3[%add3A_306] : memref<320000xi32, #tpu.memory_space<hbm>> -> memref<80xi32, #tpu.memory_space<hbm>>
      %dma_wait3A_308 = tpu.memref_slice %arg3[%add3A_306] : memref<320000xi32, #tpu.memory_space<hbm>> -> memref<80xi32, #tpu.memory_space<hbm>>
      tpu.wait_dma2 semaphore(%arg35 : memref<!tpu.dma_semaphore, #tpu.memory_space<semaphore_mem>>) src(%dma_wait3A_308 : memref<80xi32, #tpu.memory_space<hbm>>) dst(%arg10 : memref<80xi32, #tpu.memory_space<vmem>>)
      %dma_start3A_309 = arith.constant 0 : i32
      %dma_start3A_310 = arith.constant 0 : i32
      %dma_start3A_311 = tpu.memref_slice %arg2[%dma_start3A_309, %dma_start3A_310] : memref<10240x128xf32, #tpu.memory_space<hbm>> -> memref<10240x128xf32, #tpu.memory_space<hbm>>
      tpu.enqueue_indirect_dma source(%dma_start3A_311 : memref<10240x128xf32, #tpu.memory_space<hbm>>) target(%arg18 : memref<80x128xf32, #tpu.memory_space<vmem>>) offsets(%arg10 : memref<80xi32, #tpu.memory_space<vmem>>) semaphore(%arg23 : memref<!tpu.dma_semaphore, #tpu.memory_space<semaphore_mem>>)
      %dma_wait3A_312 = arith.constant 0 : i32
      %dma_wait3A_313 = arith.constant 0 : i32
      %dma_wait3A_314 = tpu.memref_slice %arg2[%dma_wait3A_312, %dma_wait3A_313] : memref<10240x128xf32, #tpu.memory_space<hbm>> -> memref<10240x128xf32, #tpu.memory_space<hbm>>
      tpu.wait_indirect_dma semaphore(%arg22 : memref<!tpu.dma_semaphore, #tpu.memory_space<semaphore_mem>>) src(%dma_wait3A_314 : memref<10240x128xf32, #tpu.memory_space<hbm>>) dst(%arg17 : memref<80x128xf32, #tpu.memory_space<vmem>>)
      %add3A_315 = arith.constant 5 : i32
      %add3A_316 = arith.addi %add3A_269, %add3A_315 : i32
      %min3A_317 = arith.constant 124 : i32
      %min3A_318 = arith.minsi %add3A_316, %min3A_317 : i32
      %mul3A_319 = arith.constant 80 : i32
      %mul3A_320 = arith.muli %min3A_318, %mul3A_319 : i32
      %add3A_321 = arith.addi %mul3A_2, %mul3A_320 : i32
      %dma_start3A_322 = tpu.memref_slice %arg3[%add3A_321] : memref<320000xi32, #tpu.memory_space<hbm>> -> memref<80xi32, #tpu.memory_space<hbm>>
      %dma_start3A_323 = tpu.memref_slice %arg3[%add3A_321] : memref<320000xi32, #tpu.memory_space<hbm>> -> memref<80xi32, #tpu.memory_space<hbm>>
      tpu.enqueue_dma source(%dma_start3A_323 : memref<80xi32, #tpu.memory_space<hbm>>) target(%arg9 : memref<80xi32, #tpu.memory_space<vmem>>) target_semaphore(%arg34 : memref<!tpu.dma_semaphore, #tpu.memory_space<semaphore_mem>>)
      %add3A_324 = arith.constant 1 : i32
      %add3A_325 = arith.addi %add3A_269, %add3A_324 : i32
      %mul3A_326 = arith.constant 80 : i32
      %mul3A_327 = arith.muli %add3A_325, %mul3A_326 : i32
      %add3A_328 = arith.addi %mul3A_2, %mul3A_327 : i32
      %dma_wait3A_329 = tpu.memref_slice %arg5[%add3A_328] : memref<320000xi32, #tpu.memory_space<hbm>> -> memref<80xi32, #tpu.memory_space<hbm>>
      %dma_wait3A_330 = tpu.memref_slice %arg5[%add3A_328] : memref<320000xi32, #tpu.memory_space<hbm>> -> memref<80xi32, #tpu.memory_space<hbm>>
      tpu.wait_dma2 semaphore(%arg30 : memref<!tpu.dma_semaphore, #tpu.memory_space<semaphore_mem>>) src(%dma_wait3A_330 : memref<80xi32, #tpu.memory_space<hbm>>) dst(%arg13 : memref<80xi32, #tpu.memory_space<vmem>>)
      %dma_start3A_331 = arith.constant 0 : i32
      %dma_start3A_332 = arith.constant 0 : i32
      %dma_start3A_333 = tpu.memref_slice %arg20[%dma_start3A_331, %dma_start3A_332] : memref<5128x128xf32, #tpu.memory_space<vmem_shared>> -> memref<5128x128xf32, #tpu.memory_space<vmem_shared>>
      tpu.enqueue_indirect_dma source(%arg17 : memref<80x128xf32, #tpu.memory_space<vmem>>) target(%dma_start3A_333 : memref<5128x128xf32, #tpu.memory_space<vmem_shared>>) offsets(%arg13 : memref<80xi32, #tpu.memory_space<vmem>>) semaphore(%arg26 : memref<!tpu.dma_semaphore, #tpu.memory_space<semaphore_mem>>) {add = true}
      %dma_wait3A_334 = arith.constant 0 : i32
      %dma_wait3A_335 = arith.constant 0 : i32
      %dma_wait3A_336 = tpu.memref_slice %arg20[%dma_wait3A_334, %dma_wait3A_335] : memref<5128x128xf32, #tpu.memory_space<vmem_shared>> -> memref<5128x128xf32, #tpu.memory_space<vmem_shared>>
      tpu.wait_indirect_dma semaphore(%arg28 : memref<!tpu.dma_semaphore, #tpu.memory_space<semaphore_mem>>) src(%arg19 : memref<80x128xf32, #tpu.memory_space<vmem>>) dst(%dma_wait3A_336 : memref<5128x128xf32, #tpu.memory_space<vmem_shared>>)
      %add3A_337 = arith.constant 3 : i32
      %add3A_338 = arith.addi %add3A_269, %add3A_337 : i32
      %mul3A_339 = arith.constant 80 : i32
      %mul3A_340 = arith.muli %add3A_338, %mul3A_339 : i32
      %add3A_341 = arith.addi %mul3A_2, %mul3A_340 : i32
      %dma_start3A_342 = tpu.memref_slice %arg5[%add3A_341] : memref<320000xi32, #tpu.memory_space<hbm>> -> memref<80xi32, #tpu.memory_space<hbm>>
      %dma_start3A_343 = tpu.memref_slice %arg5[%add3A_341] : memref<320000xi32, #tpu.memory_space<hbm>> -> memref<80xi32, #tpu.memory_space<hbm>>
      tpu.enqueue_dma source(%dma_start3A_343 : memref<80xi32, #tpu.memory_space<hbm>>) target(%arg15 : memref<80xi32, #tpu.memory_space<vmem>>) target_semaphore(%arg32 : memref<!tpu.dma_semaphore, #tpu.memory_space<semaphore_mem>>)
      %add3A_344 = arith.constant 3 : i32
      %add3A_345 = arith.addi %add3A_269, %add3A_344 : i32
      %min3A_346 = arith.constant 124 : i32
      %min3A_347 = arith.minsi %add3A_345, %min3A_346 : i32
      %mul3A_348 = arith.constant 80 : i32
      %mul3A_349 = arith.muli %min3A_347, %mul3A_348 : i32
      %add3A_350 = arith.addi %mul3A_2, %mul3A_349 : i32
      %dma_wait3A_351 = tpu.memref_slice %arg3[%add3A_350] : memref<320000xi32, #tpu.memory_space<hbm>> -> memref<80xi32, #tpu.memory_space<hbm>>
      %dma_wait3A_352 = tpu.memref_slice %arg3[%add3A_350] : memref<320000xi32, #tpu.memory_space<hbm>> -> memref<80xi32, #tpu.memory_space<hbm>>
      tpu.wait_dma2 semaphore(%arg36 : memref<!tpu.dma_semaphore, #tpu.memory_space<semaphore_mem>>) src(%dma_wait3A_352 : memref<80xi32, #tpu.memory_space<hbm>>) dst(%arg11 : memref<80xi32, #tpu.memory_space<vmem>>)
      %dma_start3A_353 = arith.constant 0 : i32
      %dma_start3A_354 = arith.constant 0 : i32
      %dma_start3A_355 = tpu.memref_slice %arg2[%dma_start3A_353, %dma_start3A_354] : memref<10240x128xf32, #tpu.memory_space<hbm>> -> memref<10240x128xf32, #tpu.memory_space<hbm>>
      tpu.enqueue_indirect_dma source(%dma_start3A_355 : memref<10240x128xf32, #tpu.memory_space<hbm>>) target(%arg19 : memref<80x128xf32, #tpu.memory_space<vmem>>) offsets(%arg11 : memref<80xi32, #tpu.memory_space<vmem>>) semaphore(%arg24 : memref<!tpu.dma_semaphore, #tpu.memory_space<semaphore_mem>>)
      %dma_wait3A_356 = arith.constant 0 : i32
      %dma_wait3A_357 = arith.constant 0 : i32
      %dma_wait3A_358 = tpu.memref_slice %arg2[%dma_wait3A_356, %dma_wait3A_357] : memref<10240x128xf32, #tpu.memory_space<hbm>> -> memref<10240x128xf32, #tpu.memory_space<hbm>>
      tpu.wait_indirect_dma semaphore(%arg23 : memref<!tpu.dma_semaphore, #tpu.memory_space<semaphore_mem>>) src(%dma_wait3A_358 : memref<10240x128xf32, #tpu.memory_space<hbm>>) dst(%arg18 : memref<80x128xf32, #tpu.memory_space<vmem>>)
      %add3A_359 = arith.constant 6 : i32
      %add3A_360 = arith.addi %add3A_269, %add3A_359 : i32
      %min3A_361 = arith.constant 124 : i32
      %min3A_362 = arith.minsi %add3A_360, %min3A_361 : i32
      %mul3A_363 = arith.constant 80 : i32
      %mul3A_364 = arith.muli %min3A_362, %mul3A_363 : i32
      %add3A_365 = arith.addi %mul3A_2, %mul3A_364 : i32
      %dma_start3A_366 = tpu.memref_slice %arg3[%add3A_365] : memref<320000xi32, #tpu.memory_space<hbm>> -> memref<80xi32, #tpu.memory_space<hbm>>
      %dma_start3A_367 = tpu.memref_slice %arg3[%add3A_365] : memref<320000xi32, #tpu.memory_space<hbm>> -> memref<80xi32, #tpu.memory_space<hbm>>
      tpu.enqueue_dma source(%dma_start3A_367 : memref<80xi32, #tpu.memory_space<hbm>>) target(%arg10 : memref<80xi32, #tpu.memory_space<vmem>>) target_semaphore(%arg35 : memref<!tpu.dma_semaphore, #tpu.memory_space<semaphore_mem>>)
      %add3A_368 = arith.constant 2 : i32
      %add3A_369 = arith.addi %add3A_269, %add3A_368 : i32
      %mul3A_370 = arith.constant 80 : i32
      %mul3A_371 = arith.muli %add3A_369, %mul3A_370 : i32
      %add3A_372 = arith.addi %mul3A_2, %mul3A_371 : i32
      %dma_wait3A_373 = tpu.memref_slice %arg5[%add3A_372] : memref<320000xi32, #tpu.memory_space<hbm>> -> memref<80xi32, #tpu.memory_space<hbm>>
      %dma_wait3A_374 = tpu.memref_slice %arg5[%add3A_372] : memref<320000xi32, #tpu.memory_space<hbm>> -> memref<80xi32, #tpu.memory_space<hbm>>
      tpu.wait_dma2 semaphore(%arg31 : memref<!tpu.dma_semaphore, #tpu.memory_space<semaphore_mem>>) src(%dma_wait3A_374 : memref<80xi32, #tpu.memory_space<hbm>>) dst(%arg14 : memref<80xi32, #tpu.memory_space<vmem>>)
      %dma_start3A_375 = arith.constant 0 : i32
      %dma_start3A_376 = arith.constant 0 : i32
      %dma_start3A_377 = tpu.memref_slice %arg20[%dma_start3A_375, %dma_start3A_376] : memref<5128x128xf32, #tpu.memory_space<vmem_shared>> -> memref<5128x128xf32, #tpu.memory_space<vmem_shared>>
      tpu.enqueue_indirect_dma source(%arg18 : memref<80x128xf32, #tpu.memory_space<vmem>>) target(%dma_start3A_377 : memref<5128x128xf32, #tpu.memory_space<vmem_shared>>) offsets(%arg14 : memref<80xi32, #tpu.memory_space<vmem>>) semaphore(%arg27 : memref<!tpu.dma_semaphore, #tpu.memory_space<semaphore_mem>>) {add = true}
      %dma_wait3A_378 = arith.constant 0 : i32
      %dma_wait3A_379 = arith.constant 0 : i32
      %dma_wait3A_380 = tpu.memref_slice %arg20[%dma_wait3A_378, %dma_wait3A_379] : memref<5128x128xf32, #tpu.memory_space<vmem_shared>> -> memref<5128x128xf32, #tpu.memory_space<vmem_shared>>
      tpu.wait_indirect_dma semaphore(%arg25 : memref<!tpu.dma_semaphore, #tpu.memory_space<semaphore_mem>>) src(%arg16 : memref<80x128xf32, #tpu.memory_space<vmem>>) dst(%dma_wait3A_380 : memref<5128x128xf32, #tpu.memory_space<vmem_shared>>)
      %add3A_381 = arith.constant 4 : i32
      %add3A_382 = arith.addi %add3A_269, %add3A_381 : i32
      %mul3A_383 = arith.constant 80 : i32
      %mul3A_384 = arith.muli %add3A_382, %mul3A_383 : i32
      %add3A_385 = arith.addi %mul3A_2, %mul3A_384 : i32
      %dma_start3A_386 = tpu.memref_slice %arg5[%add3A_385] : memref<320000xi32, #tpu.memory_space<hbm>> -> memref<80xi32, #tpu.memory_space<hbm>>
      %dma_start3A_387 = tpu.memref_slice %arg5[%add3A_385] : memref<320000xi32, #tpu.memory_space<hbm>> -> memref<80xi32, #tpu.memory_space<hbm>>
      tpu.enqueue_dma source(%dma_start3A_387 : memref<80xi32, #tpu.memory_space<hbm>>) target(%arg12 : memref<80xi32, #tpu.memory_space<vmem>>) target_semaphore(%arg29 : memref<!tpu.dma_semaphore, #tpu.memory_space<semaphore_mem>>)
      %add3A_388 = arith.constant 4 : i32
      %add3A_389 = arith.addi %add3A_269, %add3A_388 : i32
      %min3A_390 = arith.constant 124 : i32
      %min3A_391 = arith.minsi %add3A_389, %min3A_390 : i32
      %mul3A_392 = arith.constant 80 : i32
      %mul3A_393 = arith.muli %min3A_391, %mul3A_392 : i32
      %add3A_394 = arith.addi %mul3A_2, %mul3A_393 : i32
      %dma_wait3A_395 = tpu.memref_slice %arg3[%add3A_394] : memref<320000xi32, #tpu.memory_space<hbm>> -> memref<80xi32, #tpu.memory_space<hbm>>
      %dma_wait3A_396 = tpu.memref_slice %arg3[%add3A_394] : memref<320000xi32, #tpu.memory_space<hbm>> -> memref<80xi32, #tpu.memory_space<hbm>>
      tpu.wait_dma2 semaphore(%arg33 : memref<!tpu.dma_semaphore, #tpu.memory_space<semaphore_mem>>) src(%dma_wait3A_396 : memref<80xi32, #tpu.memory_space<hbm>>) dst(%arg8 : memref<80xi32, #tpu.memory_space<vmem>>)
      %dma_start3A_397 = arith.constant 0 : i32
      %dma_start3A_398 = arith.constant 0 : i32
      %dma_start3A_399 = tpu.memref_slice %arg2[%dma_start3A_397, %dma_start3A_398] : memref<10240x128xf32, #tpu.memory_space<hbm>> -> memref<10240x128xf32, #tpu.memory_space<hbm>>
      tpu.enqueue_indirect_dma source(%dma_start3A_399 : memref<10240x128xf32, #tpu.memory_space<hbm>>) target(%arg16 : memref<80x128xf32, #tpu.memory_space<vmem>>) offsets(%arg8 : memref<80xi32, #tpu.memory_space<vmem>>) semaphore(%arg21 : memref<!tpu.dma_semaphore, #tpu.memory_space<semaphore_mem>>)
      %dma_wait3A_400 = arith.constant 0 : i32
      %dma_wait3A_401 = arith.constant 0 : i32
      %dma_wait3A_402 = tpu.memref_slice %arg2[%dma_wait3A_400, %dma_wait3A_401] : memref<10240x128xf32, #tpu.memory_space<hbm>> -> memref<10240x128xf32, #tpu.memory_space<hbm>>
      tpu.wait_indirect_dma semaphore(%arg24 : memref<!tpu.dma_semaphore, #tpu.memory_space<semaphore_mem>>) src(%dma_wait3A_402 : memref<10240x128xf32, #tpu.memory_space<hbm>>) dst(%arg19 : memref<80x128xf32, #tpu.memory_space<vmem>>)
      %add3A_403 = arith.constant 7 : i32
      %add3A_404 = arith.addi %add3A_269, %add3A_403 : i32
      %min3A_405 = arith.constant 124 : i32
      %min3A_406 = arith.minsi %add3A_404, %min3A_405 : i32
      %mul3A_407 = arith.constant 80 : i32
      %mul3A_408 = arith.muli %min3A_406, %mul3A_407 : i32
      %add3A_409 = arith.addi %mul3A_2, %mul3A_408 : i32
      %dma_start3A_410 = tpu.memref_slice %arg3[%add3A_409] : memref<320000xi32, #tpu.memory_space<hbm>> -> memref<80xi32, #tpu.memory_space<hbm>>
      %dma_start3A_411 = tpu.memref_slice %arg3[%add3A_409] : memref<320000xi32, #tpu.memory_space<hbm>> -> memref<80xi32, #tpu.memory_space<hbm>>
      tpu.enqueue_dma source(%dma_start3A_411 : memref<80xi32, #tpu.memory_space<hbm>>) target(%arg11 : memref<80xi32, #tpu.memory_space<vmem>>) target_semaphore(%arg36 : memref<!tpu.dma_semaphore, #tpu.memory_space<semaphore_mem>>)
      %add3A_412 = arith.constant 3 : i32
      %add3A_413 = arith.addi %add3A_269, %add3A_412 : i32
      %mul3A_414 = arith.constant 80 : i32
      %mul3A_415 = arith.muli %add3A_413, %mul3A_414 : i32
      %add3A_416 = arith.addi %mul3A_2, %mul3A_415 : i32
      %dma_wait3A_417 = tpu.memref_slice %arg5[%add3A_416] : memref<320000xi32, #tpu.memory_space<hbm>> -> memref<80xi32, #tpu.memory_space<hbm>>
      %dma_wait3A_418 = tpu.memref_slice %arg5[%add3A_416] : memref<320000xi32, #tpu.memory_space<hbm>> -> memref<80xi32, #tpu.memory_space<hbm>>
      tpu.wait_dma2 semaphore(%arg32 : memref<!tpu.dma_semaphore, #tpu.memory_space<semaphore_mem>>) src(%dma_wait3A_418 : memref<80xi32, #tpu.memory_space<hbm>>) dst(%arg15 : memref<80xi32, #tpu.memory_space<vmem>>)
      %dma_start3A_419 = arith.constant 0 : i32
      %dma_start3A_420 = arith.constant 0 : i32
      %dma_start3A_421 = tpu.memref_slice %arg20[%dma_start3A_419, %dma_start3A_420] : memref<5128x128xf32, #tpu.memory_space<vmem_shared>> -> memref<5128x128xf32, #tpu.memory_space<vmem_shared>>
      tpu.enqueue_indirect_dma source(%arg19 : memref<80x128xf32, #tpu.memory_space<vmem>>) target(%dma_start3A_421 : memref<5128x128xf32, #tpu.memory_space<vmem_shared>>) offsets(%arg15 : memref<80xi32, #tpu.memory_space<vmem>>) semaphore(%arg28 : memref<!tpu.dma_semaphore, #tpu.memory_space<semaphore_mem>>) {add = true}
      %dma_wait3A_422 = arith.constant 0 : i32
      %dma_wait3A_423 = arith.constant 0 : i32
      %dma_wait3A_424 = tpu.memref_slice %arg20[%dma_wait3A_422, %dma_wait3A_423] : memref<5128x128xf32, #tpu.memory_space<vmem_shared>> -> memref<5128x128xf32, #tpu.memory_space<vmem_shared>>
      tpu.wait_indirect_dma semaphore(%arg26 : memref<!tpu.dma_semaphore, #tpu.memory_space<semaphore_mem>>) src(%arg17 : memref<80x128xf32, #tpu.memory_space<vmem>>) dst(%dma_wait3A_424 : memref<5128x128xf32, #tpu.memory_space<vmem_shared>>)
      %add3A_425 = arith.constant 5 : i32
      %add3A_426 = arith.addi %add3A_269, %add3A_425 : i32
      %mul3A_427 = arith.constant 80 : i32
      %mul3A_428 = arith.muli %add3A_426, %mul3A_427 : i32
      %add3A_429 = arith.addi %mul3A_2, %mul3A_428 : i32
      %dma_start3A_430 = tpu.memref_slice %arg5[%add3A_429] : memref<320000xi32, #tpu.memory_space<hbm>> -> memref<80xi32, #tpu.memory_space<hbm>>
      %dma_start3A_431 = tpu.memref_slice %arg5[%add3A_429] : memref<320000xi32, #tpu.memory_space<hbm>> -> memref<80xi32, #tpu.memory_space<hbm>>
      tpu.enqueue_dma source(%dma_start3A_431 : memref<80xi32, #tpu.memory_space<hbm>>) target(%arg13 : memref<80xi32, #tpu.memory_space<vmem>>) target_semaphore(%arg30 : memref<!tpu.dma_semaphore, #tpu.memory_space<semaphore_mem>>)
      %add3A_432 = arith.constant 5 : i32
      %add3A_433 = arith.addi %add3A_269, %add3A_432 : i32
      %min3A_434 = arith.constant 124 : i32
      %min3A_435 = arith.minsi %add3A_433, %min3A_434 : i32
      %mul3A_436 = arith.constant 80 : i32
      %mul3A_437 = arith.muli %min3A_435, %mul3A_436 : i32
      %add3A_438 = arith.addi %mul3A_2, %mul3A_437 : i32
      %dma_wait3A_439 = tpu.memref_slice %arg3[%add3A_438] : memref<320000xi32, #tpu.memory_space<hbm>> -> memref<80xi32, #tpu.memory_space<hbm>>
      %dma_wait3A_440 = tpu.memref_slice %arg3[%add3A_438] : memref<320000xi32, #tpu.memory_space<hbm>> -> memref<80xi32, #tpu.memory_space<hbm>>
      tpu.wait_dma2 semaphore(%arg34 : memref<!tpu.dma_semaphore, #tpu.memory_space<semaphore_mem>>) src(%dma_wait3A_440 : memref<80xi32, #tpu.memory_space<hbm>>) dst(%arg9 : memref<80xi32, #tpu.memory_space<vmem>>)
      %dma_start3A_441 = arith.constant 0 : i32
      %dma_start3A_442 = arith.constant 0 : i32
      %dma_start3A_443 = tpu.memref_slice %arg2[%dma_start3A_441, %dma_start3A_442] : memref<10240x128xf32, #tpu.memory_space<hbm>> -> memref<10240x128xf32, #tpu.memory_space<hbm>>
      tpu.enqueue_indirect_dma source(%dma_start3A_443 : memref<10240x128xf32, #tpu.memory_space<hbm>>) target(%arg17 : memref<80x128xf32, #tpu.memory_space<vmem>>) offsets(%arg9 : memref<80xi32, #tpu.memory_space<vmem>>) semaphore(%arg22 : memref<!tpu.dma_semaphore, #tpu.memory_space<semaphore_mem>>)
      %scan3A_444 = arith.constant 0 : i32
      scf.yield %scan3A_444 : i32
    }
    %scan3A_204 = arith.constant 30 : i32
    %dma_wait3A_205 = arith.constant 0 : i32
    %dma_wait3A_206 = arith.constant 0 : i32
    %dma_wait3A_207 = tpu.memref_slice %arg2[%dma_wait3A_205, %dma_wait3A_206] : memref<10240x128xf32, #tpu.memory_space<hbm>> -> memref<10240x128xf32, #tpu.memory_space<hbm>>
    tpu.wait_indirect_dma semaphore(%arg21 : memref<!tpu.dma_semaphore, #tpu.memory_space<semaphore_mem>>) src(%dma_wait3A_207 : memref<10240x128xf32, #tpu.memory_space<hbm>>) dst(%arg16 : memref<80x128xf32, #tpu.memory_space<vmem>>)
    %add3A_208 = arith.constant 9840 : i32
    %add3A_209 = arith.addi %mul3A_2, %add3A_208 : i32
    %dma_wait3A_210 = tpu.memref_slice %arg5[%add3A_209] : memref<320000xi32, #tpu.memory_space<hbm>> -> memref<80xi32, #tpu.memory_space<hbm>>
    %dma_wait3A_211 = tpu.memref_slice %arg5[%add3A_209] : memref<320000xi32, #tpu.memory_space<hbm>> -> memref<80xi32, #tpu.memory_space<hbm>>
    tpu.wait_dma2 semaphore(%arg29 : memref<!tpu.dma_semaphore, #tpu.memory_space<semaphore_mem>>) src(%dma_wait3A_211 : memref<80xi32, #tpu.memory_space<hbm>>) dst(%arg12 : memref<80xi32, #tpu.memory_space<vmem>>)
    %dma_start3A_212 = arith.constant 0 : i32
    %dma_start3A_213 = arith.constant 0 : i32
    %dma_start3A_214 = tpu.memref_slice %arg20[%dma_start3A_212, %dma_start3A_213] : memref<5128x128xf32, #tpu.memory_space<vmem_shared>> -> memref<5128x128xf32, #tpu.memory_space<vmem_shared>>
    tpu.enqueue_indirect_dma source(%arg16 : memref<80x128xf32, #tpu.memory_space<vmem>>) target(%dma_start3A_214 : memref<5128x128xf32, #tpu.memory_space<vmem_shared>>) offsets(%arg12 : memref<80xi32, #tpu.memory_space<vmem>>) semaphore(%arg25 : memref<!tpu.dma_semaphore, #tpu.memory_space<semaphore_mem>>) {add = true}
    %dma_wait3A_215 = arith.constant 0 : i32
    %dma_wait3A_216 = arith.constant 0 : i32
    %dma_wait3A_217 = tpu.memref_slice %arg20[%dma_wait3A_215, %dma_wait3A_216] : memref<5128x128xf32, #tpu.memory_space<vmem_shared>> -> memref<5128x128xf32, #tpu.memory_space<vmem_shared>>
    tpu.wait_indirect_dma semaphore(%arg27 : memref<!tpu.dma_semaphore, #tpu.memory_space<semaphore_mem>>) src(%arg18 : memref<80x128xf32, #tpu.memory_space<vmem>>) dst(%dma_wait3A_217 : memref<5128x128xf32, #tpu.memory_space<vmem_shared>>)
    %dma_wait3A_218 = arith.constant 0 : i32
    %dma_wait3A_219 = arith.constant 0 : i32
    %dma_wait3A_220 = tpu.memref_slice %arg2[%dma_wait3A_218, %dma_wait3A_219] : memref<10240x128xf32, #tpu.memory_space<hbm>> -> memref<10240x128xf32, #tpu.memory_space<hbm>>
    tpu.wait_indirect_dma semaphore(%arg22 : memref<!tpu.dma_semaphore, #tpu.memory_space<semaphore_mem>>) src(%dma_wait3A_220 : memref<10240x128xf32, #tpu.memory_space<hbm>>) dst(%arg17 : memref<80x128xf32, #tpu.memory_space<vmem>>)
    %add3A_221 = arith.constant 9920 : i32
    %add3A_222 = arith.addi %mul3A_2, %add3A_221 : i32
    %dma_wait3A_223 = tpu.memref_slice %arg5[%add3A_222] : memref<320000xi32, #tpu.memory_space<hbm>> -> memref<80xi32, #tpu.memory_space<hbm>>
    %dma_wait3A_224 = tpu.memref_slice %arg5[%add3A_222] : memref<320000xi32, #tpu.memory_space<hbm>> -> memref<80xi32, #tpu.memory_space<hbm>>
    tpu.wait_dma2 semaphore(%arg30 : memref<!tpu.dma_semaphore, #tpu.memory_space<semaphore_mem>>) src(%dma_wait3A_224 : memref<80xi32, #tpu.memory_space<hbm>>) dst(%arg13 : memref<80xi32, #tpu.memory_space<vmem>>)
    %dma_start3A_225 = arith.constant 0 : i32
    %dma_start3A_226 = arith.constant 0 : i32
    %dma_start3A_227 = tpu.memref_slice %arg20[%dma_start3A_225, %dma_start3A_226] : memref<5128x128xf32, #tpu.memory_space<vmem_shared>> -> memref<5128x128xf32, #tpu.memory_space<vmem_shared>>
    tpu.enqueue_indirect_dma source(%arg17 : memref<80x128xf32, #tpu.memory_space<vmem>>) target(%dma_start3A_227 : memref<5128x128xf32, #tpu.memory_space<vmem_shared>>) offsets(%arg13 : memref<80xi32, #tpu.memory_space<vmem>>) semaphore(%arg26 : memref<!tpu.dma_semaphore, #tpu.memory_space<semaphore_mem>>) {add = true}
    %dma_wait3A_228 = arith.constant 0 : i32
    %dma_wait3A_229 = arith.constant 0 : i32
    %dma_wait3A_230 = tpu.memref_slice %arg20[%dma_wait3A_228, %dma_wait3A_229] : memref<5128x128xf32, #tpu.memory_space<vmem_shared>> -> memref<5128x128xf32, #tpu.memory_space<vmem_shared>>
    tpu.wait_indirect_dma semaphore(%arg28 : memref<!tpu.dma_semaphore, #tpu.memory_space<semaphore_mem>>) src(%arg19 : memref<80x128xf32, #tpu.memory_space<vmem>>) dst(%dma_wait3A_230 : memref<5128x128xf32, #tpu.memory_space<vmem_shared>>)
    %dma_wait3A_231 = arith.constant 0 : i32
    %dma_wait3A_232 = arith.constant 0 : i32
    %dma_wait3A_233 = tpu.memref_slice %arg20[%dma_wait3A_231, %dma_wait3A_232] : memref<5128x128xf32, #tpu.memory_space<vmem_shared>> -> memref<5128x128xf32, #tpu.memory_space<vmem_shared>>
    tpu.wait_indirect_dma semaphore(%arg25 : memref<!tpu.dma_semaphore, #tpu.memory_space<semaphore_mem>>) src(%arg16 : memref<80x128xf32, #tpu.memory_space<vmem>>) dst(%dma_wait3A_233 : memref<5128x128xf32, #tpu.memory_space<vmem_shared>>)
    %dma_wait3A_234 = arith.constant 0 : i32
    %dma_wait3A_235 = arith.constant 0 : i32
    %dma_wait3A_236 = tpu.memref_slice %arg20[%dma_wait3A_234, %dma_wait3A_235] : memref<5128x128xf32, #tpu.memory_space<vmem_shared>> -> memref<5128x128xf32, #tpu.memory_space<vmem_shared>>
    tpu.wait_indirect_dma semaphore(%arg26 : memref<!tpu.dma_semaphore, #tpu.memory_space<semaphore_mem>>) src(%arg17 : memref<80x128xf32, #tpu.memory_space<vmem>>) dst(%dma_wait3A_236 : memref<5128x128xf32, #tpu.memory_space<vmem_shared>>)
    %min3A_237 = arith.constant 125 : i32
    %min3A_238 = arith.constant 124 : i32
    %min3A_239 = arith.minsi %min3A_237, %min3A_238 : i32
    %mul3A_240 = arith.constant 80 : i32
    %mul3A_241 = arith.muli %min3A_239, %mul3A_240 : i32
    %add3A_242 = arith.addi %mul3A_2, %mul3A_241 : i32
    %dma_wait3A_243 = tpu.memref_slice %arg3[%add3A_242] : memref<320000xi32, #tpu.memory_space<hbm>> -> memref<80xi32, #tpu.memory_space<hbm>>
    %dma_wait3A_244 = tpu.memref_slice %arg3[%add3A_242] : memref<320000xi32, #tpu.memory_space<hbm>> -> memref<80xi32, #tpu.memory_space<hbm>>
    tpu.wait_dma2 semaphore(%arg35 : memref<!tpu.dma_semaphore, #tpu.memory_space<semaphore_mem>>) src(%dma_wait3A_244 : memref<80xi32, #tpu.memory_space<hbm>>) dst(%arg10 : memref<80xi32, #tpu.memory_space<vmem>>)
    %min3A_245 = arith.constant 125 : i32
    %min3A_246 = arith.constant 124 : i32
    %min3A_247 = arith.minsi %min3A_245, %min3A_246 : i32
    %mul3A_248 = arith.constant 80 : i32
    %mul3A_249 = arith.muli %min3A_247, %mul3A_248 : i32
    %add3A_250 = arith.addi %mul3A_2, %mul3A_249 : i32
    %dma_wait3A_251 = tpu.memref_slice %arg3[%add3A_250] : memref<320000xi32, #tpu.memory_space<hbm>> -> memref<80xi32, #tpu.memory_space<hbm>>
    %dma_wait3A_252 = tpu.memref_slice %arg3[%add3A_250] : memref<320000xi32, #tpu.memory_space<hbm>> -> memref<80xi32, #tpu.memory_space<hbm>>
    tpu.wait_dma2 semaphore(%arg36 : memref<!tpu.dma_semaphore, #tpu.memory_space<semaphore_mem>>) src(%dma_wait3A_252 : memref<80xi32, #tpu.memory_space<hbm>>) dst(%arg11 : memref<80xi32, #tpu.memory_space<vmem>>)
    %barrier3A_253 = arith.constant 0 : index
    tpu.barrier barrier_id(%barrier3A_253)
    %mul3A_254 = arith.constant 320 : i32
    %mul3A_255 = arith.muli %arg1, %mul3A_254 : i32
    %mul3A_256 = arith.constant 10240 : i32
    %mul3A_257 = arith.muli %arg0, %mul3A_256 : i32
    %add3A_258 = arith.constant 5120 : i32
    %add3A_259 = arith.addi %mul3A_257, %add3A_258 : i32
    %mul3A_260 = arith.constant 320 : i32
    %mul3A_261 = arith.muli %arg1, %mul3A_260 : i32
    %add3A_262 = arith.addi %add3A_259, %mul3A_261 : i32
    "tpu.region"() ({
      %run_scoped3A = tpu.sem_alloc : memref<!tpu.dma_semaphore, #tpu.memory_space<semaphore_mem>>
      %dma_start3A_264 = arith.constant 0 : i32
      %dma_start3A_265 = tpu.memref_slice %arg7[%add3A_262, %dma_start3A_264] : memref<20480x128xf32, #tpu.memory_space<hbm>> -> memref<320x128xf32, #tpu.memory_space<hbm>>
      %dma_start3A_266 = arith.constant 0 : i32
      %dma_start3A_267 = tpu.memref_slice %arg20[%mul3A_255, %dma_start3A_266] : memref<5128x128xf32, #tpu.memory_space<vmem_shared>> -> memref<320x128xf32, #tpu.memory_space<vmem_shared>>
      tpu.enqueue_dma source(%dma_start3A_267 : memref<320x128xf32, #tpu.memory_space<vmem_shared>>) target(%dma_start3A_265 : memref<320x128xf32, #tpu.memory_space<hbm>>) target_semaphore(%run_scoped3A : memref<!tpu.dma_semaphore, #tpu.memory_space<semaphore_mem>>)
      %dma_wait3A_268 = arith.constant 0 : i32
      %dma_wait3A_269 = tpu.memref_slice %arg7[%add3A_262, %dma_wait3A_268] : memref<20480x128xf32, #tpu.memory_space<hbm>> -> memref<320x128xf32, #tpu.memory_space<hbm>>
      %dma_wait3A_270 = arith.constant 0 : i32
      %dma_wait3A_271 = tpu.memref_slice %arg20[%mul3A_255, %dma_wait3A_270] : memref<5128x128xf32, #tpu.memory_space<vmem_shared>> -> memref<320x128xf32, #tpu.memory_space<vmem_shared>>
      tpu.wait_dma2 semaphore(%run_scoped3A : memref<!tpu.dma_semaphore, #tpu.memory_space<semaphore_mem>>) src(%dma_wait3A_271 : memref<320x128xf32, #tpu.memory_space<vmem_shared>>) dst(%dma_wait3A_269 : memref<320x128xf32, #tpu.memory_space<hbm>>)
      tpu.yield
    }) : () -> ()
    %barrier3A_263 = arith.constant 0 : index
    tpu.barrier barrier_id(%barrier3A_263)
    return
  }
}

module attributes {stable_mosaic.version = 14 : i64} {
  func.func @body(%arg0: memref<2500x128xi32, #tpu.memory_space<vmem>>, %arg1: memref<2500x128xi32, #tpu.memory_space<vmem>>, %arg2: memref<2500x128xi32, #tpu.memory_space<vmem>>) attributes {dimension_semantics = [], scalar_prefetch = 0 : i64, scratch_operands = 0 : i64, tpu.core_type = #tpu.core_type<tc>} {
    %get3A = arith.constant 0 : index
    %get3A_0 = arith.constant 0 : index
    %get3A_1 = vector.load %arg0[%get3A, %get3A_0] : memref<2500x128xi32, #tpu.memory_space<vmem>>, vector<2500x128xi32>
    %lt3A = arith.constant 5120 : i32
    %lt3A_2 = vector.broadcast %lt3A : i32 to vector<2500x128xi32>
    %lt3A_3 = arith.cmpi slt, %get3A_1, %lt3A_2 : vector<2500x128xi32>
    %jit3A = arith.constant 5120 : i32
    %broadcast_in_dim3A = vector.broadcast %jit3A : i32 to vector<2500x128xi32>
    %select_n3A = arith.select %lt3A_3, %get3A_1, %broadcast_in_dim3A : vector<2500x128xi1>, vector<2500x128xi32>
    %swap3A = arith.constant 0 : index
    %swap3A_4 = arith.constant 0 : index
    %swap3A_5 = vector.load %arg1[%swap3A, %swap3A_4] : memref<2500x128xi32, #tpu.memory_space<vmem>>, vector<2500x128xi32>
    tpu.vector_store %arg1[%swap3A, %swap3A_4], %select_n3A {strides = array<i32>} : memref<2500x128xi32, #tpu.memory_space<vmem>>, vector<2500x128xi32>,
    %ge3A = arith.constant 5120 : i32
    %ge3A_6 = vector.broadcast %ge3A : i32 to vector<2500x128xi32>
    %ge3A_7 = arith.cmpi sge, %get3A_1, %ge3A_6 : vector<2500x128xi32>
    %sub3A = arith.constant 5120 : i32
    %sub3A_8 = vector.broadcast %sub3A : i32 to vector<2500x128xi32>
    %sub3A_9 = arith.subi %get3A_1, %sub3A_8 : vector<2500x128xi32>
    %jit3A_10 = arith.constant 5120 : i32
    %broadcast_in_dim3A_11 = vector.broadcast %jit3A_10 : i32 to vector<2500x128xi32>
    %select_n3A_12 = arith.select %ge3A_7, %sub3A_9, %broadcast_in_dim3A_11 : vector<2500x128xi1>, vector<2500x128xi32>
    %swap3A_13 = arith.constant 0 : index
    %swap3A_14 = arith.constant 0 : index
    %swap3A_15 = vector.load %arg2[%swap3A_13, %swap3A_14] : memref<2500x128xi32, #tpu.memory_space<vmem>>, vector<2500x128xi32>
    tpu.vector_store %arg2[%swap3A_13, %swap3A_14], %select_n3A_12 {strides = array<i32>} : memref<2500x128xi32, #tpu.memory_space<vmem>>, vector<2500x128xi32>,
    return
  }
}

module attributes {stable_mosaic.version = 14 : i64} {
  func.func @body(%arg0: i32, %arg1: memref<2x1024xf32, #tpu.memory_space<vmem>>, %arg2: memref<1024x128xf32, #tpu.memory_space<vmem>>) attributes {dimension_semantics = [#tpu.dimension_semantics<arbitrary>], iteration_bounds = array<i64: 10>, scalar_prefetch = 0 : i64, scratch_operands = 0 : i64, tpu.core_type = #tpu.core_type<tc>, window_params = [{transform_indices = @transform_0, window_bounds = array<i64: 2, 1024>}, {transform_indices = @transform_1, window_bounds = array<i64: 1024, 128>}]} {
    %get3A = arith.constant 0 : index
    %get3A_0 = arith.constant 0 : index
    %get3A_1 = vector.load %arg1[%get3A, %get3A_0] : memref<2x1024xf32, #tpu.memory_space<vmem>>, vector<1x1024xf32>
    %get3A_2 = vector.shape_cast %get3A_1 : vector<1x1024xf32> to vector<1024xf32>
    %get3A_3 = arith.constant 1 : index
    %get3A_4 = arith.constant 0 : index
    %get3A_5 = vector.load %arg1[%get3A_3, %get3A_4] : memref<2x1024xf32, #tpu.memory_space<vmem>>, vector<1x1024xf32>
    %get3A_6 = vector.shape_cast %get3A_5 : vector<1x1024xf32> to vector<1024xf32>
    %add3A = arith.addf %get3A_2, %get3A_6 : vector<1024xf32>
    %add3A_7 = arith.constant 1.000000e+00 : f32
    %add3A_8 = vector.broadcast %add3A_7 : f32 to vector<1024xf32>
    %add3A_9 = arith.addf %add3A, %add3A_8 : vector<1024xf32>
    %rsqrt3A = math.rsqrt %add3A_9 : vector<1024xf32>
    %broadcast_in_dim3A = vector.shape_cast %rsqrt3A : vector<1024xf32> to vector<1024x1xf32>
    %broadcast_in_dim3A_10 = vector.shape_cast %broadcast_in_dim3A : vector<1024x1xf32> to vector<1024x1xf32>
    %broadcast_in_dim3A_11 = vector.broadcast %broadcast_in_dim3A_10 : vector<1024x1xf32> to vector<1024x128xf32>
    %swap3A = arith.constant 0 : index
    %swap3A_12 = arith.constant 0 : index
    %swap3A_13 = vector.load %arg2[%swap3A, %swap3A_12] : memref<1024x128xf32, #tpu.memory_space<vmem>>, vector<1024x128xf32>
    tpu.vector_store %arg2[%swap3A, %swap3A_12], %broadcast_in_dim3A_11 {strides = array<i32>} : memref<1024x128xf32, #tpu.memory_space<vmem>>, vector<1024x128xf32>,
    return
  }
  func.func @transform_0(%arg0: i32) -> (i32, i32) {
    %c0_i32 = arith.constant 0 : i32
    %c0_i32_0 = arith.constant 0 : i32
    return %c0_i32, %arg0 : i32, i32
  }
  func.func @transform_1(%arg0: i32) -> (i32, i32) {
    %c0_i32 = arith.constant 0 : i32
    %c0_i32_0 = arith.constant 0 : i32
    return %arg0, %c0_i32 : i32, i32
  }
}

module attributes {stable_mosaic.version = 14 : i64} {
  func.func @body(%arg0: i32, %arg1: memref<1024x128xf32, #tpu.memory_space<vmem>>, %arg2: memref<128x128xf32, #tpu.memory_space<vmem>>, %arg3: memref<128x128xf32, #tpu.memory_space<vmem>>, %arg4: memref<1024x128xf32, #tpu.memory_space<vmem>>, %arg5: memref<1024x128xf32, #tpu.memory_space<vmem>>) attributes {dimension_semantics = [#tpu.dimension_semantics<arbitrary>], iteration_bounds = array<i64: 10>, scalar_prefetch = 0 : i64, scratch_operands = 0 : i64, tpu.core_type = #tpu.core_type<tc>, window_params = [{transform_indices = @transform_0, window_bounds = array<i64: 1024, 128>}, {pipeline_mode = #tpu.pipeline_mode<synchronous>, transform_indices = @transform_1, window_bounds = array<i64: 128, 128>}, {pipeline_mode = #tpu.pipeline_mode<synchronous>, transform_indices = @transform_2, window_bounds = array<i64: 128, 128>}, {transform_indices = @transform_3, window_bounds = array<i64: 1024, 128>}, {transform_indices = @transform_4, window_bounds = array<i64: 1024, 128>}]} {
    %get3A = arith.constant 0 : index
    %get3A_0 = arith.constant 0 : index
    %get3A_1 = vector.load %arg1[%get3A, %get3A_0] : memref<1024x128xf32, #tpu.memory_space<vmem>>, vector<1024x128xf32>
    %get3A_2 = arith.constant 0 : index
    %get3A_3 = arith.constant 0 : index
    %get3A_4 = vector.load %arg2[%get3A_2, %get3A_3] : memref<128x128xf32, #tpu.memory_space<vmem>>, vector<128x128xf32>
    %dot_general3A = arith.constant dense<0.000000e+00> : vector<1024x128xf32>
    %dot_general3A_5 = tpu.matmul %get3A_1, %get3A_4, %dot_general3A {dimension_numbers = #tpu.dot_dimension_numbers<[1], [0], [0], [1], [0, 0, 1, 1], [], []>, transpose_lhs_hint = false} : vector<1024x128xf32>, vector<128x128xf32>, vector<1024x128xf32> -> vector<1024x128xf32>
    %get3A_6 = arith.constant 0 : index
    %get3A_7 = arith.constant 0 : index
    %get3A_8 = vector.load %arg3[%get3A_6, %get3A_7] : memref<128x128xf32, #tpu.memory_space<vmem>>, vector<128x128xf32>
    %dot_general3A_9 = arith.constant dense<0.000000e+00> : vector<1024x128xf32>
    %dot_general3A_10 = tpu.matmul %dot_general3A_5, %get3A_8, %dot_general3A_9 {dimension_numbers = #tpu.dot_dimension_numbers<[1], [0], [0], [1], [0, 0, 1, 1], [], []>, transpose_lhs_hint = false} : vector<1024x128xf32>, vector<128x128xf32>, vector<1024x128xf32> -> vector<1024x128xf32>
    %get3A_11 = arith.constant 0 : index
    %get3A_12 = arith.constant 0 : index
    %get3A_13 = vector.load %arg4[%get3A_11, %get3A_12] : memref<1024x128xf32, #tpu.memory_space<vmem>>, vector<1024x128xf32>
    %mul3A = arith.mulf %dot_general3A_10, %get3A_13 : vector<1024x128xf32>
    %swap3A = arith.constant 0 : index
    %swap3A_14 = arith.constant 0 : index
    %swap3A_15 = vector.load %arg5[%swap3A, %swap3A_14] : memref<1024x128xf32, #tpu.memory_space<vmem>>, vector<1024x128xf32>
    tpu.vector_store %arg5[%swap3A, %swap3A_14], %mul3A {strides = array<i32>} : memref<1024x128xf32, #tpu.memory_space<vmem>>, vector<1024x128xf32>,
    return
  }
  func.func @transform_0(%arg0: i32) -> (i32, i32) {
    %c0_i32 = arith.constant 0 : i32
    %c0_i32_0 = arith.constant 0 : i32
    return %arg0, %c0_i32 : i32, i32
  }
  func.func @transform_1(%arg0: i32) -> (i32, i32) {
    %c0_i32 = arith.constant 0 : i32
    %c0_i32_0 = arith.constant 0 : i32
    %c0_i32_1 = arith.constant 0 : i32
    return %c0_i32, %c0_i32_0 : i32, i32
  }
  func.func @transform_2(%arg0: i32) -> (i32, i32) {
    %c0_i32 = arith.constant 0 : i32
    %c0_i32_0 = arith.constant 0 : i32
    %c0_i32_1 = arith.constant 0 : i32
    return %c0_i32, %c0_i32_0 : i32, i32
  }
  func.func @transform_3(%arg0: i32) -> (i32, i32) {
    %c0_i32 = arith.constant 0 : i32
    %c0_i32_0 = arith.constant 0 : i32
    return %arg0, %c0_i32 : i32, i32
  }
  func.func @transform_4(%arg0: i32) -> (i32, i32) {
    %c0_i32 = arith.constant 0 : i32
    %c0_i32_0 = arith.constant 0 : i32
    return %arg0, %c0_i32 : i32, i32
  }
}

module attributes {stable_mosaic.version = 14 : i64} {
  func.func @body(%arg0: i32, %arg1: memref<2x1024x128xf32, #tpu.memory_space<vmem>>, %arg2: memref<1024x128xf32, #tpu.memory_space<vmem>>, %arg3: memref<1024x128xf32, #tpu.memory_space<vmem>>, %arg4: memref<1x128xf32, #tpu.memory_space<vmem>>, %arg5: memref<128x128xf32, #tpu.memory_space<vmem>>, %arg6: memref<1024x128xf32, #tpu.memory_space<vmem>>) attributes {dimension_semantics = [#tpu.dimension_semantics<arbitrary>], iteration_bounds = array<i64: 10>, scalar_prefetch = 0 : i64, scratch_operands = 0 : i64, tpu.core_type = #tpu.core_type<tc>, window_params = [{transform_indices = @transform_0, window_bounds = array<i64: 2, 1024, 128>}, {transform_indices = @transform_1, window_bounds = array<i64: 1024, 128>}, {transform_indices = @transform_2, window_bounds = array<i64: 1024, 128>}, {pipeline_mode = #tpu.pipeline_mode<synchronous>, transform_indices = @transform_3, window_bounds = array<i64: 1, 128>}, {pipeline_mode = #tpu.pipeline_mode<synchronous>, transform_indices = @transform_4, window_bounds = array<i64: 128, 128>}, {transform_indices = @transform_5, window_bounds = array<i64: 1024, 128>}]} {
    %get3A = arith.constant 0 : index
    %get3A_0 = arith.constant 0 : index
    %get3A_1 = vector.load %arg3[%get3A, %get3A_0] : memref<1024x128xf32, #tpu.memory_space<vmem>>, vector<1024x128xf32>
    %get3A_2 = arith.constant 0 : index
    %get3A_3 = arith.constant 0 : index
    %get3A_4 = arith.constant 0 : index
    %get3A_5 = vector.load %arg1[%get3A_2, %get3A_3, %get3A_4] : memref<2x1024x128xf32, #tpu.memory_space<vmem>>, vector<1x1024x128xf32>
    %get3A_6 = vector.shape_cast %get3A_5 : vector<1x1024x128xf32> to vector<1024x128xf32>
    %get3A_7 = arith.constant 1 : index
    %get3A_8 = arith.constant 0 : index
    %get3A_9 = arith.constant 0 : index
    %get3A_10 = vector.load %arg1[%get3A_7, %get3A_8, %get3A_9] : memref<2x1024x128xf32, #tpu.memory_space<vmem>>, vector<1x1024x128xf32>
    %get3A_11 = vector.shape_cast %get3A_10 : vector<1x1024x128xf32> to vector<1024x128xf32>
    %add3A = arith.addf %get3A_6, %get3A_11 : vector<1024x128xf32>
    %get3A_12 = arith.constant 0 : index
    %get3A_13 = arith.constant 0 : index
    %get3A_14 = vector.load %arg2[%get3A_12, %get3A_13] : memref<1024x128xf32, #tpu.memory_space<vmem>>, vector<1024x128xf32>
    %add3A_15 = arith.addf %add3A, %get3A_14 : vector<1024x128xf32>
    %mul3A = arith.mulf %add3A_15, %get3A_1 : vector<1024x128xf32>
    %get3A_16 = arith.constant 0 : index
    %get3A_17 = arith.constant 0 : index
    %get3A_18 = vector.load %arg4[%get3A_16, %get3A_17] : memref<1x128xf32, #tpu.memory_space<vmem>>, vector<1x128xf32>
    %add3A_19 = vector.broadcast %get3A_18 : vector<1x128xf32> to vector<1024x128xf32>
    %add3A_20 = arith.addf %mul3A, %add3A_19 : vector<1024x128xf32>
    %max3A = arith.constant 0.000000e+00 : f32
    %max3A_21 = vector.broadcast %max3A : f32 to vector<1024x128xf32>
    %max3A_22 = arith.maximumf %add3A_20, %max3A_21 : vector<1024x128xf32>
    %get3A_23 = arith.constant 0 : index
    %get3A_24 = arith.constant 0 : index
    %get3A_25 = vector.load %arg5[%get3A_23, %get3A_24] : memref<128x128xf32, #tpu.memory_space<vmem>>, vector<128x128xf32>
    %dot_general3A = arith.constant dense<0.000000e+00> : vector<1024x128xf32>
    %dot_general3A_26 = tpu.matmul %max3A_22, %get3A_25, %dot_general3A {dimension_numbers = #tpu.dot_dimension_numbers<[1], [0], [0], [1], [0, 0, 1, 1], [], []>, transpose_lhs_hint = false} : vector<1024x128xf32>, vector<128x128xf32>, vector<1024x128xf32> -> vector<1024x128xf32>
    %mul3A_27 = arith.mulf %dot_general3A_26, %get3A_1 : vector<1024x128xf32>
    %swap3A = arith.constant 0 : index
    %swap3A_28 = arith.constant 0 : index
    %swap3A_29 = vector.load %arg6[%swap3A, %swap3A_28] : memref<1024x128xf32, #tpu.memory_space<vmem>>, vector<1024x128xf32>
    tpu.vector_store %arg6[%swap3A, %swap3A_28], %mul3A_27 {strides = array<i32>} : memref<1024x128xf32, #tpu.memory_space<vmem>>, vector<1024x128xf32>,
    return
  }
  func.func @transform_0(%arg0: i32) -> (i32, i32, i32) {
    %c0_i32 = arith.constant 0 : i32
    %c0_i32_0 = arith.constant 0 : i32
    %c0_i32_1 = arith.constant 0 : i32
    return %c0_i32, %arg0, %c0_i32_0 : i32, i32, i32
  }
  func.func @transform_1(%arg0: i32) -> (i32, i32) {
    %c0_i32 = arith.constant 0 : i32
    %c0_i32_0 = arith.constant 0 : i32
    return %arg0, %c0_i32 : i32, i32
  }
  func.func @transform_2(%arg0: i32) -> (i32, i32) {
    %c0_i32 = arith.constant 0 : i32
    %c0_i32_0 = arith.constant 0 : i32
    return %arg0, %c0_i32 : i32, i32
  }
  func.func @transform_3(%arg0: i32) -> (i32, i32) {
    %c0_i32 = arith.constant 0 : i32
    %c0_i32_0 = arith.constant 0 : i32
    %c0_i32_1 = arith.constant 0 : i32
    return %c0_i32, %c0_i32_0 : i32, i32
  }
  func.func @transform_4(%arg0: i32) -> (i32, i32) {
    %c0_i32 = arith.constant 0 : i32
    %c0_i32_0 = arith.constant 0 : i32
    %c0_i32_1 = arith.constant 0 : i32
    return %c0_i32, %c0_i32_0 : i32, i32
  }
  func.func @transform_5(%arg0: i32) -> (i32, i32) {
    %c0_i32 = arith.constant 0 : i32
    %c0_i32_0 = arith.constant 0 : i32
    return %arg0, %c0_i32 : i32, i32
  }
}

module attributes {stable_mosaic.version = 14 : i64} {
  func.func @body(%arg0: i32, %arg1: memref<2x1024x128xf32, #tpu.memory_space<vmem>>, %arg2: memref<1024x128xf32, #tpu.memory_space<vmem>>, %arg3: memref<1024x128xf32, #tpu.memory_space<vmem>>, %arg4: memref<1x128xf32, #tpu.memory_space<vmem>>, %arg5: memref<1024x128xf32, #tpu.memory_space<vmem>>) attributes {dimension_semantics = [#tpu.dimension_semantics<arbitrary>], iteration_bounds = array<i64: 10>, scalar_prefetch = 0 : i64, scratch_operands = 0 : i64, tpu.core_type = #tpu.core_type<tc>, window_params = [{transform_indices = @transform_0, window_bounds = array<i64: 2, 1024, 128>}, {transform_indices = @transform_1, window_bounds = array<i64: 1024, 128>}, {transform_indices = @transform_2, window_bounds = array<i64: 1024, 128>}, {pipeline_mode = #tpu.pipeline_mode<synchronous>, transform_indices = @transform_3, window_bounds = array<i64: 1, 128>}, {transform_indices = @transform_4, window_bounds = array<i64: 1024, 128>}]} {
    %get3A = arith.constant 0 : index
    %get3A_0 = arith.constant 0 : index
    %get3A_1 = arith.constant 0 : index
    %get3A_2 = vector.load %arg1[%get3A, %get3A_0, %get3A_1] : memref<2x1024x128xf32, #tpu.memory_space<vmem>>, vector<1x1024x128xf32>
    %get3A_3 = vector.shape_cast %get3A_2 : vector<1x1024x128xf32> to vector<1024x128xf32>
    %get3A_4 = arith.constant 1 : index
    %get3A_5 = arith.constant 0 : index
    %get3A_6 = arith.constant 0 : index
    %get3A_7 = vector.load %arg1[%get3A_4, %get3A_5, %get3A_6] : memref<2x1024x128xf32, #tpu.memory_space<vmem>>, vector<1x1024x128xf32>
    %get3A_8 = vector.shape_cast %get3A_7 : vector<1x1024x128xf32> to vector<1024x128xf32>
    %add3A = arith.addf %get3A_3, %get3A_8 : vector<1024x128xf32>
    %get3A_9 = arith.constant 0 : index
    %get3A_10 = arith.constant 0 : index
    %get3A_11 = vector.load %arg2[%get3A_9, %get3A_10] : memref<1024x128xf32, #tpu.memory_space<vmem>>, vector<1024x128xf32>
    %add3A_12 = arith.addf %add3A, %get3A_11 : vector<1024x128xf32>
    %get3A_13 = arith.constant 0 : index
    %get3A_14 = arith.constant 0 : index
    %get3A_15 = vector.load %arg3[%get3A_13, %get3A_14] : memref<1024x128xf32, #tpu.memory_space<vmem>>, vector<1024x128xf32>
    %mul3A = arith.mulf %add3A_12, %get3A_15 : vector<1024x128xf32>
    %get3A_16 = arith.constant 0 : index
    %get3A_17 = arith.constant 0 : index
    %get3A_18 = vector.load %arg4[%get3A_16, %get3A_17] : memref<1x128xf32, #tpu.memory_space<vmem>>, vector<1x128xf32>
    %add3A_19 = vector.broadcast %get3A_18 : vector<1x128xf32> to vector<1024x128xf32>
    %add3A_20 = arith.addf %mul3A, %add3A_19 : vector<1024x128xf32>
    %swap3A = arith.constant 0 : index
    %swap3A_21 = arith.constant 0 : index
    %swap3A_22 = vector.load %arg5[%swap3A, %swap3A_21] : memref<1024x128xf32, #tpu.memory_space<vmem>>, vector<1024x128xf32>
    tpu.vector_store %arg5[%swap3A, %swap3A_21], %add3A_20 {strides = array<i32>} : memref<1024x128xf32, #tpu.memory_space<vmem>>, vector<1024x128xf32>,
    return
  }
  func.func @transform_0(%arg0: i32) -> (i32, i32, i32) {
    %c0_i32 = arith.constant 0 : i32
    %c0_i32_0 = arith.constant 0 : i32
    %c0_i32_1 = arith.constant 0 : i32
    return %c0_i32, %arg0, %c0_i32_0 : i32, i32, i32
  }
  func.func @transform_1(%arg0: i32) -> (i32, i32) {
    %c0_i32 = arith.constant 0 : i32
    %c0_i32_0 = arith.constant 0 : i32
    return %arg0, %c0_i32 : i32, i32
  }
  func.func @transform_2(%arg0: i32) -> (i32, i32) {
    %c0_i32 = arith.constant 0 : i32
    %c0_i32_0 = arith.constant 0 : i32
    return %arg0, %c0_i32 : i32, i32
  }
  func.func @transform_3(%arg0: i32) -> (i32, i32) {
    %c0_i32 = arith.constant 0 : i32
    %c0_i32_0 = arith.constant 0 : i32
    %c0_i32_1 = arith.constant 0 : i32
    return %c0_i32, %c0_i32_0 : i32, i32
  }
  func.func @transform_4(%arg0: i32) -> (i32, i32) {
    %c0_i32 = arith.constant 0 : i32
    %c0_i32_0 = arith.constant 0 : i32
    return %arg0, %c0_i32 : i32, i32
  }
}

</mosaic_0001>

<sc_bundles>
// kernel: kernel.10.cloned.1.call-start
scs
__scs_entry_jumppad:
0x0: {  	(pc) =	sbr.rel $0x88, $3  }
0x1: {  	(tag) =	ssettag $0x0;
	lr =	simm.s32 $0x1  }
0x2: {  	[smem:$0x3F9A] =	sst lr;
	_ =	strace $0xD0000000  }
0x3: {  	_ = 	snop  }
0x4: {  	_ = 	snop  }
0x5: {  	_ = 	snop  }
0x6: {  	_ = 	snop  }
0x7: {  	_ = 	snop  }
__scs_overlays_trampoline_lowered:
0x8: {  	[smem:$0x3FA9] =	sst s0  }
0x9: {  	[smem:$0x3FAA] =	sst s1  }
0xa: {  	[smem:$0x3FAB] =	sst s2  }
0xb: {  	[smem:$0x3FAC] =	sst s3  }
0xc: {  	[smem:$0x3FAD] =	sst s4  }
0xd: {  	[smem:$0x3FAE] =	sst s5  }
0xe: {  	[smem:$0x3FAF] =	sst s6  }
0xf: {  	[smem:$0x3FB0] =	sst s7  }
0x10: {  	[smem:$0x3FB1] =	sst s8  }
0x11: {  	[smem:$0x3FB2] =	sst s9;
	s0 =	simm.s32 @!p0 $0x0  }
0x12: {  	s1 =	sld [smem:$0x3F98];
	s0 =	simm.s32 @p0 $0x1  }
0x13: {  	[smem:$0x3FB3] =	sst s0;
	s0 =	simm.s32 @!p1 $0x0  }
0x14: {  	s2 =	sld [smem:$0x3F97];
	s0 =	simm.s32 @p1 $0x1  }
0x15: {  	[smem:$0x3FB4] =	sst s0;
	s0 =	simm.s32 @!p2 $0x0  }
0x16: {  	s3 =	sld [smem:$0x3FDB];
	s0 =	simm.s32 @p2 $0x1  }
0x17: {  	s4 =	simm.s32 $0x1BF5;
	[smem:$0x3FB6] =	sst s0  }
0x18: {  	s0 =	sld [smem:$0x3F99];
	_ =	swait.ge [sflag:s4], $0x0  }
0x19: {  	s7 =	sld [smem:$0x3F9A]  }
0x1a: {  	s8 =	sadd.s32 $0xFFFFE003, lr  }
0x1b: {  	s9 =	sadd.s32 $0xFFFFFEF7, lr;
	s5 =	simm.s32 $0xFFFFFFFF;
	p2 =	slt.u32 s8, $0xFFFFF086  }
0x1c: {  	p1 =	slt.u32 s9, $0xF7A;
	s5 =	simm.s32 @!p2 $0x0  }
0x1d: {  	s5 =	simm.s32 @p1 $0x1;
	p0 =	seq.s32 s7, s2  }
0x1e: {  	s7 =	smul.u32 @!p0 $0xF7A, s2;
	p2 =	seq.s32 @!p0 s5, $0x0  }
0x1f: {  	s9 =	smul.u32 $0xF7A, s1;
	s8 =	simm.s32 @!p0 $0x1BF5;
	p2 =	por !p2, p0  }
0x20: {  	[sflag:s8] =	ssyncset.s32 @!p0 $0xFFFFF086;
	s6 =	sadd.s32 @!p0 s3, s7;
	s7 =	simm.s32 @!p0 $0x108  }
0x21: {  	s3 =	sadd.s32 s3, s9;
	s6 =	sadd.s32 @!p0 $0x88, s6;
	s7 =	simm.s32 @p2 $0x1082  }
0x22: {  	[simem:s7], [sflag:s8] =	dma.local @!p0 [hbm:s6], $0xF7A  }
0x23: {  	s9 =	sor.u32 $0xD0000000, s2;
	s6 =	simm.s32 $0x108;
	_ =	swait.ge @!p0 [sflag:s8], $0x0  }
0x24: {  	s3 =	sadd.s32 $0x88, s3;
	s6 =	simm.s32 @!p1 $0x1082;
	[sflag:s4] =	ssyncset.s32 $0xFFFFF086  }
0x25: {  	[simem:s6], [sflag:s4] =	dma.local [hbm:s3], $0xF7A  }
0x26: {  	[smem:$0x3F9A] =	sst s1;
	(tag) =	ssettag s2;
	_ =	strace s9  }
0x27: {  	s1 =	sld [smem:$0x3FAA]  }
0x28: {  	s2 =	sld [smem:$0x3FAB]  }
0x29: {  	s4 =	sld [smem:$0x3FAD]  }
0x2a: {  	p0 =	seq.s32 s5, $0x0;
	s5 =	sld [smem:$0x3FAE]  }
0x2b: {  	s6 =	sld [smem:$0x3FAF]  }
0x2c: {  	s7 =	sld [smem:$0x3FB0]  }
0x2d: {  	s3 =	simm.s32 $0x108;
	s8 =	sld [smem:$0x3FB1]  }
0x2e: {  	s3 =	simm.s32 @!p0 $0x1082;
	s9 =	sld [smem:$0x3FB2]  }
0x2f: {  	lr =	sadd.s32 s0, s3;
	s0 =	sld [smem:$0x3FA9]  }
0x30: {  	s3 =	sld [smem:$0x3FAC]  }
0x31: {  	[smem:$0x3FB5] =	sst s10  }
0x32: {  	s10 =	sld [smem:$0x3FB3];
	_ =	sdelay $0x3  }
0x33: {  	p0 =	seq.s32 s10, $0x1;
	s10 =	sld [smem:$0x3FB5];
	_ =	sdelay $0x3  }
0x34: {  	[smem:$0x3FB5] =	sst s10  }
0x35: {  	s10 =	sld [smem:$0x3FB4];
	_ =	sdelay $0x3  }
0x36: {  	p1 =	seq.s32 s10, $0x1;
	s10 =	sld [smem:$0x3FB5];
	_ =	sdelay $0x3  }
0x37: {  	[smem:$0x3FB5] =	sst s10  }
0x38: {  	s10 =	sld [smem:$0x3FB6]  }
0x39: {  	_ = 	snop;
	(pc) =	sbr.ind lr, $3  }
0x3a: {  	_ = 	snop  }
0x3b: {  	_ = 	snop  }
0x3c: {  	p2 =	seq.s32 s10, $0x1;
	s10 =	sld [smem:$0x3FB5]  }
0x3d: {  	_ =	shalt  }
0x3e: {  	_ =	shalt  }
0x3f: {  	_ =	shalt  }
0x40: {  	_ =	shalt  }
0x41: {  	_ =	shalt  }
0x42: {  	_ =	shalt  }
0x43: {  	_ =	shalt  }
0x44: {  	_ =	shalt  }
0x45: {  	_ =	shalt  }
0x46: {  	_ =	shalt  }
0x47: {  	_ =	shalt  }
0x48: {  	_ =	shalt  }
0x49: {  	_ =	shalt  }
0x4a: {  	_ =	shalt  }
0x4b: {  	_ =	shalt  }
0x4c: {  	_ =	shalt  }
0x4d: {  	_ =	shalt  }
0x4e: {  	_ =	shalt  }
0x4f: {  	_ =	shalt  }
0x50: {  	_ =	shalt  }
0x51: {  	_ =	shalt  }
0x52: {  	_ =	shalt  }
0x53: {  	_ =	shalt  }
0x54: {  	_ =	shalt  }
0x55: {  	_ =	shalt  }
0x56: {  	_ =	shalt  }
0x57: {  	_ =	shalt  }
0x58: {  	_ =	shalt  }
0x59: {  	_ =	shalt  }
0x5a: {  	_ =	shalt  }
0x5b: {  	_ =	shalt  }
0x5c: {  	_ =	shalt  }
0x5d: {  	_ =	shalt  }
0x5e: {  	_ =	shalt  }
0x5f: {  	_ =	shalt  }
0x60: {  	_ =	shalt  }
0x61: {  	_ =	shalt  }
0x62: {  	_ =	shalt  }
0x63: {  	_ =	shalt  }
0x64: {  	_ =	shalt  }
0x65: {  	_ =	shalt  }
0x66: {  	_ =	shalt  }
0x67: {  	_ =	shalt  }
0x68: {  	_ =	shalt  }
0x69: {  	_ =	shalt  }
0x6a: {  	_ =	shalt  }
0x6b: {  	_ =	shalt  }
0x6c: {  	_ =	shalt  }
0x6d: {  	_ =	shalt  }
0x6e: {  	_ =	shalt  }
0x6f: {  	_ =	shalt  }
0x70: {  	_ =	shalt  }
0x71: {  	_ =	shalt  }
0x72: {  	_ =	shalt  }
0x73: {  	_ =	shalt  }
0x74: {  	_ =	shalt  }
0x75: {  	_ =	shalt  }
0x76: {  	_ =	shalt  }
0x77: {  	_ =	shalt  }
0x78: {  	_ =	shalt  }
0x79: {  	_ =	shalt  }
0x7a: {  	_ =	shalt  }
0x7b: {  	_ =	shalt  }
0x7c: {  	_ =	shalt  }
0x7d: {  	_ =	shalt  }
0x7e: {  	_ =	shalt  }
0x7f: {  	_ =	shalt  }
0x80: {  	_ =	shalt  }
0x81: {  	_ =	shalt  }
0x82: {  	_ =	shalt  }
0x83: {  	_ =	shalt  }
0x84: {  	_ =	shalt  }
0x85: {  	_ =	shalt  }
0x86: {  	_ =	shalt  }
0x87: {  	_ =	shalt  }
.Lfunc_end0:
.L_simem_size_0:
called_computation_lowered:
.L_overlay_start_0:
0x88: {  	s2 =	sld [smem:$0x3FD9]  }
0x89: {  	s3 =	sld [smem:$0x3FFE];
	_ =	sdelay $0x1  }
0x8a: {  	s1 =	srdreg.scid  }
0x8b: {  	s0 =	sand.u32 $0x1, s1  }
0x8c: {  	s16 =	sshll.u32 s0, $0xA;
	s2 =	sadd.s32 s3, s2  }
0x8d: {  	s2 =	sadd.s32 s2, s16  }
0x8e: {  	[smem:$0x3FC1] =	sst s2  }
0x8f: {  	_ = 	snop  }
0x90: {  	(tm) =	ssettm $0x1  }
0x91: {  	s17 =	sld [smem:$0x3FFB];
	_ =	sdelay $0x3  }
0x92: {  	_ =	strace s17  }
0x93: {  	s2 =	sld [smem:$0x3FFC];
	_ =	sdelay $0x3  }
0x94: {  	_ =	strace s2  }
0x95: {  	s2 =	sld [smem:$0x3FFD];
	_ =	sdelay $0x3  }
0x96: {  	_ =	strace s2  }
0x97: {  	_ =	strace $0x8FFFFFFF  }
0x98: {  	s18 =	sld [smem:$0x3FDB];
	_ =	sdelay $0x1  }
0x99: {  	s19 =	simm.s32 $_scs_section_size  }
0x9a: {  	s4 =	simm.s32 $_size__tile_overlayer_lowered;
	s5 =	simm.s32 $_tile_overlayer_lowered  }
0x9b: {  	s22 =	simm.s32 $0x1BFF;
	s21 =	sshll.u32 s5, $0x1;
	s2 =	sadd.s32 s19, s18  }
0x9c: {  	s6 =	simm.s32 $0x0;
	s20 =	sshll.u32 s4, $0x1;
	s4 =	sadd.s32 s21, s2  }
0x9d: {  	[timem:s6], [sflag:s22] =	dma.local [hbm:s4], s20  }
0x9e: {  	_ =	swait.ge [sflag:s22], s20  }
0x9f: {  	s3 =	ssub.s32 $0x0, s20;
	[sflag:s22] =	ssyncset.done $0x0  }
0xa0: {  	[sflag:s22] =	ssyncadd.s32 s3;
	_ =	sdelay $0x1  }
0xa1: {  	s23 =	simm.s32 $0x1B8B  }
0xa2: {  	_ =	swait.ge [sflag:s23], $0x1  }
0xa3: {  	[sflag:s23] =	ssyncset.done $0x0  }
0xa4: {  	s25 =	simm.s32 $0x1B8E;
	s24 =	sld [smem:$0x3FFE];
	[sflag:s23] =	ssyncadd.s32 $0xFFFFFFFF  }
0xa5: {  	s26 =	simm.s32 $execute0_lowered;
	[smem:$0x3FD2] =	sst s25  }
0xa6: {  	s4 =	sshll.u32 s26, $0x1;
	_ =	strace $0x80000046;
	[dreg:$0x1] =	wrdreg $0xFFFFFFFF  }
0xa7: {  	s28 =	simm.s32 $_size_execute0_lowered;
	s2 =	sadd.s32 s2, s4;
	[dreg:$0x0] =	wrdreg $0x0  }
0xa8: {  	s4 =	sshll.u32 s28, $0x1;
	[dreg:$0x2] =	wrdreg s2  }
0xa9: {  	[dreg:$0x3] =	wrdreg s4  }
0xaa: {  	[dreg:$0x4] =	wrdreg $0xC0  }
0xab: {  	_ =	task [dreg:s6], $0x5FFFF  }
0xac: {  	[dreg:$0x1] =	wrdreg $0xFFFFFFFF  }
0xad: {  	[dreg:$0x0] =	wrdreg $0x60  }
0xae: {  	[dreg:$0x2] =	wrdreg s24  }
0xaf: {  	[dreg:$0x3] =	wrdreg $0x3800  }
0xb0: {  	[dreg:$0x4] =	wrdreg $0x9  }
0xb1: {  	_ =	task.clear_ibuf [dreg:s6], $0x5FFFF;
	_ =	strace $0x90000046  }
0xb2: {  	s29 =	simm.s32 $0x9;
	_ =	strace $0x80000048  }
0xb3: {  	_ =	swait.ge [sflag:s29], $0x1  }
0xb4: {  	[sflag:s29] =	ssyncadd.s32 $0xFFFFFFFF  }
0xb5: {  	_ =	strace $0x90000048  }
0xb6: {  	_ =	sfence  }
0xb7: {  	s30 =	sld [smem:$0x0];
	_ =	sdelay $0x2  }
0xb8: {  	s31 =	sshll.u32 s1, $0xD;
	s1 =	sshrl.u32 s1, $0x2  }
0xb9: {  	s3 =	sand.u32 $0x4000, s31;
	s1 =	sadd.s32 s1, s30  }
0xba: {  	s0 =	sor.u32 s3, s0;
	s1 =	sshll.u32 s1, $0x11  }
0xbb: {  	s0 =	sor.u32 s1, s0  }
0xbc: {  	s0 =	sadd.s32 $0x8F2B, s0  }
0xbd: {  	[sflag:s0] =	ssyncadd.remote.s32 $0x1  }
0xbe: {  	_ =	sfence.sel $0xFFFF  }
0xbf: {  	[dreg:$0x0] =	wrdreg $0xFFFFFFFF;
	(pc) =	sbr.abs _section_cstart, $3  }
0xc0: {  	[dreg:$0x1] =	wrdreg $0xFFFFFFFF  }
0xc1: {  	_ =	task.clear_ibuf [dreg:s6], $0x2FFFF;
	_ =	strace $0x9FFFFFFF  }
0xc2: {  	(tm) =	ssettm $0x7FFFFFFF  }
0xc3: {  	_ =	shalt  }
tec
execute0_lowered:
.L_overlay_start_1:
0x0: {  	(tag) =	ssettag $0x1  }
0x1: {  	s0 =	srdreg.scid  }
0x2: {  	s4 =	rddreg [dreg:$0x0];
	s5 =	sand.u32 $0x1, s0  }
0x3: {  	s0 =	stileid.u32;
	s6 =	smul.u32 $0x27100, s5  }
0x4: {  	s2 =	rddreg [dreg:$0x1];
	s7 =	smul.u32 $0x2710, s0  }
0x5: {  	s1 =	rddreg [dreg:$0x2];
	s3 =	simm.s32 $0x0;
	s8 =	smul.u32 $0x280, s0  }
0x6: {  	s11 =	simm.s32 $0x80;
	[smem:$0x7FF] =	sst s3;
	s9 =	smul.u32 $0x2800, s5  }
0x7: {  	s12 =	simm.s32 $0x0;
	_ =	strace $0x80000047;
	s5 =	ssub.s32 $0x2, s5  }
0x8: {  	s29 =	sshrl.u32 s5, $0x1;
	s6 =	sadd.s32 s7, s6;
	s28 =	sadd.s32 s8, s9  }
0x9: {  	s31 =	ssub.s32 s5, s29;
	s6 =	sshrl.u32 s6, $0x3;
	s7 =	sshrl.u32 s28, $0x3  }
0xa: {  	s9 =	simm.s32 $0x1;
	s10 =	sadd.s32 s6, s4;
	s30 =	sadd.s32 s7, s4  }
0xb: {  	s4 =	sadd.s32 s8, s2;
	s6 =	smax.u32 s31, $0x1;
	s8 =	simm.s32 $0x100  }
0xc: {  	v0 =	vimm.f32 $1.000000000e+00;
	v1 =	vimm.f32 $0.0e+00;
	s5 =	sadd.s32 $0xC400, s30;
	s7 =	sadd.s32 $0x2600, s10;
	s10 =	simm.s32 $0x50  }
.LBB2_1:
0xd: {  	[tilespmem:$0x80] =	vst v0  }
0xe: {  	[tilespmem:$0x90] =	vst v0  }
0xf: {  	[tilespmem:$0xA0] =	vst v0  }
0x10: {  	[tilespmem:$0xB0] =	vst v0  }
0x11: {  	[tilespmem:$0xC0] =	vst v0  }
0x12: {  	[tilespmem:$0x100] =	vst v1  }
0x13: {  	[tilespmem:$0x110] =	vst v1  }
0x14: {  	[tilespmem:$0x120] =	vst v1  }
0x15: {  	[tilespmem:$0x130] =	vst v1  }
0x16: {  	[tilespmem:$0x140] =	vst v1  }
0x17: {  	[tilespmem:$0x150] =	vst v1  }
0x18: {  	[tilespmem:$0x160] =	vst v1  }
0x19: {  	[tilespmem:$0x170] =	vst v1  }
0x1a: {  	[tilespmem:$0x180] =	vst v1  }
0x1b: {  	[tilespmem:$0x190] =	vst v1  }
0x1c: {  	[tilespmem:$0x1A0] =	vst v1  }
0x1d: {  	[tilespmem:$0x1B0] =	vst v1  }
0x1e: {  	[tilespmem:$0x1C0] =	vst v1  }
0x1f: {  	[tilespmem:$0x1D0] =	vst v1  }
0x20: {  	[tilespmem:$0x1E0] =	vst v1  }
0x21: {  	[tilespmem:$0x1F0] =	vst v1  }
0x22: {  	[tilespmem:$0x200] =	vst v1  }
0x23: {  	[tilespmem:$0x210] =	vst v1  }
0x24: {  	[tilespmem:$0x220] =	vst v1  }
0x25: {  	[tilespmem:$0x230] =	vst v1  }
0x26: {  	[tilespmem:$0x240] =	vst v1  }
0x27: {  	[tilespmem:$0x250] =	vst v1  }
0x28: {  	[tilespmem:$0x260] =	vst v1  }
0x29: {  	[tilespmem:$0x270] =	vst v1  }
0x2a: {  	[tilespmem:$0x280] =	vst v1  }
0x2b: {  	[tilespmem:$0x290] =	vst v1  }
0x2c: {  	[tilespmem:$0x2A0] =	vst v1  }
0x2d: {  	[tilespmem:$0x2B0] =	vst v1  }
0x2e: {  	[tilespmem:$0x2C0] =	vst v1  }
0x2f: {  	[tilespmem:$0x2D0] =	vst v1  }
0x30: {  	[tilespmem:$0x2E0] =	vst v1  }
0x31: {  	[tilespmem:$0x2F0] =	vst v1  }
0x32: {  	[tilespmem:$0x300] =	vst v1  }
0x33: {  	[tilespmem:$0x310] =	vst v1  }
0x34: {  	[tilespmem:$0x320] =	vst v1  }
0x35: {  	[tilespmem:$0x330] =	vst v1  }
0x36: {  	[tilespmem:$0x340] =	vst v1  }
0x37: {  	[tilespmem:$0x350] =	vst v1  }
0x38: {  	[tilespmem:$0x360] =	vst v1  }
0x39: {  	[tilespmem:$0x370] =	vst v1  }
0x3a: {  	[spmem:s4] =	stream.linear.scatter [tilespmem:s8], [sflag:$0x1], $0x280, $0x38;
	[tilespmem:$0x600] =	vst v63  }
0x3b: {  	_ =	swait.ge [sflag:s9], $0x280  }
0x3c: {  	[sflag:s9] =	ssyncset.done $0x0  }
0x3d: {  	[sflag:s9] =	ssyncadd.s32 $0xFFFFFD80  }
0x3e: {  	s13 =	sadd.s32 $0x0, s7;
	[bflag:$0x0] =	sbarrier.arrive $0xFFFF  }
0x3f: {  	[tilespmem:s3], [sflag:$0x1] =	stream.linear.gather [hbm4b:s13+s3], $0x50, $0x38;
	[tilespmem:$0x600] =	vst v63  }
0x40: {  	_ =	swait.ge [sflag:s9], $0x50  }
0x41: {  	[sflag:s9] =	ssyncset.done $0x0  }
0x42: {  	[sflag:s9] =	ssyncadd.s32 $0xFFFFFFB0  }
0x43: {  	[spmem:s2] =	stream.indirect.scatter.add.f32 [tilespmem:s11], [sflag:$0x1], $0x1, s3, s10, $0xb8;
	[tilespmem:$0x600] =	vst v63  }
0x44: {  	_ =	swait.ge [sflag:s9], $0x50  }
0x45: {  	s14 =	simm.s32 $0x14;
	s13 =	simm.s32 $0xA;
	[sflag:s9] =	ssyncset.done $0x0  }
.LBB2_2:
0x46: {  	s15 =	sadd.s32 s13, s7  }
0x47: {  	[sflag:s9] =	ssyncadd.s32 $0xFFFFFFB0;
	s13 =	smov.u32 s14;
	s16 =	sadd.s32 $0xA, s14  }
0x48: {  	[tilespmem:s3], [sflag:$0x1] =	stream.linear.gather [hbm4b:s15+s3], $0x50, $0x38;
	[tilespmem:$0x600] =	vst v63  }
0x49: {  	p0 =	sne.s32 s14, $0x4D8;
	_ =	swait.ge [sflag:s9], $0x50  }
.Ltmp0:
0x4a: {  	[sflag:s9] =	ssyncset.done $0x0;
	(pc) =	sbr.rel @p0 .LBB2_2-.Ltmp0, $4  }
0x4b: {  	[sflag:s9] =	ssyncadd.s32 $0xFFFFFFB0  }
0x4c: {  	[spmem:s2] =	stream.indirect.scatter.add.f32 [tilespmem:s11], [sflag:$0x1], $0x1, s3, s10, $0xb8;
	[tilespmem:$0x600] =	vst v63  }
0x4d: {  	_ =	swait.ge [sflag:s9], $0x50  }
0x4e: {  	s14 =	smov.u32 s16;
	[sflag:s9] =	ssyncset.done $0x0  }
0x4f: {  	s13 =	sadd.s32 s13, s7;
	[sflag:s9] =	ssyncadd.s32 $0xFFFFFFB0  }
0x50: {  	[tilespmem:s3], [sflag:$0x1] =	stream.linear.gather [hbm4b:s13+s3], $0x50, $0x38;
	[tilespmem:$0x600] =	vst v63  }
0x51: {  	_ =	swait.ge [sflag:s9], $0x50  }
0x52: {  	[sflag:s9] =	ssyncset.done $0x0  }
0x53: {  	[sflag:s9] =	ssyncadd.s32 $0xFFFFFFB0  }
0x54: {  	[spmem:s2] =	stream.indirect.scatter.add.f32 [tilespmem:s11], [sflag:$0x1], $0x1, s3, s10, $0xb8;
	[tilespmem:$0x600] =	vst v63  }
0x55: {  	_ =	swait.ge [sflag:s9], $0x50  }
0x56: {  	[sflag:s9] =	ssyncset.done $0x0  }
0x57: {  	[sflag:s9] =	ssyncadd.s32 $0xFFFFFFB0  }
0x58: {  	[bflag:$0x0] =	sbarrier.arrive $0xFFFF  }
0x59: {  	[tilespmem:s8], [sflag:$0x1] =	stream.linear.gather [spmem:s4], $0x280, $0x38;
	[tilespmem:$0x600] =	vst v63  }
0x5a: {  	s12 =	sadd.s32 $0x1, s12;
	_ =	swait.ge [sflag:s9], $0x280  }
0x5b: {  	p0 =	sne.s32 s12, s6;
	[sflag:s9] =	ssyncset.done $0x0  }
.Ltmp1:
0x5c: {  	[sflag:s9] =	ssyncadd.s32 $0xFFFFFD80;
	(pc) =	sbr.rel @p0 .LBB2_1-.Ltmp1, $4  }
0x5d: {  	[hbm4b:s5+s3] =	stream.linear.scatter [tilespmem:s8], [sflag:$0x1], $0x280, $0x38;
	[tilespmem:$0x600] =	vst v63  }
0x5e: {  	_ =	swait.ge [sflag:s9], $0x280  }
0x5f: {  	[sflag:s9] =	ssyncset.done $0x0  }
0x60: {  	[sflag:s9] =	ssyncadd.s32 $0xFFFFFD80  }
0x61: {  	_ =	sfence.sel $0x180000  }
0x62: {  	[bflag:$0x0] =	sbarrier.arrive $0xFFFF  }
0x63: {  	p0 =	sne.s32 s0, $0x0;
	_ =	strace $0x90000047  }
0x64: {  	s0 =	sadd.s32 @!p0 $0x100000, s1;
	[bflag:$0x2] =	sbarrier.arrive $0xFFFF  }
0x65: {  	[sflag:s0] =	ssyncadd.tile.s32 @!p0 $0x1;
	_ =	shalt  }
.Lfunc_end2:
_tile_overlayer_lowered:
.L_overlay_start_2:
0x66: {  	(tag) =	ssettag $0x2  }
0x67: {  	s0 =	rddreg [dreg:$0x0];
	s2 =	stileid.u32  }
0x68: {  	s1 =	rddreg [dreg:$0x1];
	p0 =	sne.s32 s2, $0x0  }
0x69: {  	s3 =	rddreg [dreg:$0x2];
	[bflag:$0x3] =	sbarrier.arrive $0xFFFF;
	s2 =	simm.s32 @!p0 $0x1C01  }
0x6a: {  	[timem:s3], [sflag:s2] =	dma.local @!p0 [hbm:s0], s1  }
0x6b: {  	s0 =	simm.s32 @!p0 $0x1  }
0x6c: {  	_ =	swait.ge @!p0 [sflag:s0], s1  }
0x6d: {  	s1 =	ssub.s32 @!p0 $0x0, s1;
	[sflag:s0] =	ssyncset.done @!p0 $0x0  }
0x6e: {  	[sflag:s0] =	ssyncadd.s32 @!p0 s1  }
0x6f: {  	[bflag:$0x3] =	sbarrier.arrive $0xFFFF  }
0x70: {  	_ =	shalt  }

// kernel: kernel.13.cloned.1.call-start
scs
__scs_entry_jumppad:
0x0: {  	(pc) =	sbr.rel $0x88, $3  }
0x1: {  	(tag) =	ssettag $0x0;
	lr =	simm.s32 $0x1  }
0x2: {  	[smem:$0x3F9A] =	sst lr;
	_ =	strace $0xD0000000  }
0x3: {  	_ = 	snop  }
0x4: {  	_ = 	snop  }
0x5: {  	_ = 	snop  }
0x6: {  	_ = 	snop  }
0x7: {  	_ = 	snop  }
__scs_overlays_trampoline_lowered:
0x8: {  	[smem:$0x3FA9] =	sst s0  }
0x9: {  	[smem:$0x3FAA] =	sst s1  }
0xa: {  	[smem:$0x3FAB] =	sst s2  }
0xb: {  	[smem:$0x3FAC] =	sst s3  }
0xc: {  	[smem:$0x3FAD] =	sst s4  }
0xd: {  	[smem:$0x3FAE] =	sst s5  }
0xe: {  	[smem:$0x3FAF] =	sst s6  }
0xf: {  	[smem:$0x3FB0] =	sst s7  }
0x10: {  	[smem:$0x3FB1] =	sst s8  }
0x11: {  	[smem:$0x3FB2] =	sst s9;
	s0 =	simm.s32 @!p0 $0x0  }
0x12: {  	s1 =	sld [smem:$0x3F98];
	s0 =	simm.s32 @p0 $0x1  }
0x13: {  	[smem:$0x3FB3] =	sst s0;
	s0 =	simm.s32 @!p1 $0x0  }
0x14: {  	s2 =	sld [smem:$0x3F97];
	s0 =	simm.s32 @p1 $0x1  }
0x15: {  	[smem:$0x3FB4] =	sst s0;
	s0 =	simm.s32 @!p2 $0x0  }
0x16: {  	s3 =	sld [smem:$0x3FDB];
	s0 =	simm.s32 @p2 $0x1  }
0x17: {  	s4 =	simm.s32 $0x1BF5;
	[smem:$0x3FB6] =	sst s0  }
0x18: {  	s0 =	sld [smem:$0x3F99];
	_ =	swait.ge [sflag:s4], $0x0  }
0x19: {  	s7 =	sld [smem:$0x3F9A]  }
0x1a: {  	s8 =	sadd.s32 $0xFFFFE003, lr  }
0x1b: {  	s9 =	sadd.s32 $0xFFFFFEF7, lr;
	s5 =	simm.s32 $0xFFFFFFFF;
	p2 =	slt.u32 s8, $0xFFFFF086  }
0x1c: {  	p1 =	slt.u32 s9, $0xF7A;
	s5 =	simm.s32 @!p2 $0x0  }
0x1d: {  	s5 =	simm.s32 @p1 $0x1;
	p0 =	seq.s32 s7, s2  }
0x1e: {  	s7 =	smul.u32 @!p0 $0xF7A, s2;
	p2 =	seq.s32 @!p0 s5, $0x0  }
0x1f: {  	s9 =	smul.u32 $0xF7A, s1;
	s8 =	simm.s32 @!p0 $0x1BF5;
	p2 =	por !p2, p0  }
0x20: {  	[sflag:s8] =	ssyncset.s32 @!p0 $0xFFFFF086;
	s6 =	sadd.s32 @!p0 s3, s7;
	s7 =	simm.s32 @!p0 $0x108  }
0x21: {  	s3 =	sadd.s32 s3, s9;
	s6 =	sadd.s32 @!p0 $0x88, s6;
	s7 =	simm.s32 @p2 $0x1082  }
0x22: {  	[simem:s7], [sflag:s8] =	dma.local @!p0 [hbm:s6], $0xF7A  }
0x23: {  	s9 =	sor.u32 $0xD0000000, s2;
	s6 =	simm.s32 $0x108;
	_ =	swait.ge @!p0 [sflag:s8], $0x0  }
0x24: {  	s3 =	sadd.s32 $0x88, s3;
	s6 =	simm.s32 @!p1 $0x1082;
	[sflag:s4] =	ssyncset.s32 $0xFFFFF086  }
0x25: {  	[simem:s6], [sflag:s4] =	dma.local [hbm:s3], $0xF7A  }
0x26: {  	[smem:$0x3F9A] =	sst s1;
	(tag) =	ssettag s2;
	_ =	strace s9  }
0x27: {  	s1 =	sld [smem:$0x3FAA]  }
0x28: {  	s2 =	sld [smem:$0x3FAB]  }
0x29: {  	s4 =	sld [smem:$0x3FAD]  }
0x2a: {  	p0 =	seq.s32 s5, $0x0;
	s5 =	sld [smem:$0x3FAE]  }
0x2b: {  	s6 =	sld [smem:$0x3FAF]  }
0x2c: {  	s7 =	sld [smem:$0x3FB0]  }
0x2d: {  	s3 =	simm.s32 $0x108;
	s8 =	sld [smem:$0x3FB1]  }
0x2e: {  	s3 =	simm.s32 @!p0 $0x1082;
	s9 =	sld [smem:$0x3FB2]  }
0x2f: {  	lr =	sadd.s32 s0, s3;
	s0 =	sld [smem:$0x3FA9]  }
0x30: {  	s3 =	sld [smem:$0x3FAC]  }
0x31: {  	[smem:$0x3FB5] =	sst s10  }
0x32: {  	s10 =	sld [smem:$0x3FB3];
	_ =	sdelay $0x3  }
0x33: {  	p0 =	seq.s32 s10, $0x1;
	s10 =	sld [smem:$0x3FB5];
	_ =	sdelay $0x3  }
0x34: {  	[smem:$0x3FB5] =	sst s10  }
0x35: {  	s10 =	sld [smem:$0x3FB4];
	_ =	sdelay $0x3  }
0x36: {  	p1 =	seq.s32 s10, $0x1;
	s10 =	sld [smem:$0x3FB5];
	_ =	sdelay $0x3  }
0x37: {  	[smem:$0x3FB5] =	sst s10  }
0x38: {  	s10 =	sld [smem:$0x3FB6]  }
0x39: {  	_ = 	snop;
	(pc) =	sbr.ind lr, $3  }
0x3a: {  	_ = 	snop  }
0x3b: {  	_ = 	snop  }
0x3c: {  	p2 =	seq.s32 s10, $0x1;
	s10 =	sld [smem:$0x3FB5]  }
0x3d: {  	_ =	shalt  }
0x3e: {  	_ =	shalt  }
0x3f: {  	_ =	shalt  }
0x40: {  	_ =	shalt  }
0x41: {  	_ =	shalt  }
0x42: {  	_ =	shalt  }
0x43: {  	_ =	shalt  }
0x44: {  	_ =	shalt  }
0x45: {  	_ =	shalt  }
0x46: {  	_ =	shalt  }
0x47: {  	_ =	shalt  }
0x48: {  	_ =	shalt  }
0x49: {  	_ =	shalt  }
0x4a: {  	_ =	shalt  }
0x4b: {  	_ =	shalt  }
0x4c: {  	_ =	shalt  }
0x4d: {  	_ =	shalt  }
0x4e: {  	_ =	shalt  }
0x4f: {  	_ =	shalt  }
0x50: {  	_ =	shalt  }
0x51: {  	_ =	shalt  }
0x52: {  	_ =	shalt  }
0x53: {  	_ =	shalt  }
0x54: {  	_ =	shalt  }
0x55: {  	_ =	shalt  }
0x56: {  	_ =	shalt  }
0x57: {  	_ =	shalt  }
0x58: {  	_ =	shalt  }
0x59: {  	_ =	shalt  }
0x5a: {  	_ =	shalt  }
0x5b: {  	_ =	shalt  }
0x5c: {  	_ =	shalt  }
0x5d: {  	_ =	shalt  }
0x5e: {  	_ =	shalt  }
0x5f: {  	_ =	shalt  }
0x60: {  	_ =	shalt  }
0x61: {  	_ =	shalt  }
0x62: {  	_ =	shalt  }
0x63: {  	_ =	shalt  }
0x64: {  	_ =	shalt  }
0x65: {  	_ =	shalt  }
0x66: {  	_ =	shalt  }
0x67: {  	_ =	shalt  }
0x68: {  	_ =	shalt  }
0x69: {  	_ =	shalt  }
0x6a: {  	_ =	shalt  }
0x6b: {  	_ =	shalt  }
0x6c: {  	_ =	shalt  }
0x6d: {  	_ =	shalt  }
0x6e: {  	_ =	shalt  }
0x6f: {  	_ =	shalt  }
0x70: {  	_ =	shalt  }
0x71: {  	_ =	shalt  }
0x72: {  	_ =	shalt  }
0x73: {  	_ =	shalt  }
0x74: {  	_ =	shalt  }
0x75: {  	_ =	shalt  }
0x76: {  	_ =	shalt  }
0x77: {  	_ =	shalt  }
0x78: {  	_ =	shalt  }
0x79: {  	_ =	shalt  }
0x7a: {  	_ =	shalt  }
0x7b: {  	_ =	shalt  }
0x7c: {  	_ =	shalt  }
0x7d: {  	_ =	shalt  }
0x7e: {  	_ =	shalt  }
0x7f: {  	_ =	shalt  }
0x80: {  	_ =	shalt  }
0x81: {  	_ =	shalt  }
0x82: {  	_ =	shalt  }
0x83: {  	_ =	shalt  }
0x84: {  	_ =	shalt  }
0x85: {  	_ =	shalt  }
0x86: {  	_ =	shalt  }
0x87: {  	_ =	shalt  }
.Lfunc_end0:
.L_simem_size_0:
called_computation.1_lowered:
.L_overlay_start_0:
0x88: {  	s2 =	sld [smem:$0x3FD9]  }
0x89: {  	s3 =	sld [smem:$0x3FFE];
	_ =	sdelay $0x1  }
0x8a: {  	s1 =	srdreg.scid  }
0x8b: {  	s0 =	sand.u32 $0x1, s1  }
0x8c: {  	s17 =	sshll.u32 s0, $0xA;
	s2 =	sadd.s32 s3, s2  }
0x8d: {  	s2 =	sadd.s32 s2, s17  }
0x8e: {  	[smem:$0x3FC1] =	sst s2  }
0x8f: {  	_ = 	snop  }
0x90: {  	s2 =	sld [smem:$0x3FD0];
	(tm) =	ssettm $0x1  }
0x91: {  	s18 =	sld [smem:$0x3FFB];
	_ =	sdelay $0x3  }
0x92: {  	_ =	strace s18  }
0x93: {  	s3 =	sld [smem:$0x3FFC];
	_ =	sdelay $0x3  }
0x94: {  	_ =	strace s3  }
0x95: {  	s3 =	sld [smem:$0x3FFD];
	_ =	sdelay $0x3  }
0x96: {  	_ =	strace s3  }
0x97: {  	_ =	strace $0x8FFFFFFF  }
0x98: {  	s19 =	sld [smem:$0x3FDB];
	_ =	sdelay $0x1  }
0x99: {  	s4 =	simm.s32 $_scs_section_size  }
0x9a: {  	s5 =	simm.s32 $_size__tile_overlayer_lowered;
	s6 =	simm.s32 $_tile_overlayer_lowered  }
0x9b: {  	s22 =	simm.s32 $0x1BFF;
	s21 =	sshll.u32 s6, $0x1;
	s3 =	sadd.s32 s4, s19  }
0x9c: {  	s7 =	simm.s32 $0x0;
	s20 =	sshll.u32 s5, $0x1;
	s5 =	sadd.s32 s21, s3  }
0x9d: {  	[timem:s7], [sflag:s22] =	dma.local [hbm:s5], s20  }
0x9e: {  	_ =	swait.ge [sflag:s22], s20  }
0x9f: {  	s4 =	ssub.s32 $0x0, s20;
	[sflag:s22] =	ssyncset.done $0x0  }
0xa0: {  	[sflag:s22] =	ssyncadd.s32 s4;
	_ =	sdelay $0x1  }
0xa1: {  	s23 =	simm.s32 $0x1B8B  }
0xa2: {  	_ =	swait.ge [sflag:s23], $0x1  }
0xa3: {  	[sflag:s23] =	ssyncset.done $0x0  }
0xa4: {  	s25 =	simm.s32 $0x1B8E;
	s24 =	sld [smem:$0x3FFE];
	[sflag:s23] =	ssyncadd.s32 $0xFFFFFFFF  }
0xa5: {  	s26 =	simm.s32 $execute0_lowered;
	[smem:$0x3FD2] =	sst s25  }
0xa6: {  	s5 =	sshll.u32 s26, $0x1;
	_ =	strace $0x80000049;
	[dreg:$0x1] =	wrdreg $0xFFFFFFFF  }
0xa7: {  	s28 =	simm.s32 $_size_execute0_lowered;
	s3 =	sadd.s32 s3, s5;
	[dreg:$0x0] =	wrdreg $0x0  }
0xa8: {  	s5 =	sshll.u32 s28, $0x1;
	[dreg:$0x2] =	wrdreg s3  }
0xa9: {  	[dreg:$0x3] =	wrdreg s5  }
0xaa: {  	[dreg:$0x4] =	wrdreg $0xC0  }
0xab: {  	_ =	task [dreg:s7], $0x5FFFF  }
0xac: {  	[dreg:$0x1] =	wrdreg $0xFFFFFFFF  }
0xad: {  	[dreg:$0x0] =	wrdreg $0x60  }
0xae: {  	[dreg:$0x2] =	wrdreg s24  }
0xaf: {  	[dreg:$0x3] =	wrdreg s2  }
0xb0: {  	[dreg:$0x4] =	wrdreg $0xA4000  }
0xb1: {  	[dreg:$0x5] =	wrdreg $0x9  }
0xb2: {  	_ =	task.clear_ibuf [dreg:s7], $0x6FFFF;
	_ =	strace $0x90000049  }
0xb3: {  	s29 =	simm.s32 $0x9;
	_ =	strace $0x8000004B  }
0xb4: {  	_ =	swait.ge [sflag:s29], $0x1  }
0xb5: {  	[sflag:s29] =	ssyncadd.s32 $0xFFFFFFFF  }
0xb6: {  	_ =	strace $0x9000004B  }
0xb7: {  	_ =	sfence  }
0xb8: {  	s30 =	sld [smem:$0x0];
	_ =	sdelay $0x2  }
0xb9: {  	s31 =	sshll.u32 s1, $0xD;
	s1 =	sshrl.u32 s1, $0x2  }
0xba: {  	s3 =	sand.u32 $0x4000, s31;
	s1 =	sadd.s32 s1, s30  }
0xbb: {  	s0 =	sor.u32 s3, s0;
	s1 =	sshll.u32 s1, $0x11  }
0xbc: {  	s0 =	sor.u32 s1, s0  }
0xbd: {  	s0 =	sadd.s32 $0x8F2B, s0  }
0xbe: {  	[sflag:s0] =	ssyncadd.remote.s32 $0x1  }
0xbf: {  	_ =	sfence.sel $0xFFFF  }
0xc0: {  	[dreg:$0x0] =	wrdreg $0xFFFFFFFF;
	(pc) =	sbr.abs _section_cstart, $3  }
0xc1: {  	[dreg:$0x1] =	wrdreg $0xFFFFFFFF  }
0xc2: {  	_ =	task.clear_ibuf [dreg:s7], $0x2FFFF;
	_ =	strace $0x9FFFFFFF  }
0xc3: {  	(tm) =	ssettm $0x7FFFFFFF  }
tec
execute0_lowered:
.L_overlay_start_1:
0x0: {  	(tag) =	ssettag $0x1  }
0x1: {  	s0 =	rddreg [dreg:$0x0]  }
0x2: {  	s17 =	rddreg [dreg:$0x1];
	s1 =	srdreg.scid  }
0x3: {  	s12 =	stileid.u32;
	s3 =	rddreg [dreg:$0x2]  }
0x4: {  	s4 =	simm.s32 $0x0;
	s1 =	sand.u32 $0x1, s1;
	s2 =	smul.u32 $0x140, s12  }
0x5: {  	[smem:$0x7FF] =	sst s4;
	s5 =	sadd.s32 $0x20A00, s0;
	s21 =	smul.u32 $0x28000, s12  }
0x6: {  	s7 =	sadd.s32 $0x16C00, s0;
	s8 =	sadd.s32 $0x2600, s0;
	s11 =	smul.u32 $0x2710, s12  }
0x7: {  	s6 =	smul.u32 $0x2800, s1;
	_ =	strace $0x8000004A;
	[dreg:$0xf] =	wrdreg s8  }
0x8: {  	s22 =	ssub.s32 $0x2, s1;
	s9 =	sshll.u32 s1, $0x4;
	s1 =	smul.u32 $0x27100, s1  }
0x9: {  	s10 =	sshrl.u32 s22, $0x1;
	s9 =	sor.u32 s12, s9;
	s2 =	sadd.s32 s2, s6  }
0xa: {  	s6 =	sadd.s32 $0xCE00, s0;
	s8 =	ssub.s32 s22, s10;
	s1 =	sadd.s32 s11, s1  }
0xb: {  	s9 =	smul.u32 $0x2710, s9;
	s2 =	sshll.u32 s2, $0x4;
	s24 =	sadd.s32 $0x280, s1  }
0xc: {  	s13 =	sadd.s32 $0x190, s1;
	s15 =	sadd.s32 $0x1E0, s1;
	s1 =	sadd.s32 $0x230, s1  }
0xd: {  	s0 =	sadd.s32 s2, s0;
	s2 =	sshrl.u32 s21, $0x2;
	s29 =	sadd.s32 $0x2D0, s9  }
0xe: {  	s10 =	sshrl.u32 s24, $0x3;
	s2 =	sadd.s32 s2, s3;
	[dreg:$0xd] =	wrdreg s29  }
0xf: {  	s28 =	sshrl.u32 s13, $0x3;
	s26 =	sadd.s32 s10, s6;
	[dreg:$0x10] =	wrdreg s2  }
0x10: {  	s13 =	sshrl.u32 s15, $0x3;
	s14 =	sadd.s32 s28, s6;
	[dreg:$0x4] =	wrdreg s26  }
0x11: {  	s1 =	sshrl.u32 s1, $0x3;
	s19 =	sadd.s32 s13, s6;
	[dreg:$0x5] =	wrdreg s14  }
0x12: {  	s20 =	sadd.s32 s1, s6;
	[dreg:$0x6] =	wrdreg s19  }
0x13: {  	s22 =	sadd.s32 s10, s7;
	[dreg:$0x7] =	wrdreg s20  }
0x14: {  	s23 =	sshll.u32 s12, $0x6;
	s12 =	sadd.s32 s28, s7;
	[dreg:$0x8] =	wrdreg s22  }
0x15: {  	s24 =	sadd.s32 s13, s7;
	[dreg:$0x9] =	wrdreg s12  }
0x16: {  	[dreg:$0xa] =	wrdreg s24;
	s26 =	sadd.s32 s1, s7  }
0x17: {  	s24 =	sadd.s32 $0x48A00, s0;
	[dreg:$0xb] =	wrdreg s26  }
0x18: {  	s16 =	sor.u32 $0x1C11, s23;
	s0 =	sadd.s32 $0x5CA00, s0;
	[smem:$0x7F9] =	sst s24  }
0x19: {  	s12 =	smov.u32 s16;
	[smem:$0x7FA] =	sst s0  }
0x1a: {  	s2 =	sshrl.u32 s9, $0x3;
	s9 =	sadd.s32 $0x320, s9;
	[dreg:$0x11] =	wrdreg s12  }
0x1b: {  	s25 =	sadd.s32 s6, s2;
	[dreg:$0xc] =	wrdreg s9  }
0x1c: {  	s18 =	sadd.s32 s17, s2;
	s11 =	sadd.s32 $0xA, s2;
	[dreg:$0x13] =	wrdreg s25  }
0x1d: {  	s21 =	sadd.s32 $0x14, s2;
	s15 =	sadd.s32 s6, s11;
	[dreg:$0x12] =	wrdreg s18  }
0x1e: {  	s23 =	sadd.s32 $0x1E, s2;
	s19 =	sadd.s32 s6, s21;
	[dreg:$0x14] =	wrdreg s15  }
0x1f: {  	s30 =	simm.s32 $0x6;
	s28 =	sadd.s32 s6, s23;
	[dreg:$0x15] =	wrdreg s19  }
0x20: {  	s25 =	sadd.s32 $0x28, s2;
	s2 =	sadd.s32 s7, s2;
	[dreg:$0x16] =	wrdreg s28  }
0x21: {  	s31 =	simm.s32 $0xE;
	s16 =	sadd.s32 s17, s21;
	[dreg:$0x18] =	wrdreg s2  }
0x22: {  	s13 =	simm.s32 $0x100;
	s20 =	sadd.s32 s17, s23;
	[dreg:$0x1b] =	wrdreg s16  }
0x23: {  	s14 =	simm.s32 $0x11;
	s26 =	sadd.s32 $0x32, s18;
	[dreg:$0x1d] =	wrdreg s20  }
0x24: {  	s0 =	simm.s32 $0x8;
	s6 =	sadd.s32 s6, s25;
	[smem:$0x7FC] =	sst s26  }
0x25: {  	s24 =	simm.s32 $0xD;
	s19 =	sadd.s32 s7, s21;
	[dreg:$0x17] =	wrdreg s6  }
0x26: {  	s21 =	sadd.s32 s7, s23;
	s22 =	sadd.s32 s7, s25;
	[dreg:$0x1c] =	wrdreg s19  }
0x27: {  	s23 =	sadd.s32 s17, s25;
	s25 =	smax.u32 s8, $0x1;
	[dreg:$0x1e] =	wrdreg s21  }
0x28: {  	s15 =	sadd.s32 s1, s17;
	s28 =	sadd.s32 $0x3C, s18;
	[dreg:$0x1f] =	wrdreg s22  }
0x29: {  	s16 =	simm.s32 $0x3;
	s18 =	simm.s32 $0x4;
	[smem:$0x7F8] =	sst s23  }
0x2a: {  	s20 =	simm.s32 $0x80;
	s8 =	simm.s32 $0x10;
	[smem:$0x7FB] =	sst s25  }
0x2b: {  	s2 =	simm.s32 $0x5;
	s6 =	sadd.s32 s17, s11;
	[smem:$0x7FD] =	sst s28  }
0x2c: {  	s1 =	simm.s32 $0x0;
	s11 =	sadd.s32 s7, s11;
	[dreg:$0x19] =	wrdreg s6  }
0x2d: {  	s19 =	sadd.s32 s10, s17;
	s7 =	simm.s32 $0xB;
	[dreg:$0x1a] =	wrdreg s11  }
0x2e: {  	s25 =	simm.s32 $0xC;
	s11 =	simm.s32 $0x50;
	[dreg:$0xe] =	wrdreg s19  }
.LBB2_1:
0x2f: {  	[smem:$0x7F6] =	sst s1  }
0x30: {  	s10 =	rddreg [dreg:$0x10]  }
0x31: {  	s6 =	rddreg [dreg:$0xf];
	s28 =	sshrl.u32 s10, $0x3  }
0x32: {  	[smem:$0x7F7] =	sst s28  }
0x33: {  	[spmem:s28], [sflag:s12] =	dma.local [hbm:s6], $0x1400  }
0x34: {  	_ =	swait.ge [sflag:s14], $0x1400  }
0x35: {  	[sflag:s14] =	ssyncset.done $0x0  }
0x36: {  	[sflag:s14] =	ssyncadd.s32 $0xFFFFEC00  }
0x37: {  	[bflag:$0x0] =	sbarrier.arrive $0xFFFF  }
0x38: {  	s12 =	rddreg [dreg:$0x12]  }
0x39: {  	[tilespmem:s4], [sflag:$0x11] =	stream.linear.gather [hbm4b:s12+s4], $0x50, $0x38;
	[tilespmem:$0x14440] =	vst v63  }
0x3a: {  	_ =	swait.ge [sflag:s14], $0x50  }
0x3b: {  	[sflag:s14] =	ssyncset.done $0x0  }
0x3c: {  	s12 =	simm.s32 $0x200;
	s21 =	rddreg [dreg:$0x13];
	[sflag:s14] =	ssyncadd.s32 $0xFFFFFFB0  }
0x3d: {  	[tilespmem:s12], [sflag:$0x11] =	stream.linear.gather [hbm4b:s21+s4], $0x50, $0x38;
	[tilespmem:$0x14440] =	vst v63  }
0x3e: {  	_ =	swait.ge [sflag:s14], $0x50  }
0x3f: {  	[sflag:s14] =	ssyncset.done $0x0  }
0x40: {  	s22 =	simm.s32 $0x400;
	s6 =	simm.s32 $0x1;
	[sflag:s14] =	ssyncadd.s32 $0xFFFFFFB0  }
0x41: {  	[tilespmem:s22], [sflag:$0x1] =	stream.indirect.gather [hbm4b:s5+s11], $0x80, s4, s11, $0xb8;
	[tilespmem:$0x14440] =	vst v63  }
0x42: {  	_ =	swait.ge [sflag:s6], $0x2800  }
0x43: {  	[sflag:s6] =	ssyncset.done $0x0  }
0x44: {  	[sflag:s6] =	ssyncadd.s32 $0xFFFFD800  }
0x45: {  	[spmem:s3] =	stream.indirect.scatter.add.f32 [tilespmem:s22], [sflag:$0x11], $0x80, s12, s11, $0xb8;
	[tilespmem:$0x14440] =	vst v63  }
0x46: {  	_ =	swait.ge [sflag:s14], $0x2800  }
0x47: {  	[sflag:s14] =	ssyncset.done $0x0  }
0x48: {  	s23 =	rddreg [dreg:$0x19];
	[sflag:s14] =	ssyncadd.s32 $0xFFFFD800  }
0x49: {  	[tilespmem:s13], [sflag:$0x11] =	stream.linear.gather [hbm4b:s23+s4], $0x50, $0x38;
	[tilespmem:$0x14440] =	vst v63  }
0x4a: {  	_ =	swait.ge [sflag:s14], $0x50  }
0x4b: {  	[sflag:s14] =	ssyncset.done $0x0  }
0x4c: {  	s21 =	simm.s32 $0x300;
	s26 =	rddreg [dreg:$0x14];
	[sflag:s14] =	ssyncadd.s32 $0xFFFFFFB0  }
0x4d: {  	[tilespmem:s21], [sflag:$0x11] =	stream.linear.gather [hbm4b:s26+s4], $0x50, $0x38;
	[tilespmem:$0x14440] =	vst v63  }
0x4e: {  	_ =	swait.ge [sflag:s14], $0x50  }
0x4f: {  	[sflag:s14] =	ssyncset.done $0x0  }
0x50: {  	s22 =	simm.s32 $0x5400;
	[sflag:s14] =	ssyncadd.s32 $0xFFFFFFB0  }
0x51: {  	[tilespmem:s22], [sflag:$0x3] =	stream.indirect.gather [hbm4b:s5+s11], $0x80, s13, s11, $0xb8;
	[tilespmem:$0x14440] =	vst v63  }
0x52: {  	s26 =	simm.s32 $0x180;
	s28 =	rddreg [dreg:$0x1b]  }
0x53: {  	[tilespmem:s26], [sflag:$0x11] =	stream.linear.gather [hbm4b:s28+s4], $0x50, $0x38;
	[tilespmem:$0x14440] =	vst v63  }
0x54: {  	_ =	swait.ge [sflag:s14], $0x50  }
0x55: {  	[sflag:s14] =	ssyncset.done $0x0  }
0x56: {  	s28 =	simm.s32 $0x380;
	s23 =	rddreg [dreg:$0x15];
	[sflag:s14] =	ssyncadd.s32 $0xFFFFFFB0  }
0x57: {  	[tilespmem:s28], [sflag:$0x11] =	stream.linear.gather [hbm4b:s23+s4], $0x50, $0x38;
	[tilespmem:$0x14440] =	vst v63  }
0x58: {  	_ =	swait.ge [sflag:s14], $0x50  }
0x59: {  	[sflag:s14] =	ssyncset.done $0x0  }
0x5a: {  	s23 =	simm.s32 $0x7C00;
	[sflag:s14] =	ssyncadd.s32 $0xFFFFFFB0  }
0x5b: {  	[tilespmem:s23], [sflag:$0x4] =	stream.indirect.gather [hbm4b:s5+s11], $0x80, s26, s11, $0xb8;
	[tilespmem:$0x14440] =	vst v63  }
0x5c: {  	_ =	swait.ge [sflag:s16], $0x2800  }
0x5d: {  	[sflag:s16] =	ssyncset.done $0x0  }
0x5e: {  	s21 =	simm.s32 $0x300;
	[sflag:s16] =	ssyncadd.s32 $0xFFFFD800  }
0x5f: {  	[spmem:s3] =	stream.indirect.scatter.add.f32 [tilespmem:s22], [sflag:$0x7], $0x80, s21, s11, $0xb8;
	[tilespmem:$0x14440] =	vst v63  }
0x60: {  	_ =	swait.ge [sflag:s18], $0x2800  }
0x61: {  	[sflag:s18] =	ssyncset.done $0x0  }
0x62: {  	[sflag:s18] =	ssyncadd.s32 $0xFFFFD800  }
0x63: {  	[spmem:s3] =	stream.indirect.scatter.add.f32 [tilespmem:s23], [sflag:$0x8], $0x80, s28, s11, $0xb8;
	[tilespmem:$0x14440] =	vst v63  }
0x64: {  	s21 =	rddreg [dreg:$0x1d]  }
0x65: {  	[tilespmem:s4], [sflag:$0x11] =	stream.linear.gather [hbm4b:s21+s4], $0x50, $0x38;
	[tilespmem:$0x14440] =	vst v63  }
0x66: {  	_ =	swait.ge [sflag:s14], $0x50  }
0x67: {  	[sflag:s14] =	ssyncset.done $0x0  }
0x68: {  	s23 =	rddreg [dreg:$0x16];
	[sflag:s14] =	ssyncadd.s32 $0xFFFFFFB0  }
0x69: {  	[tilespmem:s12], [sflag:$0x9] =	stream.linear.gather [hbm4b:s23+s4], $0x50, $0x38;
	[tilespmem:$0x14440] =	vst v63  }
0x6a: {  	s1 =	simm.s32 $0x400  }
0x6b: {  	[tilespmem:s1], [sflag:$0x1] =	stream.indirect.gather [hbm4b:s5+s11], $0x80, s4, s11, $0xb8;
	[tilespmem:$0x14440] =	vst v63  }
0x6c: {  	s1 =	sld [smem:$0x7F8];
	_ =	sdelay $0x2  }
0x6d: {  	[tilespmem:s20], [sflag:$0x11] =	stream.linear.gather [hbm4b:s1+s4], $0x50, $0x38;
	[tilespmem:$0x14440] =	vst v63  }
0x6e: {  	_ =	swait.ge [sflag:s14], $0x50  }
0x6f: {  	[sflag:s14] =	ssyncset.done $0x0  }
0x70: {  	s23 =	rddreg [dreg:$0x17];
	[sflag:s14] =	ssyncadd.s32 $0xFFFFFFB0;
	s14 =	simm.s32 $0x280  }
0x71: {  	[tilespmem:s14], [sflag:$0xA] =	stream.linear.gather [hbm4b:s23+s4], $0x50, $0x38;
	[tilespmem:$0x14440] =	vst v63  }
0x72: {  	s1 =	sld [smem:$0x7FC];
	s23 =	simm.s32 $0x2C00  }
0x73: {  	[tilespmem:s23], [sflag:$0x2] =	stream.indirect.gather [hbm4b:s5+s11], $0x80, s20, s11, $0xb8;
	[tilespmem:$0x14440] =	vst v63  }
0x74: {  	_ = 	snop  }
0x75: {  	[tilespmem:s13], [sflag:$0xF] =	stream.linear.gather [hbm4b:s1+s4], $0x50, $0x38;
	[tilespmem:$0x14440] =	vst v63  }
0x76: {  	s1 =	sld [smem:$0x7FD];
	_ =	sdelay $0x2  }
0x77: {  	[tilespmem:s26], [sflag:$0x10] =	stream.linear.gather [hbm4b:s1+s4], $0x50, $0x38;
	[tilespmem:$0x14440] =	vst v63  }
0x78: {  	_ =	swait.ge [sflag:s6], $0x2800  }
0x79: {  	[sflag:s6] =	ssyncset.done $0x0  }
0x7a: {  	s1 =	sadd.s32 $0x0, s15;
	[sflag:s6] =	ssyncadd.s32 $0xFFFFD800;
	s6 =	simm.s32 $0x9  }
0x7b: {  	[tilespmem:s4], [sflag:$0xD] =	stream.linear.gather [hbm4b:s1+s4], $0x50, $0x38;
	[tilespmem:$0x14440] =	vst v63  }
0x7c: {  	_ =	swait.ge [sflag:s6], $0x50  }
0x7d: {  	[sflag:s6] =	ssyncset.done $0x0  }
0x7e: {  	s10 =	simm.s32 $0x7;
	s21 =	simm.s32 $0x400;
	[sflag:s6] =	ssyncadd.s32 $0xFFFFFFB0  }
0x7f: {  	[spmem:s3] =	stream.indirect.scatter.add.f32 [tilespmem:s21], [sflag:$0x5], $0x80, s12, s11, $0xb8;
	[tilespmem:$0x14440] =	vst v63  }
0x80: {  	_ =	swait.ge [sflag:s10], $0x2800  }
0x81: {  	s21 =	rddreg [dreg:$0x5];
	[sflag:s10] =	ssyncset.done $0x0  }
0x82: {  	[sflag:s10] =	ssyncadd.s32 $0xFFFFD800;
	s10 =	sadd.s32 $0x0, s21;
	s21 =	simm.s32 $0x300  }
0x83: {  	[tilespmem:s21], [sflag:$0xB] =	stream.linear.gather [hbm4b:s10+s4], $0x50, $0x38;
	[tilespmem:$0x14440] =	vst v63  }
0x84: {  	s10 =	simm.s32 $0xF  }
0x85: {  	_ =	swait.ge [sflag:s10], $0x50  }
0x86: {  	[sflag:s10] =	ssyncset.done $0x0  }
0x87: {  	[sflag:s10] =	ssyncadd.s32 $0xFFFFFFB0;
	s10 =	simm.s32 $0x2  }
0x88: {  	[tilespmem:s22], [sflag:$0x3] =	stream.indirect.gather [hbm4b:s5+s11], $0x80, s13, s11, $0xb8;
	[tilespmem:$0x14440] =	vst v63  }
0x89: {  	_ =	swait.ge [sflag:s10], $0x2800  }
0x8a: {  	[sflag:s10] =	ssyncset.done $0x0  }
0x8b: {  	s1 =	sadd.s32 $0x0, s19;
	s19 =	simm.s32 $0xA;
	[sflag:s10] =	ssyncadd.s32 $0xFFFFD800  }
0x8c: {  	[tilespmem:s20], [sflag:$0xE] =	stream.linear.gather [hbm4b:s1+s4], $0x50, $0x38;
	[tilespmem:$0x14440] =	vst v63  }
0x8d: {  	_ =	swait.ge [sflag:s19], $0x50  }
0x8e: {  	[sflag:s19] =	ssyncset.done $0x0  }
0x8f: {  	[sflag:s19] =	ssyncadd.s32 $0xFFFFFFB0  }
0x90: {  	[spmem:s3] =	stream.indirect.scatter.add.f32 [tilespmem:s23], [sflag:$0x6], $0x80, s14, s11, $0xb8;
	[tilespmem:$0x14440] =	vst v63  }
0x91: {  	_ =	swait.ge [sflag:s0], $0x2800  }
0x92: {  	s1 =	rddreg [dreg:$0x6];
	[sflag:s0] =	ssyncset.done $0x0  }
0x93: {  	[sflag:s0] =	ssyncadd.s32 $0xFFFFD800;
	s10 =	sadd.s32 $0x0, s1  }
0x94: {  	[tilespmem:s28], [sflag:$0xC] =	stream.linear.gather [hbm4b:s10+s4], $0x50, $0x38;
	[tilespmem:$0x14440] =	vst v63  }
0x95: {  	_ =	swait.ge [sflag:s8], $0x50  }
0x96: {  	s19 =	smin.u32 s4, $0x73;
	[sflag:s8] =	ssyncset.done $0x0  }
0x97: {  	s1 =	simm.s32 $0x7C00;
	s10 =	smul.u32 $0x50, s19;
	[sflag:s8] =	ssyncadd.s32 $0xFFFFFFB0  }
0x98: {  	[tilespmem:s1], [sflag:$0x4] =	stream.indirect.gather [hbm4b:s5+s11], $0x80, s26, s11, $0xb8;
	[tilespmem:$0x14440] =	vst v63  }
0x99: {  	s10 =	sadd.s32 s10, s29;
	_ =	swait.ge [sflag:s16], $0x2800  }
0x9a: {  	s10 =	sshrl.u32 s10, $0x3;
	[sflag:s16] =	ssyncset.done $0x0  }
0x9b: {  	s10 =	sadd.s32 s17, s10;
	[sflag:s16] =	ssyncadd.s32 $0xFFFFD800  }
0x9c: {  	[tilespmem:s13], [sflag:$0xF] =	stream.linear.gather [hbm4b:s10+s4], $0x50, $0x38;
	[tilespmem:$0x14440] =	vst v63  }
0x9d: {  	_ =	swait.ge [sflag:s7], $0x50  }
0x9e: {  	[sflag:s7] =	ssyncset.done $0x0  }
0x9f: {  	[sflag:s7] =	ssyncadd.s32 $0xFFFFFFB0  }
0xa0: {  	[spmem:s3] =	stream.indirect.scatter.add.f32 [tilespmem:s22], [sflag:$0x7], $0x80, s21, s11, $0xb8;
	[tilespmem:$0x14440] =	vst v63  }
0xa1: {  	_ =	swait.ge [sflag:s2], $0x2800  }
0xa2: {  	s23 =	rddreg [dreg:$0x7];
	[sflag:s2] =	ssyncset.done $0x0  }
0xa3: {  	[sflag:s2] =	ssyncadd.s32 $0xFFFFD800;
	s10 =	sadd.s32 $0x0, s23  }
0xa4: {  	[tilespmem:s12], [sflag:$0x9] =	stream.linear.gather [hbm4b:s10+s4], $0x50, $0x38;
	[tilespmem:$0x14440] =	vst v63  }
0xa5: {  	_ =	swait.ge [sflag:s24], $0x50  }
0xa6: {  	s28 =	smin.u32 s4, $0x72;
	[sflag:s24] =	ssyncset.done $0x0  }
0xa7: {  	s6 =	simm.s32 $0x400;
	s10 =	smul.u32 $0x50, s28;
	[sflag:s24] =	ssyncadd.s32 $0xFFFFFFB0  }
0xa8: {  	[tilespmem:s6], [sflag:$0x1] =	stream.indirect.gather [hbm4b:s5+s11], $0x80, s4, s11, $0xb8;
	[tilespmem:$0x14440] =	vst v63  }
0xa9: {  	s10 =	sadd.s32 s10, s9;
	_ =	swait.ge [sflag:s18], $0x2800  }
0xaa: {  	s10 =	sshrl.u32 s10, $0x3;
	[sflag:s18] =	ssyncset.done $0x0  }
0xab: {  	s22 =	simm.s32 $0x180;
	s10 =	sadd.s32 s17, s10;
	[sflag:s18] =	ssyncadd.s32 $0xFFFFD800  }
0xac: {  	[tilespmem:s22], [sflag:$0x10] =	stream.linear.gather [hbm4b:s10+s4], $0x50, $0x38;
	[tilespmem:$0x14440] =	vst v63  }
0xad: {  	_ =	swait.ge [sflag:s25], $0x50  }
0xae: {  	[sflag:s25] =	ssyncset.done $0x0  }
0xaf: {  	s26 =	simm.s32 $0x380;
	[sflag:s25] =	ssyncadd.s32 $0xFFFFFFB0  }
0xb0: {  	[spmem:s3] =	stream.indirect.scatter.add.f32 [tilespmem:s1], [sflag:$0x8], $0x80, s26, s11, $0xb8;
	[tilespmem:$0x14440] =	vst v63  }
0xb1: {  	_ =	swait.ge [sflag:s30], $0x2800  }
0xb2: {  	s29 =	rddreg [dreg:$0x4];
	[sflag:s30] =	ssyncset.done $0x0  }
0xb3: {  	[sflag:s30] =	ssyncadd.s32 $0xFFFFD800;
	s10 =	sadd.s32 $0x0, s29  }
0xb4: {  	[tilespmem:s14], [sflag:$0xA] =	stream.linear.gather [hbm4b:s10+s4], $0x50, $0x38;
	[tilespmem:$0x14440] =	vst v63  }
0xb5: {  	_ =	swait.ge [sflag:s31], $0x50  }
0xb6: {  	s19 =	simm.s32 $0x5400;
	s21 =	simm.s32 $0x300;
	[sflag:s31] =	ssyncset.done $0x0  }
0xb7: {  	s12 =	simm.s32 $0x4;
	s10 =	simm.s32 $0x28;
	[sflag:s31] =	ssyncadd.s32 $0xFFFFFFB0  }
.LBB2_2:
0xb8: {  	s23 =	simm.s32 $0x2C00;
	s6 =	simm.s32 $0x1  }
0xb9: {  	[tilespmem:s23], [sflag:$0x2] =	stream.indirect.gather [hbm4b:s5+s11], $0x80, s20, s11, $0xb8;
	[tilespmem:$0x14440] =	vst v63  }
0xba: {  	_ =	swait.ge [sflag:s6], $0x2800  }
0xbb: {  	s14 =	smov.u32 s10;
	[sflag:s6] =	ssyncset.done $0x0  }
0xbc: {  	s1 =	simm.s32 $0x9;
	s9 =	sadd.s32 s14, s15;
	[sflag:s6] =	ssyncadd.s32 $0xFFFFD800  }
0xbd: {  	[tilespmem:s4], [sflag:$0xD] =	stream.linear.gather [hbm4b:s9+s4], $0x50, $0x38;
	[tilespmem:$0x14440] =	vst v63  }
0xbe: {  	_ =	swait.ge [sflag:s1], $0x50  }
0xbf: {  	s29 =	smov.u32 s15;
	s15 =	simm.s32 $0x7;
	[sflag:s1] =	ssyncset.done $0x0  }
0xc0: {  	s6 =	simm.s32 $0x200;
	s9 =	simm.s32 $0x400;
	[sflag:s1] =	ssyncadd.s32 $0xFFFFFFB0  }
0xc1: {  	[spmem:s3] =	stream.indirect.scatter.add.f32 [tilespmem:s9], [sflag:$0x5], $0x80, s6, s11, $0xb8;
	[tilespmem:$0x14440] =	vst v63  }
0xc2: {  	_ =	swait.ge [sflag:s15], $0x2800  }
0xc3: {  	s28 =	rddreg [dreg:$0x5];
	[sflag:s15] =	ssyncset.done $0x0  }
0xc4: {  	[sflag:s15] =	ssyncadd.s32 $0xFFFFD800;
	s15 =	sadd.s32 s14, s28;
	s28 =	simm.s32 $0xF  }
0xc5: {  	[tilespmem:s21], [sflag:$0xB] =	stream.linear.gather [hbm4b:s15+s4], $0x50, $0x38;
	[tilespmem:$0x14440] =	vst v63  }
0xc6: {  	_ =	swait.ge [sflag:s28], $0x50  }
0xc7: {  	[sflag:s28] =	ssyncset.done $0x0  }
0xc8: {  	s15 =	simm.s32 $0x2;
	[sflag:s28] =	ssyncadd.s32 $0xFFFFFFB0  }
0xc9: {  	[tilespmem:s19], [sflag:$0x3] =	stream.indirect.gather [hbm4b:s5+s11], $0x80, s13, s11, $0xb8;
	[tilespmem:$0x14440] =	vst v63  }
0xca: {  	_ =	swait.ge [sflag:s15], $0x2800  }
0xcb: {  	[sflag:s15] =	ssyncset.done $0x0;
	s28 =	rddreg [dreg:$0xe]  }
0xcc: {  	[sflag:s15] =	ssyncadd.s32 $0xFFFFD800;
	s1 =	sadd.s32 s14, s28;
	s28 =	simm.s32 $0xA  }
0xcd: {  	[tilespmem:s20], [sflag:$0xE] =	stream.linear.gather [hbm4b:s1+s4], $0x50, $0x38;
	[tilespmem:$0x14440] =	vst v63  }
0xce: {  	_ =	swait.ge [sflag:s28], $0x50  }
0xcf: {  	[sflag:s28] =	ssyncset.done $0x0  }
0xd0: {  	[sflag:s28] =	ssyncadd.s32 $0xFFFFFFB0;
	s28 =	simm.s32 $0x280  }
0xd1: {  	[spmem:s3] =	stream.indirect.scatter.add.f32 [tilespmem:s23], [sflag:$0x6], $0x80, s28, s11, $0xb8;
	[tilespmem:$0x14440] =	vst v63  }
0xd2: {  	_ =	swait.ge [sflag:s0], $0x2800  }
0xd3: {  	s1 =	rddreg [dreg:$0x6];
	[sflag:s0] =	ssyncset.done $0x0  }
0xd4: {  	[sflag:s0] =	ssyncadd.s32 $0xFFFFD800;
	s15 =	sadd.s32 s14, s1  }
0xd5: {  	[tilespmem:s26], [sflag:$0xC] =	stream.linear.gather [hbm4b:s15+s4], $0x50, $0x38;
	[tilespmem:$0x14440] =	vst v63  }
0xd6: {  	_ =	swait.ge [sflag:s8], $0x50  }
0xd7: {  	s23 =	smin.u32 s12, $0x73;
	[sflag:s8] =	ssyncset.done $0x0  }
0xd8: {  	s15 =	smul.u32 $0x50, s23;
	s23 =	simm.s32 $0x7C00;
	[sflag:s8] =	ssyncadd.s32 $0xFFFFFFB0  }
0xd9: {  	[tilespmem:s23], [sflag:$0x4] =	stream.indirect.gather [hbm4b:s5+s11], $0x80, s22, s11, $0xb8;
	[tilespmem:$0x14440] =	vst v63  }
0xda: {  	_ =	swait.ge [sflag:s16], $0x2800  }
0xdb: {  	s1 =	rddreg [dreg:$0xd]  }
0xdc: {  	s15 =	sadd.s32 s15, s1  }
0xdd: {  	[sflag:s16] =	ssyncset.done $0x0;
	s15 =	sshrl.u32 s15, $0x3  }
0xde: {  	[sflag:s16] =	ssyncadd.s32 $0xFFFFD800;
	s15 =	sadd.s32 s17, s15  }
0xdf: {  	[tilespmem:s13], [sflag:$0xF] =	stream.linear.gather [hbm4b:s15+s4], $0x50, $0x38;
	[tilespmem:$0x14440] =	vst v63  }
0xe0: {  	_ =	swait.ge [sflag:s7], $0x50  }
0xe1: {  	[sflag:s7] =	ssyncset.done $0x0  }
0xe2: {  	[sflag:s7] =	ssyncadd.s32 $0xFFFFFFB0  }
0xe3: {  	[spmem:s3] =	stream.indirect.scatter.add.f32 [tilespmem:s19], [sflag:$0x7], $0x80, s21, s11, $0xb8;
	[tilespmem:$0x14440] =	vst v63  }
0xe4: {  	_ =	swait.ge [sflag:s2], $0x2800  }
0xe5: {  	s1 =	rddreg [dreg:$0x7];
	[sflag:s2] =	ssyncset.done $0x0  }
0xe6: {  	[sflag:s2] =	ssyncadd.s32 $0xFFFFD800;
	s15 =	sadd.s32 s14, s1  }
0xe7: {  	[tilespmem:s6], [sflag:$0x9] =	stream.linear.gather [hbm4b:s15+s4], $0x50, $0x38;
	[tilespmem:$0x14440] =	vst v63  }
0xe8: {  	_ =	swait.ge [sflag:s24], $0x50  }
0xe9: {  	[sflag:s24] =	ssyncset.done $0x0  }
0xea: {  	s6 =	smin.u32 s12, $0x72;
	[sflag:s24] =	ssyncadd.s32 $0xFFFFFFB0  }
0xeb: {  	[tilespmem:s9], [sflag:$0x1] =	stream.indirect.gather [hbm4b:s5+s11], $0x80, s4, s11, $0xb8;
	[tilespmem:$0x14440] =	vst v63  }
0xec: {  	s15 =	smul.u32 $0x50, s6;
	_ =	swait.ge [sflag:s18], $0x2800  }
0xed: {  	s9 =	rddreg [dreg:$0xc]  }
0xee: {  	s15 =	sadd.s32 s15, s9  }
0xef: {  	[sflag:s18] =	ssyncset.done $0x0;
	s15 =	sshrl.u32 s15, $0x3  }
0xf0: {  	[sflag:s18] =	ssyncadd.s32 $0xFFFFD800;
	s15 =	sadd.s32 s17, s15  }
0xf1: {  	[tilespmem:s22], [sflag:$0x10] =	stream.linear.gather [hbm4b:s15+s4], $0x50, $0x38;
	[tilespmem:$0x14440] =	vst v63  }
0xf2: {  	_ =	swait.ge [sflag:s25], $0x50  }
0xf3: {  	[sflag:s25] =	ssyncset.done $0x0  }
0xf4: {  	[sflag:s25] =	ssyncadd.s32 $0xFFFFFFB0  }
0xf5: {  	[spmem:s3] =	stream.indirect.scatter.add.f32 [tilespmem:s23], [sflag:$0x8], $0x80, s26, s11, $0xb8;
	[tilespmem:$0x14440] =	vst v63  }
0xf6: {  	_ =	swait.ge [sflag:s30], $0x2800  }
0xf7: {  	p0 =	sne.s32 s10, $0x488;
	s23 =	rddreg [dreg:$0x4];
	[sflag:s30] =	ssyncset.done $0x0  }
.Ltmp0:
0xf8: {  	[sflag:s30] =	ssyncadd.s32 $0xFFFFD800;
	s14 =	sadd.s32 s14, s23;
	(pc) =	sbr.rel @p0 .LBB2_2-.Ltmp0, $4  }
0xf9: {  	[tilespmem:s28], [sflag:$0xA] =	stream.linear.gather [hbm4b:s14+s4], $0x50, $0x38;
	[tilespmem:$0x14440] =	vst v63  }
0xfa: {  	_ =	swait.ge [sflag:s31], $0x50  }
0xfb: {  	s10 =	sadd.s32 $0x28, s10;
	[sflag:s31] =	ssyncset.done $0x0  }
0xfc: {  	s12 =	sadd.s32 $0x4, s12;
	s15 =	smov.u32 s29;
	[sflag:s31] =	ssyncadd.s32 $0xFFFFFFB0  }
0xfd: {  	s1 =	simm.s32 $0x2C00;
	s9 =	simm.s32 $0x1  }
0xfe: {  	[tilespmem:s1], [sflag:$0x2] =	stream.indirect.gather [hbm4b:s5+s11], $0x80, s20, s11, $0xb8;
	[tilespmem:$0x14440] =	vst v63  }
0xff: {  	_ =	swait.ge [sflag:s9], $0x2800  }
0x100: {  	[sflag:s9] =	ssyncset.done $0x0  }
0x101: {  	s28 =	simm.s32 $0x9;
	[sflag:s9] =	ssyncadd.s32 $0xFFFFD800  }
0x102: {  	_ =	swait.ge [sflag:s28], $0x50  }
0x103: {  	s6 =	simm.s32 $0x200;
	[sflag:s28] =	ssyncset.done $0x0  }
0x104: {  	s12 =	simm.s32 $0x400;
	s14 =	simm.s32 $0x7;
	[sflag:s28] =	ssyncadd.s32 $0xFFFFFFB0  }
0x105: {  	[spmem:s3] =	stream.indirect.scatter.add.f32 [tilespmem:s12], [sflag:$0x5], $0x80, s6, s11, $0xb8;
	[tilespmem:$0x14440] =	vst v63  }
0x106: {  	_ =	swait.ge [sflag:s14], $0x2800  }
0x107: {  	[sflag:s14] =	ssyncset.done $0x0  }
0x108: {  	s23 =	simm.s32 $0x2;
	[sflag:s14] =	ssyncadd.s32 $0xFFFFD800  }
0x109: {  	_ =	swait.ge [sflag:s23], $0x2800  }
0x10a: {  	[sflag:s23] =	ssyncset.done $0x0  }
0x10b: {  	s6 =	simm.s32 $0xA;
	[sflag:s23] =	ssyncadd.s32 $0xFFFFD800  }
0x10c: {  	_ =	swait.ge [sflag:s6], $0x50  }
0x10d: {  	[sflag:s6] =	ssyncset.done $0x0  }
0x10e: {  	s10 =	simm.s32 $0x2C00;
	s12 =	simm.s32 $0x280;
	[sflag:s6] =	ssyncadd.s32 $0xFFFFFFB0  }
0x10f: {  	[spmem:s3] =	stream.indirect.scatter.add.f32 [tilespmem:s10], [sflag:$0x6], $0x80, s12, s11, $0xb8;
	[tilespmem:$0x14440] =	vst v63  }
0x110: {  	_ =	swait.ge [sflag:s0], $0x2800  }
0x111: {  	[sflag:s0] =	ssyncset.done $0x0  }
0x112: {  	[sflag:s0] =	ssyncadd.s32 $0xFFFFD800  }
0x113: {  	_ =	swait.ge [sflag:s2], $0x2800  }
0x114: {  	[sflag:s2] =	ssyncset.done $0x0  }
0x115: {  	[sflag:s2] =	ssyncadd.s32 $0xFFFFD800  }
0x116: {  	_ =	swait.ge [sflag:s30], $0x2800  }
0x117: {  	[sflag:s30] =	ssyncset.done $0x0  }
0x118: {  	s23 =	simm.s32 $0xF;
	[sflag:s30] =	ssyncadd.s32 $0xFFFFD800  }
0x119: {  	_ =	swait.ge [sflag:s23], $0x50  }
0x11a: {  	[sflag:s23] =	ssyncset.done $0x0  }
0x11b: {  	[sflag:s23] =	ssyncadd.s32 $0xFFFFFFB0  }
0x11c: {  	_ =	swait.ge [sflag:s8], $0x50  }
0x11d: {  	[sflag:s8] =	ssyncset.done $0x0  }
0x11e: {  	[sflag:s8] =	ssyncadd.s32 $0xFFFFFFB0  }
0x11f: {  	[bflag:$0x0] =	sbarrier.arrive $0xFFFF  }
0x120: {  	s14 =	sld [smem:$0x7F9]  }
0x121: {  	s1 =	sld [smem:$0x7F7];
	_ =	sdelay $0x1  }
0x122: {  	s12 =	rddreg [dreg:$0x11]  }
0x123: {  	[hbm:s14], [sflag:s12] =	dma.local [spmem:s1], $0x1400  }
0x124: {  	s14 =	simm.s32 $0x11  }
0x125: {  	_ =	swait.ge [sflag:s14], $0x1400  }
0x126: {  	[sflag:s14] =	ssyncset.done $0x0  }
0x127: {  	[sflag:s14] =	ssyncadd.s32 $0xFFFFEC00  }
0x128: {  	[bflag:$0x0] =	sbarrier.arrive $0xFFFF  }
0x129: {  	s6 =	rddreg [dreg:$0xf]  }
0x12a: {  	[spmem:s1], [sflag:s12] =	dma.local [hbm:s6], $0x1400  }
0x12b: {  	_ =	swait.ge [sflag:s14], $0x1400  }
0x12c: {  	[sflag:s14] =	ssyncset.done $0x0  }
0x12d: {  	[sflag:s14] =	ssyncadd.s32 $0xFFFFEC00  }
0x12e: {  	[bflag:$0x0] =	sbarrier.arrive $0xFFFF  }
0x12f: {  	s10 =	simm.s32 $0x0;
	s1 =	rddreg [dreg:$0x12]  }
0x130: {  	[tilespmem:s10], [sflag:$0x11] =	stream.linear.gather [hbm4b:s1+s10], $0x50, $0x38;
	[tilespmem:$0x14440] =	vst v63  }
0x131: {  	_ =	swait.ge [sflag:s14], $0x50  }
0x132: {  	[sflag:s14] =	ssyncset.done $0x0  }
0x133: {  	s1 =	simm.s32 $0x200;
	s6 =	rddreg [dreg:$0x18];
	[sflag:s14] =	ssyncadd.s32 $0xFFFFFFB0  }
0x134: {  	[tilespmem:s1], [sflag:$0x11] =	stream.linear.gather [hbm4b:s6+s10], $0x50, $0x38;
	[tilespmem:$0x14440] =	vst v63  }
0x135: {  	_ =	swait.ge [sflag:s14], $0x50  }
0x136: {  	[sflag:s14] =	ssyncset.done $0x0  }
0x137: {  	s12 =	simm.s32 $0x400;
	[sflag:s14] =	ssyncadd.s32 $0xFFFFFFB0  }
0x138: {  	[tilespmem:s12], [sflag:$0x1] =	stream.indirect.gather [hbm4b:s5+s11], $0x80, s10, s11, $0xb8;
	[tilespmem:$0x14440] =	vst v63  }
0x139: {  	_ =	swait.ge [sflag:s9], $0x2800  }
0x13a: {  	[sflag:s9] =	ssyncset.done $0x0  }
0x13b: {  	[sflag:s9] =	ssyncadd.s32 $0xFFFFD800  }
0x13c: {  	[spmem:s3] =	stream.indirect.scatter.add.f32 [tilespmem:s12], [sflag:$0x11], $0x80, s1, s11, $0xb8;
	[tilespmem:$0x14440] =	vst v63  }
0x13d: {  	_ =	swait.ge [sflag:s14], $0x2800  }
0x13e: {  	[sflag:s14] =	ssyncset.done $0x0  }
0x13f: {  	s1 =	rddreg [dreg:$0x19];
	[sflag:s14] =	ssyncadd.s32 $0xFFFFD800  }
0x140: {  	[tilespmem:s13], [sflag:$0x11] =	stream.linear.gather [hbm4b:s1+s10], $0x50, $0x38;
	[tilespmem:$0x14440] =	vst v63  }
0x141: {  	_ =	swait.ge [sflag:s14], $0x50  }
0x142: {  	[sflag:s14] =	ssyncset.done $0x0  }
0x143: {  	s1 =	rddreg [dreg:$0x1a];
	[sflag:s14] =	ssyncadd.s32 $0xFFFFFFB0  }
0x144: {  	[tilespmem:s21], [sflag:$0x11] =	stream.linear.gather [hbm4b:s1+s10], $0x50, $0x38;
	[tilespmem:$0x14440] =	vst v63  }
0x145: {  	_ =	swait.ge [sflag:s14], $0x50  }
0x146: {  	[sflag:s14] =	ssyncset.done $0x0  }
0x147: {  	[sflag:s14] =	ssyncadd.s32 $0xFFFFFFB0  }
0x148: {  	[tilespmem:s19], [sflag:$0x3] =	stream.indirect.gather [hbm4b:s5+s11], $0x80, s13, s11, $0xb8;
	[tilespmem:$0x14440] =	vst v63  }
0x149: {  	s1 =	rddreg [dreg:$0x1b]  }
0x14a: {  	[tilespmem:s22], [sflag:$0x11] =	stream.linear.gather [hbm4b:s1+s10], $0x50, $0x38;
	[tilespmem:$0x14440] =	vst v63  }
0x14b: {  	_ =	swait.ge [sflag:s14], $0x50  }
0x14c: {  	[sflag:s14] =	ssyncset.done $0x0  }
0x14d: {  	s1 =	rddreg [dreg:$0x1c];
	[sflag:s14] =	ssyncadd.s32 $0xFFFFFFB0  }
0x14e: {  	[tilespmem:s26], [sflag:$0x11] =	stream.linear.gather [hbm4b:s1+s10], $0x50, $0x38;
	[tilespmem:$0x14440] =	vst v63  }
0x14f: {  	_ =	swait.ge [sflag:s14], $0x50  }
0x150: {  	[sflag:s14] =	ssyncset.done $0x0  }
0x151: {  	s1 =	simm.s32 $0x7C00;
	[sflag:s14] =	ssyncadd.s32 $0xFFFFFFB0  }
0x152: {  	[tilespmem:s1], [sflag:$0x4] =	stream.indirect.gather [hbm4b:s5+s11], $0x80, s22, s11, $0xb8;
	[tilespmem:$0x14440] =	vst v63  }
0x153: {  	_ =	swait.ge [sflag:s16], $0x2800  }
0x154: {  	[sflag:s16] =	ssyncset.done $0x0  }
0x155: {  	[sflag:s16] =	ssyncadd.s32 $0xFFFFD800  }
0x156: {  	[spmem:s3] =	stream.indirect.scatter.add.f32 [tilespmem:s19], [sflag:$0x7], $0x80, s21, s11, $0xb8;
	[tilespmem:$0x14440] =	vst v63  }
0x157: {  	_ =	swait.ge [sflag:s18], $0x2800  }
0x158: {  	[sflag:s18] =	ssyncset.done $0x0  }
0x159: {  	[sflag:s18] =	ssyncadd.s32 $0xFFFFD800  }
0x15a: {  	[spmem:s3] =	stream.indirect.scatter.add.f32 [tilespmem:s1], [sflag:$0x8], $0x80, s26, s11, $0xb8;
	[tilespmem:$0x14440] =	vst v63  }
0x15b: {  	s1 =	rddreg [dreg:$0x1d]  }
0x15c: {  	[tilespmem:s10], [sflag:$0x11] =	stream.linear.gather [hbm4b:s1+s10], $0x50, $0x38;
	[tilespmem:$0x14440] =	vst v63  }
0x15d: {  	_ =	swait.ge [sflag:s14], $0x50  }
0x15e: {  	[sflag:s14] =	ssyncset.done $0x0  }
0x15f: {  	s6 =	simm.s32 $0x200;
	s1 =	rddreg [dreg:$0x1e];
	[sflag:s14] =	ssyncadd.s32 $0xFFFFFFB0  }
0x160: {  	[tilespmem:s6], [sflag:$0x9] =	stream.linear.gather [hbm4b:s1+s10], $0x50, $0x38;
	[tilespmem:$0x14440] =	vst v63  }
0x161: {  	s12 =	simm.s32 $0x400;
	s6 =	sld [smem:$0x7F8]  }
0x162: {  	[tilespmem:s12], [sflag:$0x1] =	stream.indirect.gather [hbm4b:s5+s11], $0x80, s10, s11, $0xb8;
	[tilespmem:$0x14440] =	vst v63  }
0x163: {  	_ = 	snop  }
0x164: {  	[tilespmem:s20], [sflag:$0x11] =	stream.linear.gather [hbm4b:s6+s10], $0x50, $0x38;
	[tilespmem:$0x14440] =	vst v63  }
0x165: {  	_ =	swait.ge [sflag:s14], $0x50  }
0x166: {  	[sflag:s14] =	ssyncset.done $0x0  }
0x167: {  	s6 =	rddreg [dreg:$0x1f];
	[sflag:s14] =	ssyncadd.s32 $0xFFFFFFB0;
	s14 =	simm.s32 $0x280  }
0x168: {  	[tilespmem:s14], [sflag:$0xA] =	stream.linear.gather [hbm4b:s6+s10], $0x50, $0x38;
	[tilespmem:$0x14440] =	vst v63  }
0x169: {  	s12 =	sld [smem:$0x7FC];
	s6 =	simm.s32 $0x2C00  }
0x16a: {  	[tilespmem:s6], [sflag:$0x2] =	stream.indirect.gather [hbm4b:s5+s11], $0x80, s20, s11, $0xb8;
	[tilespmem:$0x14440] =	vst v63  }
0x16b: {  	_ = 	snop  }
0x16c: {  	[tilespmem:s13], [sflag:$0xF] =	stream.linear.gather [hbm4b:s12+s10], $0x50, $0x38;
	[tilespmem:$0x14440] =	vst v63  }
0x16d: {  	s12 =	sld [smem:$0x7FD];
	_ =	sdelay $0x2  }
0x16e: {  	[tilespmem:s22], [sflag:$0x10] =	stream.linear.gather [hbm4b:s12+s10], $0x50, $0x38;
	[tilespmem:$0x14440] =	vst v63  }
0x16f: {  	_ =	swait.ge [sflag:s9], $0x2800  }
0x170: {  	[sflag:s9] =	ssyncset.done $0x0  }
0x171: {  	[sflag:s9] =	ssyncadd.s32 $0xFFFFD800;
	s9 =	sadd.s32 $0x0, s15  }
0x172: {  	[tilespmem:s4], [sflag:$0xD] =	stream.linear.gather [hbm4b:s9+s4], $0x50, $0x38;
	[tilespmem:$0x14440] =	vst v63  }
0x173: {  	_ =	swait.ge [sflag:s28], $0x50  }
0x174: {  	[sflag:s28] =	ssyncset.done $0x0  }
0x175: {  	s1 =	simm.s32 $0x200;
	s15 =	simm.s32 $0x400;
	[sflag:s28] =	ssyncadd.s32 $0xFFFFFFB0  }
0x176: {  	[spmem:s3] =	stream.indirect.scatter.add.f32 [tilespmem:s15], [sflag:$0x5], $0x80, s1, s11, $0xb8;
	[tilespmem:$0x14440] =	vst v63  }
0x177: {  	s1 =	simm.s32 $0x7  }
0x178: {  	_ =	swait.ge [sflag:s1], $0x2800  }
0x179: {  	s12 =	rddreg [dreg:$0x9];
	[sflag:s1] =	ssyncset.done $0x0  }
0x17a: {  	[sflag:s1] =	ssyncadd.s32 $0xFFFFD800;
	s12 =	sadd.s32 $0x0, s12  }
0x17b: {  	[tilespmem:s21], [sflag:$0xB] =	stream.linear.gather [hbm4b:s12+s4], $0x50, $0x38;
	[tilespmem:$0x14440] =	vst v63  }
0x17c: {  	_ =	swait.ge [sflag:s23], $0x50  }
0x17d: {  	[sflag:s23] =	ssyncset.done $0x0  }
0x17e: {  	s12 =	simm.s32 $0x2;
	[sflag:s23] =	ssyncadd.s32 $0xFFFFFFB0  }
0x17f: {  	[tilespmem:s19], [sflag:$0x3] =	stream.indirect.gather [hbm4b:s5+s11], $0x80, s13, s11, $0xb8;
	[tilespmem:$0x14440] =	vst v63  }
0x180: {  	_ =	swait.ge [sflag:s12], $0x2800  }
0x181: {  	[sflag:s12] =	ssyncset.done $0x0;
	s23 =	rddreg [dreg:$0xe]  }
0x182: {  	[sflag:s12] =	ssyncadd.s32 $0xFFFFD800;
	s1 =	sadd.s32 $0x0, s23;
	s23 =	simm.s32 $0xA  }
0x183: {  	[tilespmem:s20], [sflag:$0xE] =	stream.linear.gather [hbm4b:s1+s4], $0x50, $0x38;
	[tilespmem:$0x14440] =	vst v63  }
0x184: {  	_ =	swait.ge [sflag:s23], $0x50  }
0x185: {  	[sflag:s23] =	ssyncset.done $0x0  }
0x186: {  	[sflag:s23] =	ssyncadd.s32 $0xFFFFFFB0  }
0x187: {  	[spmem:s3] =	stream.indirect.scatter.add.f32 [tilespmem:s6], [sflag:$0x6], $0x80, s14, s11, $0xb8;
	[tilespmem:$0x14440] =	vst v63  }
0x188: {  	_ =	swait.ge [sflag:s0], $0x2800  }
0x189: {  	s1 =	rddreg [dreg:$0xa];
	[sflag:s0] =	ssyncset.done $0x0  }
0x18a: {  	[sflag:s0] =	ssyncadd.s32 $0xFFFFD800;
	s12 =	sadd.s32 $0x0, s1  }
0x18b: {  	[tilespmem:s26], [sflag:$0xC] =	stream.linear.gather [hbm4b:s12+s4], $0x50, $0x38;
	[tilespmem:$0x14440] =	vst v63  }
0x18c: {  	_ =	swait.ge [sflag:s8], $0x50  }
0x18d: {  	s14 =	smin.u32 s10, $0x73;
	[sflag:s8] =	ssyncset.done $0x0  }
0x18e: {  	s12 =	smul.u32 $0x50, s14;
	s14 =	simm.s32 $0x7C00;
	[sflag:s8] =	ssyncadd.s32 $0xFFFFFFB0  }
0x18f: {  	[tilespmem:s14], [sflag:$0x4] =	stream.indirect.gather [hbm4b:s5+s11], $0x80, s22, s11, $0xb8;
	[tilespmem:$0x14440] =	vst v63  }
0x190: {  	_ =	swait.ge [sflag:s16], $0x2800  }
0x191: {  	s20 =	rddreg [dreg:$0xd]  }
0x192: {  	s12 =	sadd.s32 s12, s20  }
0x193: {  	[sflag:s16] =	ssyncset.done $0x0;
	s12 =	sshrl.u32 s12, $0x3  }
0x194: {  	[sflag:s16] =	ssyncadd.s32 $0xFFFFD800;
	s12 =	sadd.s32 s17, s12  }
0x195: {  	[tilespmem:s13], [sflag:$0xF] =	stream.linear.gather [hbm4b:s12+s4], $0x50, $0x38;
	[tilespmem:$0x14440] =	vst v63  }
0x196: {  	_ =	swait.ge [sflag:s7], $0x50  }
0x197: {  	[sflag:s7] =	ssyncset.done $0x0  }
0x198: {  	[sflag:s7] =	ssyncadd.s32 $0xFFFFFFB0  }
0x199: {  	[spmem:s3] =	stream.indirect.scatter.add.f32 [tilespmem:s19], [sflag:$0x7], $0x80, s21, s11, $0xb8;
	[tilespmem:$0x14440] =	vst v63  }
0x19a: {  	_ =	swait.ge [sflag:s2], $0x2800  }
0x19b: {  	s21 =	rddreg [dreg:$0xb];
	[sflag:s2] =	ssyncset.done $0x0  }
0x19c: {  	s15 =	simm.s32 $0x200;
	[sflag:s2] =	ssyncadd.s32 $0xFFFFD800;
	s12 =	sadd.s32 $0x0, s21  }
0x19d: {  	[tilespmem:s15], [sflag:$0x9] =	stream.linear.gather [hbm4b:s12+s4], $0x50, $0x38;
	[tilespmem:$0x14440] =	vst v63  }
0x19e: {  	_ =	swait.ge [sflag:s24], $0x50  }
0x19f: {  	[sflag:s24] =	ssyncset.done $0x0  }
0x1a0: {  	s9 =	simm.s32 $0x400;
	s10 =	smin.u32 s10, $0x72;
	[sflag:s24] =	ssyncadd.s32 $0xFFFFFFB0  }
0x1a1: {  	[tilespmem:s9], [sflag:$0x1] =	stream.indirect.gather [hbm4b:s5+s11], $0x80, s4, s11, $0xb8;
	[tilespmem:$0x14440] =	vst v63  }
0x1a2: {  	s10 =	smul.u32 $0x50, s10;
	_ =	swait.ge [sflag:s18], $0x2800  }
0x1a3: {  	s23 =	rddreg [dreg:$0xc]  }
0x1a4: {  	s10 =	sadd.s32 s10, s23  }
0x1a5: {  	[sflag:s18] =	ssyncset.done $0x0;
	s10 =	sshrl.u32 s10, $0x3  }
0x1a6: {  	[sflag:s18] =	ssyncadd.s32 $0xFFFFD800;
	s10 =	sadd.s32 s17, s10  }
0x1a7: {  	[tilespmem:s22], [sflag:$0x10] =	stream.linear.gather [hbm4b:s10+s4], $0x50, $0x38;
	[tilespmem:$0x14440] =	vst v63  }
0x1a8: {  	_ =	swait.ge [sflag:s25], $0x50  }
0x1a9: {  	[sflag:s25] =	ssyncset.done $0x0  }
0x1aa: {  	s28 =	simm.s32 $0x380;
	[sflag:s25] =	ssyncadd.s32 $0xFFFFFFB0  }
0x1ab: {  	[spmem:s3] =	stream.indirect.scatter.add.f32 [tilespmem:s14], [sflag:$0x8], $0x80, s26, s11, $0xb8;
	[tilespmem:$0x14440] =	vst v63  }
0x1ac: {  	s6 =	simm.s32 $0x280;
	s20 =	simm.s32 $0x4;
	_ =	swait.ge [sflag:s30], $0x2800  }
0x1ad: {  	s16 =	simm.s32 $0x7C00;
	s26 =	rddreg [dreg:$0x8];
	[sflag:s30] =	ssyncset.done $0x0  }
0x1ae: {  	s19 =	simm.s32 $0x300;
	[sflag:s30] =	ssyncadd.s32 $0xFFFFD800;
	s10 =	sadd.s32 $0x0, s26  }
0x1af: {  	[tilespmem:s6], [sflag:$0xA] =	stream.linear.gather [hbm4b:s10+s4], $0x50, $0x38;
	[tilespmem:$0x14440] =	vst v63  }
0x1b0: {  	s21 =	simm.s32 $0x100;
	s12 =	simm.s32 $0x4;
	_ =	swait.ge [sflag:s31], $0x50  }
0x1b1: {  	s18 =	simm.s32 $0x3;
	s22 =	simm.s32 $0x5400;
	[sflag:s31] =	ssyncset.done $0x0  }
0x1b2: {  	s26 =	simm.s32 $0x180;
	s10 =	simm.s32 $0x28;
	[sflag:s31] =	ssyncadd.s32 $0xFFFFFFB0  }
.LBB2_4:
0x1b3: {  	s9 =	simm.s32 $0x80;
	s1 =	simm.s32 $0x2C00;
	s6 =	simm.s32 $0x1  }
0x1b4: {  	[tilespmem:s1], [sflag:$0x2] =	stream.indirect.gather [hbm4b:s5+s11], $0x80, s9, s11, $0xb8;
	[tilespmem:$0x14440] =	vst v63  }
0x1b5: {  	_ =	swait.ge [sflag:s6], $0x2800  }
0x1b6: {  	s14 =	smov.u32 s10;
	[sflag:s6] =	ssyncset.done $0x0  }
0x1b7: {  	s15 =	sadd.s32 s14, s29;
	[sflag:s6] =	ssyncadd.s32 $0xFFFFD800  }
0x1b8: {  	[tilespmem:s4], [sflag:$0xD] =	stream.linear.gather [hbm4b:s15+s4], $0x50, $0x38;
	[tilespmem:$0x14440] =	vst v63  }
0x1b9: {  	s15 =	simm.s32 $0x9  }
0x1ba: {  	_ =	swait.ge [sflag:s15], $0x50  }
0x1bb: {  	s13 =	simm.s32 $0x400;
	[sflag:s15] =	ssyncset.done $0x0  }
0x1bc: {  	s23 =	simm.s32 $0x7;
	s6 =	simm.s32 $0x200;
	[sflag:s15] =	ssyncadd.s32 $0xFFFFFFB0  }
0x1bd: {  	[spmem:s3] =	stream.indirect.scatter.add.f32 [tilespmem:s13], [sflag:$0x5], $0x80, s6, s11, $0xb8;
	[tilespmem:$0x14440] =	vst v63  }
0x1be: {  	_ =	swait.ge [sflag:s23], $0x2800  }
0x1bf: {  	s15 =	rddreg [dreg:$0x9];
	[sflag:s23] =	ssyncset.done $0x0  }
0x1c0: {  	[sflag:s23] =	ssyncadd.s32 $0xFFFFD800;
	s15 =	sadd.s32 s14, s15;
	s23 =	simm.s32 $0xF  }
0x1c1: {  	[tilespmem:s19], [sflag:$0xB] =	stream.linear.gather [hbm4b:s15+s4], $0x50, $0x38;
	[tilespmem:$0x14440] =	vst v63  }
0x1c2: {  	_ =	swait.ge [sflag:s23], $0x50  }
0x1c3: {  	[sflag:s23] =	ssyncset.done $0x0  }
0x1c4: {  	[sflag:s23] =	ssyncadd.s32 $0xFFFFFFB0;
	s23 =	simm.s32 $0x2  }
0x1c5: {  	[tilespmem:s22], [sflag:$0x3] =	stream.indirect.gather [hbm4b:s5+s11], $0x80, s21, s11, $0xb8;
	[tilespmem:$0x14440] =	vst v63  }
0x1c6: {  	_ =	swait.ge [sflag:s23], $0x2800  }
0x1c7: {  	[sflag:s23] =	ssyncset.done $0x0  }
0x1c8: {  	[sflag:s23] =	ssyncadd.s32 $0xFFFFD800;
	s23 =	rddreg [dreg:$0xe]  }
0x1c9: {  	s15 =	sadd.s32 s14, s23;
	s23 =	simm.s32 $0xA  }
0x1ca: {  	[tilespmem:s9], [sflag:$0xE] =	stream.linear.gather [hbm4b:s15+s4], $0x50, $0x38;
	[tilespmem:$0x14440] =	vst v63  }
0x1cb: {  	_ =	swait.ge [sflag:s23], $0x50  }
0x1cc: {  	[sflag:s23] =	ssyncset.done $0x0  }
0x1cd: {  	[sflag:s23] =	ssyncadd.s32 $0xFFFFFFB0;
	s23 =	simm.s32 $0x280  }
0x1ce: {  	[spmem:s3] =	stream.indirect.scatter.add.f32 [tilespmem:s1], [sflag:$0x6], $0x80, s23, s11, $0xb8;
	[tilespmem:$0x14440] =	vst v63  }
0x1cf: {  	_ =	swait.ge [sflag:s0], $0x2800  }
0x1d0: {  	s9 =	rddreg [dreg:$0xa];
	[sflag:s0] =	ssyncset.done $0x0  }
0x1d1: {  	[sflag:s0] =	ssyncadd.s32 $0xFFFFD800;
	s15 =	sadd.s32 s14, s9  }
0x1d2: {  	[tilespmem:s28], [sflag:$0xC] =	stream.linear.gather [hbm4b:s15+s4], $0x50, $0x38;
	[tilespmem:$0x14440] =	vst v63  }
0x1d3: {  	_ =	swait.ge [sflag:s8], $0x50  }
0x1d4: {  	[sflag:s8] =	ssyncset.done $0x0  }
0x1d5: {  	s1 =	smin.u32 s12, $0x73;
	[sflag:s8] =	ssyncadd.s32 $0xFFFFFFB0  }
0x1d6: {  	[tilespmem:s16], [sflag:$0x4] =	stream.indirect.gather [hbm4b:s5+s11], $0x80, s26, s11, $0xb8;
	[tilespmem:$0x14440] =	vst v63  }
0x1d7: {  	s15 =	smul.u32 $0x50, s1;
	_ =	swait.ge [sflag:s18], $0x2800  }
0x1d8: {  	s9 =	rddreg [dreg:$0xd]  }
0x1d9: {  	s15 =	sadd.s32 s15, s9  }
0x1da: {  	[sflag:s18] =	ssyncset.done $0x0;
	s15 =	sshrl.u32 s15, $0x3  }
0x1db: {  	[sflag:s18] =	ssyncadd.s32 $0xFFFFD800;
	s15 =	sadd.s32 s17, s15  }
0x1dc: {  	[tilespmem:s21], [sflag:$0xF] =	stream.linear.gather [hbm4b:s15+s4], $0x50, $0x38;
	[tilespmem:$0x14440] =	vst v63  }
0x1dd: {  	_ =	swait.ge [sflag:s7], $0x50  }
0x1de: {  	[sflag:s7] =	ssyncset.done $0x0  }
0x1df: {  	[sflag:s7] =	ssyncadd.s32 $0xFFFFFFB0  }
0x1e0: {  	[spmem:s3] =	stream.indirect.scatter.add.f32 [tilespmem:s22], [sflag:$0x7], $0x80, s19, s11, $0xb8;
	[tilespmem:$0x14440] =	vst v63  }
0x1e1: {  	_ =	swait.ge [sflag:s2], $0x2800  }
0x1e2: {  	s1 =	rddreg [dreg:$0xb];
	[sflag:s2] =	ssyncset.done $0x0  }
0x1e3: {  	[sflag:s2] =	ssyncadd.s32 $0xFFFFD800;
	s15 =	sadd.s32 s14, s1  }
0x1e4: {  	[tilespmem:s6], [sflag:$0x9] =	stream.linear.gather [hbm4b:s15+s4], $0x50, $0x38;
	[tilespmem:$0x14440] =	vst v63  }
0x1e5: {  	_ =	swait.ge [sflag:s24], $0x50  }
0x1e6: {  	[sflag:s24] =	ssyncset.done $0x0  }
0x1e7: {  	s6 =	smin.u32 s12, $0x72;
	[sflag:s24] =	ssyncadd.s32 $0xFFFFFFB0  }
0x1e8: {  	[tilespmem:s13], [sflag:$0x1] =	stream.indirect.gather [hbm4b:s5+s11], $0x80, s4, s11, $0xb8;
	[tilespmem:$0x14440] =	vst v63  }
0x1e9: {  	s15 =	smul.u32 $0x50, s6;
	_ =	swait.ge [sflag:s20], $0x2800  }
0x1ea: {  	s13 =	rddreg [dreg:$0xc]  }
0x1eb: {  	s15 =	sadd.s32 s15, s13  }
0x1ec: {  	[sflag:s20] =	ssyncset.done $0x0;
	s15 =	sshrl.u32 s15, $0x3  }
0x1ed: {  	[sflag:s20] =	ssyncadd.s32 $0xFFFFD800;
	s15 =	sadd.s32 s17, s15  }
0x1ee: {  	[tilespmem:s26], [sflag:$0x10] =	stream.linear.gather [hbm4b:s15+s4], $0x50, $0x38;
	[tilespmem:$0x14440] =	vst v63  }
0x1ef: {  	_ =	swait.ge [sflag:s25], $0x50  }
0x1f0: {  	[sflag:s25] =	ssyncset.done $0x0  }
0x1f1: {  	[sflag:s25] =	ssyncadd.s32 $0xFFFFFFB0  }
0x1f2: {  	[spmem:s3] =	stream.indirect.scatter.add.f32 [tilespmem:s16], [sflag:$0x8], $0x80, s28, s11, $0xb8;
	[tilespmem:$0x14440] =	vst v63  }
0x1f3: {  	_ =	swait.ge [sflag:s30], $0x2800  }
0x1f4: {  	p0 =	sne.s32 s10, $0x488;
	s13 =	rddreg [dreg:$0x8];
	[sflag:s30] =	ssyncset.done $0x0  }
.Ltmp1:
0x1f5: {  	[sflag:s30] =	ssyncadd.s32 $0xFFFFD800;
	s14 =	sadd.s32 s14, s13;
	(pc) =	sbr.rel @p0 .LBB2_4-.Ltmp1, $4  }
0x1f6: {  	[tilespmem:s23], [sflag:$0xA] =	stream.linear.gather [hbm4b:s14+s4], $0x50, $0x38;
	[tilespmem:$0x14440] =	vst v63  }
0x1f7: {  	s10 =	sadd.s32 $0x28, s10;
	_ =	swait.ge [sflag:s31], $0x50  }
0x1f8: {  	s9 =	simm.s32 $0x200;
	s12 =	sadd.s32 $0x4, s12;
	[sflag:s31] =	ssyncset.done $0x0  }
0x1f9: {  	s6 =	simm.s32 $0x400;
	s13 =	simm.s32 $0x280;
	[sflag:s31] =	ssyncadd.s32 $0xFFFFFFB0  }
0x1fa: {  	s20 =	simm.s32 $0x80;
	s1 =	simm.s32 $0x2C00;
	s10 =	simm.s32 $0x1  }
0x1fb: {  	[tilespmem:s1], [sflag:$0x2] =	stream.indirect.gather [hbm4b:s5+s11], $0x80, s20, s11, $0xb8;
	[tilespmem:$0x14440] =	vst v63  }
0x1fc: {  	_ =	swait.ge [sflag:s10], $0x2800  }
0x1fd: {  	[sflag:s10] =	ssyncset.done $0x0  }
0x1fe: {  	s14 =	simm.s32 $0x9;
	[sflag:s10] =	ssyncadd.s32 $0xFFFFD800  }
0x1ff: {  	_ =	swait.ge [sflag:s14], $0x50  }
0x200: {  	[sflag:s14] =	ssyncset.done $0x0  }
0x201: {  	s16 =	simm.s32 $0x7;
	[sflag:s14] =	ssyncadd.s32 $0xFFFFFFB0  }
0x202: {  	[spmem:s3] =	stream.indirect.scatter.add.f32 [tilespmem:s6], [sflag:$0x5], $0x80, s9, s11, $0xb8;
	[tilespmem:$0x14440] =	vst v63  }
0x203: {  	_ =	swait.ge [sflag:s16], $0x2800  }
0x204: {  	[sflag:s16] =	ssyncset.done $0x0  }
0x205: {  	s18 =	simm.s32 $0x2;
	[sflag:s16] =	ssyncadd.s32 $0xFFFFD800  }
0x206: {  	_ =	swait.ge [sflag:s18], $0x2800  }
0x207: {  	[sflag:s18] =	ssyncset.done $0x0  }
0x208: {  	s19 =	simm.s32 $0xA;
	[sflag:s18] =	ssyncadd.s32 $0xFFFFD800  }
0x209: {  	_ =	swait.ge [sflag:s19], $0x50  }
0x20a: {  	[sflag:s19] =	ssyncset.done $0x0  }
0x20b: {  	[sflag:s19] =	ssyncadd.s32 $0xFFFFFFB0  }
0x20c: {  	[spmem:s3] =	stream.indirect.scatter.add.f32 [tilespmem:s1], [sflag:$0x6], $0x80, s13, s11, $0xb8;
	[tilespmem:$0x14440] =	vst v63  }
0x20d: {  	_ =	swait.ge [sflag:s0], $0x2800  }
0x20e: {  	[sflag:s0] =	ssyncset.done $0x0  }
0x20f: {  	[sflag:s0] =	ssyncadd.s32 $0xFFFFD800  }
0x210: {  	_ =	swait.ge [sflag:s2], $0x2800  }
0x211: {  	[sflag:s2] =	ssyncset.done $0x0  }
0x212: {  	[sflag:s2] =	ssyncadd.s32 $0xFFFFD800  }
0x213: {  	_ =	swait.ge [sflag:s30], $0x2800  }
0x214: {  	[sflag:s30] =	ssyncset.done $0x0  }
0x215: {  	s21 =	simm.s32 $0xF;
	[sflag:s30] =	ssyncadd.s32 $0xFFFFD800  }
0x216: {  	_ =	swait.ge [sflag:s21], $0x50  }
0x217: {  	[sflag:s21] =	ssyncset.done $0x0  }
0x218: {  	[sflag:s21] =	ssyncadd.s32 $0xFFFFFFB0  }
0x219: {  	_ =	swait.ge [sflag:s8], $0x50  }
0x21a: {  	[sflag:s8] =	ssyncset.done $0x0  }
0x21b: {  	[sflag:s8] =	ssyncadd.s32 $0xFFFFFFB0  }
0x21c: {  	[bflag:$0x0] =	sbarrier.arrive $0xFFFF  }
0x21d: {  	s22 =	sld [smem:$0x7FA]  }
0x21e: {  	s23 =	sld [smem:$0x7F7];
	_ =	sdelay $0x1  }
0x21f: {  	s14 =	simm.s32 $0x11;
	s12 =	rddreg [dreg:$0x11]  }
0x220: {  	[hbm:s22], [sflag:s12] =	dma.local [spmem:s23], $0x1400  }
0x221: {  	_ =	swait.ge [sflag:s14], $0x1400  }
0x222: {  	s26 =	sld [smem:$0x7F6]  }
0x223: {  	s28 =	sld [smem:$0x7FB];
	_ =	sdelay $0x1  }
0x224: {  	s1 =	sadd.s32 $0x1, s26  }
0x225: {  	[sflag:s14] =	ssyncset.done $0x0;
	p0 =	sne.s32 s1, s28  }
.Ltmp2:
0x226: {  	[sflag:s14] =	ssyncadd.s32 $0xFFFFEC00;
	(pc) =	sbr.rel @p0 .LBB2_1-.Ltmp2, $4  }
0x227: {  	[bflag:$0x0] =	sbarrier.arrive $0xFFFF  }
0x228: {  	s15 =	smov.u32 s29;
	s29 =	rddreg [dreg:$0xd]  }
0x229: {  	s16 =	simm.s32 $0x3;
	s9 =	rddreg [dreg:$0xc]  }
0x22a: {  	s18 =	simm.s32 $0x4;
	s13 =	simm.s32 $0x100;
	s19 =	rddreg [dreg:$0xe]  }
0x22b: {  	_ =	sfence.sel $0x180000  }
0x22c: {  	[bflag:$0x0] =	sbarrier.arrive $0xFFFF  }
0x22d: {  	_ =	strace $0x9000004A  }
0x22e: {  	s0 =	stileid.u32;
	[bflag:$0x2] =	sbarrier.arrive $0xFFFF  }
0x22f: {  	p0 =	sne.s32 s0, $0x0;
	s0 =	rddreg [dreg:$0x3]  }
0x230: {  	s0 =	sadd.s32 @!p0 $0x100000, s0  }
0x231: {  	[sflag:s0] =	ssyncadd.tile.s32 @!p0 $0x1;
	_ =	shalt  }
.Lfunc_end2:
_tile_overlayer_lowered:
.L_overlay_start_2:
0x232: {  	(tag) =	ssettag $0x2  }
0x233: {  	s0 =	rddreg [dreg:$0x0];
	s2 =	stileid.u32  }
0x234: {  	s1 =	rddreg [dreg:$0x1];
	p0 =	sne.s32 s2, $0x0  }
0x235: {  	s3 =	rddreg [dreg:$0x2];
	[bflag:$0x3] =	sbarrier.arrive $0xFFFF;
	s2 =	simm.s32 @!p0 $0x1C11  }
0x236: {  	[timem:s3], [sflag:s2] =	dma.local @!p0 [hbm:s0], s1  }
0x237: {  	s0 =	simm.s32 @!p0 $0x11  }
0x238: {  	_ =	swait.ge @!p0 [sflag:s0], s1  }
0x239: {  	s1 =	ssub.s32 @!p0 $0x0, s1;
	[sflag:s0] =	ssyncset.done @!p0 $0x0  }
0x23a: {  	[sflag:s0] =	ssyncadd.s32 @!p0 s1  }
0x23b: {  	[bflag:$0x3] =	sbarrier.arrive $0xFFFF  }
0x23c: {  	_ =	shalt  }

// kernel: kernel.16.cloned.1.call-start
scs
__scs_entry_jumppad:
0x0: {  	(pc) =	sbr.rel $0x88, $3  }
0x1: {  	(tag) =	ssettag $0x0;
	lr =	simm.s32 $0x1  }
0x2: {  	[smem:$0x3F9A] =	sst lr;
	_ =	strace $0xD0000000  }
0x3: {  	_ = 	snop  }
0x4: {  	_ = 	snop  }
0x5: {  	_ = 	snop  }
0x6: {  	_ = 	snop  }
0x7: {  	_ = 	snop  }
__scs_overlays_trampoline_lowered:
0x8: {  	[smem:$0x3FA9] =	sst s0  }
0x9: {  	[smem:$0x3FAA] =	sst s1  }
0xa: {  	[smem:$0x3FAB] =	sst s2  }
0xb: {  	[smem:$0x3FAC] =	sst s3  }
0xc: {  	[smem:$0x3FAD] =	sst s4  }
0xd: {  	[smem:$0x3FAE] =	sst s5  }
0xe: {  	[smem:$0x3FAF] =	sst s6  }
0xf: {  	[smem:$0x3FB0] =	sst s7  }
0x10: {  	[smem:$0x3FB1] =	sst s8  }
0x11: {  	[smem:$0x3FB2] =	sst s9;
	s0 =	simm.s32 @!p0 $0x0  }
0x12: {  	s1 =	sld [smem:$0x3F98];
	s0 =	simm.s32 @p0 $0x1  }
0x13: {  	[smem:$0x3FB3] =	sst s0;
	s0 =	simm.s32 @!p1 $0x0  }
0x14: {  	s2 =	sld [smem:$0x3F97];
	s0 =	simm.s32 @p1 $0x1  }
0x15: {  	[smem:$0x3FB4] =	sst s0;
	s0 =	simm.s32 @!p2 $0x0  }
0x16: {  	s3 =	sld [smem:$0x3FDB];
	s0 =	simm.s32 @p2 $0x1  }
0x17: {  	s4 =	simm.s32 $0x1BF5;
	[smem:$0x3FB6] =	sst s0  }
0x18: {  	s0 =	sld [smem:$0x3F99];
	_ =	swait.ge [sflag:s4], $0x0  }
0x19: {  	s7 =	sld [smem:$0x3F9A]  }
0x1a: {  	s8 =	sadd.s32 $0xFFFFE003, lr  }
0x1b: {  	s9 =	sadd.s32 $0xFFFFFEF7, lr;
	s5 =	simm.s32 $0xFFFFFFFF;
	p2 =	slt.u32 s8, $0xFFFFF086  }
0x1c: {  	p1 =	slt.u32 s9, $0xF7A;
	s5 =	simm.s32 @!p2 $0x0  }
0x1d: {  	s5 =	simm.s32 @p1 $0x1;
	p0 =	seq.s32 s7, s2  }
0x1e: {  	s7 =	smul.u32 @!p0 $0xF7A, s2;
	p2 =	seq.s32 @!p0 s5, $0x0  }
0x1f: {  	s9 =	smul.u32 $0xF7A, s1;
	s8 =	simm.s32 @!p0 $0x1BF5;
	p2 =	por !p2, p0  }
0x20: {  	[sflag:s8] =	ssyncset.s32 @!p0 $0xFFFFF086;
	s6 =	sadd.s32 @!p0 s3, s7;
	s7 =	simm.s32 @!p0 $0x108  }
0x21: {  	s3 =	sadd.s32 s3, s9;
	s6 =	sadd.s32 @!p0 $0x88, s6;
	s7 =	simm.s32 @p2 $0x1082  }
0x22: {  	[simem:s7], [sflag:s8] =	dma.local @!p0 [hbm:s6], $0xF7A  }
0x23: {  	s9 =	sor.u32 $0xD0000000, s2;
	s6 =	simm.s32 $0x108;
	_ =	swait.ge @!p0 [sflag:s8], $0x0  }
0x24: {  	s3 =	sadd.s32 $0x88, s3;
	s6 =	simm.s32 @!p1 $0x1082;
	[sflag:s4] =	ssyncset.s32 $0xFFFFF086  }
0x25: {  	[simem:s6], [sflag:s4] =	dma.local [hbm:s3], $0xF7A  }
0x26: {  	[smem:$0x3F9A] =	sst s1;
	(tag) =	ssettag s2;
	_ =	strace s9  }
0x27: {  	s1 =	sld [smem:$0x3FAA]  }
0x28: {  	s2 =	sld [smem:$0x3FAB]  }
0x29: {  	s4 =	sld [smem:$0x3FAD]  }
0x2a: {  	p0 =	seq.s32 s5, $0x0;
	s5 =	sld [smem:$0x3FAE]  }
0x2b: {  	s6 =	sld [smem:$0x3FAF]  }
0x2c: {  	s7 =	sld [smem:$0x3FB0]  }
0x2d: {  	s3 =	simm.s32 $0x108;
	s8 =	sld [smem:$0x3FB1]  }
0x2e: {  	s3 =	simm.s32 @!p0 $0x1082;
	s9 =	sld [smem:$0x3FB2]  }
0x2f: {  	lr =	sadd.s32 s0, s3;
	s0 =	sld [smem:$0x3FA9]  }
0x30: {  	s3 =	sld [smem:$0x3FAC]  }
0x31: {  	[smem:$0x3FB5] =	sst s10  }
0x32: {  	s10 =	sld [smem:$0x3FB3];
	_ =	sdelay $0x3  }
0x33: {  	p0 =	seq.s32 s10, $0x1;
	s10 =	sld [smem:$0x3FB5];
	_ =	sdelay $0x3  }
0x34: {  	[smem:$0x3FB5] =	sst s10  }
0x35: {  	s10 =	sld [smem:$0x3FB4];
	_ =	sdelay $0x3  }
0x36: {  	p1 =	seq.s32 s10, $0x1;
	s10 =	sld [smem:$0x3FB5];
	_ =	sdelay $0x3  }
0x37: {  	[smem:$0x3FB5] =	sst s10  }
0x38: {  	s10 =	sld [smem:$0x3FB6]  }
0x39: {  	_ = 	snop;
	(pc) =	sbr.ind lr, $3  }
0x3a: {  	_ = 	snop  }
0x3b: {  	_ = 	snop  }
0x3c: {  	p2 =	seq.s32 s10, $0x1;
	s10 =	sld [smem:$0x3FB5]  }
0x3d: {  	_ =	shalt  }
0x3e: {  	_ =	shalt  }
0x3f: {  	_ =	shalt  }
0x40: {  	_ =	shalt  }
0x41: {  	_ =	shalt  }
0x42: {  	_ =	shalt  }
0x43: {  	_ =	shalt  }
0x44: {  	_ =	shalt  }
0x45: {  	_ =	shalt  }
0x46: {  	_ =	shalt  }
0x47: {  	_ =	shalt  }
0x48: {  	_ =	shalt  }
0x49: {  	_ =	shalt  }
0x4a: {  	_ =	shalt  }
0x4b: {  	_ =	shalt  }
0x4c: {  	_ =	shalt  }
0x4d: {  	_ =	shalt  }
0x4e: {  	_ =	shalt  }
0x4f: {  	_ =	shalt  }
0x50: {  	_ =	shalt  }
0x51: {  	_ =	shalt  }
0x52: {  	_ =	shalt  }
0x53: {  	_ =	shalt  }
0x54: {  	_ =	shalt  }
0x55: {  	_ =	shalt  }
0x56: {  	_ =	shalt  }
0x57: {  	_ =	shalt  }
0x58: {  	_ =	shalt  }
0x59: {  	_ =	shalt  }
0x5a: {  	_ =	shalt  }
0x5b: {  	_ =	shalt  }
0x5c: {  	_ =	shalt  }
0x5d: {  	_ =	shalt  }
0x5e: {  	_ =	shalt  }
0x5f: {  	_ =	shalt  }
0x60: {  	_ =	shalt  }
0x61: {  	_ =	shalt  }
0x62: {  	_ =	shalt  }
0x63: {  	_ =	shalt  }
0x64: {  	_ =	shalt  }
0x65: {  	_ =	shalt  }
0x66: {  	_ =	shalt  }
0x67: {  	_ =	shalt  }
0x68: {  	_ =	shalt  }
0x69: {  	_ =	shalt  }
0x6a: {  	_ =	shalt  }
0x6b: {  	_ =	shalt  }
0x6c: {  	_ =	shalt  }
0x6d: {  	_ =	shalt  }
0x6e: {  	_ =	shalt  }
0x6f: {  	_ =	shalt  }
0x70: {  	_ =	shalt  }
0x71: {  	_ =	shalt  }
0x72: {  	_ =	shalt  }
0x73: {  	_ =	shalt  }
0x74: {  	_ =	shalt  }
0x75: {  	_ =	shalt  }
0x76: {  	_ =	shalt  }
0x77: {  	_ =	shalt  }
0x78: {  	_ =	shalt  }
0x79: {  	_ =	shalt  }
0x7a: {  	_ =	shalt  }
0x7b: {  	_ =	shalt  }
0x7c: {  	_ =	shalt  }
0x7d: {  	_ =	shalt  }
0x7e: {  	_ =	shalt  }
0x7f: {  	_ =	shalt  }
0x80: {  	_ =	shalt  }
0x81: {  	_ =	shalt  }
0x82: {  	_ =	shalt  }
0x83: {  	_ =	shalt  }
0x84: {  	_ =	shalt  }
0x85: {  	_ =	shalt  }
0x86: {  	_ =	shalt  }
0x87: {  	_ =	shalt  }
.Lfunc_end0:
.L_simem_size_0:
called_computation.2_lowered:
.L_overlay_start_0:
0x88: {  	s2 =	sld [smem:$0x3FD9]  }
0x89: {  	s3 =	sld [smem:$0x3FFE];
	_ =	sdelay $0x1  }
0x8a: {  	s1 =	srdreg.scid  }
0x8b: {  	s0 =	sand.u32 $0x1, s1  }
0x8c: {  	s17 =	sshll.u32 s0, $0xA;
	s2 =	sadd.s32 s3, s2  }
0x8d: {  	s2 =	sadd.s32 s2, s17  }
0x8e: {  	[smem:$0x3FC1] =	sst s2  }
0x8f: {  	_ = 	snop  }
0x90: {  	s2 =	sld [smem:$0x3FD0];
	(tm) =	ssettm $0x1  }
0x91: {  	s18 =	sld [smem:$0x3FFB];
	_ =	sdelay $0x3  }
0x92: {  	_ =	strace s18  }
0x93: {  	s3 =	sld [smem:$0x3FFC];
	_ =	sdelay $0x3  }
0x94: {  	_ =	strace s3  }
0x95: {  	s3 =	sld [smem:$0x3FFD];
	_ =	sdelay $0x3  }
0x96: {  	_ =	strace s3  }
0x97: {  	_ =	strace $0x8FFFFFFF  }
0x98: {  	s19 =	sld [smem:$0x3FDB];
	_ =	sdelay $0x1  }
0x99: {  	s4 =	simm.s32 $_scs_section_size  }
0x9a: {  	s5 =	simm.s32 $_size__tile_overlayer_lowered;
	s6 =	simm.s32 $_tile_overlayer_lowered  }
0x9b: {  	s22 =	simm.s32 $0x1BFF;
	s21 =	sshll.u32 s6, $0x1;
	s3 =	sadd.s32 s4, s19  }
0x9c: {  	s7 =	simm.s32 $0x0;
	s20 =	sshll.u32 s5, $0x1;
	s5 =	sadd.s32 s21, s3  }
0x9d: {  	[timem:s7], [sflag:s22] =	dma.local [hbm:s5], s20  }
0x9e: {  	_ =	swait.ge [sflag:s22], s20  }
0x9f: {  	s4 =	ssub.s32 $0x0, s20;
	[sflag:s22] =	ssyncset.done $0x0  }
0xa0: {  	[sflag:s22] =	ssyncadd.s32 s4;
	_ =	sdelay $0x1  }
0xa1: {  	s23 =	simm.s32 $0x1B8B  }
0xa2: {  	_ =	swait.ge [sflag:s23], $0x1  }
0xa3: {  	[sflag:s23] =	ssyncset.done $0x0  }
0xa4: {  	s25 =	simm.s32 $0x1B8E;
	s24 =	sld [smem:$0x3FFE];
	[sflag:s23] =	ssyncadd.s32 $0xFFFFFFFF  }
0xa5: {  	s26 =	simm.s32 $execute0_lowered;
	[smem:$0x3FD2] =	sst s25  }
0xa6: {  	s5 =	sshll.u32 s26, $0x1;
	_ =	strace $0x8000004C;
	[dreg:$0x1] =	wrdreg $0xFFFFFFFF  }
0xa7: {  	s28 =	simm.s32 $_size_execute0_lowered;
	s3 =	sadd.s32 s3, s5;
	[dreg:$0x0] =	wrdreg $0x0  }
0xa8: {  	s5 =	sshll.u32 s28, $0x1;
	[dreg:$0x2] =	wrdreg s3  }
0xa9: {  	[dreg:$0x3] =	wrdreg s5  }
0xaa: {  	[dreg:$0x4] =	wrdreg $0xC0  }
0xab: {  	_ =	task [dreg:s7], $0x5FFFF  }
0xac: {  	[dreg:$0x1] =	wrdreg $0xFFFFFFFF  }
0xad: {  	[dreg:$0x0] =	wrdreg $0x60  }
0xae: {  	[dreg:$0x2] =	wrdreg s24  }
0xaf: {  	[dreg:$0x3] =	wrdreg s2  }
0xb0: {  	[dreg:$0x4] =	wrdreg $0xA4000  }
0xb1: {  	[dreg:$0x5] =	wrdreg $0x9  }
0xb2: {  	_ =	task.clear_ibuf [dreg:s7], $0x6FFFF;
	_ =	strace $0x9000004C  }
0xb3: {  	s29 =	simm.s32 $0x9;
	_ =	strace $0x8000004E  }
0xb4: {  	_ =	swait.ge [sflag:s29], $0x1  }
0xb5: {  	[sflag:s29] =	ssyncadd.s32 $0xFFFFFFFF  }
0xb6: {  	_ =	strace $0x9000004E  }
0xb7: {  	_ =	sfence  }
0xb8: {  	s30 =	sld [smem:$0x0];
	_ =	sdelay $0x2  }
0xb9: {  	s31 =	sshll.u32 s1, $0xD;
	s1 =	sshrl.u32 s1, $0x2  }
0xba: {  	s3 =	sand.u32 $0x4000, s31;
	s1 =	sadd.s32 s1, s30  }
0xbb: {  	s0 =	sor.u32 s3, s0;
	s1 =	sshll.u32 s1, $0x11  }
0xbc: {  	s0 =	sor.u32 s1, s0  }
0xbd: {  	s0 =	sadd.s32 $0x8F2B, s0  }
0xbe: {  	[sflag:s0] =	ssyncadd.remote.s32 $0x1  }
0xbf: {  	_ =	sfence.sel $0xFFFF  }
0xc0: {  	[dreg:$0x0] =	wrdreg $0xFFFFFFFF;
	(pc) =	sbr.abs _section_cstart, $3  }
0xc1: {  	[dreg:$0x1] =	wrdreg $0xFFFFFFFF  }
0xc2: {  	_ =	task.clear_ibuf [dreg:s7], $0x2FFFF;
	_ =	strace $0x9FFFFFFF  }
0xc3: {  	(tm) =	ssettm $0x7FFFFFFF  }
tec
execute0_lowered:
.L_overlay_start_1:
0x0: {  	(tag) =	ssettag $0x1  }
0x1: {  	s0 =	rddreg [dreg:$0x0]  }
0x2: {  	s17 =	rddreg [dreg:$0x1];
	s1 =	srdreg.scid  }
0x3: {  	s12 =	stileid.u32;
	s3 =	rddreg [dreg:$0x2]  }
0x4: {  	s4 =	simm.s32 $0x0;
	s1 =	sand.u32 $0x1, s1;
	s2 =	smul.u32 $0x140, s12  }
0x5: {  	[smem:$0x7FF] =	sst s4;
	s5 =	sadd.s32 $0x20A00, s0;
	s21 =	smul.u32 $0x28000, s12  }
0x6: {  	s7 =	sadd.s32 $0x16C00, s0;
	s8 =	sadd.s32 $0x2600, s0;
	s11 =	smul.u32 $0x2710, s12  }
0x7: {  	s6 =	smul.u32 $0x2800, s1;
	_ =	strace $0x8000004D;
	[dreg:$0xf] =	wrdreg s8  }
0x8: {  	s22 =	ssub.s32 $0x2, s1;
	s9 =	sshll.u32 s1, $0x4;
	s1 =	smul.u32 $0x27100, s1  }
0x9: {  	s10 =	sshrl.u32 s22, $0x1;
	s9 =	sor.u32 s12, s9;
	s2 =	sadd.s32 s2, s6  }
0xa: {  	s6 =	sadd.s32 $0xCE00, s0;
	s8 =	ssub.s32 s22, s10;
	s1 =	sadd.s32 s11, s1  }
0xb: {  	s9 =	smul.u32 $0x2710, s9;
	s2 =	sshll.u32 s2, $0x4;
	s24 =	sadd.s32 $0x280, s1  }
0xc: {  	s13 =	sadd.s32 $0x190, s1;
	s15 =	sadd.s32 $0x1E0, s1;
	s1 =	sadd.s32 $0x230, s1  }
0xd: {  	s0 =	sadd.s32 s2, s0;
	s2 =	sshrl.u32 s21, $0x2;
	s29 =	sadd.s32 $0x2D0, s9  }
0xe: {  	s10 =	sshrl.u32 s24, $0x3;
	s2 =	sadd.s32 s2, s3;
	[dreg:$0xd] =	wrdreg s29  }
0xf: {  	s28 =	sshrl.u32 s13, $0x3;
	s26 =	sadd.s32 s10, s6;
	[dreg:$0x10] =	wrdreg s2  }
0x10: {  	s13 =	sshrl.u32 s15, $0x3;
	s14 =	sadd.s32 s28, s6;
	[dreg:$0x4] =	wrdreg s26  }
0x11: {  	s1 =	sshrl.u32 s1, $0x3;
	s19 =	sadd.s32 s13, s6;
	[dreg:$0x5] =	wrdreg s14  }
0x12: {  	s20 =	sadd.s32 s1, s6;
	[dreg:$0x6] =	wrdreg s19  }
0x13: {  	s22 =	sadd.s32 s10, s7;
	[dreg:$0x7] =	wrdreg s20  }
0x14: {  	s23 =	sshll.u32 s12, $0x6;
	s12 =	sadd.s32 s28, s7;
	[dreg:$0x8] =	wrdreg s22  }
0x15: {  	s24 =	sadd.s32 s13, s7;
	[dreg:$0x9] =	wrdreg s12  }
0x16: {  	[dreg:$0xa] =	wrdreg s24;
	s26 =	sadd.s32 s1, s7  }
0x17: {  	s24 =	sadd.s32 $0x48A00, s0;
	[dreg:$0xb] =	wrdreg s26  }
0x18: {  	s16 =	sor.u32 $0x1C11, s23;
	s0 =	sadd.s32 $0x5CA00, s0;
	[smem:$0x7F9] =	sst s24  }
0x19: {  	s12 =	smov.u32 s16;
	[smem:$0x7FA] =	sst s0  }
0x1a: {  	s2 =	sshrl.u32 s9, $0x3;
	s9 =	sadd.s32 $0x320, s9;
	[dreg:$0x11] =	wrdreg s12  }
0x1b: {  	s25 =	sadd.s32 s6, s2;
	[dreg:$0xc] =	wrdreg s9  }
0x1c: {  	s18 =	sadd.s32 s17, s2;
	s11 =	sadd.s32 $0xA, s2;
	[dreg:$0x13] =	wrdreg s25  }
0x1d: {  	s21 =	sadd.s32 $0x14, s2;
	s15 =	sadd.s32 s6, s11;
	[dreg:$0x12] =	wrdreg s18  }
0x1e: {  	s23 =	sadd.s32 $0x1E, s2;
	s19 =	sadd.s32 s6, s21;
	[dreg:$0x14] =	wrdreg s15  }
0x1f: {  	s30 =	simm.s32 $0x6;
	s28 =	sadd.s32 s6, s23;
	[dreg:$0x15] =	wrdreg s19  }
0x20: {  	s25 =	sadd.s32 $0x28, s2;
	s2 =	sadd.s32 s7, s2;
	[dreg:$0x16] =	wrdreg s28  }
0x21: {  	s31 =	simm.s32 $0xE;
	s16 =	sadd.s32 s17, s21;
	[dreg:$0x18] =	wrdreg s2  }
0x22: {  	s13 =	simm.s32 $0x100;
	s20 =	sadd.s32 s17, s23;
	[dreg:$0x1b] =	wrdreg s16  }
0x23: {  	s14 =	simm.s32 $0x11;
	s26 =	sadd.s32 $0x32, s18;
	[dreg:$0x1d] =	wrdreg s20  }
0x24: {  	s0 =	simm.s32 $0x8;
	s6 =	sadd.s32 s6, s25;
	[smem:$0x7FC] =	sst s26  }
0x25: {  	s24 =	simm.s32 $0xD;
	s19 =	sadd.s32 s7, s21;
	[dreg:$0x17] =	wrdreg s6  }
0x26: {  	s21 =	sadd.s32 s7, s23;
	s22 =	sadd.s32 s7, s25;
	[dreg:$0x1c] =	wrdreg s19  }
0x27: {  	s23 =	sadd.s32 s17, s25;
	s25 =	smax.u32 s8, $0x1;
	[dreg:$0x1e] =	wrdreg s21  }
0x28: {  	s15 =	sadd.s32 s1, s17;
	s28 =	sadd.s32 $0x3C, s18;
	[dreg:$0x1f] =	wrdreg s22  }
0x29: {  	s16 =	simm.s32 $0x3;
	s18 =	simm.s32 $0x4;
	[smem:$0x7F8] =	sst s23  }
0x2a: {  	s20 =	simm.s32 $0x80;
	s8 =	simm.s32 $0x10;
	[smem:$0x7FB] =	sst s25  }
0x2b: {  	s2 =	simm.s32 $0x5;
	s6 =	sadd.s32 s17, s11;
	[smem:$0x7FD] =	sst s28  }
0x2c: {  	s1 =	simm.s32 $0x0;
	s11 =	sadd.s32 s7, s11;
	[dreg:$0x19] =	wrdreg s6  }
0x2d: {  	s19 =	sadd.s32 s10, s17;
	s7 =	simm.s32 $0xB;
	[dreg:$0x1a] =	wrdreg s11  }
0x2e: {  	s25 =	simm.s32 $0xC;
	s11 =	simm.s32 $0x50;
	[dreg:$0xe] =	wrdreg s19  }
.LBB2_1:
0x2f: {  	[smem:$0x7F6] =	sst s1  }
0x30: {  	s10 =	rddreg [dreg:$0x10]  }
0x31: {  	s6 =	rddreg [dreg:$0xf];
	s28 =	sshrl.u32 s10, $0x3  }
0x32: {  	[smem:$0x7F7] =	sst s28  }
0x33: {  	[spmem:s28], [sflag:s12] =	dma.local [hbm:s6], $0x1400  }
0x34: {  	_ =	swait.ge [sflag:s14], $0x1400  }
0x35: {  	[sflag:s14] =	ssyncset.done $0x0  }
0x36: {  	[sflag:s14] =	ssyncadd.s32 $0xFFFFEC00  }
0x37: {  	[bflag:$0x0] =	sbarrier.arrive $0xFFFF  }
0x38: {  	s12 =	rddreg [dreg:$0x12]  }
0x39: {  	[tilespmem:s4], [sflag:$0x11] =	stream.linear.gather [hbm4b:s12+s4], $0x50, $0x38;
	[tilespmem:$0x14440] =	vst v63  }
0x3a: {  	_ =	swait.ge [sflag:s14], $0x50  }
0x3b: {  	[sflag:s14] =	ssyncset.done $0x0  }
0x3c: {  	s12 =	simm.s32 $0x200;
	s21 =	rddreg [dreg:$0x13];
	[sflag:s14] =	ssyncadd.s32 $0xFFFFFFB0  }
0x3d: {  	[tilespmem:s12], [sflag:$0x11] =	stream.linear.gather [hbm4b:s21+s4], $0x50, $0x38;
	[tilespmem:$0x14440] =	vst v63  }
0x3e: {  	_ =	swait.ge [sflag:s14], $0x50  }
0x3f: {  	[sflag:s14] =	ssyncset.done $0x0  }
0x40: {  	s22 =	simm.s32 $0x400;
	s6 =	simm.s32 $0x1;
	[sflag:s14] =	ssyncadd.s32 $0xFFFFFFB0  }
0x41: {  	[tilespmem:s22], [sflag:$0x1] =	stream.indirect.gather [hbm4b:s5+s11], $0x80, s4, s11, $0xb8;
	[tilespmem:$0x14440] =	vst v63  }
0x42: {  	_ =	swait.ge [sflag:s6], $0x2800  }
0x43: {  	[sflag:s6] =	ssyncset.done $0x0  }
0x44: {  	[sflag:s6] =	ssyncadd.s32 $0xFFFFD800  }
0x45: {  	[spmem:s3] =	stream.indirect.scatter.add.f32 [tilespmem:s22], [sflag:$0x11], $0x80, s12, s11, $0xb8;
	[tilespmem:$0x14440] =	vst v63  }
0x46: {  	_ =	swait.ge [sflag:s14], $0x2800  }
0x47: {  	[sflag:s14] =	ssyncset.done $0x0  }
0x48: {  	s23 =	rddreg [dreg:$0x19];
	[sflag:s14] =	ssyncadd.s32 $0xFFFFD800  }
0x49: {  	[tilespmem:s13], [sflag:$0x11] =	stream.linear.gather [hbm4b:s23+s4], $0x50, $0x38;
	[tilespmem:$0x14440] =	vst v63  }
0x4a: {  	_ =	swait.ge [sflag:s14], $0x50  }
0x4b: {  	[sflag:s14] =	ssyncset.done $0x0  }
0x4c: {  	s21 =	simm.s32 $0x300;
	s26 =	rddreg [dreg:$0x14];
	[sflag:s14] =	ssyncadd.s32 $0xFFFFFFB0  }
0x4d: {  	[tilespmem:s21], [sflag:$0x11] =	stream.linear.gather [hbm4b:s26+s4], $0x50, $0x38;
	[tilespmem:$0x14440] =	vst v63  }
0x4e: {  	_ =	swait.ge [sflag:s14], $0x50  }
0x4f: {  	[sflag:s14] =	ssyncset.done $0x0  }
0x50: {  	s22 =	simm.s32 $0x5400;
	[sflag:s14] =	ssyncadd.s32 $0xFFFFFFB0  }
0x51: {  	[tilespmem:s22], [sflag:$0x3] =	stream.indirect.gather [hbm4b:s5+s11], $0x80, s13, s11, $0xb8;
	[tilespmem:$0x14440] =	vst v63  }
0x52: {  	s26 =	simm.s32 $0x180;
	s28 =	rddreg [dreg:$0x1b]  }
0x53: {  	[tilespmem:s26], [sflag:$0x11] =	stream.linear.gather [hbm4b:s28+s4], $0x50, $0x38;
	[tilespmem:$0x14440] =	vst v63  }
0x54: {  	_ =	swait.ge [sflag:s14], $0x50  }
0x55: {  	[sflag:s14] =	ssyncset.done $0x0  }
0x56: {  	s28 =	simm.s32 $0x380;
	s23 =	rddreg [dreg:$0x15];
	[sflag:s14] =	ssyncadd.s32 $0xFFFFFFB0  }
0x57: {  	[tilespmem:s28], [sflag:$0x11] =	stream.linear.gather [hbm4b:s23+s4], $0x50, $0x38;
	[tilespmem:$0x14440] =	vst v63  }
0x58: {  	_ =	swait.ge [sflag:s14], $0x50  }
0x59: {  	[sflag:s14] =	ssyncset.done $0x0  }
0x5a: {  	s23 =	simm.s32 $0x7C00;
	[sflag:s14] =	ssyncadd.s32 $0xFFFFFFB0  }
0x5b: {  	[tilespmem:s23], [sflag:$0x4] =	stream.indirect.gather [hbm4b:s5+s11], $0x80, s26, s11, $0xb8;
	[tilespmem:$0x14440] =	vst v63  }
0x5c: {  	_ =	swait.ge [sflag:s16], $0x2800  }
0x5d: {  	[sflag:s16] =	ssyncset.done $0x0  }
0x5e: {  	s21 =	simm.s32 $0x300;
	[sflag:s16] =	ssyncadd.s32 $0xFFFFD800  }
0x5f: {  	[spmem:s3] =	stream.indirect.scatter.add.f32 [tilespmem:s22], [sflag:$0x7], $0x80, s21, s11, $0xb8;
	[tilespmem:$0x14440] =	vst v63  }
0x60: {  	_ =	swait.ge [sflag:s18], $0x2800  }
0x61: {  	[sflag:s18] =	ssyncset.done $0x0  }
0x62: {  	[sflag:s18] =	ssyncadd.s32 $0xFFFFD800  }
0x63: {  	[spmem:s3] =	stream.indirect.scatter.add.f32 [tilespmem:s23], [sflag:$0x8], $0x80, s28, s11, $0xb8;
	[tilespmem:$0x14440] =	vst v63  }
0x64: {  	s21 =	rddreg [dreg:$0x1d]  }
0x65: {  	[tilespmem:s4], [sflag:$0x11] =	stream.linear.gather [hbm4b:s21+s4], $0x50, $0x38;
	[tilespmem:$0x14440] =	vst v63  }
0x66: {  	_ =	swait.ge [sflag:s14], $0x50  }
0x67: {  	[sflag:s14] =	ssyncset.done $0x0  }
0x68: {  	s23 =	rddreg [dreg:$0x16];
	[sflag:s14] =	ssyncadd.s32 $0xFFFFFFB0  }
0x69: {  	[tilespmem:s12], [sflag:$0x9] =	stream.linear.gather [hbm4b:s23+s4], $0x50, $0x38;
	[tilespmem:$0x14440] =	vst v63  }
0x6a: {  	s1 =	simm.s32 $0x400  }
0x6b: {  	[tilespmem:s1], [sflag:$0x1] =	stream.indirect.gather [hbm4b:s5+s11], $0x80, s4, s11, $0xb8;
	[tilespmem:$0x14440] =	vst v63  }
0x6c: {  	s1 =	sld [smem:$0x7F8];
	_ =	sdelay $0x2  }
0x6d: {  	[tilespmem:s20], [sflag:$0x11] =	stream.linear.gather [hbm4b:s1+s4], $0x50, $0x38;
	[tilespmem:$0x14440] =	vst v63  }
0x6e: {  	_ =	swait.ge [sflag:s14], $0x50  }
0x6f: {  	[sflag:s14] =	ssyncset.done $0x0  }
0x70: {  	s23 =	rddreg [dreg:$0x17];
	[sflag:s14] =	ssyncadd.s32 $0xFFFFFFB0;
	s14 =	simm.s32 $0x280  }
0x71: {  	[tilespmem:s14], [sflag:$0xA] =	stream.linear.gather [hbm4b:s23+s4], $0x50, $0x38;
	[tilespmem:$0x14440] =	vst v63  }
0x72: {  	s1 =	sld [smem:$0x7FC];
	s23 =	simm.s32 $0x2C00  }
0x73: {  	[tilespmem:s23], [sflag:$0x2] =	stream.indirect.gather [hbm4b:s5+s11], $0x80, s20, s11, $0xb8;
	[tilespmem:$0x14440] =	vst v63  }
0x74: {  	_ = 	snop  }
0x75: {  	[tilespmem:s13], [sflag:$0xF] =	stream.linear.gather [hbm4b:s1+s4], $0x50, $0x38;
	[tilespmem:$0x14440] =	vst v63  }
0x76: {  	s1 =	sld [smem:$0x7FD];
	_ =	sdelay $0x2  }
0x77: {  	[tilespmem:s26], [sflag:$0x10] =	stream.linear.gather [hbm4b:s1+s4], $0x50, $0x38;
	[tilespmem:$0x14440] =	vst v63  }
0x78: {  	_ =	swait.ge [sflag:s6], $0x2800  }
0x79: {  	[sflag:s6] =	ssyncset.done $0x0  }
0x7a: {  	s1 =	sadd.s32 $0x0, s15;
	[sflag:s6] =	ssyncadd.s32 $0xFFFFD800;
	s6 =	simm.s32 $0x9  }
0x7b: {  	[tilespmem:s4], [sflag:$0xD] =	stream.linear.gather [hbm4b:s1+s4], $0x50, $0x38;
	[tilespmem:$0x14440] =	vst v63  }
0x7c: {  	_ =	swait.ge [sflag:s6], $0x50  }
0x7d: {  	[sflag:s6] =	ssyncset.done $0x0  }
0x7e: {  	s10 =	simm.s32 $0x7;
	s21 =	simm.s32 $0x400;
	[sflag:s6] =	ssyncadd.s32 $0xFFFFFFB0  }
0x7f: {  	[spmem:s3] =	stream.indirect.scatter.add.f32 [tilespmem:s21], [sflag:$0x5], $0x80, s12, s11, $0xb8;
	[tilespmem:$0x14440] =	vst v63  }
0x80: {  	_ =	swait.ge [sflag:s10], $0x2800  }
0x81: {  	s21 =	rddreg [dreg:$0x5];
	[sflag:s10] =	ssyncset.done $0x0  }
0x82: {  	[sflag:s10] =	ssyncadd.s32 $0xFFFFD800;
	s10 =	sadd.s32 $0x0, s21;
	s21 =	simm.s32 $0x300  }
0x83: {  	[tilespmem:s21], [sflag:$0xB] =	stream.linear.gather [hbm4b:s10+s4], $0x50, $0x38;
	[tilespmem:$0x14440] =	vst v63  }
0x84: {  	s10 =	simm.s32 $0xF  }
0x85: {  	_ =	swait.ge [sflag:s10], $0x50  }
0x86: {  	[sflag:s10] =	ssyncset.done $0x0  }
0x87: {  	[sflag:s10] =	ssyncadd.s32 $0xFFFFFFB0;
	s10 =	simm.s32 $0x2  }
0x88: {  	[tilespmem:s22], [sflag:$0x3] =	stream.indirect.gather [hbm4b:s5+s11], $0x80, s13, s11, $0xb8;
	[tilespmem:$0x14440] =	vst v63  }
0x89: {  	_ =	swait.ge [sflag:s10], $0x2800  }
0x8a: {  	[sflag:s10] =	ssyncset.done $0x0  }
0x8b: {  	s1 =	sadd.s32 $0x0, s19;
	s19 =	simm.s32 $0xA;
	[sflag:s10] =	ssyncadd.s32 $0xFFFFD800  }
0x8c: {  	[tilespmem:s20], [sflag:$0xE] =	stream.linear.gather [hbm4b:s1+s4], $0x50, $0x38;
	[tilespmem:$0x14440] =	vst v63  }
0x8d: {  	_ =	swait.ge [sflag:s19], $0x50  }
0x8e: {  	[sflag:s19] =	ssyncset.done $0x0  }
0x8f: {  	[sflag:s19] =	ssyncadd.s32 $0xFFFFFFB0  }
0x90: {  	[spmem:s3] =	stream.indirect.scatter.add.f32 [tilespmem:s23], [sflag:$0x6], $0x80, s14, s11, $0xb8;
	[tilespmem:$0x14440] =	vst v63  }
0x91: {  	_ =	swait.ge [sflag:s0], $0x2800  }
0x92: {  	s1 =	rddreg [dreg:$0x6];
	[sflag:s0] =	ssyncset.done $0x0  }
0x93: {  	[sflag:s0] =	ssyncadd.s32 $0xFFFFD800;
	s10 =	sadd.s32 $0x0, s1  }
0x94: {  	[tilespmem:s28], [sflag:$0xC] =	stream.linear.gather [hbm4b:s10+s4], $0x50, $0x38;
	[tilespmem:$0x14440] =	vst v63  }
0x95: {  	_ =	swait.ge [sflag:s8], $0x50  }
0x96: {  	s19 =	smin.u32 s4, $0x73;
	[sflag:s8] =	ssyncset.done $0x0  }
0x97: {  	s1 =	simm.s32 $0x7C00;
	s10 =	smul.u32 $0x50, s19;
	[sflag:s8] =	ssyncadd.s32 $0xFFFFFFB0  }
0x98: {  	[tilespmem:s1], [sflag:$0x4] =	stream.indirect.gather [hbm4b:s5+s11], $0x80, s26, s11, $0xb8;
	[tilespmem:$0x14440] =	vst v63  }
0x99: {  	s10 =	sadd.s32 s10, s29;
	_ =	swait.ge [sflag:s16], $0x2800  }
0x9a: {  	s10 =	sshrl.u32 s10, $0x3;
	[sflag:s16] =	ssyncset.done $0x0  }
0x9b: {  	s10 =	sadd.s32 s17, s10;
	[sflag:s16] =	ssyncadd.s32 $0xFFFFD800  }
0x9c: {  	[tilespmem:s13], [sflag:$0xF] =	stream.linear.gather [hbm4b:s10+s4], $0x50, $0x38;
	[tilespmem:$0x14440] =	vst v63  }
0x9d: {  	_ =	swait.ge [sflag:s7], $0x50  }
0x9e: {  	[sflag:s7] =	ssyncset.done $0x0  }
0x9f: {  	[sflag:s7] =	ssyncadd.s32 $0xFFFFFFB0  }
0xa0: {  	[spmem:s3] =	stream.indirect.scatter.add.f32 [tilespmem:s22], [sflag:$0x7], $0x80, s21, s11, $0xb8;
	[tilespmem:$0x14440] =	vst v63  }
0xa1: {  	_ =	swait.ge [sflag:s2], $0x2800  }
0xa2: {  	s23 =	rddreg [dreg:$0x7];
	[sflag:s2] =	ssyncset.done $0x0  }
0xa3: {  	[sflag:s2] =	ssyncadd.s32 $0xFFFFD800;
	s10 =	sadd.s32 $0x0, s23  }
0xa4: {  	[tilespmem:s12], [sflag:$0x9] =	stream.linear.gather [hbm4b:s10+s4], $0x50, $0x38;
	[tilespmem:$0x14440] =	vst v63  }
0xa5: {  	_ =	swait.ge [sflag:s24], $0x50  }
0xa6: {  	s28 =	smin.u32 s4, $0x72;
	[sflag:s24] =	ssyncset.done $0x0  }
0xa7: {  	s6 =	simm.s32 $0x400;
	s10 =	smul.u32 $0x50, s28;
	[sflag:s24] =	ssyncadd.s32 $0xFFFFFFB0  }
0xa8: {  	[tilespmem:s6], [sflag:$0x1] =	stream.indirect.gather [hbm4b:s5+s11], $0x80, s4, s11, $0xb8;
	[tilespmem:$0x14440] =	vst v63  }
0xa9: {  	s10 =	sadd.s32 s10, s9;
	_ =	swait.ge [sflag:s18], $0x2800  }
0xaa: {  	s10 =	sshrl.u32 s10, $0x3;
	[sflag:s18] =	ssyncset.done $0x0  }
0xab: {  	s22 =	simm.s32 $0x180;
	s10 =	sadd.s32 s17, s10;
	[sflag:s18] =	ssyncadd.s32 $0xFFFFD800  }
0xac: {  	[tilespmem:s22], [sflag:$0x10] =	stream.linear.gather [hbm4b:s10+s4], $0x50, $0x38;
	[tilespmem:$0x14440] =	vst v63  }
0xad: {  	_ =	swait.ge [sflag:s25], $0x50  }
0xae: {  	[sflag:s25] =	ssyncset.done $0x0  }
0xaf: {  	s26 =	simm.s32 $0x380;
	[sflag:s25] =	ssyncadd.s32 $0xFFFFFFB0  }
0xb0: {  	[spmem:s3] =	stream.indirect.scatter.add.f32 [tilespmem:s1], [sflag:$0x8], $0x80, s26, s11, $0xb8;
	[tilespmem:$0x14440] =	vst v63  }
0xb1: {  	_ =	swait.ge [sflag:s30], $0x2800  }
0xb2: {  	s29 =	rddreg [dreg:$0x4];
	[sflag:s30] =	ssyncset.done $0x0  }
0xb3: {  	[sflag:s30] =	ssyncadd.s32 $0xFFFFD800;
	s10 =	sadd.s32 $0x0, s29  }
0xb4: {  	[tilespmem:s14], [sflag:$0xA] =	stream.linear.gather [hbm4b:s10+s4], $0x50, $0x38;
	[tilespmem:$0x14440] =	vst v63  }
0xb5: {  	_ =	swait.ge [sflag:s31], $0x50  }
0xb6: {  	s19 =	simm.s32 $0x5400;
	s21 =	simm.s32 $0x300;
	[sflag:s31] =	ssyncset.done $0x0  }
0xb7: {  	s12 =	simm.s32 $0x4;
	s10 =	simm.s32 $0x28;
	[sflag:s31] =	ssyncadd.s32 $0xFFFFFFB0  }
.LBB2_2:
0xb8: {  	s23 =	simm.s32 $0x2C00;
	s6 =	simm.s32 $0x1  }
0xb9: {  	[tilespmem:s23], [sflag:$0x2] =	stream.indirect.gather [hbm4b:s5+s11], $0x80, s20, s11, $0xb8;
	[tilespmem:$0x14440] =	vst v63  }
0xba: {  	_ =	swait.ge [sflag:s6], $0x2800  }
0xbb: {  	s14 =	smov.u32 s10;
	[sflag:s6] =	ssyncset.done $0x0  }
0xbc: {  	s1 =	simm.s32 $0x9;
	s9 =	sadd.s32 s14, s15;
	[sflag:s6] =	ssyncadd.s32 $0xFFFFD800  }
0xbd: {  	[tilespmem:s4], [sflag:$0xD] =	stream.linear.gather [hbm4b:s9+s4], $0x50, $0x38;
	[tilespmem:$0x14440] =	vst v63  }
0xbe: {  	_ =	swait.ge [sflag:s1], $0x50  }
0xbf: {  	s29 =	smov.u32 s15;
	s15 =	simm.s32 $0x7;
	[sflag:s1] =	ssyncset.done $0x0  }
0xc0: {  	s6 =	simm.s32 $0x200;
	s9 =	simm.s32 $0x400;
	[sflag:s1] =	ssyncadd.s32 $0xFFFFFFB0  }
0xc1: {  	[spmem:s3] =	stream.indirect.scatter.add.f32 [tilespmem:s9], [sflag:$0x5], $0x80, s6, s11, $0xb8;
	[tilespmem:$0x14440] =	vst v63  }
0xc2: {  	_ =	swait.ge [sflag:s15], $0x2800  }
0xc3: {  	s28 =	rddreg [dreg:$0x5];
	[sflag:s15] =	ssyncset.done $0x0  }
0xc4: {  	[sflag:s15] =	ssyncadd.s32 $0xFFFFD800;
	s15 =	sadd.s32 s14, s28;
	s28 =	simm.s32 $0xF  }
0xc5: {  	[tilespmem:s21], [sflag:$0xB] =	stream.linear.gather [hbm4b:s15+s4], $0x50, $0x38;
	[tilespmem:$0x14440] =	vst v63  }
0xc6: {  	_ =	swait.ge [sflag:s28], $0x50  }
0xc7: {  	[sflag:s28] =	ssyncset.done $0x0  }
0xc8: {  	s15 =	simm.s32 $0x2;
	[sflag:s28] =	ssyncadd.s32 $0xFFFFFFB0  }
0xc9: {  	[tilespmem:s19], [sflag:$0x3] =	stream.indirect.gather [hbm4b:s5+s11], $0x80, s13, s11, $0xb8;
	[tilespmem:$0x14440] =	vst v63  }
0xca: {  	_ =	swait.ge [sflag:s15], $0x2800  }
0xcb: {  	[sflag:s15] =	ssyncset.done $0x0;
	s28 =	rddreg [dreg:$0xe]  }
0xcc: {  	[sflag:s15] =	ssyncadd.s32 $0xFFFFD800;
	s1 =	sadd.s32 s14, s28;
	s28 =	simm.s32 $0xA  }
0xcd: {  	[tilespmem:s20], [sflag:$0xE] =	stream.linear.gather [hbm4b:s1+s4], $0x50, $0x38;
	[tilespmem:$0x14440] =	vst v63  }
0xce: {  	_ =	swait.ge [sflag:s28], $0x50  }
0xcf: {  	[sflag:s28] =	ssyncset.done $0x0  }
0xd0: {  	[sflag:s28] =	ssyncadd.s32 $0xFFFFFFB0;
	s28 =	simm.s32 $0x280  }
0xd1: {  	[spmem:s3] =	stream.indirect.scatter.add.f32 [tilespmem:s23], [sflag:$0x6], $0x80, s28, s11, $0xb8;
	[tilespmem:$0x14440] =	vst v63  }
0xd2: {  	_ =	swait.ge [sflag:s0], $0x2800  }
0xd3: {  	s1 =	rddreg [dreg:$0x6];
	[sflag:s0] =	ssyncset.done $0x0  }
0xd4: {  	[sflag:s0] =	ssyncadd.s32 $0xFFFFD800;
	s15 =	sadd.s32 s14, s1  }
0xd5: {  	[tilespmem:s26], [sflag:$0xC] =	stream.linear.gather [hbm4b:s15+s4], $0x50, $0x38;
	[tilespmem:$0x14440] =	vst v63  }
0xd6: {  	_ =	swait.ge [sflag:s8], $0x50  }
0xd7: {  	s23 =	smin.u32 s12, $0x73;
	[sflag:s8] =	ssyncset.done $0x0  }
0xd8: {  	s15 =	smul.u32 $0x50, s23;
	s23 =	simm.s32 $0x7C00;
	[sflag:s8] =	ssyncadd.s32 $0xFFFFFFB0  }
0xd9: {  	[tilespmem:s23], [sflag:$0x4] =	stream.indirect.gather [hbm4b:s5+s11], $0x80, s22, s11, $0xb8;
	[tilespmem:$0x14440] =	vst v63  }
0xda: {  	_ =	swait.ge [sflag:s16], $0x2800  }
0xdb: {  	s1 =	rddreg [dreg:$0xd]  }
0xdc: {  	s15 =	sadd.s32 s15, s1  }
0xdd: {  	[sflag:s16] =	ssyncset.done $0x0;
	s15 =	sshrl.u32 s15, $0x3  }
0xde: {  	[sflag:s16] =	ssyncadd.s32 $0xFFFFD800;
	s15 =	sadd.s32 s17, s15  }
0xdf: {  	[tilespmem:s13], [sflag:$0xF] =	stream.linear.gather [hbm4b:s15+s4], $0x50, $0x38;
	[tilespmem:$0x14440] =	vst v63  }
0xe0: {  	_ =	swait.ge [sflag:s7], $0x50  }
0xe1: {  	[sflag:s7] =	ssyncset.done $0x0  }
0xe2: {  	[sflag:s7] =	ssyncadd.s32 $0xFFFFFFB0  }
0xe3: {  	[spmem:s3] =	stream.indirect.scatter.add.f32 [tilespmem:s19], [sflag:$0x7], $0x80, s21, s11, $0xb8;
	[tilespmem:$0x14440] =	vst v63  }
0xe4: {  	_ =	swait.ge [sflag:s2], $0x2800  }
0xe5: {  	s1 =	rddreg [dreg:$0x7];
	[sflag:s2] =	ssyncset.done $0x0  }
0xe6: {  	[sflag:s2] =	ssyncadd.s32 $0xFFFFD800;
	s15 =	sadd.s32 s14, s1  }
0xe7: {  	[tilespmem:s6], [sflag:$0x9] =	stream.linear.gather [hbm4b:s15+s4], $0x50, $0x38;
	[tilespmem:$0x14440] =	vst v63  }
0xe8: {  	_ =	swait.ge [sflag:s24], $0x50  }
0xe9: {  	[sflag:s24] =	ssyncset.done $0x0  }
0xea: {  	s6 =	smin.u32 s12, $0x72;
	[sflag:s24] =	ssyncadd.s32 $0xFFFFFFB0  }
0xeb: {  	[tilespmem:s9], [sflag:$0x1] =	stream.indirect.gather [hbm4b:s5+s11], $0x80, s4, s11, $0xb8;
	[tilespmem:$0x14440] =	vst v63  }
0xec: {  	s15 =	smul.u32 $0x50, s6;
	_ =	swait.ge [sflag:s18], $0x2800  }
0xed: {  	s9 =	rddreg [dreg:$0xc]  }
0xee: {  	s15 =	sadd.s32 s15, s9  }
0xef: {  	[sflag:s18] =	ssyncset.done $0x0;
	s15 =	sshrl.u32 s15, $0x3  }
0xf0: {  	[sflag:s18] =	ssyncadd.s32 $0xFFFFD800;
	s15 =	sadd.s32 s17, s15  }
0xf1: {  	[tilespmem:s22], [sflag:$0x10] =	stream.linear.gather [hbm4b:s15+s4], $0x50, $0x38;
	[tilespmem:$0x14440] =	vst v63  }
0xf2: {  	_ =	swait.ge [sflag:s25], $0x50  }
0xf3: {  	[sflag:s25] =	ssyncset.done $0x0  }
0xf4: {  	[sflag:s25] =	ssyncadd.s32 $0xFFFFFFB0  }
0xf5: {  	[spmem:s3] =	stream.indirect.scatter.add.f32 [tilespmem:s23], [sflag:$0x8], $0x80, s26, s11, $0xb8;
	[tilespmem:$0x14440] =	vst v63  }
0xf6: {  	_ =	swait.ge [sflag:s30], $0x2800  }
0xf7: {  	p0 =	sne.s32 s10, $0x488;
	s23 =	rddreg [dreg:$0x4];
	[sflag:s30] =	ssyncset.done $0x0  }
.Ltmp0:
0xf8: {  	[sflag:s30] =	ssyncadd.s32 $0xFFFFD800;
	s14 =	sadd.s32 s14, s23;
	(pc) =	sbr.rel @p0 .LBB2_2-.Ltmp0, $4  }
0xf9: {  	[tilespmem:s28], [sflag:$0xA] =	stream.linear.gather [hbm4b:s14+s4], $0x50, $0x38;
	[tilespmem:$0x14440] =	vst v63  }
0xfa: {  	_ =	swait.ge [sflag:s31], $0x50  }
0xfb: {  	s10 =	sadd.s32 $0x28, s10;
	[sflag:s31] =	ssyncset.done $0x0  }
0xfc: {  	s12 =	sadd.s32 $0x4, s12;
	s15 =	smov.u32 s29;
	[sflag:s31] =	ssyncadd.s32 $0xFFFFFFB0  }
0xfd: {  	s1 =	simm.s32 $0x2C00;
	s9 =	simm.s32 $0x1  }
0xfe: {  	[tilespmem:s1], [sflag:$0x2] =	stream.indirect.gather [hbm4b:s5+s11], $0x80, s20, s11, $0xb8;
	[tilespmem:$0x14440] =	vst v63  }
0xff: {  	_ =	swait.ge [sflag:s9], $0x2800  }
0x100: {  	[sflag:s9] =	ssyncset.done $0x0  }
0x101: {  	s28 =	simm.s32 $0x9;
	[sflag:s9] =	ssyncadd.s32 $0xFFFFD800  }
0x102: {  	_ =	swait.ge [sflag:s28], $0x50  }
0x103: {  	s6 =	simm.s32 $0x200;
	[sflag:s28] =	ssyncset.done $0x0  }
0x104: {  	s12 =	simm.s32 $0x400;
	s14 =	simm.s32 $0x7;
	[sflag:s28] =	ssyncadd.s32 $0xFFFFFFB0  }
0x105: {  	[spmem:s3] =	stream.indirect.scatter.add.f32 [tilespmem:s12], [sflag:$0x5], $0x80, s6, s11, $0xb8;
	[tilespmem:$0x14440] =	vst v63  }
0x106: {  	_ =	swait.ge [sflag:s14], $0x2800  }
0x107: {  	[sflag:s14] =	ssyncset.done $0x0  }
0x108: {  	s23 =	simm.s32 $0x2;
	[sflag:s14] =	ssyncadd.s32 $0xFFFFD800  }
0x109: {  	_ =	swait.ge [sflag:s23], $0x2800  }
0x10a: {  	[sflag:s23] =	ssyncset.done $0x0  }
0x10b: {  	s6 =	simm.s32 $0xA;
	[sflag:s23] =	ssyncadd.s32 $0xFFFFD800  }
0x10c: {  	_ =	swait.ge [sflag:s6], $0x50  }
0x10d: {  	[sflag:s6] =	ssyncset.done $0x0  }
0x10e: {  	s10 =	simm.s32 $0x2C00;
	s12 =	simm.s32 $0x280;
	[sflag:s6] =	ssyncadd.s32 $0xFFFFFFB0  }
0x10f: {  	[spmem:s3] =	stream.indirect.scatter.add.f32 [tilespmem:s10], [sflag:$0x6], $0x80, s12, s11, $0xb8;
	[tilespmem:$0x14440] =	vst v63  }
0x110: {  	_ =	swait.ge [sflag:s0], $0x2800  }
0x111: {  	[sflag:s0] =	ssyncset.done $0x0  }
0x112: {  	[sflag:s0] =	ssyncadd.s32 $0xFFFFD800  }
0x113: {  	_ =	swait.ge [sflag:s2], $0x2800  }
0x114: {  	[sflag:s2] =	ssyncset.done $0x0  }
0x115: {  	[sflag:s2] =	ssyncadd.s32 $0xFFFFD800  }
0x116: {  	_ =	swait.ge [sflag:s30], $0x2800  }
0x117: {  	[sflag:s30] =	ssyncset.done $0x0  }
0x118: {  	s23 =	simm.s32 $0xF;
	[sflag:s30] =	ssyncadd.s32 $0xFFFFD800  }
0x119: {  	_ =	swait.ge [sflag:s23], $0x50  }
0x11a: {  	[sflag:s23] =	ssyncset.done $0x0  }
0x11b: {  	[sflag:s23] =	ssyncadd.s32 $0xFFFFFFB0  }
0x11c: {  	_ =	swait.ge [sflag:s8], $0x50  }
0x11d: {  	[sflag:s8] =	ssyncset.done $0x0  }
0x11e: {  	[sflag:s8] =	ssyncadd.s32 $0xFFFFFFB0  }
0x11f: {  	[bflag:$0x0] =	sbarrier.arrive $0xFFFF  }
0x120: {  	s14 =	sld [smem:$0x7F9]  }
0x121: {  	s1 =	sld [smem:$0x7F7];
	_ =	sdelay $0x1  }
0x122: {  	s12 =	rddreg [dreg:$0x11]  }
0x123: {  	[hbm:s14], [sflag:s12] =	dma.local [spmem:s1], $0x1400  }
0x124: {  	s14 =	simm.s32 $0x11  }
0x125: {  	_ =	swait.ge [sflag:s14], $0x1400  }
0x126: {  	[sflag:s14] =	ssyncset.done $0x0  }
0x127: {  	[sflag:s14] =	ssyncadd.s32 $0xFFFFEC00  }
0x128: {  	[bflag:$0x0] =	sbarrier.arrive $0xFFFF  }
0x129: {  	s6 =	rddreg [dreg:$0xf]  }
0x12a: {  	[spmem:s1], [sflag:s12] =	dma.local [hbm:s6], $0x1400  }
0x12b: {  	_ =	swait.ge [sflag:s14], $0x1400  }
0x12c: {  	[sflag:s14] =	ssyncset.done $0x0  }
0x12d: {  	[sflag:s14] =	ssyncadd.s32 $0xFFFFEC00  }
0x12e: {  	[bflag:$0x0] =	sbarrier.arrive $0xFFFF  }
0x12f: {  	s10 =	simm.s32 $0x0;
	s1 =	rddreg [dreg:$0x12]  }
0x130: {  	[tilespmem:s10], [sflag:$0x11] =	stream.linear.gather [hbm4b:s1+s10], $0x50, $0x38;
	[tilespmem:$0x14440] =	vst v63  }
0x131: {  	_ =	swait.ge [sflag:s14], $0x50  }
0x132: {  	[sflag:s14] =	ssyncset.done $0x0  }
0x133: {  	s1 =	simm.s32 $0x200;
	s6 =	rddreg [dreg:$0x18];
	[sflag:s14] =	ssyncadd.s32 $0xFFFFFFB0  }
0x134: {  	[tilespmem:s1], [sflag:$0x11] =	stream.linear.gather [hbm4b:s6+s10], $0x50, $0x38;
	[tilespmem:$0x14440] =	vst v63  }
0x135: {  	_ =	swait.ge [sflag:s14], $0x50  }
0x136: {  	[sflag:s14] =	ssyncset.done $0x0  }
0x137: {  	s12 =	simm.s32 $0x400;
	[sflag:s14] =	ssyncadd.s32 $0xFFFFFFB0  }
0x138: {  	[tilespmem:s12], [sflag:$0x1] =	stream.indirect.gather [hbm4b:s5+s11], $0x80, s10, s11, $0xb8;
	[tilespmem:$0x14440] =	vst v63  }
0x139: {  	_ =	swait.ge [sflag:s9], $0x2800  }
0x13a: {  	[sflag:s9] =	ssyncset.done $0x0  }
0x13b: {  	[sflag:s9] =	ssyncadd.s32 $0xFFFFD800  }
0x13c: {  	[spmem:s3] =	stream.indirect.scatter.add.f32 [tilespmem:s12], [sflag:$0x11], $0x80, s1, s11, $0xb8;
	[tilespmem:$0x14440] =	vst v63  }
0x13d: {  	_ =	swait.ge [sflag:s14], $0x2800  }
0x13e: {  	[sflag:s14] =	ssyncset.done $0x0  }
0x13f: {  	s1 =	rddreg [dreg:$0x19];
	[sflag:s14] =	ssyncadd.s32 $0xFFFFD800  }
0x140: {  	[tilespmem:s13], [sflag:$0x11] =	stream.linear.gather [hbm4b:s1+s10], $0x50, $0x38;
	[tilespmem:$0x14440] =	vst v63  }
0x141: {  	_ =	swait.ge [sflag:s14], $0x50  }
0x142: {  	[sflag:s14] =	ssyncset.done $0x0  }
0x143: {  	s1 =	rddreg [dreg:$0x1a];
	[sflag:s14] =	ssyncadd.s32 $0xFFFFFFB0  }
0x144: {  	[tilespmem:s21], [sflag:$0x11] =	stream.linear.gather [hbm4b:s1+s10], $0x50, $0x38;
	[tilespmem:$0x14440] =	vst v63  }
0x145: {  	_ =	swait.ge [sflag:s14], $0x50  }
0x146: {  	[sflag:s14] =	ssyncset.done $0x0  }
0x147: {  	[sflag:s14] =	ssyncadd.s32 $0xFFFFFFB0  }
0x148: {  	[tilespmem:s19], [sflag:$0x3] =	stream.indirect.gather [hbm4b:s5+s11], $0x80, s13, s11, $0xb8;
	[tilespmem:$0x14440] =	vst v63  }
0x149: {  	s1 =	rddreg [dreg:$0x1b]  }
0x14a: {  	[tilespmem:s22], [sflag:$0x11] =	stream.linear.gather [hbm4b:s1+s10], $0x50, $0x38;
	[tilespmem:$0x14440] =	vst v63  }
0x14b: {  	_ =	swait.ge [sflag:s14], $0x50  }
0x14c: {  	[sflag:s14] =	ssyncset.done $0x0  }
0x14d: {  	s1 =	rddreg [dreg:$0x1c];
	[sflag:s14] =	ssyncadd.s32 $0xFFFFFFB0  }
0x14e: {  	[tilespmem:s26], [sflag:$0x11] =	stream.linear.gather [hbm4b:s1+s10], $0x50, $0x38;
	[tilespmem:$0x14440] =	vst v63  }
0x14f: {  	_ =	swait.ge [sflag:s14], $0x50  }
0x150: {  	[sflag:s14] =	ssyncset.done $0x0  }
0x151: {  	s1 =	simm.s32 $0x7C00;
	[sflag:s14] =	ssyncadd.s32 $0xFFFFFFB0  }
0x152: {  	[tilespmem:s1], [sflag:$0x4] =	stream.indirect.gather [hbm4b:s5+s11], $0x80, s22, s11, $0xb8;
	[tilespmem:$0x14440] =	vst v63  }
0x153: {  	_ =	swait.ge [sflag:s16], $0x2800  }
0x154: {  	[sflag:s16] =	ssyncset.done $0x0  }
0x155: {  	[sflag:s16] =	ssyncadd.s32 $0xFFFFD800  }
0x156: {  	[spmem:s3] =	stream.indirect.scatter.add.f32 [tilespmem:s19], [sflag:$0x7], $0x80, s21, s11, $0xb8;
	[tilespmem:$0x14440] =	vst v63  }
0x157: {  	_ =	swait.ge [sflag:s18], $0x2800  }
0x158: {  	[sflag:s18] =	ssyncset.done $0x0  }
0x159: {  	[sflag:s18] =	ssyncadd.s32 $0xFFFFD800  }
0x15a: {  	[spmem:s3] =	stream.indirect.scatter.add.f32 [tilespmem:s1], [sflag:$0x8], $0x80, s26, s11, $0xb8;
	[tilespmem:$0x14440] =	vst v63  }
0x15b: {  	s1 =	rddreg [dreg:$0x1d]  }
0x15c: {  	[tilespmem:s10], [sflag:$0x11] =	stream.linear.gather [hbm4b:s1+s10], $0x50, $0x38;
	[tilespmem:$0x14440] =	vst v63  }
0x15d: {  	_ =	swait.ge [sflag:s14], $0x50  }
0x15e: {  	[sflag:s14] =	ssyncset.done $0x0  }
0x15f: {  	s6 =	simm.s32 $0x200;
	s1 =	rddreg [dreg:$0x1e];
	[sflag:s14] =	ssyncadd.s32 $0xFFFFFFB0  }
0x160: {  	[tilespmem:s6], [sflag:$0x9] =	stream.linear.gather [hbm4b:s1+s10], $0x50, $0x38;
	[tilespmem:$0x14440] =	vst v63  }
0x161: {  	s12 =	simm.s32 $0x400;
	s6 =	sld [smem:$0x7F8]  }
0x162: {  	[tilespmem:s12], [sflag:$0x1] =	stream.indirect.gather [hbm4b:s5+s11], $0x80, s10, s11, $0xb8;
	[tilespmem:$0x14440] =	vst v63  }
0x163: {  	_ = 	snop  }
0x164: {  	[tilespmem:s20], [sflag:$0x11] =	stream.linear.gather [hbm4b:s6+s10], $0x50, $0x38;
	[tilespmem:$0x14440] =	vst v63  }
0x165: {  	_ =	swait.ge [sflag:s14], $0x50  }
0x166: {  	[sflag:s14] =	ssyncset.done $0x0  }
0x167: {  	s6 =	rddreg [dreg:$0x1f];
	[sflag:s14] =	ssyncadd.s32 $0xFFFFFFB0;
	s14 =	simm.s32 $0x280  }
0x168: {  	[tilespmem:s14], [sflag:$0xA] =	stream.linear.gather [hbm4b:s6+s10], $0x50, $0x38;
	[tilespmem:$0x14440] =	vst v63  }
0x169: {  	s12 =	sld [smem:$0x7FC];
	s6 =	simm.s32 $0x2C00  }
0x16a: {  	[tilespmem:s6], [sflag:$0x2] =	stream.indirect.gather [hbm4b:s5+s11], $0x80, s20, s11, $0xb8;
	[tilespmem:$0x14440] =	vst v63  }
0x16b: {  	_ = 	snop  }
0x16c: {  	[tilespmem:s13], [sflag:$0xF] =	stream.linear.gather [hbm4b:s12+s10], $0x50, $0x38;
	[tilespmem:$0x14440] =	vst v63  }
0x16d: {  	s12 =	sld [smem:$0x7FD];
	_ =	sdelay $0x2  }
0x16e: {  	[tilespmem:s22], [sflag:$0x10] =	stream.linear.gather [hbm4b:s12+s10], $0x50, $0x38;
	[tilespmem:$0x14440] =	vst v63  }
0x16f: {  	_ =	swait.ge [sflag:s9], $0x2800  }
0x170: {  	[sflag:s9] =	ssyncset.done $0x0  }
0x171: {  	[sflag:s9] =	ssyncadd.s32 $0xFFFFD800;
	s9 =	sadd.s32 $0x0, s15  }
0x172: {  	[tilespmem:s4], [sflag:$0xD] =	stream.linear.gather [hbm4b:s9+s4], $0x50, $0x38;
	[tilespmem:$0x14440] =	vst v63  }
0x173: {  	_ =	swait.ge [sflag:s28], $0x50  }
0x174: {  	[sflag:s28] =	ssyncset.done $0x0  }
0x175: {  	s1 =	simm.s32 $0x200;
	s15 =	simm.s32 $0x400;
	[sflag:s28] =	ssyncadd.s32 $0xFFFFFFB0  }
0x176: {  	[spmem:s3] =	stream.indirect.scatter.add.f32 [tilespmem:s15], [sflag:$0x5], $0x80, s1, s11, $0xb8;
	[tilespmem:$0x14440] =	vst v63  }
0x177: {  	s1 =	simm.s32 $0x7  }
0x178: {  	_ =	swait.ge [sflag:s1], $0x2800  }
0x179: {  	s12 =	rddreg [dreg:$0x9];
	[sflag:s1] =	ssyncset.done $0x0  }
0x17a: {  	[sflag:s1] =	ssyncadd.s32 $0xFFFFD800;
	s12 =	sadd.s32 $0x0, s12  }
0x17b: {  	[tilespmem:s21], [sflag:$0xB] =	stream.linear.gather [hbm4b:s12+s4], $0x50, $0x38;
	[tilespmem:$0x14440] =	vst v63  }
0x17c: {  	_ =	swait.ge [sflag:s23], $0x50  }
0x17d: {  	[sflag:s23] =	ssyncset.done $0x0  }
0x17e: {  	s12 =	simm.s32 $0x2;
	[sflag:s23] =	ssyncadd.s32 $0xFFFFFFB0  }
0x17f: {  	[tilespmem:s19], [sflag:$0x3] =	stream.indirect.gather [hbm4b:s5+s11], $0x80, s13, s11, $0xb8;
	[tilespmem:$0x14440] =	vst v63  }
0x180: {  	_ =	swait.ge [sflag:s12], $0x2800  }
0x181: {  	[sflag:s12] =	ssyncset.done $0x0;
	s23 =	rddreg [dreg:$0xe]  }
0x182: {  	[sflag:s12] =	ssyncadd.s32 $0xFFFFD800;
	s1 =	sadd.s32 $0x0, s23;
	s23 =	simm.s32 $0xA  }
0x183: {  	[tilespmem:s20], [sflag:$0xE] =	stream.linear.gather [hbm4b:s1+s4], $0x50, $0x38;
	[tilespmem:$0x14440] =	vst v63  }
0x184: {  	_ =	swait.ge [sflag:s23], $0x50  }
0x185: {  	[sflag:s23] =	ssyncset.done $0x0  }
0x186: {  	[sflag:s23] =	ssyncadd.s32 $0xFFFFFFB0  }
0x187: {  	[spmem:s3] =	stream.indirect.scatter.add.f32 [tilespmem:s6], [sflag:$0x6], $0x80, s14, s11, $0xb8;
	[tilespmem:$0x14440] =	vst v63  }
0x188: {  	_ =	swait.ge [sflag:s0], $0x2800  }
0x189: {  	s1 =	rddreg [dreg:$0xa];
	[sflag:s0] =	ssyncset.done $0x0  }
0x18a: {  	[sflag:s0] =	ssyncadd.s32 $0xFFFFD800;
	s12 =	sadd.s32 $0x0, s1  }
0x18b: {  	[tilespmem:s26], [sflag:$0xC] =	stream.linear.gather [hbm4b:s12+s4], $0x50, $0x38;
	[tilespmem:$0x14440] =	vst v63  }
0x18c: {  	_ =	swait.ge [sflag:s8], $0x50  }
0x18d: {  	s14 =	smin.u32 s10, $0x73;
	[sflag:s8] =	ssyncset.done $0x0  }
0x18e: {  	s12 =	smul.u32 $0x50, s14;
	s14 =	simm.s32 $0x7C00;
	[sflag:s8] =	ssyncadd.s32 $0xFFFFFFB0  }
0x18f: {  	[tilespmem:s14], [sflag:$0x4] =	stream.indirect.gather [hbm4b:s5+s11], $0x80, s22, s11, $0xb8;
	[tilespmem:$0x14440] =	vst v63  }
0x190: {  	_ =	swait.ge [sflag:s16], $0x2800  }
0x191: {  	s20 =	rddreg [dreg:$0xd]  }
0x192: {  	s12 =	sadd.s32 s12, s20  }
0x193: {  	[sflag:s16] =	ssyncset.done $0x0;
	s12 =	sshrl.u32 s12, $0x3  }
0x194: {  	[sflag:s16] =	ssyncadd.s32 $0xFFFFD800;
	s12 =	sadd.s32 s17, s12  }
0x195: {  	[tilespmem:s13], [sflag:$0xF] =	stream.linear.gather [hbm4b:s12+s4], $0x50, $0x38;
	[tilespmem:$0x14440] =	vst v63  }
0x196: {  	_ =	swait.ge [sflag:s7], $0x50  }
0x197: {  	[sflag:s7] =	ssyncset.done $0x0  }
0x198: {  	[sflag:s7] =	ssyncadd.s32 $0xFFFFFFB0  }
0x199: {  	[spmem:s3] =	stream.indirect.scatter.add.f32 [tilespmem:s19], [sflag:$0x7], $0x80, s21, s11, $0xb8;
	[tilespmem:$0x14440] =	vst v63  }
0x19a: {  	_ =	swait.ge [sflag:s2], $0x2800  }
0x19b: {  	s21 =	rddreg [dreg:$0xb];
	[sflag:s2] =	ssyncset.done $0x0  }
0x19c: {  	s15 =	simm.s32 $0x200;
	[sflag:s2] =	ssyncadd.s32 $0xFFFFD800;
	s12 =	sadd.s32 $0x0, s21  }
0x19d: {  	[tilespmem:s15], [sflag:$0x9] =	stream.linear.gather [hbm4b:s12+s4], $0x50, $0x38;
	[tilespmem:$0x14440] =	vst v63  }
0x19e: {  	_ =	swait.ge [sflag:s24], $0x50  }
0x19f: {  	[sflag:s24] =	ssyncset.done $0x0  }
0x1a0: {  	s9 =	simm.s32 $0x400;
	s10 =	smin.u32 s10, $0x72;
	[sflag:s24] =	ssyncadd.s32 $0xFFFFFFB0  }
0x1a1: {  	[tilespmem:s9], [sflag:$0x1] =	stream.indirect.gather [hbm4b:s5+s11], $0x80, s4, s11, $0xb8;
	[tilespmem:$0x14440] =	vst v63  }
0x1a2: {  	s10 =	smul.u32 $0x50, s10;
	_ =	swait.ge [sflag:s18], $0x2800  }
0x1a3: {  	s23 =	rddreg [dreg:$0xc]  }
0x1a4: {  	s10 =	sadd.s32 s10, s23  }
0x1a5: {  	[sflag:s18] =	ssyncset.done $0x0;
	s10 =	sshrl.u32 s10, $0x3  }
0x1a6: {  	[sflag:s18] =	ssyncadd.s32 $0xFFFFD800;
	s10 =	sadd.s32 s17, s10  }
0x1a7: {  	[tilespmem:s22], [sflag:$0x10] =	stream.linear.gather [hbm4b:s10+s4], $0x50, $0x38;
	[tilespmem:$0x14440] =	vst v63  }
0x1a8: {  	_ =	swait.ge [sflag:s25], $0x50  }
0x1a9: {  	[sflag:s25] =	ssyncset.done $0x0  }
0x1aa: {  	s28 =	simm.s32 $0x380;
	[sflag:s25] =	ssyncadd.s32 $0xFFFFFFB0  }
0x1ab: {  	[spmem:s3] =	stream.indirect.scatter.add.f32 [tilespmem:s14], [sflag:$0x8], $0x80, s26, s11, $0xb8;
	[tilespmem:$0x14440] =	vst v63  }
0x1ac: {  	s6 =	simm.s32 $0x280;
	s20 =	simm.s32 $0x4;
	_ =	swait.ge [sflag:s30], $0x2800  }
0x1ad: {  	s16 =	simm.s32 $0x7C00;
	s26 =	rddreg [dreg:$0x8];
	[sflag:s30] =	ssyncset.done $0x0  }
0x1ae: {  	s19 =	simm.s32 $0x300;
	[sflag:s30] =	ssyncadd.s32 $0xFFFFD800;
	s10 =	sadd.s32 $0x0, s26  }
0x1af: {  	[tilespmem:s6], [sflag:$0xA] =	stream.linear.gather [hbm4b:s10+s4], $0x50, $0x38;
	[tilespmem:$0x14440] =	vst v63  }
0x1b0: {  	s21 =	simm.s32 $0x100;
	s12 =	simm.s32 $0x4;
	_ =	swait.ge [sflag:s31], $0x50  }
0x1b1: {  	s18 =	simm.s32 $0x3;
	s22 =	simm.s32 $0x5400;
	[sflag:s31] =	ssyncset.done $0x0  }
0x1b2: {  	s26 =	simm.s32 $0x180;
	s10 =	simm.s32 $0x28;
	[sflag:s31] =	ssyncadd.s32 $0xFFFFFFB0  }
.LBB2_4:
0x1b3: {  	s9 =	simm.s32 $0x80;
	s1 =	simm.s32 $0x2C00;
	s6 =	simm.s32 $0x1  }
0x1b4: {  	[tilespmem:s1], [sflag:$0x2] =	stream.indirect.gather [hbm4b:s5+s11], $0x80, s9, s11, $0xb8;
	[tilespmem:$0x14440] =	vst v63  }
0x1b5: {  	_ =	swait.ge [sflag:s6], $0x2800  }
0x1b6: {  	s14 =	smov.u32 s10;
	[sflag:s6] =	ssyncset.done $0x0  }
0x1b7: {  	s15 =	sadd.s32 s14, s29;
	[sflag:s6] =	ssyncadd.s32 $0xFFFFD800  }
0x1b8: {  	[tilespmem:s4], [sflag:$0xD] =	stream.linear.gather [hbm4b:s15+s4], $0x50, $0x38;
	[tilespmem:$0x14440] =	vst v63  }
0x1b9: {  	s15 =	simm.s32 $0x9  }
0x1ba: {  	_ =	swait.ge [sflag:s15], $0x50  }
0x1bb: {  	s13 =	simm.s32 $0x400;
	[sflag:s15] =	ssyncset.done $0x0  }
0x1bc: {  	s23 =	simm.s32 $0x7;
	s6 =	simm.s32 $0x200;
	[sflag:s15] =	ssyncadd.s32 $0xFFFFFFB0  }
0x1bd: {  	[spmem:s3] =	stream.indirect.scatter.add.f32 [tilespmem:s13], [sflag:$0x5], $0x80, s6, s11, $0xb8;
	[tilespmem:$0x14440] =	vst v63  }
0x1be: {  	_ =	swait.ge [sflag:s23], $0x2800  }
0x1bf: {  	s15 =	rddreg [dreg:$0x9];
	[sflag:s23] =	ssyncset.done $0x0  }
0x1c0: {  	[sflag:s23] =	ssyncadd.s32 $0xFFFFD800;
	s15 =	sadd.s32 s14, s15;
	s23 =	simm.s32 $0xF  }
0x1c1: {  	[tilespmem:s19], [sflag:$0xB] =	stream.linear.gather [hbm4b:s15+s4], $0x50, $0x38;
	[tilespmem:$0x14440] =	vst v63  }
0x1c2: {  	_ =	swait.ge [sflag:s23], $0x50  }
0x1c3: {  	[sflag:s23] =	ssyncset.done $0x0  }
0x1c4: {  	[sflag:s23] =	ssyncadd.s32 $0xFFFFFFB0;
	s23 =	simm.s32 $0x2  }
0x1c5: {  	[tilespmem:s22], [sflag:$0x3] =	stream.indirect.gather [hbm4b:s5+s11], $0x80, s21, s11, $0xb8;
	[tilespmem:$0x14440] =	vst v63  }
0x1c6: {  	_ =	swait.ge [sflag:s23], $0x2800  }
0x1c7: {  	[sflag:s23] =	ssyncset.done $0x0  }
0x1c8: {  	[sflag:s23] =	ssyncadd.s32 $0xFFFFD800;
	s23 =	rddreg [dreg:$0xe]  }
0x1c9: {  	s15 =	sadd.s32 s14, s23;
	s23 =	simm.s32 $0xA  }
0x1ca: {  	[tilespmem:s9], [sflag:$0xE] =	stream.linear.gather [hbm4b:s15+s4], $0x50, $0x38;
	[tilespmem:$0x14440] =	vst v63  }
0x1cb: {  	_ =	swait.ge [sflag:s23], $0x50  }
0x1cc: {  	[sflag:s23] =	ssyncset.done $0x0  }
0x1cd: {  	[sflag:s23] =	ssyncadd.s32 $0xFFFFFFB0;
	s23 =	simm.s32 $0x280  }
0x1ce: {  	[spmem:s3] =	stream.indirect.scatter.add.f32 [tilespmem:s1], [sflag:$0x6], $0x80, s23, s11, $0xb8;
	[tilespmem:$0x14440] =	vst v63  }
0x1cf: {  	_ =	swait.ge [sflag:s0], $0x2800  }
0x1d0: {  	s9 =	rddreg [dreg:$0xa];
	[sflag:s0] =	ssyncset.done $0x0  }
0x1d1: {  	[sflag:s0] =	ssyncadd.s32 $0xFFFFD800;
	s15 =	sadd.s32 s14, s9  }
0x1d2: {  	[tilespmem:s28], [sflag:$0xC] =	stream.linear.gather [hbm4b:s15+s4], $0x50, $0x38;
	[tilespmem:$0x14440] =	vst v63  }
0x1d3: {  	_ =	swait.ge [sflag:s8], $0x50  }
0x1d4: {  	[sflag:s8] =	ssyncset.done $0x0  }
0x1d5: {  	s1 =	smin.u32 s12, $0x73;
	[sflag:s8] =	ssyncadd.s32 $0xFFFFFFB0  }
0x1d6: {  	[tilespmem:s16], [sflag:$0x4] =	stream.indirect.gather [hbm4b:s5+s11], $0x80, s26, s11, $0xb8;
	[tilespmem:$0x14440] =	vst v63  }
0x1d7: {  	s15 =	smul.u32 $0x50, s1;
	_ =	swait.ge [sflag:s18], $0x2800  }
0x1d8: {  	s9 =	rddreg [dreg:$0xd]  }
0x1d9: {  	s15 =	sadd.s32 s15, s9  }
0x1da: {  	[sflag:s18] =	ssyncset.done $0x0;
	s15 =	sshrl.u32 s15, $0x3  }
0x1db: {  	[sflag:s18] =	ssyncadd.s32 $0xFFFFD800;
	s15 =	sadd.s32 s17, s15  }
0x1dc: {  	[tilespmem:s21], [sflag:$0xF] =	stream.linear.gather [hbm4b:s15+s4], $0x50, $0x38;
	[tilespmem:$0x14440] =	vst v63  }
0x1dd: {  	_ =	swait.ge [sflag:s7], $0x50  }
0x1de: {  	[sflag:s7] =	ssyncset.done $0x0  }
0x1df: {  	[sflag:s7] =	ssyncadd.s32 $0xFFFFFFB0  }
0x1e0: {  	[spmem:s3] =	stream.indirect.scatter.add.f32 [tilespmem:s22], [sflag:$0x7], $0x80, s19, s11, $0xb8;
	[tilespmem:$0x14440] =	vst v63  }
0x1e1: {  	_ =	swait.ge [sflag:s2], $0x2800  }
0x1e2: {  	s1 =	rddreg [dreg:$0xb];
	[sflag:s2] =	ssyncset.done $0x0  }
0x1e3: {  	[sflag:s2] =	ssyncadd.s32 $0xFFFFD800;
	s15 =	sadd.s32 s14, s1  }
0x1e4: {  	[tilespmem:s6], [sflag:$0x9] =	stream.linear.gather [hbm4b:s15+s4], $0x50, $0x38;
	[tilespmem:$0x14440] =	vst v63  }
0x1e5: {  	_ =	swait.ge [sflag:s24], $0x50  }
0x1e6: {  	[sflag:s24] =	ssyncset.done $0x0  }
0x1e7: {  	s6 =	smin.u32 s12, $0x72;
	[sflag:s24] =	ssyncadd.s32 $0xFFFFFFB0  }
0x1e8: {  	[tilespmem:s13], [sflag:$0x1] =	stream.indirect.gather [hbm4b:s5+s11], $0x80, s4, s11, $0xb8;
	[tilespmem:$0x14440] =	vst v63  }
0x1e9: {  	s15 =	smul.u32 $0x50, s6;
	_ =	swait.ge [sflag:s20], $0x2800  }
0x1ea: {  	s13 =	rddreg [dreg:$0xc]  }
0x1eb: {  	s15 =	sadd.s32 s15, s13  }
0x1ec: {  	[sflag:s20] =	ssyncset.done $0x0;
	s15 =	sshrl.u32 s15, $0x3  }
0x1ed: {  	[sflag:s20] =	ssyncadd.s32 $0xFFFFD800;
	s15 =	sadd.s32 s17, s15  }
0x1ee: {  	[tilespmem:s26], [sflag:$0x10] =	stream.linear.gather [hbm4b:s15+s4], $0x50, $0x38;
	[tilespmem:$0x14440] =	vst v63  }
0x1ef: {  	_ =	swait.ge [sflag:s25], $0x50  }
0x1f0: {  	[sflag:s25] =	ssyncset.done $0x0  }
0x1f1: {  	[sflag:s25] =	ssyncadd.s32 $0xFFFFFFB0  }
0x1f2: {  	[spmem:s3] =	stream.indirect.scatter.add.f32 [tilespmem:s16], [sflag:$0x8], $0x80, s28, s11, $0xb8;
	[tilespmem:$0x14440] =	vst v63  }
0x1f3: {  	_ =	swait.ge [sflag:s30], $0x2800  }
0x1f4: {  	p0 =	sne.s32 s10, $0x488;
	s13 =	rddreg [dreg:$0x8];
	[sflag:s30] =	ssyncset.done $0x0  }
.Ltmp1:
0x1f5: {  	[sflag:s30] =	ssyncadd.s32 $0xFFFFD800;
	s14 =	sadd.s32 s14, s13;
	(pc) =	sbr.rel @p0 .LBB2_4-.Ltmp1, $4  }
0x1f6: {  	[tilespmem:s23], [sflag:$0xA] =	stream.linear.gather [hbm4b:s14+s4], $0x50, $0x38;
	[tilespmem:$0x14440] =	vst v63  }
0x1f7: {  	s10 =	sadd.s32 $0x28, s10;
	_ =	swait.ge [sflag:s31], $0x50  }
0x1f8: {  	s9 =	simm.s32 $0x200;
	s12 =	sadd.s32 $0x4, s12;
	[sflag:s31] =	ssyncset.done $0x0  }
0x1f9: {  	s6 =	simm.s32 $0x400;
	s13 =	simm.s32 $0x280;
	[sflag:s31] =	ssyncadd.s32 $0xFFFFFFB0  }
0x1fa: {  	s20 =	simm.s32 $0x80;
	s1 =	simm.s32 $0x2C00;
	s10 =	simm.s32 $0x1  }
0x1fb: {  	[tilespmem:s1], [sflag:$0x2] =	stream.indirect.gather [hbm4b:s5+s11], $0x80, s20, s11, $0xb8;
	[tilespmem:$0x14440] =	vst v63  }
0x1fc: {  	_ =	swait.ge [sflag:s10], $0x2800  }
0x1fd: {  	[sflag:s10] =	ssyncset.done $0x0  }
0x1fe: {  	s14 =	simm.s32 $0x9;
	[sflag:s10] =	ssyncadd.s32 $0xFFFFD800  }
0x1ff: {  	_ =	swait.ge [sflag:s14], $0x50  }
0x200: {  	[sflag:s14] =	ssyncset.done $0x0  }
0x201: {  	s16 =	simm.s32 $0x7;
	[sflag:s14] =	ssyncadd.s32 $0xFFFFFFB0  }
0x202: {  	[spmem:s3] =	stream.indirect.scatter.add.f32 [tilespmem:s6], [sflag:$0x5], $0x80, s9, s11, $0xb8;
	[tilespmem:$0x14440] =	vst v63  }
0x203: {  	_ =	swait.ge [sflag:s16], $0x2800  }
0x204: {  	[sflag:s16] =	ssyncset.done $0x0  }
0x205: {  	s18 =	simm.s32 $0x2;
	[sflag:s16] =	ssyncadd.s32 $0xFFFFD800  }
0x206: {  	_ =	swait.ge [sflag:s18], $0x2800  }
0x207: {  	[sflag:s18] =	ssyncset.done $0x0  }
0x208: {  	s19 =	simm.s32 $0xA;
	[sflag:s18] =	ssyncadd.s32 $0xFFFFD800  }
0x209: {  	_ =	swait.ge [sflag:s19], $0x50  }
0x20a: {  	[sflag:s19] =	ssyncset.done $0x0  }
0x20b: {  	[sflag:s19] =	ssyncadd.s32 $0xFFFFFFB0  }
0x20c: {  	[spmem:s3] =	stream.indirect.scatter.add.f32 [tilespmem:s1], [sflag:$0x6], $0x80, s13, s11, $0xb8;
	[tilespmem:$0x14440] =	vst v63  }
0x20d: {  	_ =	swait.ge [sflag:s0], $0x2800  }
0x20e: {  	[sflag:s0] =	ssyncset.done $0x0  }
0x20f: {  	[sflag:s0] =	ssyncadd.s32 $0xFFFFD800  }
0x210: {  	_ =	swait.ge [sflag:s2], $0x2800  }
0x211: {  	[sflag:s2] =	ssyncset.done $0x0  }
0x212: {  	[sflag:s2] =	ssyncadd.s32 $0xFFFFD800  }
0x213: {  	_ =	swait.ge [sflag:s30], $0x2800  }
0x214: {  	[sflag:s30] =	ssyncset.done $0x0  }
0x215: {  	s21 =	simm.s32 $0xF;
	[sflag:s30] =	ssyncadd.s32 $0xFFFFD800  }
0x216: {  	_ =	swait.ge [sflag:s21], $0x50  }
0x217: {  	[sflag:s21] =	ssyncset.done $0x0  }
0x218: {  	[sflag:s21] =	ssyncadd.s32 $0xFFFFFFB0  }
0x219: {  	_ =	swait.ge [sflag:s8], $0x50  }
0x21a: {  	[sflag:s8] =	ssyncset.done $0x0  }
0x21b: {  	[sflag:s8] =	ssyncadd.s32 $0xFFFFFFB0  }
0x21c: {  	[bflag:$0x0] =	sbarrier.arrive $0xFFFF  }
0x21d: {  	s22 =	sld [smem:$0x7FA]  }
0x21e: {  	s23 =	sld [smem:$0x7F7];
	_ =	sdelay $0x1  }
0x21f: {  	s14 =	simm.s32 $0x11;
	s12 =	rddreg [dreg:$0x11]  }
0x220: {  	[hbm:s22], [sflag:s12] =	dma.local [spmem:s23], $0x1400  }
0x221: {  	_ =	swait.ge [sflag:s14], $0x1400  }
0x222: {  	s26 =	sld [smem:$0x7F6]  }
0x223: {  	s28 =	sld [smem:$0x7FB];
	_ =	sdelay $0x1  }
0x224: {  	s1 =	sadd.s32 $0x1, s26  }
0x225: {  	[sflag:s14] =	ssyncset.done $0x0;
	p0 =	sne.s32 s1, s28  }
.Ltmp2:
0x226: {  	[sflag:s14] =	ssyncadd.s32 $0xFFFFEC00;
	(pc) =	sbr.rel @p0 .LBB2_1-.Ltmp2, $4  }
0x227: {  	[bflag:$0x0] =	sbarrier.arrive $0xFFFF  }
0x228: {  	s15 =	smov.u32 s29;
	s29 =	rddreg [dreg:$0xd]  }
0x229: {  	s16 =	simm.s32 $0x3;
	s9 =	rddreg [dreg:$0xc]  }
0x22a: {  	s18 =	simm.s32 $0x4;
	s13 =	simm.s32 $0x100;
	s19 =	rddreg [dreg:$0xe]  }
0x22b: {  	_ =	sfence.sel $0x180000  }
0x22c: {  	[bflag:$0x0] =	sbarrier.arrive $0xFFFF  }
0x22d: {  	_ =	strace $0x9000004D  }
0x22e: {  	s0 =	stileid.u32;
	[bflag:$0x2] =	sbarrier.arrive $0xFFFF  }
0x22f: {  	p0 =	sne.s32 s0, $0x0;
	s0 =	rddreg [dreg:$0x3]  }
0x230: {  	s0 =	sadd.s32 @!p0 $0x100000, s0  }
0x231: {  	[sflag:s0] =	ssyncadd.tile.s32 @!p0 $0x1;
	_ =	shalt  }
.Lfunc_end2:
_tile_overlayer_lowered:
.L_overlay_start_2:
0x232: {  	(tag) =	ssettag $0x2  }
0x233: {  	s0 =	rddreg [dreg:$0x0];
	s2 =	stileid.u32  }
0x234: {  	s1 =	rddreg [dreg:$0x1];
	p0 =	sne.s32 s2, $0x0  }
0x235: {  	s3 =	rddreg [dreg:$0x2];
	[bflag:$0x3] =	sbarrier.arrive $0xFFFF;
	s2 =	simm.s32 @!p0 $0x1C11  }
0x236: {  	[timem:s3], [sflag:s2] =	dma.local @!p0 [hbm:s0], s1  }
0x237: {  	s0 =	simm.s32 @!p0 $0x11  }
0x238: {  	_ =	swait.ge @!p0 [sflag:s0], s1  }
0x239: {  	s1 =	ssub.s32 @!p0 $0x0, s1;
	[sflag:s0] =	ssyncset.done @!p0 $0x0  }
0x23a: {  	[sflag:s0] =	ssyncadd.s32 @!p0 s1  }
0x23b: {  	[bflag:$0x3] =	sbarrier.arrive $0xFFFF  }
0x23c: {  	_ =	shalt  }

</sc_bundles>
